<compile_context>
chip_gen: v7x
topology: tpu7x:2x2x1
jax: 0.10.2.dev20260603
libtpu: 0.0.44.dev20260713+nightly
codegen_flags: <defaults>
</compile_context>

<pallas_src>
import functools

import jax
import jax.numpy as jnp
from jax import lax
from jax.experimental import pallas as pl
from jax.experimental.pallas import tpu as pltpu
from jax.experimental.pallas import tpu_sc as plsc

N_NODES = 10000
E_EDGES = 320000
D_DIM = 128
H_DIM = 64

NC, NS = 2, 16
NW = NC * NS
EPW = E_EDGES // NW
CG = 200
CS = 80
CP = 16
PW = 128
NP_NODES = 10240
RPT = NP_NODES // NS
NB = 2000
EB = 2000
EPW_A = 6000

_f32 = jnp.float32


def _pre_body(h_ref, c_ref, we1, wn1, wv1, bv1, wv2, bv2,
              tr_ref, tb_ref, hn_ref, vel_ref):
    hb = h_ref[...]
    c3 = c_ref[...]
    pad = jnp.zeros((NB, PW - H_DIM - 3), _f32)
    a = jnp.dot(hb, we1[0:D_DIM, :], preferred_element_type=_f32)
    b = jnp.dot(hb, we1[D_DIM:2 * D_DIM, :], preferred_element_type=_f32)
    tr_ref[...] = jnp.concatenate([a, c3, pad], axis=1)
    tb_ref[...] = jnp.concatenate([b, -c3, pad], axis=1)
    hn_ref[...] = jnp.dot(hb, wn1[0:D_DIM, :], preferred_element_type=_f32)
    t = jnp.maximum(jnp.dot(hb, wv1[...], preferred_element_type=_f32)
                    + bv1[...], 0.0)
    vel_ref[...] = jnp.dot(t, wv2[...], preferred_element_type=_f32) + bv2[...]


def _precompute(h, coord, we1, wn1, wv1, bv1, wv2, bv2):
    n = h.shape[0]
    grid = (n // NB,)
    full = lambda shape: pl.BlockSpec(shape, lambda i: (0, 0))
    return pl.pallas_call(
        _pre_body,
        grid=grid,
        in_specs=[
            pl.BlockSpec((NB, D_DIM), lambda i: (i, 0)),
            pl.BlockSpec((NB, 3), lambda i: (i, 0)),
            full((2 * D_DIM + 1, H_DIM)), full((D_DIM + H_DIM, H_DIM)),
            full((D_DIM, H_DIM)), full((1, H_DIM)), full((H_DIM, 1)),
            full((1, 1)),
        ],
        out_specs=[
            pl.BlockSpec((NB, PW), lambda i: (i, 0)),
            pl.BlockSpec((NB, PW), lambda i: (i, 0)),
            pl.BlockSpec((NB, H_DIM), lambda i: (i, 0)),
            pl.BlockSpec((NB, 1), lambda i: (i, 0)),
        ],
        out_shape=[
            jax.ShapeDtypeStruct((n, PW), _f32),
            jax.ShapeDtypeStruct((n, PW), _f32),
            jax.ShapeDtypeStruct((n, H_DIM), _f32),
            jax.ShapeDtypeStruct((n, 1), _f32),
        ],
    )(h, coord, we1, wn1, wv1, bv1, wv2, bv2)


def _make_gather_body(epw, off):
    nch = epw // CG
    npair = (nch - 2) // 2

    def body(tr_hbm, tb_hbm, row_hbm, col_hbm, g_hbm,
             rowv0, colv0, grv0, gcv0, rowv1, colv1, grv1, gcv1,
             semg0, semg1, semw0, semw1):
        wid = lax.axis_index("s") * NC + lax.axis_index("c")
        slots = ((rowv0, colv0, grv0, gcv0, semg0, semw0),
                 (rowv1, colv1, grv1, gcv1, semg1, semw1))

        def issue(k, slot, wait_wb):
            rowv, colv, grv, gcv, semg, semw = slot
            ibase = wid * EPW + off + k * CG
            base = wid * epw + k * CG
            pltpu.sync_copy(row_hbm.at[pl.ds(ibase, CG)], rowv)
            pltpu.sync_copy(col_hbm.at[pl.ds(ibase, CG)], colv)
            if wait_wb:
                pltpu.make_async_copy(gcv, g_hbm.at[pl.ds(base, CG)],
                                      semw).wait()
            pltpu.async_copy(tr_hbm.at[rowv], grv, semg)
            pltpu.async_copy(tb_hbm.at[colv], gcv, semg)

        def finish(k, slot):
            rowv, colv, grv, gcv, semg, semw = slot
            base = wid * epw + k * CG
            pltpu.make_async_copy(tr_hbm.at[rowv], grv, semg).wait()
            pltpu.make_async_copy(tb_hbm.at[colv], gcv, semg).wait()

            def add_row(r, carry):
                for j in range(PW // 16):
                    sl = pl.ds(j * 16, 16)
                    gcv[r, sl] = grv[r, sl] + gcv[r, sl]
                return carry

            lax.fori_loop(0, CG, add_row, 0)
            pltpu.async_copy(gcv, g_hbm.at[pl.ds(base, CG)], semw)

        issue(0, slots[0], False)
        issue(1, slots[1], False)

        def pair(g, carry):
            finish(2 * g, slots[0])
            issue(2 * g + 2, slots[0], True)
            finish(2 * g + 1, slots[1])
            issue(2 * g + 3, slots[1], True)
            return carry

        lax.fori_loop(0, npair, pair, 0)
        for k in range(2 * npair, nch):
            finish(k, slots[k % 2])
            if k + 2 < nch:
                issue(k + 2, slots[k % 2], True)
        pltpu.make_async_copy(
            gcv0, g_hbm.at[pl.ds(0, CG)], semw0).wait()
        pltpu.make_async_copy(
            gcv1, g_hbm.at[pl.ds(0, CG)], semw1).wait()

    return body


def _gather(tr_tab, tb_tab, row, col, epw, off):
    gk = functools.partial(
        pl.kernel,
        out_type=jax.ShapeDtypeStruct((epw * NW, PW), _f32),
        mesh=plsc.VectorSubcoreMesh(core_axis_name="c", subcore_axis_name="s",
                                    num_cores=NC, num_subcores=NS),
        scratch_types=[
            pltpu.VMEM((CG,), jnp.int32),
            pltpu.VMEM((CG,), jnp.int32),
            pltpu.VMEM((CG, PW), _f32),
            pltpu.VMEM((CG, PW), _f32),
            pltpu.VMEM((CG,), jnp.int32),
            pltpu.VMEM((CG,), jnp.int32),
            pltpu.VMEM((CG, PW), _f32),
            pltpu.VMEM((CG, PW), _f32),
            pltpu.SemaphoreType.DMA,
            pltpu.SemaphoreType.DMA,
            pltpu.SemaphoreType.DMA,
            pltpu.SemaphoreType.DMA,
        ],
    )(_make_gather_body(epw, off))
    return gk(tr_tab, tb_tab, row, col)


def _edge_body(g_ref, we1, be1, we2, be2, wc1, bc1, wc2, out_ref):
    g = g_ref[...]
    diff = g[:, H_DIM:H_DIM + CP]
    d2 = diff * diff
    we1rb = jnp.broadcast_to(we1[2 * D_DIM:2 * D_DIM + 1, :], (CP, H_DIM))
    z1 = (g[:, 0:H_DIM]
          + jnp.dot(d2, we1rb, preferred_element_type=_f32) + be1[...])
    x = jnp.maximum(z1, 0.0)
    ef = jnp.maximum(jnp.dot(x, we2[...], preferred_element_type=_f32)
                     + be2[...], 0.0)
    h1 = jnp.maximum(jnp.dot(ef, wc1[...], preferred_element_type=_f32)
                     + bc1[...], 0.0)
    ce = jnp.dot(h1, wc2[...], preferred_element_type=_f32)
    cnt = (lax.broadcasted_iota(jnp.int32, (EB, CP), 1) == CP - 1
           ).astype(_f32)
    out_ref[:, 0:H_DIM] = ef
    out_ref[:, H_DIM:H_DIM + CP] = (jnp.clip(diff * ce, -100.0, 100.0)
                                    + cnt)


def _edge_mlp(g, we1, be1, we2, be2, wc1, bc1, wc2):
    e_total = g.shape[0]
    grid = (e_total // EB,)
    full = lambda shape: pl.BlockSpec(shape, lambda i: (0, 0))
    return pl.pallas_call(
        _edge_body,
        grid=grid,
        in_specs=[
            pl.BlockSpec((EB, PW), lambda i: (i, 0)),
            full((2 * D_DIM + 1, H_DIM)), full((1, H_DIM)),
            full((H_DIM, H_DIM)), full((1, H_DIM)),
            full((H_DIM, H_DIM)), full((1, H_DIM)), full((H_DIM, 1)),
        ],
        out_specs=pl.BlockSpec((EB, PW), lambda i: (i, 0)),
        out_shape=jax.ShapeDtypeStruct((e_total, PW), _f32),
    )(g, we1, be1, we2, be2, wc1, bc1, wc2)


def _make_scatter_body(epw, off):
    def body(packed_hbm, row_hbm, out_hbm,
             idxv0, pv0, idxv1, pv1, shared,
             seml0, seml1, sema0, sema1):
        cid = lax.axis_index("c")
        sid = lax.axis_index("s")
        wid = sid * NC + cid
        slots = ((idxv0, pv0, seml0, sema0), (idxv1, pv1, seml1, sema1))

        def zrow(i, carry):
            for j in range(PW // 16):
                pv0[i, pl.ds(j * 16, 16)] = jnp.zeros((16,), _f32)
            return carry

        lax.fori_loop(0, CS, zrow, 0)

        def zcopy(i, carry):
            pltpu.sync_copy(pv0.at[pl.ds(0, CS)],
                            shared.at[pl.ds(sid * RPT + i * CS, CS)])
            return carry

        lax.fori_loop(0, RPT // CS, zcopy, 0)
        plsc.subcore_barrier()

        nch = epw // CS

        def issue(k, slot, wait_add):
            idxv, pv, seml, sema = slot
            ibase = wid * EPW + off + k * CS
            base = wid * epw + k * CS
            if wait_add:
                pltpu.make_async_copy(pv, shared.at[idxv], sema).wait()
            pltpu.sync_copy(row_hbm.at[pl.ds(ibase, CS)], idxv)
            pltpu.async_copy(packed_hbm.at[pl.ds(base, CS)], pv, seml)

        def proc(k, slot):
            idxv, pv, seml, sema = slot
            base = wid * epw + k * CS
            pltpu.make_async_copy(packed_hbm.at[pl.ds(base, CS)],
                                  pv, seml).wait()
            pltpu.async_copy(pv, shared.at[idxv], sema, add=True)

        issue(0, slots[0], False)
        issue(1, slots[1], False)
        npair = (nch - 2) // 2

        def pair(g, carry):
            proc(2 * g, slots[0])
            issue(2 * g + 2, slots[0], True)
            proc(2 * g + 1, slots[1])
            issue(2 * g + 3, slots[1], True)
            return carry

        lax.fori_loop(0, npair, pair, 0)
        for k in range(2 * npair, nch):
            proc(k, slots[k % 2])
            if k + 2 < nch:
                issue(k + 2, slots[k % 2], True)
        pltpu.make_async_copy(pv0, shared.at[idxv0], sema0).wait()
        pltpu.make_async_copy(pv1, shared.at[idxv1], sema1).wait()
        plsc.subcore_barrier()
        pltpu.sync_copy(shared.at[pl.ds(sid * RPT, RPT)],
                        out_hbm.at[cid, pl.ds(sid * RPT, RPT)])

    return body


def _scatter(packed, row, epw, off):
    sk = functools.partial(
        pl.kernel,
        out_type=jax.ShapeDtypeStruct((NC, NP_NODES, PW), _f32),
        mesh=plsc.VectorSubcoreMesh(core_axis_name="c", subcore_axis_name="s",
                                    num_cores=NC, num_subcores=NS),
        scratch_types=[
            pltpu.VMEM((CS,), jnp.int32),
            pltpu.VMEM((CS, PW), _f32),
            pltpu.VMEM((CS,), jnp.int32),
            pltpu.VMEM((CS, PW), _f32),
            pltpu.VMEM_SHARED((NP_NODES, PW), _f32),
            pltpu.SemaphoreType.DMA,
            pltpu.SemaphoreType.DMA,
            pltpu.SemaphoreType.DMA,
            pltpu.SemaphoreType.DMA,
        ],
    )(_make_scatter_body(epw, off))
    return sk(packed, row)


def _node_body(agg0_ref, agg1_ref, agg2_ref, agg3_ref, hn_ref,
               wn1, bn1, wn2, bn2, node_ref, force_ref):
    agg = ((agg0_ref[0] + agg1_ref[0])
           + (agg2_ref[0] + agg3_ref[0]))
    agg_e = agg[:, 0:H_DIM]
    t = jnp.maximum(hn_ref[...]
                    + jnp.dot(agg_e, wn1[D_DIM:D_DIM + H_DIM, :],
                              preferred_element_type=_f32)
                    + bn1[...], 0.0)
    node_ref[...] = jnp.dot(t, wn2[...], preferred_element_type=_f32) + bn2[...]
    tr = agg[:, H_DIM:H_DIM + 3]
    cnt = jnp.maximum(agg[:, H_DIM + CP - 1:H_DIM + CP], 1.0)
    force_ref[...] = tr / cnt


def _node_mlp(agg_a, agg_b, hn, wn1, bn1, wn2, bn2):
    grid = (N_NODES // NB,)
    full = lambda shape: pl.BlockSpec(shape, lambda i: (0, 0))
    return pl.pallas_call(
        _node_body,
        grid=grid,
        in_specs=[
            pl.BlockSpec((1, NB, PW), lambda i: (0, i, 0)),
            pl.BlockSpec((1, NB, PW), lambda i: (1, i, 0)),
            pl.BlockSpec((1, NB, PW), lambda i: (0, i, 0)),
            pl.BlockSpec((1, NB, PW), lambda i: (1, i, 0)),
            pl.BlockSpec((NB, H_DIM), lambda i: (i, 0)),
            full((D_DIM + H_DIM, H_DIM)), full((1, H_DIM)),
            full((H_DIM, D_DIM)), full((1, D_DIM)),
        ],
        out_specs=[
            pl.BlockSpec((NB, D_DIM), lambda i: (i, 0)),
            pl.BlockSpec((NB, 3), lambda i: (i, 0)),
        ],
        out_shape=[
            jax.ShapeDtypeStruct((N_NODES, D_DIM), _f32),
            jax.ShapeDtypeStruct((N_NODES, 3), _f32),
        ],
    )(agg_a, agg_a, agg_b, agg_b, hn, wn1, bn1, wn2, bn2)


def kernel(h, edge_index, coord, We1, be1, We2, be2, Wn1, bn1, Wn2, bn2,
           Wc1, bc1, Wc2, Wv1, bv1, Wv2, bv2):
    row = edge_index[0]
    col = edge_index[1]
    if row.dtype != jnp.int32:
        row = row.astype(jnp.int32)
        col = col.astype(jnp.int32)

    tr_tab, tb_tab, hn_tab, vel = _precompute(
        h, coord, We1, Wn1, Wv1,
        bv1.reshape(1, H_DIM), Wv2, bv2.reshape(1, 1))

    emlp = lambda g: _edge_mlp(g, We1,
                               be1.reshape(1, H_DIM), We2,
                               be2.reshape(1, H_DIM),
                               Wc1, bc1.reshape(1, H_DIM), Wc2)

    g_a = _gather(tr_tab, tb_tab, row, col, EPW_A, 0)
    packed_a = emlp(g_a)
    g_b = _gather(tr_tab, tb_tab, row, col, EPW - EPW_A, EPW_A)
    packed_b = emlp(g_b)

    agg_a = _scatter(packed_a, row, EPW_A, 0)
    agg_b = _scatter(packed_b, row, EPW - EPW_A, EPW_A)

    node, force = _node_mlp(agg_a, agg_b, hn_tab,
                            Wn1, bn1.reshape(1, H_DIM),
                            Wn2, bn2.reshape(1, D_DIM))
    return (vel, force, node)

# --- scband reference (transcript-rebuilt; emitter-appended) ---
"""Pipeline reference for scband-egcl-84980222919094 (READ-ONLY COPY).

The authoritative reference and input builder live on the scoring server;
editing this copy changes nothing except your own understanding.
"""

import jax, jax.numpy as jnp
import numpy as np

N, E, D, H = 10000, 320000, 128, 64

def setup_inputs(seed: int = 0) -> dict:
    key = jax.random.key(seed)
    ks = jax.random.split(key, 24)
    h = jax.random.normal(ks[0], (N, D), dtype=jnp.float32)
    coord = jax.random.normal(ks[1], (N, 3), dtype=jnp.float32)
    edge_index = jax.random.randint(ks[2], (2, E), 0, N)
    def lin(k, fan_in, fan_out, scale=None):
        s = (1.0 / np.sqrt(fan_in)) if scale is None else scale
        return jax.random.normal(k, (fan_in, fan_out), dtype=jnp.float32) * s
    params = dict(
        We1=lin(ks[3], 2 * D + 1, H), be1=jnp.zeros((H,), jnp.float32),
        We2=lin(ks[4], H, H), be2=jnp.zeros((H,), jnp.float32),
        Wn1=lin(ks[5], H + D, H), bn1=jnp.zeros((H,), jnp.float32),
        Wn2=lin(ks[6], H, D), bn2=jnp.zeros((D,), jnp.float32),
        Wc1=lin(ks[7], H, H), bc1=jnp.zeros((H,), jnp.float32),
        Wc2=lin(ks[8], H, 1, scale=0.001),
        Wv1=lin(ks[9], D, H), bv1=jnp.zeros((H,), jnp.float32),
        Wv2=lin(ks[10], H, 1), bv2=jnp.zeros((1,), jnp.float32),
    )
    return {"h": h, "edge_index": edge_index, "coord": coord, **params}

def reference(h, edge_index, coord, We1, be1, We2, be2, Wn1, bn1, Wn2, bn2, Wc1, bc1, Wc2, Wv1, bv1, Wv2, bv2):
    row = edge_index[0]
    col = edge_index[1]
    n = h.shape[0]
    # coord2radial (norm_diff=False)
    coord_diff = coord[row] - coord[col]
    radial = jnp.sum(coord_diff ** 2, axis=1, keepdims=True)
    # edge_model (attention=False)
    ef = jnp.concatenate([h[row], h[col], radial], axis=1)
    ef = jax.nn.relu(ef @ We1 + be1)
    ef = jax.nn.relu(ef @ We2 + be2)
    # force_model (tanh=False, coords_weight=1.0)
    ce = jax.nn.relu(ef @ Wc1 + bc1) @ Wc2
    trans = jnp.clip(coord_diff * ce, -100.0, 100.0)
    agg_t = jax.ops.segment_sum(trans, row, num_segments=n)
    cnt = jax.ops.segment_sum(jnp.ones_like(trans), row, num_segments=n)
    force = (agg_t / jnp.maximum(cnt, 1.0)) * 1.0
    # node_model
    agg_e = jax.ops.segment_sum(ef, row, num_segments=n)
    node = jax.nn.relu(jnp.concatenate([h, agg_e], axis=1) @ Wn1 + bn1) @ Wn2 + bn2
    # vel_scaling_nn
    vel = jax.nn.relu(h @ Wv1 + bv1) @ Wv2 + bv2
    return (vel, force, node)

if __name__ == "__main__":
    import jax
    _d = setup_inputs()
    print(jax.jit(kernel)(*tuple(_d.values())))

</pallas_src>

<mosaic_0001>
#map = affine_map<(d0, d1) -> (0, 0)>
#map1 = affine_map<(d0, d1) -> (0)>
#map2 = affine_map<(d0, d1) -> (0, 0, 0)>
module attributes {stable_mosaic.version = 14 : i64} {
  func.func @body(%arg0: i32, %arg1: i32, %arg2: memref<128000x128xf32, #tpu.memory_space<hbm>>, %arg3: memref<320000xi32, #tpu.memory_space<hbm>>, %arg4: memref<2x10240x128xf32, #tpu.memory_space<hbm>>, %arg5: memref<80xi32, #tpu.memory_space<vmem>>, %arg6: memref<80x128xf32, #tpu.memory_space<vmem>>, %arg7: memref<80xi32, #tpu.memory_space<vmem>>, %arg8: memref<80x128xf32, #tpu.memory_space<vmem>>, %arg9: memref<10240x128xf32, #tpu.memory_space<vmem_shared>>, %arg10: memref<!tpu.dma_semaphore, #tpu.memory_space<semaphore_mem>>, %arg11: memref<!tpu.dma_semaphore, #tpu.memory_space<semaphore_mem>>, %arg12: memref<!tpu.dma_semaphore, #tpu.memory_space<semaphore_mem>>, %arg13: memref<!tpu.dma_semaphore, #tpu.memory_space<semaphore_mem>>) attributes {dimension_semantics = [#tpu.dimension_semantics<core_parallel>, #tpu.dimension_semantics<subcore_parallel>], iteration_bounds = array<i64: 2, 16>, scalar_prefetch = 0 : i64, scratch_operands = 9 : i64, tpu.core_type = #tpu.core_type<sc_vector_subcore>, window_params = [{transform_indices = #map}, {transform_indices = #map1}, {transform_indices = #map2}]} {
    %mul3A = arith.constant 2 : i32
    %mul3A_0 = arith.muli %arg1, %mul3A : i32
    %add3A = arith.addi %mul3A_0, %arg0 : i32
    %scan3A = arith.constant 0 : i32
    %scan3A_1 = arith.constant 0 : i32
    %scan3A_2 = arith.constant 80 : i32
    %scan3A_3 = arith.addi %scan3A_1, %scan3A_2 : i32
    %scan3A_4 = arith.constant 1 : i32
    scf.for %scan3A_77 = %scan3A_1 to %scan3A_3 step %scan3A_4  : i32 {
      %broadcast_in_dim3A = arith.constant 0.000000e+00 : f32
      %broadcast_in_dim3A_78 = vector.broadcast %broadcast_in_dim3A : f32 to vector<16xf32>
      %swap3A = arith.index_cast %scan3A_77 : i32 to index
      %swap3A_79 = arith.constant 0 : index
      %swap3A_80 = tpu.vector_load %arg6[%swap3A, %swap3A_79] {strides = array<i32>} : memref<80x128xf32, #tpu.memory_space<vmem>>, vector<1x16xf32>,
      %swap3A_81 = vector.shape_cast %swap3A_80 : vector<1x16xf32> to vector<16xf32>
      %swap3A_82 = vector.shape_cast %broadcast_in_dim3A_78 : vector<16xf32> to vector<1x16xf32>
      tpu.vector_store %arg6[%swap3A, %swap3A_79], %swap3A_82 {strides = array<i32>} : memref<80x128xf32, #tpu.memory_space<vmem>>, vector<1x16xf32>,
      %broadcast_in_dim3A_83 = arith.constant 0.000000e+00 : f32
      %broadcast_in_dim3A_84 = vector.broadcast %broadcast_in_dim3A_83 : f32 to vector<16xf32>
      %swap3A_85 = arith.index_cast %scan3A_77 : i32 to index
      %swap3A_86 = arith.constant 16 : index
      %swap3A_87 = tpu.vector_load %arg6[%swap3A_85, %swap3A_86] {strides = array<i32>} : memref<80x128xf32, #tpu.memory_space<vmem>>, vector<1x16xf32>,
      %swap3A_88 = vector.shape_cast %swap3A_87 : vector<1x16xf32> to vector<16xf32>
      %swap3A_89 = vector.shape_cast %broadcast_in_dim3A_84 : vector<16xf32> to vector<1x16xf32>
      tpu.vector_store %arg6[%swap3A_85, %swap3A_86], %swap3A_89 {strides = array<i32>} : memref<80x128xf32, #tpu.memory_space<vmem>>, vector<1x16xf32>,
      %broadcast_in_dim3A_90 = arith.constant 0.000000e+00 : f32
      %broadcast_in_dim3A_91 = vector.broadcast %broadcast_in_dim3A_90 : f32 to vector<16xf32>
      %swap3A_92 = arith.index_cast %scan3A_77 : i32 to index
      %swap3A_93 = arith.constant 32 : index
      %swap3A_94 = tpu.vector_load %arg6[%swap3A_92, %swap3A_93] {strides = array<i32>} : memref<80x128xf32, #tpu.memory_space<vmem>>, vector<1x16xf32>,
      %swap3A_95 = vector.shape_cast %swap3A_94 : vector<1x16xf32> to vector<16xf32>
      %swap3A_96 = vector.shape_cast %broadcast_in_dim3A_91 : vector<16xf32> to vector<1x16xf32>
      tpu.vector_store %arg6[%swap3A_92, %swap3A_93], %swap3A_96 {strides = array<i32>} : memref<80x128xf32, #tpu.memory_space<vmem>>, vector<1x16xf32>,
      %broadcast_in_dim3A_97 = arith.constant 0.000000e+00 : f32
      %broadcast_in_dim3A_98 = vector.broadcast %broadcast_in_dim3A_97 : f32 to vector<16xf32>
      %swap3A_99 = arith.index_cast %scan3A_77 : i32 to index
      %swap3A_100 = arith.constant 48 : index
      %swap3A_101 = tpu.vector_load %arg6[%swap3A_99, %swap3A_100] {strides = array<i32>} : memref<80x128xf32, #tpu.memory_space<vmem>>, vector<1x16xf32>,
      %swap3A_102 = vector.shape_cast %swap3A_101 : vector<1x16xf32> to vector<16xf32>
      %swap3A_103 = vector.shape_cast %broadcast_in_dim3A_98 : vector<16xf32> to vector<1x16xf32>
      tpu.vector_store %arg6[%swap3A_99, %swap3A_100], %swap3A_103 {strides = array<i32>} : memref<80x128xf32, #tpu.memory_space<vmem>>, vector<1x16xf32>,
      %broadcast_in_dim3A_104 = arith.constant 0.000000e+00 : f32
      %broadcast_in_dim3A_105 = vector.broadcast %broadcast_in_dim3A_104 : f32 to vector<16xf32>
      %swap3A_106 = arith.index_cast %scan3A_77 : i32 to index
      %swap3A_107 = arith.constant 64 : index
      %swap3A_108 = tpu.vector_load %arg6[%swap3A_106, %swap3A_107] {strides = array<i32>} : memref<80x128xf32, #tpu.memory_space<vmem>>, vector<1x16xf32>,
      %swap3A_109 = vector.shape_cast %swap3A_108 : vector<1x16xf32> to vector<16xf32>
      %swap3A_110 = vector.shape_cast %broadcast_in_dim3A_105 : vector<16xf32> to vector<1x16xf32>
      tpu.vector_store %arg6[%swap3A_106, %swap3A_107], %swap3A_110 {strides = array<i32>} : memref<80x128xf32, #tpu.memory_space<vmem>>, vector<1x16xf32>,
      %broadcast_in_dim3A_111 = arith.constant 0.000000e+00 : f32
      %broadcast_in_dim3A_112 = vector.broadcast %broadcast_in_dim3A_111 : f32 to vector<16xf32>
      %swap3A_113 = arith.index_cast %scan3A_77 : i32 to index
      %swap3A_114 = arith.constant 80 : index
      %swap3A_115 = tpu.vector_load %arg6[%swap3A_113, %swap3A_114] {strides = array<i32>} : memref<80x128xf32, #tpu.memory_space<vmem>>, vector<1x16xf32>,
      %swap3A_116 = vector.shape_cast %swap3A_115 : vector<1x16xf32> to vector<16xf32>
      %swap3A_117 = vector.shape_cast %broadcast_in_dim3A_112 : vector<16xf32> to vector<1x16xf32>
      tpu.vector_store %arg6[%swap3A_113, %swap3A_114], %swap3A_117 {strides = array<i32>} : memref<80x128xf32, #tpu.memory_space<vmem>>, vector<1x16xf32>,
      %broadcast_in_dim3A_118 = arith.constant 0.000000e+00 : f32
      %broadcast_in_dim3A_119 = vector.broadcast %broadcast_in_dim3A_118 : f32 to vector<16xf32>
      %swap3A_120 = arith.index_cast %scan3A_77 : i32 to index
      %swap3A_121 = arith.constant 96 : index
      %swap3A_122 = tpu.vector_load %arg6[%swap3A_120, %swap3A_121] {strides = array<i32>} : memref<80x128xf32, #tpu.memory_space<vmem>>, vector<1x16xf32>,
      %swap3A_123 = vector.shape_cast %swap3A_122 : vector<1x16xf32> to vector<16xf32>
      %swap3A_124 = vector.shape_cast %broadcast_in_dim3A_119 : vector<16xf32> to vector<1x16xf32>
      tpu.vector_store %arg6[%swap3A_120, %swap3A_121], %swap3A_124 {strides = array<i32>} : memref<80x128xf32, #tpu.memory_space<vmem>>, vector<1x16xf32>,
      %broadcast_in_dim3A_125 = arith.constant 0.000000e+00 : f32
      %broadcast_in_dim3A_126 = vector.broadcast %broadcast_in_dim3A_125 : f32 to vector<16xf32>
      %swap3A_127 = arith.index_cast %scan3A_77 : i32 to index
      %swap3A_128 = arith.constant 112 : index
      %swap3A_129 = tpu.vector_load %arg6[%swap3A_127, %swap3A_128] {strides = array<i32>} : memref<80x128xf32, #tpu.memory_space<vmem>>, vector<1x16xf32>,
      %swap3A_130 = vector.shape_cast %swap3A_129 : vector<1x16xf32> to vector<16xf32>
      %swap3A_131 = vector.shape_cast %broadcast_in_dim3A_126 : vector<16xf32> to vector<1x16xf32>
      tpu.vector_store %arg6[%swap3A_127, %swap3A_128], %swap3A_131 {strides = array<i32>} : memref<80x128xf32, #tpu.memory_space<vmem>>, vector<1x16xf32>,
    }
    %scan3A_5 = arith.constant 80 : i32
    %scan3A_6 = arith.constant 0 : i32
    %scan3A_7 = arith.constant 0 : i32
    %scan3A_8 = arith.constant 8 : i32
    %scan3A_9 = arith.addi %scan3A_7, %scan3A_8 : i32
    %scan3A_10 = arith.constant 1 : i32
    scf.for %scan3A_77 = %scan3A_7 to %scan3A_9 step %scan3A_10  : i32 {
      %mul3A_78 = arith.constant 640 : i32
      %mul3A_79 = arith.muli %arg1, %mul3A_78 : i32
      %mul3A_80 = arith.constant 80 : i32
      %mul3A_81 = arith.muli %scan3A_77, %mul3A_80 : i32
      %add3A_82 = arith.addi %mul3A_79, %mul3A_81 : i32
      "tpu.region"() ({
        %run_scoped3A = tpu.sem_alloc : memref<!tpu.dma_semaphore, #tpu.memory_space<semaphore_mem>>
        %dma_start3A_83 = arith.constant 0 : i32
        %dma_start3A_84 = arith.constant 0 : i32
        %dma_start3A_85 = tpu.memref_slice %arg6[%dma_start3A_83, %dma_start3A_84] : memref<80x128xf32, #tpu.memory_space<vmem>> -> memref<80x128xf32, #tpu.memory_space<vmem>>
        %dma_start3A_86 = arith.constant 0 : i32
        %dma_start3A_87 = tpu.memref_slice %arg9[%add3A_82, %dma_start3A_86] : memref<10240x128xf32, #tpu.memory_space<vmem_shared>> -> memref<80x128xf32, #tpu.memory_space<vmem_shared>>
        %dma_start3A_88 = arith.constant 0 : i32
        %dma_start3A_89 = tpu.memref_slice %arg9[%add3A_82, %dma_start3A_88] : memref<10240x128xf32, #tpu.memory_space<vmem_shared>> -> memref<80x128xf32, #tpu.memory_space<vmem_shared>>
        %dma_start3A_90 = arith.constant 0 : i32
        %dma_start3A_91 = arith.constant 0 : i32
        %dma_start3A_92 = tpu.memref_slice %arg6[%dma_start3A_90, %dma_start3A_91] : memref<80x128xf32, #tpu.memory_space<vmem>> -> memref<80x128xf32, #tpu.memory_space<vmem>>
        tpu.enqueue_dma source(%dma_start3A_92 : memref<80x128xf32, #tpu.memory_space<vmem>>) target(%dma_start3A_89 : memref<80x128xf32, #tpu.memory_space<vmem_shared>>) target_semaphore(%run_scoped3A : memref<!tpu.dma_semaphore, #tpu.memory_space<semaphore_mem>>)
        %dma_wait3A_93 = arith.constant 0 : i32
        %dma_wait3A_94 = arith.constant 0 : i32
        %dma_wait3A_95 = tpu.memref_slice %arg6[%dma_wait3A_93, %dma_wait3A_94] : memref<80x128xf32, #tpu.memory_space<vmem>> -> memref<80x128xf32, #tpu.memory_space<vmem>>
        %dma_wait3A_96 = arith.constant 0 : i32
        %dma_wait3A_97 = tpu.memref_slice %arg9[%add3A_82, %dma_wait3A_96] : memref<10240x128xf32, #tpu.memory_space<vmem_shared>> -> memref<80x128xf32, #tpu.memory_space<vmem_shared>>
        %dma_wait3A_98 = arith.constant 0 : i32
        %dma_wait3A_99 = tpu.memref_slice %arg9[%add3A_82, %dma_wait3A_98] : memref<10240x128xf32, #tpu.memory_space<vmem_shared>> -> memref<80x128xf32, #tpu.memory_space<vmem_shared>>
        %dma_wait3A_100 = arith.constant 0 : i32
        %dma_wait3A_101 = arith.constant 0 : i32
        %dma_wait3A_102 = tpu.memref_slice %arg6[%dma_wait3A_100, %dma_wait3A_101] : memref<80x128xf32, #tpu.memory_space<vmem>> -> memref<80x128xf32, #tpu.memory_space<vmem>>
        tpu.wait_dma2 semaphore(%run_scoped3A : memref<!tpu.dma_semaphore, #tpu.memory_space<semaphore_mem>>) src(%dma_wait3A_102 : memref<80x128xf32, #tpu.memory_space<vmem>>) dst(%dma_wait3A_99 : memref<80x128xf32, #tpu.memory_space<vmem_shared>>)
        tpu.yield
      }) : () -> ()
    }
    %scan3A_11 = arith.constant 8 : i32
    %barrier3A = arith.constant 0 : index
    tpu.barrier barrier_id(%barrier3A)
    %mul3A_12 = arith.constant 10000 : i32
    %mul3A_13 = arith.muli %add3A, %mul3A_12 : i32
    %add3A_14 = arith.constant 6000 : i32
    %add3A_15 = arith.addi %mul3A_13, %add3A_14 : i32
    %add3A_16 = arith.constant 0 : i32
    %add3A_17 = arith.addi %add3A_15, %add3A_16 : i32
    %mul3A_18 = arith.constant 4000 : i32
    %mul3A_19 = arith.muli %add3A, %mul3A_18 : i32
    %add3A_20 = arith.constant 0 : i32
    %add3A_21 = arith.addi %mul3A_19, %add3A_20 : i32
    "tpu.region"() ({
      %run_scoped3A = tpu.sem_alloc : memref<!tpu.dma_semaphore, #tpu.memory_space<semaphore_mem>>
      %dma_start3A_77 = tpu.memref_slice %arg3[%add3A_17] : memref<320000xi32, #tpu.memory_space<hbm>> -> memref<80xi32, #tpu.memory_space<hbm>>
      %dma_start3A_78 = tpu.memref_slice %arg3[%add3A_17] : memref<320000xi32, #tpu.memory_space<hbm>> -> memref<80xi32, #tpu.memory_space<hbm>>
      tpu.enqueue_dma source(%dma_start3A_78 : memref<80xi32, #tpu.memory_space<hbm>>) target(%arg5 : memref<80xi32, #tpu.memory_space<vmem>>) target_semaphore(%run_scoped3A : memref<!tpu.dma_semaphore, #tpu.memory_space<semaphore_mem>>)
      %dma_wait3A_79 = tpu.memref_slice %arg3[%add3A_17] : memref<320000xi32, #tpu.memory_space<hbm>> -> memref<80xi32, #tpu.memory_space<hbm>>
      %dma_wait3A_80 = tpu.memref_slice %arg3[%add3A_17] : memref<320000xi32, #tpu.memory_space<hbm>> -> memref<80xi32, #tpu.memory_space<hbm>>
      tpu.wait_dma2 semaphore(%run_scoped3A : memref<!tpu.dma_semaphore, #tpu.memory_space<semaphore_mem>>) src(%dma_wait3A_80 : memref<80xi32, #tpu.memory_space<hbm>>) dst(%arg5 : memref<80xi32, #tpu.memory_space<vmem>>)
      tpu.yield
    }) : () -> ()
    %dma_start3A = arith.constant 0 : i32
    %dma_start3A_22 = tpu.memref_slice %arg2[%add3A_21, %dma_start3A] : memref<128000x128xf32, #tpu.memory_space<hbm>> -> memref<80x128xf32, #tpu.memory_space<hbm>>
    %dma_start3A_23 = arith.constant 0 : i32
    %dma_start3A_24 = tpu.memref_slice %arg2[%add3A_21, %dma_start3A_23] : memref<128000x128xf32, #tpu.memory_space<hbm>> -> memref<80x128xf32, #tpu.memory_space<hbm>>
    tpu.enqueue_dma source(%dma_start3A_24 : memref<80x128xf32, #tpu.memory_space<hbm>>) target(%arg6 : memref<80x128xf32, #tpu.memory_space<vmem>>) target_semaphore(%arg10 : memref<!tpu.dma_semaphore, #tpu.memory_space<semaphore_mem>>)
    %mul3A_25 = arith.constant 10000 : i32
    %mul3A_26 = arith.muli %add3A, %mul3A_25 : i32
    %add3A_27 = arith.constant 6000 : i32
    %add3A_28 = arith.addi %mul3A_26, %add3A_27 : i32
    %add3A_29 = arith.constant 80 : i32
    %add3A_30 = arith.addi %add3A_28, %add3A_29 : i32
    %mul3A_31 = arith.constant 4000 : i32
    %mul3A_32 = arith.muli %add3A, %mul3A_31 : i32
    %add3A_33 = arith.constant 80 : i32
    %add3A_34 = arith.addi %mul3A_32, %add3A_33 : i32
    "tpu.region"() ({
      %run_scoped3A = tpu.sem_alloc : memref<!tpu.dma_semaphore, #tpu.memory_space<semaphore_mem>>
      %dma_start3A_77 = tpu.memref_slice %arg3[%add3A_30] : memref<320000xi32, #tpu.memory_space<hbm>> -> memref<80xi32, #tpu.memory_space<hbm>>
      %dma_start3A_78 = tpu.memref_slice %arg3[%add3A_30] : memref<320000xi32, #tpu.memory_space<hbm>> -> memref<80xi32, #tpu.memory_space<hbm>>
      tpu.enqueue_dma source(%dma_start3A_78 : memref<80xi32, #tpu.memory_space<hbm>>) target(%arg7 : memref<80xi32, #tpu.memory_space<vmem>>) target_semaphore(%run_scoped3A : memref<!tpu.dma_semaphore, #tpu.memory_space<semaphore_mem>>)
      %dma_wait3A_79 = tpu.memref_slice %arg3[%add3A_30] : memref<320000xi32, #tpu.memory_space<hbm>> -> memref<80xi32, #tpu.memory_space<hbm>>
      %dma_wait3A_80 = tpu.memref_slice %arg3[%add3A_30] : memref<320000xi32, #tpu.memory_space<hbm>> -> memref<80xi32, #tpu.memory_space<hbm>>
      tpu.wait_dma2 semaphore(%run_scoped3A : memref<!tpu.dma_semaphore, #tpu.memory_space<semaphore_mem>>) src(%dma_wait3A_80 : memref<80xi32, #tpu.memory_space<hbm>>) dst(%arg7 : memref<80xi32, #tpu.memory_space<vmem>>)
      tpu.yield
    }) : () -> ()
    %dma_start3A_35 = arith.constant 0 : i32
    %dma_start3A_36 = tpu.memref_slice %arg2[%add3A_34, %dma_start3A_35] : memref<128000x128xf32, #tpu.memory_space<hbm>> -> memref<80x128xf32, #tpu.memory_space<hbm>>
    %dma_start3A_37 = arith.constant 0 : i32
    %dma_start3A_38 = tpu.memref_slice %arg2[%add3A_34, %dma_start3A_37] : memref<128000x128xf32, #tpu.memory_space<hbm>> -> memref<80x128xf32, #tpu.memory_space<hbm>>
    tpu.enqueue_dma source(%dma_start3A_38 : memref<80x128xf32, #tpu.memory_space<hbm>>) target(%arg8 : memref<80x128xf32, #tpu.memory_space<vmem>>) target_semaphore(%arg11 : memref<!tpu.dma_semaphore, #tpu.memory_space<semaphore_mem>>)
    %scan3A_39 = arith.constant 0 : i32
    %scan3A_40 = arith.constant 0 : i32
    %scan3A_41 = arith.constant 24 : i32
    %scan3A_42 = arith.addi %scan3A_40, %scan3A_41 : i32
    %scan3A_43 = arith.constant 1 : i32
    scf.for %scan3A_77 = %scan3A_40 to %scan3A_42 step %scan3A_43  : i32 {
      %mul3A_78 = arith.constant 2 : i32
      %mul3A_79 = arith.muli %mul3A_78, %scan3A_77 : i32
      %mul3A_80 = arith.constant 4000 : i32
      %mul3A_81 = arith.muli %add3A, %mul3A_80 : i32
      %mul3A_82 = arith.constant 80 : i32
      %mul3A_83 = arith.muli %mul3A_79, %mul3A_82 : i32
      %add3A_84 = arith.addi %mul3A_81, %mul3A_83 : i32
      %dma_wait3A_85 = arith.constant 0 : i32
      %dma_wait3A_86 = tpu.memref_slice %arg2[%add3A_84, %dma_wait3A_85] : memref<128000x128xf32, #tpu.memory_space<hbm>> -> memref<80x128xf32, #tpu.memory_space<hbm>>
      %dma_wait3A_87 = arith.constant 0 : i32
      %dma_wait3A_88 = tpu.memref_slice %arg2[%add3A_84, %dma_wait3A_87] : memref<128000x128xf32, #tpu.memory_space<hbm>> -> memref<80x128xf32, #tpu.memory_space<hbm>>
      tpu.wait_dma2 semaphore(%arg10 : memref<!tpu.dma_semaphore, #tpu.memory_space<semaphore_mem>>) src(%dma_wait3A_88 : memref<80x128xf32, #tpu.memory_space<hbm>>) dst(%arg6 : memref<80x128xf32, #tpu.memory_space<vmem>>)
      %dma_start3A_89 = arith.constant 0 : i32
      %dma_start3A_90 = arith.constant 0 : i32
      %dma_start3A_91 = tpu.memref_slice %arg9[%dma_start3A_89, %dma_start3A_90] : memref<10240x128xf32, #tpu.memory_space<vmem_shared>> -> memref<10240x128xf32, #tpu.memory_space<vmem_shared>>
      tpu.enqueue_indirect_dma source(%arg6 : memref<80x128xf32, #tpu.memory_space<vmem>>) target(%dma_start3A_91 : memref<10240x128xf32, #tpu.memory_space<vmem_shared>>) offsets(%arg5 : memref<80xi32, #tpu.memory_space<vmem>>) semaphore(%arg12 : memref<!tpu.dma_semaphore, #tpu.memory_space<semaphore_mem>>) {add = true}
      %mul3A_92 = arith.constant 2 : i32
      %mul3A_93 = arith.muli %mul3A_92, %scan3A_77 : i32
      %add3A_94 = arith.constant 2 : i32
      %add3A_95 = arith.addi %mul3A_93, %add3A_94 : i32
      %mul3A_96 = arith.constant 10000 : i32
      %mul3A_97 = arith.muli %add3A, %mul3A_96 : i32
      %add3A_98 = arith.constant 6000 : i32
      %add3A_99 = arith.addi %mul3A_97, %add3A_98 : i32
      %mul3A_100 = arith.constant 80 : i32
      %mul3A_101 = arith.muli %add3A_95, %mul3A_100 : i32
      %add3A_102 = arith.addi %add3A_99, %mul3A_101 : i32
      %mul3A_103 = arith.constant 4000 : i32
      %mul3A_104 = arith.muli %add3A, %mul3A_103 : i32
      %mul3A_105 = arith.constant 80 : i32
      %mul3A_106 = arith.muli %add3A_95, %mul3A_105 : i32
      %add3A_107 = arith.addi %mul3A_104, %mul3A_106 : i32
      %dma_wait3A_108 = arith.constant 0 : i32
      %dma_wait3A_109 = arith.constant 0 : i32
      %dma_wait3A_110 = tpu.memref_slice %arg9[%dma_wait3A_108, %dma_wait3A_109] : memref<10240x128xf32, #tpu.memory_space<vmem_shared>> -> memref<10240x128xf32, #tpu.memory_space<vmem_shared>>
      tpu.wait_indirect_dma semaphore(%arg12 : memref<!tpu.dma_semaphore, #tpu.memory_space<semaphore_mem>>) src(%arg6 : memref<80x128xf32, #tpu.memory_space<vmem>>) dst(%dma_wait3A_110 : memref<10240x128xf32, #tpu.memory_space<vmem_shared>>)
      "tpu.region"() ({
        %run_scoped3A = tpu.sem_alloc : memref<!tpu.dma_semaphore, #tpu.memory_space<semaphore_mem>>
        %dma_start3A_154 = tpu.memref_slice %arg3[%add3A_102] : memref<320000xi32, #tpu.memory_space<hbm>> -> memref<80xi32, #tpu.memory_space<hbm>>
        %dma_start3A_155 = tpu.memref_slice %arg3[%add3A_102] : memref<320000xi32, #tpu.memory_space<hbm>> -> memref<80xi32, #tpu.memory_space<hbm>>
        tpu.enqueue_dma source(%dma_start3A_155 : memref<80xi32, #tpu.memory_space<hbm>>) target(%arg5 : memref<80xi32, #tpu.memory_space<vmem>>) target_semaphore(%run_scoped3A : memref<!tpu.dma_semaphore, #tpu.memory_space<semaphore_mem>>)
        %dma_wait3A_156 = tpu.memref_slice %arg3[%add3A_102] : memref<320000xi32, #tpu.memory_space<hbm>> -> memref<80xi32, #tpu.memory_space<hbm>>
        %dma_wait3A_157 = tpu.memref_slice %arg3[%add3A_102] : memref<320000xi32, #tpu.memory_space<hbm>> -> memref<80xi32, #tpu.memory_space<hbm>>
        tpu.wait_dma2 semaphore(%run_scoped3A : memref<!tpu.dma_semaphore, #tpu.memory_space<semaphore_mem>>) src(%dma_wait3A_157 : memref<80xi32, #tpu.memory_space<hbm>>) dst(%arg5 : memref<80xi32, #tpu.memory_space<vmem>>)
        tpu.yield
      }) : () -> ()
      %dma_start3A_111 = arith.constant 0 : i32
      %dma_start3A_112 = tpu.memref_slice %arg2[%add3A_107, %dma_start3A_111] : memref<128000x128xf32, #tpu.memory_space<hbm>> -> memref<80x128xf32, #tpu.memory_space<hbm>>
      %dma_start3A_113 = arith.constant 0 : i32
      %dma_start3A_114 = tpu.memref_slice %arg2[%add3A_107, %dma_start3A_113] : memref<128000x128xf32, #tpu.memory_space<hbm>> -> memref<80x128xf32, #tpu.memory_space<hbm>>
      tpu.enqueue_dma source(%dma_start3A_114 : memref<80x128xf32, #tpu.memory_space<hbm>>) target(%arg6 : memref<80x128xf32, #tpu.memory_space<vmem>>) target_semaphore(%arg10 : memref<!tpu.dma_semaphore, #tpu.memory_space<semaphore_mem>>)
      %mul3A_115 = arith.constant 2 : i32
      %mul3A_116 = arith.muli %mul3A_115, %scan3A_77 : i32
      %add3A_117 = arith.constant 1 : i32
      %add3A_118 = arith.addi %mul3A_116, %add3A_117 : i32
      %mul3A_119 = arith.constant 4000 : i32
      %mul3A_120 = arith.muli %add3A, %mul3A_119 : i32
      %mul3A_121 = arith.constant 80 : i32
      %mul3A_122 = arith.muli %add3A_118, %mul3A_121 : i32
      %add3A_123 = arith.addi %mul3A_120, %mul3A_122 : i32
      %dma_wait3A_124 = arith.constant 0 : i32
      %dma_wait3A_125 = tpu.memref_slice %arg2[%add3A_123, %dma_wait3A_124] : memref<128000x128xf32, #tpu.memory_space<hbm>> -> memref<80x128xf32, #tpu.memory_space<hbm>>
      %dma_wait3A_126 = arith.constant 0 : i32
      %dma_wait3A_127 = tpu.memref_slice %arg2[%add3A_123, %dma_wait3A_126] : memref<128000x128xf32, #tpu.memory_space<hbm>> -> memref<80x128xf32, #tpu.memory_space<hbm>>
      tpu.wait_dma2 semaphore(%arg11 : memref<!tpu.dma_semaphore, #tpu.memory_space<semaphore_mem>>) src(%dma_wait3A_127 : memref<80x128xf32, #tpu.memory_space<hbm>>) dst(%arg8 : memref<80x128xf32, #tpu.memory_space<vmem>>)
      %dma_start3A_128 = arith.constant 0 : i32
      %dma_start3A_129 = arith.constant 0 : i32
      %dma_start3A_130 = tpu.memref_slice %arg9[%dma_start3A_128, %dma_start3A_129] : memref<10240x128xf32, #tpu.memory_space<vmem_shared>> -> memref<10240x128xf32, #tpu.memory_space<vmem_shared>>
      tpu.enqueue_indirect_dma source(%arg8 : memref<80x128xf32, #tpu.memory_space<vmem>>) target(%dma_start3A_130 : memref<10240x128xf32, #tpu.memory_space<vmem_shared>>) offsets(%arg7 : memref<80xi32, #tpu.memory_space<vmem>>) semaphore(%arg13 : memref<!tpu.dma_semaphore, #tpu.memory_space<semaphore_mem>>) {add = true}
      %mul3A_131 = arith.constant 2 : i32
      %mul3A_132 = arith.muli %mul3A_131, %scan3A_77 : i32
      %add3A_133 = arith.constant 3 : i32
      %add3A_134 = arith.addi %mul3A_132, %add3A_133 : i32
      %mul3A_135 = arith.constant 10000 : i32
      %mul3A_136 = arith.muli %add3A, %mul3A_135 : i32
      %add3A_137 = arith.constant 6000 : i32
      %add3A_138 = arith.addi %mul3A_136, %add3A_137 : i32
      %mul3A_139 = arith.constant 80 : i32
      %mul3A_140 = arith.muli %add3A_134, %mul3A_139 : i32
      %add3A_141 = arith.addi %add3A_138, %mul3A_140 : i32
      %mul3A_142 = arith.constant 4000 : i32
      %mul3A_143 = arith.muli %add3A, %mul3A_142 : i32
      %mul3A_144 = arith.constant 80 : i32
      %mul3A_145 = arith.muli %add3A_134, %mul3A_144 : i32
      %add3A_146 = arith.addi %mul3A_143, %mul3A_145 : i32
      %dma_wait3A_147 = arith.constant 0 : i32
      %dma_wait3A_148 = arith.constant 0 : i32
      %dma_wait3A_149 = tpu.memref_slice %arg9[%dma_wait3A_147, %dma_wait3A_148] : memref<10240x128xf32, #tpu.memory_space<vmem_shared>> -> memref<10240x128xf32, #tpu.memory_space<vmem_shared>>
      tpu.wait_indirect_dma semaphore(%arg13 : memref<!tpu.dma_semaphore, #tpu.memory_space<semaphore_mem>>) src(%arg8 : memref<80x128xf32, #tpu.memory_space<vmem>>) dst(%dma_wait3A_149 : memref<10240x128xf32, #tpu.memory_space<vmem_shared>>)
      "tpu.region"() ({
        %run_scoped3A = tpu.sem_alloc : memref<!tpu.dma_semaphore, #tpu.memory_space<semaphore_mem>>
        %dma_start3A_154 = tpu.memref_slice %arg3[%add3A_141] : memref<320000xi32, #tpu.memory_space<hbm>> -> memref<80xi32, #tpu.memory_space<hbm>>
        %dma_start3A_155 = tpu.memref_slice %arg3[%add3A_141] : memref<320000xi32, #tpu.memory_space<hbm>> -> memref<80xi32, #tpu.memory_space<hbm>>
        tpu.enqueue_dma source(%dma_start3A_155 : memref<80xi32, #tpu.memory_space<hbm>>) target(%arg7 : memref<80xi32, #tpu.memory_space<vmem>>) target_semaphore(%run_scoped3A : memref<!tpu.dma_semaphore, #tpu.memory_space<semaphore_mem>>)
        %dma_wait3A_156 = tpu.memref_slice %arg3[%add3A_141] : memref<320000xi32, #tpu.memory_space<hbm>> -> memref<80xi32, #tpu.memory_space<hbm>>
        %dma_wait3A_157 = tpu.memref_slice %arg3[%add3A_141] : memref<320000xi32, #tpu.memory_space<hbm>> -> memref<80xi32, #tpu.memory_space<hbm>>
        tpu.wait_dma2 semaphore(%run_scoped3A : memref<!tpu.dma_semaphore, #tpu.memory_space<semaphore_mem>>) src(%dma_wait3A_157 : memref<80xi32, #tpu.memory_space<hbm>>) dst(%arg7 : memref<80xi32, #tpu.memory_space<vmem>>)
        tpu.yield
      }) : () -> ()
      %dma_start3A_150 = arith.constant 0 : i32
      %dma_start3A_151 = tpu.memref_slice %arg2[%add3A_146, %dma_start3A_150] : memref<128000x128xf32, #tpu.memory_space<hbm>> -> memref<80x128xf32, #tpu.memory_space<hbm>>
      %dma_start3A_152 = arith.constant 0 : i32
      %dma_start3A_153 = tpu.memref_slice %arg2[%add3A_146, %dma_start3A_152] : memref<128000x128xf32, #tpu.memory_space<hbm>> -> memref<80x128xf32, #tpu.memory_space<hbm>>
      tpu.enqueue_dma source(%dma_start3A_153 : memref<80x128xf32, #tpu.memory_space<hbm>>) target(%arg8 : memref<80x128xf32, #tpu.memory_space<vmem>>) target_semaphore(%arg11 : memref<!tpu.dma_semaphore, #tpu.memory_space<semaphore_mem>>)
    }
    %scan3A_44 = arith.constant 24 : i32
    %mul3A_45 = arith.constant 4000 : i32
    %mul3A_46 = arith.muli %add3A, %mul3A_45 : i32
    %add3A_47 = arith.constant 3840 : i32
    %add3A_48 = arith.addi %mul3A_46, %add3A_47 : i32
    %dma_wait3A = arith.constant 0 : i32
    %dma_wait3A_49 = tpu.memref_slice %arg2[%add3A_48, %dma_wait3A] : memref<128000x128xf32, #tpu.memory_space<hbm>> -> memref<80x128xf32, #tpu.memory_space<hbm>>
    %dma_wait3A_50 = arith.constant 0 : i32
    %dma_wait3A_51 = tpu.memref_slice %arg2[%add3A_48, %dma_wait3A_50] : memref<128000x128xf32, #tpu.memory_space<hbm>> -> memref<80x128xf32, #tpu.memory_space<hbm>>
    tpu.wait_dma2 semaphore(%arg10 : memref<!tpu.dma_semaphore, #tpu.memory_space<semaphore_mem>>) src(%dma_wait3A_51 : memref<80x128xf32, #tpu.memory_space<hbm>>) dst(%arg6 : memref<80x128xf32, #tpu.memory_space<vmem>>)
    %dma_start3A_52 = arith.constant 0 : i32
    %dma_start3A_53 = arith.constant 0 : i32
    %dma_start3A_54 = tpu.memref_slice %arg9[%dma_start3A_52, %dma_start3A_53] : memref<10240x128xf32, #tpu.memory_space<vmem_shared>> -> memref<10240x128xf32, #tpu.memory_space<vmem_shared>>
    tpu.enqueue_indirect_dma source(%arg6 : memref<80x128xf32, #tpu.memory_space<vmem>>) target(%dma_start3A_54 : memref<10240x128xf32, #tpu.memory_space<vmem_shared>>) offsets(%arg5 : memref<80xi32, #tpu.memory_space<vmem>>) semaphore(%arg12 : memref<!tpu.dma_semaphore, #tpu.memory_space<semaphore_mem>>) {add = true}
    %mul3A_55 = arith.constant 4000 : i32
    %mul3A_56 = arith.muli %add3A, %mul3A_55 : i32
    %add3A_57 = arith.constant 3920 : i32
    %add3A_58 = arith.addi %mul3A_56, %add3A_57 : i32
    %dma_wait3A_59 = arith.constant 0 : i32
    %dma_wait3A_60 = tpu.memref_slice %arg2[%add3A_58, %dma_wait3A_59] : memref<128000x128xf32, #tpu.memory_space<hbm>> -> memref<80x128xf32, #tpu.memory_space<hbm>>
    %dma_wait3A_61 = arith.constant 0 : i32
    %dma_wait3A_62 = tpu.memref_slice %arg2[%add3A_58, %dma_wait3A_61] : memref<128000x128xf32, #tpu.memory_space<hbm>> -> memref<80x128xf32, #tpu.memory_space<hbm>>
    tpu.wait_dma2 semaphore(%arg11 : memref<!tpu.dma_semaphore, #tpu.memory_space<semaphore_mem>>) src(%dma_wait3A_62 : memref<80x128xf32, #tpu.memory_space<hbm>>) dst(%arg8 : memref<80x128xf32, #tpu.memory_space<vmem>>)
    %dma_start3A_63 = arith.constant 0 : i32
    %dma_start3A_64 = arith.constant 0 : i32
    %dma_start3A_65 = tpu.memref_slice %arg9[%dma_start3A_63, %dma_start3A_64] : memref<10240x128xf32, #tpu.memory_space<vmem_shared>> -> memref<10240x128xf32, #tpu.memory_space<vmem_shared>>
    tpu.enqueue_indirect_dma source(%arg8 : memref<80x128xf32, #tpu.memory_space<vmem>>) target(%dma_start3A_65 : memref<10240x128xf32, #tpu.memory_space<vmem_shared>>) offsets(%arg7 : memref<80xi32, #tpu.memory_space<vmem>>) semaphore(%arg13 : memref<!tpu.dma_semaphore, #tpu.memory_space<semaphore_mem>>) {add = true}
    %dma_wait3A_66 = arith.constant 0 : i32
    %dma_wait3A_67 = arith.constant 0 : i32
    %dma_wait3A_68 = tpu.memref_slice %arg9[%dma_wait3A_66, %dma_wait3A_67] : memref<10240x128xf32, #tpu.memory_space<vmem_shared>> -> memref<10240x128xf32, #tpu.memory_space<vmem_shared>>
    tpu.wait_indirect_dma semaphore(%arg12 : memref<!tpu.dma_semaphore, #tpu.memory_space<semaphore_mem>>) src(%arg6 : memref<80x128xf32, #tpu.memory_space<vmem>>) dst(%dma_wait3A_68 : memref<10240x128xf32, #tpu.memory_space<vmem_shared>>)
    %dma_wait3A_69 = arith.constant 0 : i32
    %dma_wait3A_70 = arith.constant 0 : i32
    %dma_wait3A_71 = tpu.memref_slice %arg9[%dma_wait3A_69, %dma_wait3A_70] : memref<10240x128xf32, #tpu.memory_space<vmem_shared>> -> memref<10240x128xf32, #tpu.memory_space<vmem_shared>>
    tpu.wait_indirect_dma semaphore(%arg13 : memref<!tpu.dma_semaphore, #tpu.memory_space<semaphore_mem>>) src(%arg8 : memref<80x128xf32, #tpu.memory_space<vmem>>) dst(%dma_wait3A_71 : memref<10240x128xf32, #tpu.memory_space<vmem_shared>>)
    %barrier3A_72 = arith.constant 0 : index
    tpu.barrier barrier_id(%barrier3A_72)
    %mul3A_73 = arith.constant 640 : i32
    %mul3A_74 = arith.muli %arg1, %mul3A_73 : i32
    %mul3A_75 = arith.constant 640 : i32
    %mul3A_76 = arith.muli %arg1, %mul3A_75 : i32
    "tpu.region"() ({
      %run_scoped3A = tpu.sem_alloc : memref<!tpu.dma_semaphore, #tpu.memory_space<semaphore_mem>>
      %dma_start3A_77 = arith.constant 0 : i32
      %dma_start3A_78 = tpu.memref_slice %arg4[%arg0, %mul3A_76, %dma_start3A_77] : memref<2x10240x128xf32, #tpu.memory_space<hbm>> -> memref<1x640x128xf32, #tpu.memory_space<hbm>>
      %dma_start3A_79 = tpu.memref_squeeze %dma_start3A_78 : memref<1x640x128xf32, #tpu.memory_space<hbm>> -> memref<640x128xf32, #tpu.memory_space<hbm>>
      %dma_start3A_80 = arith.constant 0 : i32
      %dma_start3A_81 = tpu.memref_slice %arg9[%mul3A_74, %dma_start3A_80] : memref<10240x128xf32, #tpu.memory_space<vmem_shared>> -> memref<640x128xf32, #tpu.memory_space<vmem_shared>>
      tpu.enqueue_dma source(%dma_start3A_81 : memref<640x128xf32, #tpu.memory_space<vmem_shared>>) target(%dma_start3A_79 : memref<640x128xf32, #tpu.memory_space<hbm>>) target_semaphore(%run_scoped3A : memref<!tpu.dma_semaphore, #tpu.memory_space<semaphore_mem>>)
      %dma_wait3A_82 = arith.constant 0 : i32
      %dma_wait3A_83 = tpu.memref_slice %arg4[%arg0, %mul3A_76, %dma_wait3A_82] : memref<2x10240x128xf32, #tpu.memory_space<hbm>> -> memref<1x640x128xf32, #tpu.memory_space<hbm>>
      %dma_wait3A_84 = tpu.memref_squeeze %dma_wait3A_83 : memref<1x640x128xf32, #tpu.memory_space<hbm>> -> memref<640x128xf32, #tpu.memory_space<hbm>>
      %dma_wait3A_85 = arith.constant 0 : i32
      %dma_wait3A_86 = tpu.memref_slice %arg9[%mul3A_74, %dma_wait3A_85] : memref<10240x128xf32, #tpu.memory_space<vmem_shared>> -> memref<640x128xf32, #tpu.memory_space<vmem_shared>>
      tpu.wait_dma2 semaphore(%run_scoped3A : memref<!tpu.dma_semaphore, #tpu.memory_space<semaphore_mem>>) src(%dma_wait3A_86 : memref<640x128xf32, #tpu.memory_space<vmem_shared>>) dst(%dma_wait3A_84 : memref<640x128xf32, #tpu.memory_space<hbm>>)
      tpu.yield
    }) : () -> ()
    return
  }
}

#map = affine_map<(d0, d1) -> (0, 0)>
#map1 = affine_map<(d0, d1) -> (0)>
module attributes {stable_mosaic.version = 14 : i64} {
  func.func @body(%arg0: i32, %arg1: i32, %arg2: memref<10000x128xf32, #tpu.memory_space<hbm>>, %arg3: memref<10000x128xf32, #tpu.memory_space<hbm>>, %arg4: memref<320000xi32, #tpu.memory_space<hbm>>, %arg5: memref<320000xi32, #tpu.memory_space<hbm>>, %arg6: memref<128000x128xf32, #tpu.memory_space<hbm>>, %arg7: memref<200xi32, #tpu.memory_space<vmem>>, %arg8: memref<200xi32, #tpu.memory_space<vmem>>, %arg9: memref<200x128xf32, #tpu.memory_space<vmem>>, %arg10: memref<200x128xf32, #tpu.memory_space<vmem>>, %arg11: memref<200xi32, #tpu.memory_space<vmem>>, %arg12: memref<200xi32, #tpu.memory_space<vmem>>, %arg13: memref<200x128xf32, #tpu.memory_space<vmem>>, %arg14: memref<200x128xf32, #tpu.memory_space<vmem>>, %arg15: memref<!tpu.dma_semaphore, #tpu.memory_space<semaphore_mem>>, %arg16: memref<!tpu.dma_semaphore, #tpu.memory_space<semaphore_mem>>, %arg17: memref<!tpu.dma_semaphore, #tpu.memory_space<semaphore_mem>>, %arg18: memref<!tpu.dma_semaphore, #tpu.memory_space<semaphore_mem>>) attributes {dimension_semantics = [#tpu.dimension_semantics<core_parallel>, #tpu.dimension_semantics<subcore_parallel>], iteration_bounds = array<i64: 2, 16>, scalar_prefetch = 0 : i64, scratch_operands = 12 : i64, tpu.core_type = #tpu.core_type<sc_vector_subcore>, window_params = [{transform_indices = #map}, {transform_indices = #map}, {transform_indices = #map1}, {transform_indices = #map1}, {transform_indices = #map}]} {
    %mul3A = arith.constant 2 : i32
    %mul3A_0 = arith.muli %arg1, %mul3A : i32
    %add3A = arith.addi %mul3A_0, %arg0 : i32
    %mul3A_1 = arith.constant 10000 : i32
    %mul3A_2 = arith.muli %add3A, %mul3A_1 : i32
    %add3A_3 = arith.constant 6000 : i32
    %add3A_4 = arith.addi %mul3A_2, %add3A_3 : i32
    %add3A_5 = arith.constant 0 : i32
    %add3A_6 = arith.addi %add3A_4, %add3A_5 : i32
    %mul3A_7 = arith.constant 4000 : i32
    %mul3A_8 = arith.muli %add3A, %mul3A_7 : i32
    %add3A_9 = arith.constant 0 : i32
    %add3A_10 = arith.addi %mul3A_8, %add3A_9 : i32
    "tpu.region"() ({
      %run_scoped3A = tpu.sem_alloc : memref<!tpu.dma_semaphore, #tpu.memory_space<semaphore_mem>>
      %dma_start3A_88 = tpu.memref_slice %arg4[%add3A_6] : memref<320000xi32, #tpu.memory_space<hbm>> -> memref<200xi32, #tpu.memory_space<hbm>>
      %dma_start3A_89 = tpu.memref_slice %arg4[%add3A_6] : memref<320000xi32, #tpu.memory_space<hbm>> -> memref<200xi32, #tpu.memory_space<hbm>>
      tpu.enqueue_dma source(%dma_start3A_89 : memref<200xi32, #tpu.memory_space<hbm>>) target(%arg7 : memref<200xi32, #tpu.memory_space<vmem>>) target_semaphore(%run_scoped3A : memref<!tpu.dma_semaphore, #tpu.memory_space<semaphore_mem>>)
      %dma_wait3A_90 = tpu.memref_slice %arg4[%add3A_6] : memref<320000xi32, #tpu.memory_space<hbm>> -> memref<200xi32, #tpu.memory_space<hbm>>
      %dma_wait3A_91 = tpu.memref_slice %arg4[%add3A_6] : memref<320000xi32, #tpu.memory_space<hbm>> -> memref<200xi32, #tpu.memory_space<hbm>>
      tpu.wait_dma2 semaphore(%run_scoped3A : memref<!tpu.dma_semaphore, #tpu.memory_space<semaphore_mem>>) src(%dma_wait3A_91 : memref<200xi32, #tpu.memory_space<hbm>>) dst(%arg7 : memref<200xi32, #tpu.memory_space<vmem>>)
      tpu.yield
    }) : () -> ()
    "tpu.region"() ({
      %run_scoped3A = tpu.sem_alloc : memref<!tpu.dma_semaphore, #tpu.memory_space<semaphore_mem>>
      %dma_start3A_88 = tpu.memref_slice %arg5[%add3A_6] : memref<320000xi32, #tpu.memory_space<hbm>> -> memref<200xi32, #tpu.memory_space<hbm>>
      %dma_start3A_89 = tpu.memref_slice %arg5[%add3A_6] : memref<320000xi32, #tpu.memory_space<hbm>> -> memref<200xi32, #tpu.memory_space<hbm>>
      tpu.enqueue_dma source(%dma_start3A_89 : memref<200xi32, #tpu.memory_space<hbm>>) target(%arg8 : memref<200xi32, #tpu.memory_space<vmem>>) target_semaphore(%run_scoped3A : memref<!tpu.dma_semaphore, #tpu.memory_space<semaphore_mem>>)
      %dma_wait3A_90 = tpu.memref_slice %arg5[%add3A_6] : memref<320000xi32, #tpu.memory_space<hbm>> -> memref<200xi32, #tpu.memory_space<hbm>>
      %dma_wait3A_91 = tpu.memref_slice %arg5[%add3A_6] : memref<320000xi32, #tpu.memory_space<hbm>> -> memref<200xi32, #tpu.memory_space<hbm>>
      tpu.wait_dma2 semaphore(%run_scoped3A : memref<!tpu.dma_semaphore, #tpu.memory_space<semaphore_mem>>) src(%dma_wait3A_91 : memref<200xi32, #tpu.memory_space<hbm>>) dst(%arg8 : memref<200xi32, #tpu.memory_space<vmem>>)
      tpu.yield
    }) : () -> ()
    %dma_start3A = arith.constant 0 : i32
    %dma_start3A_11 = arith.constant 0 : i32
    %dma_start3A_12 = tpu.memref_slice %arg2[%dma_start3A, %dma_start3A_11] : memref<10000x128xf32, #tpu.memory_space<hbm>> -> memref<10000x128xf32, #tpu.memory_space<hbm>>
    tpu.enqueue_indirect_dma source(%dma_start3A_12 : memref<10000x128xf32, #tpu.memory_space<hbm>>) target(%arg9 : memref<200x128xf32, #tpu.memory_space<vmem>>) offsets(%arg7 : memref<200xi32, #tpu.memory_space<vmem>>) semaphore(%arg15 : memref<!tpu.dma_semaphore, #tpu.memory_space<semaphore_mem>>)
    %dma_start3A_13 = arith.constant 0 : i32
    %dma_start3A_14 = arith.constant 0 : i32
    %dma_start3A_15 = tpu.memref_slice %arg3[%dma_start3A_13, %dma_start3A_14] : memref<10000x128xf32, #tpu.memory_space<hbm>> -> memref<10000x128xf32, #tpu.memory_space<hbm>>
    tpu.enqueue_indirect_dma source(%dma_start3A_15 : memref<10000x128xf32, #tpu.memory_space<hbm>>) target(%arg10 : memref<200x128xf32, #tpu.memory_space<vmem>>) offsets(%arg8 : memref<200xi32, #tpu.memory_space<vmem>>) semaphore(%arg15 : memref<!tpu.dma_semaphore, #tpu.memory_space<semaphore_mem>>)
    %mul3A_16 = arith.constant 10000 : i32
    %mul3A_17 = arith.muli %add3A, %mul3A_16 : i32
    %add3A_18 = arith.constant 6000 : i32
    %add3A_19 = arith.addi %mul3A_17, %add3A_18 : i32
    %add3A_20 = arith.constant 200 : i32
    %add3A_21 = arith.addi %add3A_19, %add3A_20 : i32
    %mul3A_22 = arith.constant 4000 : i32
    %mul3A_23 = arith.muli %add3A, %mul3A_22 : i32
    %add3A_24 = arith.constant 200 : i32
    %add3A_25 = arith.addi %mul3A_23, %add3A_24 : i32
    "tpu.region"() ({
      %run_scoped3A = tpu.sem_alloc : memref<!tpu.dma_semaphore, #tpu.memory_space<semaphore_mem>>
      %dma_start3A_88 = tpu.memref_slice %arg4[%add3A_21] : memref<320000xi32, #tpu.memory_space<hbm>> -> memref<200xi32, #tpu.memory_space<hbm>>
      %dma_start3A_89 = tpu.memref_slice %arg4[%add3A_21] : memref<320000xi32, #tpu.memory_space<hbm>> -> memref<200xi32, #tpu.memory_space<hbm>>
      tpu.enqueue_dma source(%dma_start3A_89 : memref<200xi32, #tpu.memory_space<hbm>>) target(%arg11 : memref<200xi32, #tpu.memory_space<vmem>>) target_semaphore(%run_scoped3A : memref<!tpu.dma_semaphore, #tpu.memory_space<semaphore_mem>>)
      %dma_wait3A_90 = tpu.memref_slice %arg4[%add3A_21] : memref<320000xi32, #tpu.memory_space<hbm>> -> memref<200xi32, #tpu.memory_space<hbm>>
      %dma_wait3A_91 = tpu.memref_slice %arg4[%add3A_21] : memref<320000xi32, #tpu.memory_space<hbm>> -> memref<200xi32, #tpu.memory_space<hbm>>
      tpu.wait_dma2 semaphore(%run_scoped3A : memref<!tpu.dma_semaphore, #tpu.memory_space<semaphore_mem>>) src(%dma_wait3A_91 : memref<200xi32, #tpu.memory_space<hbm>>) dst(%arg11 : memref<200xi32, #tpu.memory_space<vmem>>)
      tpu.yield
    }) : () -> ()
    "tpu.region"() ({
      %run_scoped3A = tpu.sem_alloc : memref<!tpu.dma_semaphore, #tpu.memory_space<semaphore_mem>>
      %dma_start3A_88 = tpu.memref_slice %arg5[%add3A_21] : memref<320000xi32, #tpu.memory_space<hbm>> -> memref<200xi32, #tpu.memory_space<hbm>>
      %dma_start3A_89 = tpu.memref_slice %arg5[%add3A_21] : memref<320000xi32, #tpu.memory_space<hbm>> -> memref<200xi32, #tpu.memory_space<hbm>>
      tpu.enqueue_dma source(%dma_start3A_89 : memref<200xi32, #tpu.memory_space<hbm>>) target(%arg12 : memref<200xi32, #tpu.memory_space<vmem>>) target_semaphore(%run_scoped3A : memref<!tpu.dma_semaphore, #tpu.memory_space<semaphore_mem>>)
      %dma_wait3A_90 = tpu.memref_slice %arg5[%add3A_21] : memref<320000xi32, #tpu.memory_space<hbm>> -> memref<200xi32, #tpu.memory_space<hbm>>
      %dma_wait3A_91 = tpu.memref_slice %arg5[%add3A_21] : memref<320000xi32, #tpu.memory_space<hbm>> -> memref<200xi32, #tpu.memory_space<hbm>>
      tpu.wait_dma2 semaphore(%run_scoped3A : memref<!tpu.dma_semaphore, #tpu.memory_space<semaphore_mem>>) src(%dma_wait3A_91 : memref<200xi32, #tpu.memory_space<hbm>>) dst(%arg12 : memref<200xi32, #tpu.memory_space<vmem>>)
      tpu.yield
    }) : () -> ()
    %dma_start3A_26 = arith.constant 0 : i32
    %dma_start3A_27 = arith.constant 0 : i32
    %dma_start3A_28 = tpu.memref_slice %arg2[%dma_start3A_26, %dma_start3A_27] : memref<10000x128xf32, #tpu.memory_space<hbm>> -> memref<10000x128xf32, #tpu.memory_space<hbm>>
    tpu.enqueue_indirect_dma source(%dma_start3A_28 : memref<10000x128xf32, #tpu.memory_space<hbm>>) target(%arg13 : memref<200x128xf32, #tpu.memory_space<vmem>>) offsets(%arg11 : memref<200xi32, #tpu.memory_space<vmem>>) semaphore(%arg16 : memref<!tpu.dma_semaphore, #tpu.memory_space<semaphore_mem>>)
    %dma_start3A_29 = arith.constant 0 : i32
    %dma_start3A_30 = arith.constant 0 : i32
    %dma_start3A_31 = tpu.memref_slice %arg3[%dma_start3A_29, %dma_start3A_30] : memref<10000x128xf32, #tpu.memory_space<hbm>> -> memref<10000x128xf32, #tpu.memory_space<hbm>>
    tpu.enqueue_indirect_dma source(%dma_start3A_31 : memref<10000x128xf32, #tpu.memory_space<hbm>>) target(%arg14 : memref<200x128xf32, #tpu.memory_space<vmem>>) offsets(%arg12 : memref<200xi32, #tpu.memory_space<vmem>>) semaphore(%arg16 : memref<!tpu.dma_semaphore, #tpu.memory_space<semaphore_mem>>)
    %scan3A = arith.constant 0 : i32
    %scan3A_32 = arith.constant 0 : i32
    %scan3A_33 = arith.constant 9 : i32
    %scan3A_34 = arith.addi %scan3A_32, %scan3A_33 : i32
    %scan3A_35 = arith.constant 1 : i32
    scf.for %scan3A_88 = %scan3A_32 to %scan3A_34 step %scan3A_35  : i32 {
      %mul3A_89 = arith.constant 2 : i32
      %mul3A_90 = arith.muli %mul3A_89, %scan3A_88 : i32
      %mul3A_91 = arith.constant 4000 : i32
      %mul3A_92 = arith.muli %add3A, %mul3A_91 : i32
      %mul3A_93 = arith.constant 200 : i32
      %mul3A_94 = arith.muli %mul3A_90, %mul3A_93 : i32
      %add3A_95 = arith.addi %mul3A_92, %mul3A_94 : i32
      %dma_wait3A_96 = arith.constant 0 : i32
      %dma_wait3A_97 = arith.constant 0 : i32
      %dma_wait3A_98 = tpu.memref_slice %arg2[%dma_wait3A_96, %dma_wait3A_97] : memref<10000x128xf32, #tpu.memory_space<hbm>> -> memref<10000x128xf32, #tpu.memory_space<hbm>>
      tpu.wait_indirect_dma semaphore(%arg15 : memref<!tpu.dma_semaphore, #tpu.memory_space<semaphore_mem>>) src(%dma_wait3A_98 : memref<10000x128xf32, #tpu.memory_space<hbm>>) dst(%arg9 : memref<200x128xf32, #tpu.memory_space<vmem>>)
      %dma_wait3A_99 = arith.constant 0 : i32
      %dma_wait3A_100 = arith.constant 0 : i32
      %dma_wait3A_101 = tpu.memref_slice %arg3[%dma_wait3A_99, %dma_wait3A_100] : memref<10000x128xf32, #tpu.memory_space<hbm>> -> memref<10000x128xf32, #tpu.memory_space<hbm>>
      tpu.wait_indirect_dma semaphore(%arg15 : memref<!tpu.dma_semaphore, #tpu.memory_space<semaphore_mem>>) src(%dma_wait3A_101 : memref<10000x128xf32, #tpu.memory_space<hbm>>) dst(%arg10 : memref<200x128xf32, #tpu.memory_space<vmem>>)
      %scan3A_102 = arith.constant 0 : i32
      %scan3A_103 = arith.constant 0 : i32
      %scan3A_104 = arith.constant 200 : i32
      %scan3A_105 = arith.addi %scan3A_103, %scan3A_104 : i32
      %scan3A_106 = arith.constant 1 : i32
      scf.for %scan3A_189 = %scan3A_103 to %scan3A_105 step %scan3A_106  : i32 {
        %get3A = arith.index_cast %scan3A_189 : i32 to index
        %get3A_190 = arith.constant 0 : index
        %get3A_191 = tpu.vector_load %arg9[%get3A, %get3A_190] {strides = array<i32>} : memref<200x128xf32, #tpu.memory_space<vmem>>, vector<1x16xf32>,
        %get3A_192 = vector.shape_cast %get3A_191 : vector<1x16xf32> to vector<16xf32>
        %get3A_193 = arith.index_cast %scan3A_189 : i32 to index
        %get3A_194 = arith.constant 0 : index
        %get3A_195 = tpu.vector_load %arg10[%get3A_193, %get3A_194] {strides = array<i32>} : memref<200x128xf32, #tpu.memory_space<vmem>>, vector<1x16xf32>,
        %get3A_196 = vector.shape_cast %get3A_195 : vector<1x16xf32> to vector<16xf32>
        %add3A_197 = arith.addf %get3A_192, %get3A_196 : vector<16xf32>
        %swap3A = arith.index_cast %scan3A_189 : i32 to index
        %swap3A_198 = arith.constant 0 : index
        %swap3A_199 = tpu.vector_load %arg10[%swap3A, %swap3A_198] {strides = array<i32>} : memref<200x128xf32, #tpu.memory_space<vmem>>, vector<1x16xf32>,
        %swap3A_200 = vector.shape_cast %swap3A_199 : vector<1x16xf32> to vector<16xf32>
        %swap3A_201 = vector.shape_cast %add3A_197 : vector<16xf32> to vector<1x16xf32>
        tpu.vector_store %arg10[%swap3A, %swap3A_198], %swap3A_201 {strides = array<i32>} : memref<200x128xf32, #tpu.memory_space<vmem>>, vector<1x16xf32>,
        %get3A_202 = arith.index_cast %scan3A_189 : i32 to index
        %get3A_203 = arith.constant 16 : index
        %get3A_204 = tpu.vector_load %arg9[%get3A_202, %get3A_203] {strides = array<i32>} : memref<200x128xf32, #tpu.memory_space<vmem>>, vector<1x16xf32>,
        %get3A_205 = vector.shape_cast %get3A_204 : vector<1x16xf32> to vector<16xf32>
        %get3A_206 = arith.index_cast %scan3A_189 : i32 to index
        %get3A_207 = arith.constant 16 : index
        %get3A_208 = tpu.vector_load %arg10[%get3A_206, %get3A_207] {strides = array<i32>} : memref<200x128xf32, #tpu.memory_space<vmem>>, vector<1x16xf32>,
        %get3A_209 = vector.shape_cast %get3A_208 : vector<1x16xf32> to vector<16xf32>
        %add3A_210 = arith.addf %get3A_205, %get3A_209 : vector<16xf32>
        %swap3A_211 = arith.index_cast %scan3A_189 : i32 to index
        %swap3A_212 = arith.constant 16 : index
        %swap3A_213 = tpu.vector_load %arg10[%swap3A_211, %swap3A_212] {strides = array<i32>} : memref<200x128xf32, #tpu.memory_space<vmem>>, vector<1x16xf32>,
        %swap3A_214 = vector.shape_cast %swap3A_213 : vector<1x16xf32> to vector<16xf32>
        %swap3A_215 = vector.shape_cast %add3A_210 : vector<16xf32> to vector<1x16xf32>
        tpu.vector_store %arg10[%swap3A_211, %swap3A_212], %swap3A_215 {strides = array<i32>} : memref<200x128xf32, #tpu.memory_space<vmem>>, vector<1x16xf32>,
        %get3A_216 = arith.index_cast %scan3A_189 : i32 to index
        %get3A_217 = arith.constant 32 : index
        %get3A_218 = tpu.vector_load %arg9[%get3A_216, %get3A_217] {strides = array<i32>} : memref<200x128xf32, #tpu.memory_space<vmem>>, vector<1x16xf32>,
        %get3A_219 = vector.shape_cast %get3A_218 : vector<1x16xf32> to vector<16xf32>
        %get3A_220 = arith.index_cast %scan3A_189 : i32 to index
        %get3A_221 = arith.constant 32 : index
        %get3A_222 = tpu.vector_load %arg10[%get3A_220, %get3A_221] {strides = array<i32>} : memref<200x128xf32, #tpu.memory_space<vmem>>, vector<1x16xf32>,
        %get3A_223 = vector.shape_cast %get3A_222 : vector<1x16xf32> to vector<16xf32>
        %add3A_224 = arith.addf %get3A_219, %get3A_223 : vector<16xf32>
        %swap3A_225 = arith.index_cast %scan3A_189 : i32 to index
        %swap3A_226 = arith.constant 32 : index
        %swap3A_227 = tpu.vector_load %arg10[%swap3A_225, %swap3A_226] {strides = array<i32>} : memref<200x128xf32, #tpu.memory_space<vmem>>, vector<1x16xf32>,
        %swap3A_228 = vector.shape_cast %swap3A_227 : vector<1x16xf32> to vector<16xf32>
        %swap3A_229 = vector.shape_cast %add3A_224 : vector<16xf32> to vector<1x16xf32>
        tpu.vector_store %arg10[%swap3A_225, %swap3A_226], %swap3A_229 {strides = array<i32>} : memref<200x128xf32, #tpu.memory_space<vmem>>, vector<1x16xf32>,
        %get3A_230 = arith.index_cast %scan3A_189 : i32 to index
        %get3A_231 = arith.constant 48 : index
        %get3A_232 = tpu.vector_load %arg9[%get3A_230, %get3A_231] {strides = array<i32>} : memref<200x128xf32, #tpu.memory_space<vmem>>, vector<1x16xf32>,
        %get3A_233 = vector.shape_cast %get3A_232 : vector<1x16xf32> to vector<16xf32>
        %get3A_234 = arith.index_cast %scan3A_189 : i32 to index
        %get3A_235 = arith.constant 48 : index
        %get3A_236 = tpu.vector_load %arg10[%get3A_234, %get3A_235] {strides = array<i32>} : memref<200x128xf32, #tpu.memory_space<vmem>>, vector<1x16xf32>,
        %get3A_237 = vector.shape_cast %get3A_236 : vector<1x16xf32> to vector<16xf32>
        %add3A_238 = arith.addf %get3A_233, %get3A_237 : vector<16xf32>
        %swap3A_239 = arith.index_cast %scan3A_189 : i32 to index
        %swap3A_240 = arith.constant 48 : index
        %swap3A_241 = tpu.vector_load %arg10[%swap3A_239, %swap3A_240] {strides = array<i32>} : memref<200x128xf32, #tpu.memory_space<vmem>>, vector<1x16xf32>,
        %swap3A_242 = vector.shape_cast %swap3A_241 : vector<1x16xf32> to vector<16xf32>
        %swap3A_243 = vector.shape_cast %add3A_238 : vector<16xf32> to vector<1x16xf32>
        tpu.vector_store %arg10[%swap3A_239, %swap3A_240], %swap3A_243 {strides = array<i32>} : memref<200x128xf32, #tpu.memory_space<vmem>>, vector<1x16xf32>,
        %get3A_244 = arith.index_cast %scan3A_189 : i32 to index
        %get3A_245 = arith.constant 64 : index
        %get3A_246 = tpu.vector_load %arg9[%get3A_244, %get3A_245] {strides = array<i32>} : memref<200x128xf32, #tpu.memory_space<vmem>>, vector<1x16xf32>,
        %get3A_247 = vector.shape_cast %get3A_246 : vector<1x16xf32> to vector<16xf32>
        %get3A_248 = arith.index_cast %scan3A_189 : i32 to index
        %get3A_249 = arith.constant 64 : index
        %get3A_250 = tpu.vector_load %arg10[%get3A_248, %get3A_249] {strides = array<i32>} : memref<200x128xf32, #tpu.memory_space<vmem>>, vector<1x16xf32>,
        %get3A_251 = vector.shape_cast %get3A_250 : vector<1x16xf32> to vector<16xf32>
        %add3A_252 = arith.addf %get3A_247, %get3A_251 : vector<16xf32>
        %swap3A_253 = arith.index_cast %scan3A_189 : i32 to index
        %swap3A_254 = arith.constant 64 : index
        %swap3A_255 = tpu.vector_load %arg10[%swap3A_253, %swap3A_254] {strides = array<i32>} : memref<200x128xf32, #tpu.memory_space<vmem>>, vector<1x16xf32>,
        %swap3A_256 = vector.shape_cast %swap3A_255 : vector<1x16xf32> to vector<16xf32>
        %swap3A_257 = vector.shape_cast %add3A_252 : vector<16xf32> to vector<1x16xf32>
        tpu.vector_store %arg10[%swap3A_253, %swap3A_254], %swap3A_257 {strides = array<i32>} : memref<200x128xf32, #tpu.memory_space<vmem>>, vector<1x16xf32>,
        %get3A_258 = arith.index_cast %scan3A_189 : i32 to index
        %get3A_259 = arith.constant 80 : index
        %get3A_260 = tpu.vector_load %arg9[%get3A_258, %get3A_259] {strides = array<i32>} : memref<200x128xf32, #tpu.memory_space<vmem>>, vector<1x16xf32>,
        %get3A_261 = vector.shape_cast %get3A_260 : vector<1x16xf32> to vector<16xf32>
        %get3A_262 = arith.index_cast %scan3A_189 : i32 to index
        %get3A_263 = arith.constant 80 : index
        %get3A_264 = tpu.vector_load %arg10[%get3A_262, %get3A_263] {strides = array<i32>} : memref<200x128xf32, #tpu.memory_space<vmem>>, vector<1x16xf32>,
        %get3A_265 = vector.shape_cast %get3A_264 : vector<1x16xf32> to vector<16xf32>
        %add3A_266 = arith.addf %get3A_261, %get3A_265 : vector<16xf32>
        %swap3A_267 = arith.index_cast %scan3A_189 : i32 to index
        %swap3A_268 = arith.constant 80 : index
        %swap3A_269 = tpu.vector_load %arg10[%swap3A_267, %swap3A_268] {strides = array<i32>} : memref<200x128xf32, #tpu.memory_space<vmem>>, vector<1x16xf32>,
        %swap3A_270 = vector.shape_cast %swap3A_269 : vector<1x16xf32> to vector<16xf32>
        %swap3A_271 = vector.shape_cast %add3A_266 : vector<16xf32> to vector<1x16xf32>
        tpu.vector_store %arg10[%swap3A_267, %swap3A_268], %swap3A_271 {strides = array<i32>} : memref<200x128xf32, #tpu.memory_space<vmem>>, vector<1x16xf32>,
        %get3A_272 = arith.index_cast %scan3A_189 : i32 to index
        %get3A_273 = arith.constant 96 : index
        %get3A_274 = tpu.vector_load %arg9[%get3A_272, %get3A_273] {strides = array<i32>} : memref<200x128xf32, #tpu.memory_space<vmem>>, vector<1x16xf32>,
        %get3A_275 = vector.shape_cast %get3A_274 : vector<1x16xf32> to vector<16xf32>
        %get3A_276 = arith.index_cast %scan3A_189 : i32 to index
        %get3A_277 = arith.constant 96 : index
        %get3A_278 = tpu.vector_load %arg10[%get3A_276, %get3A_277] {strides = array<i32>} : memref<200x128xf32, #tpu.memory_space<vmem>>, vector<1x16xf32>,
        %get3A_279 = vector.shape_cast %get3A_278 : vector<1x16xf32> to vector<16xf32>
        %add3A_280 = arith.addf %get3A_275, %get3A_279 : vector<16xf32>
        %swap3A_281 = arith.index_cast %scan3A_189 : i32 to index
        %swap3A_282 = arith.constant 96 : index
        %swap3A_283 = tpu.vector_load %arg10[%swap3A_281, %swap3A_282] {strides = array<i32>} : memref<200x128xf32, #tpu.memory_space<vmem>>, vector<1x16xf32>,
        %swap3A_284 = vector.shape_cast %swap3A_283 : vector<1x16xf32> to vector<16xf32>
        %swap3A_285 = vector.shape_cast %add3A_280 : vector<16xf32> to vector<1x16xf32>
        tpu.vector_store %arg10[%swap3A_281, %swap3A_282], %swap3A_285 {strides = array<i32>} : memref<200x128xf32, #tpu.memory_space<vmem>>, vector<1x16xf32>,
        %get3A_286 = arith.index_cast %scan3A_189 : i32 to index
        %get3A_287 = arith.constant 112 : index
        %get3A_288 = tpu.vector_load %arg9[%get3A_286, %get3A_287] {strides = array<i32>} : memref<200x128xf32, #tpu.memory_space<vmem>>, vector<1x16xf32>,
        %get3A_289 = vector.shape_cast %get3A_288 : vector<1x16xf32> to vector<16xf32>
        %get3A_290 = arith.index_cast %scan3A_189 : i32 to index
        %get3A_291 = arith.constant 112 : index
        %get3A_292 = tpu.vector_load %arg10[%get3A_290, %get3A_291] {strides = array<i32>} : memref<200x128xf32, #tpu.memory_space<vmem>>, vector<1x16xf32>,
        %get3A_293 = vector.shape_cast %get3A_292 : vector<1x16xf32> to vector<16xf32>
        %add3A_294 = arith.addf %get3A_289, %get3A_293 : vector<16xf32>
        %swap3A_295 = arith.index_cast %scan3A_189 : i32 to index
        %swap3A_296 = arith.constant 112 : index
        %swap3A_297 = tpu.vector_load %arg10[%swap3A_295, %swap3A_296] {strides = array<i32>} : memref<200x128xf32, #tpu.memory_space<vmem>>, vector<1x16xf32>,
        %swap3A_298 = vector.shape_cast %swap3A_297 : vector<1x16xf32> to vector<16xf32>
        %swap3A_299 = vector.shape_cast %add3A_294 : vector<16xf32> to vector<1x16xf32>
        tpu.vector_store %arg10[%swap3A_295, %swap3A_296], %swap3A_299 {strides = array<i32>} : memref<200x128xf32, #tpu.memory_space<vmem>>, vector<1x16xf32>,
      }
      %scan3A_107 = arith.constant 200 : i32
      %dma_start3A_108 = arith.constant 0 : i32
      %dma_start3A_109 = tpu.memref_slice %arg6[%add3A_95, %dma_start3A_108] : memref<128000x128xf32, #tpu.memory_space<hbm>> -> memref<200x128xf32, #tpu.memory_space<hbm>>
      %dma_start3A_110 = arith.constant 0 : i32
      %dma_start3A_111 = tpu.memref_slice %arg6[%add3A_95, %dma_start3A_110] : memref<128000x128xf32, #tpu.memory_space<hbm>> -> memref<200x128xf32, #tpu.memory_space<hbm>>
      tpu.enqueue_dma source(%arg10 : memref<200x128xf32, #tpu.memory_space<vmem>>) target(%dma_start3A_111 : memref<200x128xf32, #tpu.memory_space<hbm>>) target_semaphore(%arg17 : memref<!tpu.dma_semaphore, #tpu.memory_space<semaphore_mem>>)
      %mul3A_112 = arith.constant 2 : i32
      %mul3A_113 = arith.muli %mul3A_112, %scan3A_88 : i32
      %add3A_114 = arith.constant 2 : i32
      %add3A_115 = arith.addi %mul3A_113, %add3A_114 : i32
      %mul3A_116 = arith.constant 10000 : i32
      %mul3A_117 = arith.muli %add3A, %mul3A_116 : i32
      %add3A_118 = arith.constant 6000 : i32
      %add3A_119 = arith.addi %mul3A_117, %add3A_118 : i32
      %mul3A_120 = arith.constant 200 : i32
      %mul3A_121 = arith.muli %add3A_115, %mul3A_120 : i32
      %add3A_122 = arith.addi %add3A_119, %mul3A_121 : i32
      %mul3A_123 = arith.constant 4000 : i32
      %mul3A_124 = arith.muli %add3A, %mul3A_123 : i32
      %mul3A_125 = arith.constant 200 : i32
      %mul3A_126 = arith.muli %add3A_115, %mul3A_125 : i32
      %add3A_127 = arith.addi %mul3A_124, %mul3A_126 : i32
      "tpu.region"() ({
        %run_scoped3A = tpu.sem_alloc : memref<!tpu.dma_semaphore, #tpu.memory_space<semaphore_mem>>
        %dma_start3A_189 = tpu.memref_slice %arg4[%add3A_122] : memref<320000xi32, #tpu.memory_space<hbm>> -> memref<200xi32, #tpu.memory_space<hbm>>
        %dma_start3A_190 = tpu.memref_slice %arg4[%add3A_122] : memref<320000xi32, #tpu.memory_space<hbm>> -> memref<200xi32, #tpu.memory_space<hbm>>
        tpu.enqueue_dma source(%dma_start3A_190 : memref<200xi32, #tpu.memory_space<hbm>>) target(%arg7 : memref<200xi32, #tpu.memory_space<vmem>>) target_semaphore(%run_scoped3A : memref<!tpu.dma_semaphore, #tpu.memory_space<semaphore_mem>>)
        %dma_wait3A_191 = tpu.memref_slice %arg4[%add3A_122] : memref<320000xi32, #tpu.memory_space<hbm>> -> memref<200xi32, #tpu.memory_space<hbm>>
        %dma_wait3A_192 = tpu.memref_slice %arg4[%add3A_122] : memref<320000xi32, #tpu.memory_space<hbm>> -> memref<200xi32, #tpu.memory_space<hbm>>
        tpu.wait_dma2 semaphore(%run_scoped3A : memref<!tpu.dma_semaphore, #tpu.memory_space<semaphore_mem>>) src(%dma_wait3A_192 : memref<200xi32, #tpu.memory_space<hbm>>) dst(%arg7 : memref<200xi32, #tpu.memory_space<vmem>>)
        tpu.yield
      }) : () -> ()
      "tpu.region"() ({
        %run_scoped3A = tpu.sem_alloc : memref<!tpu.dma_semaphore, #tpu.memory_space<semaphore_mem>>
        %dma_start3A_189 = tpu.memref_slice %arg5[%add3A_122] : memref<320000xi32, #tpu.memory_space<hbm>> -> memref<200xi32, #tpu.memory_space<hbm>>
        %dma_start3A_190 = tpu.memref_slice %arg5[%add3A_122] : memref<320000xi32, #tpu.memory_space<hbm>> -> memref<200xi32, #tpu.memory_space<hbm>>
        tpu.enqueue_dma source(%dma_start3A_190 : memref<200xi32, #tpu.memory_space<hbm>>) target(%arg8 : memref<200xi32, #tpu.memory_space<vmem>>) target_semaphore(%run_scoped3A : memref<!tpu.dma_semaphore, #tpu.memory_space<semaphore_mem>>)
        %dma_wait3A_191 = tpu.memref_slice %arg5[%add3A_122] : memref<320000xi32, #tpu.memory_space<hbm>> -> memref<200xi32, #tpu.memory_space<hbm>>
        %dma_wait3A_192 = tpu.memref_slice %arg5[%add3A_122] : memref<320000xi32, #tpu.memory_space<hbm>> -> memref<200xi32, #tpu.memory_space<hbm>>
        tpu.wait_dma2 semaphore(%run_scoped3A : memref<!tpu.dma_semaphore, #tpu.memory_space<semaphore_mem>>) src(%dma_wait3A_192 : memref<200xi32, #tpu.memory_space<hbm>>) dst(%arg8 : memref<200xi32, #tpu.memory_space<vmem>>)
        tpu.yield
      }) : () -> ()
      %dma_wait3A_128 = arith.constant 0 : i32
      %dma_wait3A_129 = tpu.memref_slice %arg6[%add3A_127, %dma_wait3A_128] : memref<128000x128xf32, #tpu.memory_space<hbm>> -> memref<200x128xf32, #tpu.memory_space<hbm>>
      %dma_wait3A_130 = arith.constant 0 : i32
      %dma_wait3A_131 = tpu.memref_slice %arg6[%add3A_127, %dma_wait3A_130] : memref<128000x128xf32, #tpu.memory_space<hbm>> -> memref<200x128xf32, #tpu.memory_space<hbm>>
      tpu.wait_dma2 semaphore(%arg17 : memref<!tpu.dma_semaphore, #tpu.memory_space<semaphore_mem>>) src(%arg10 : memref<200x128xf32, #tpu.memory_space<vmem>>) dst(%dma_wait3A_131 : memref<200x128xf32, #tpu.memory_space<hbm>>)
      %dma_start3A_132 = arith.constant 0 : i32
      %dma_start3A_133 = arith.constant 0 : i32
      %dma_start3A_134 = tpu.memref_slice %arg2[%dma_start3A_132, %dma_start3A_133] : memref<10000x128xf32, #tpu.memory_space<hbm>> -> memref<10000x128xf32, #tpu.memory_space<hbm>>
      tpu.enqueue_indirect_dma source(%dma_start3A_134 : memref<10000x128xf32, #tpu.memory_space<hbm>>) target(%arg9 : memref<200x128xf32, #tpu.memory_space<vmem>>) offsets(%arg7 : memref<200xi32, #tpu.memory_space<vmem>>) semaphore(%arg15 : memref<!tpu.dma_semaphore, #tpu.memory_space<semaphore_mem>>)
      %dma_start3A_135 = arith.constant 0 : i32
      %dma_start3A_136 = arith.constant 0 : i32
      %dma_start3A_137 = tpu.memref_slice %arg3[%dma_start3A_135, %dma_start3A_136] : memref<10000x128xf32, #tpu.memory_space<hbm>> -> memref<10000x128xf32, #tpu.memory_space<hbm>>
      tpu.enqueue_indirect_dma source(%dma_start3A_137 : memref<10000x128xf32, #tpu.memory_space<hbm>>) target(%arg10 : memref<200x128xf32, #tpu.memory_space<vmem>>) offsets(%arg8 : memref<200xi32, #tpu.memory_space<vmem>>) semaphore(%arg15 : memref<!tpu.dma_semaphore, #tpu.memory_space<semaphore_mem>>)
      %mul3A_138 = arith.constant 2 : i32
      %mul3A_139 = arith.muli %mul3A_138, %scan3A_88 : i32
      %add3A_140 = arith.constant 1 : i32
      %add3A_141 = arith.addi %mul3A_139, %add3A_140 : i32
      %mul3A_142 = arith.constant 4000 : i32
      %mul3A_143 = arith.muli %add3A, %mul3A_142 : i32
      %mul3A_144 = arith.constant 200 : i32
      %mul3A_145 = arith.muli %add3A_141, %mul3A_144 : i32
      %add3A_146 = arith.addi %mul3A_143, %mul3A_145 : i32
      %dma_wait3A_147 = arith.constant 0 : i32
      %dma_wait3A_148 = arith.constant 0 : i32
      %dma_wait3A_149 = tpu.memref_slice %arg2[%dma_wait3A_147, %dma_wait3A_148] : memref<10000x128xf32, #tpu.memory_space<hbm>> -> memref<10000x128xf32, #tpu.memory_space<hbm>>
      tpu.wait_indirect_dma semaphore(%arg16 : memref<!tpu.dma_semaphore, #tpu.memory_space<semaphore_mem>>) src(%dma_wait3A_149 : memref<10000x128xf32, #tpu.memory_space<hbm>>) dst(%arg13 : memref<200x128xf32, #tpu.memory_space<vmem>>)
      %dma_wait3A_150 = arith.constant 0 : i32
      %dma_wait3A_151 = arith.constant 0 : i32
      %dma_wait3A_152 = tpu.memref_slice %arg3[%dma_wait3A_150, %dma_wait3A_151] : memref<10000x128xf32, #tpu.memory_space<hbm>> -> memref<10000x128xf32, #tpu.memory_space<hbm>>
      tpu.wait_indirect_dma semaphore(%arg16 : memref<!tpu.dma_semaphore, #tpu.memory_space<semaphore_mem>>) src(%dma_wait3A_152 : memref<10000x128xf32, #tpu.memory_space<hbm>>) dst(%arg14 : memref<200x128xf32, #tpu.memory_space<vmem>>)
      %scan3A_153 = arith.constant 0 : i32
      %scan3A_154 = arith.constant 0 : i32
      %scan3A_155 = arith.constant 200 : i32
      %scan3A_156 = arith.addi %scan3A_154, %scan3A_155 : i32
      %scan3A_157 = arith.constant 1 : i32
      scf.for %scan3A_189 = %scan3A_154 to %scan3A_156 step %scan3A_157  : i32 {
        %get3A = arith.index_cast %scan3A_189 : i32 to index
        %get3A_190 = arith.constant 0 : index
        %get3A_191 = tpu.vector_load %arg13[%get3A, %get3A_190] {strides = array<i32>} : memref<200x128xf32, #tpu.memory_space<vmem>>, vector<1x16xf32>,
        %get3A_192 = vector.shape_cast %get3A_191 : vector<1x16xf32> to vector<16xf32>
        %get3A_193 = arith.index_cast %scan3A_189 : i32 to index
        %get3A_194 = arith.constant 0 : index
        %get3A_195 = tpu.vector_load %arg14[%get3A_193, %get3A_194] {strides = array<i32>} : memref<200x128xf32, #tpu.memory_space<vmem>>, vector<1x16xf32>,
        %get3A_196 = vector.shape_cast %get3A_195 : vector<1x16xf32> to vector<16xf32>
        %add3A_197 = arith.addf %get3A_192, %get3A_196 : vector<16xf32>
        %swap3A = arith.index_cast %scan3A_189 : i32 to index
        %swap3A_198 = arith.constant 0 : index
        %swap3A_199 = tpu.vector_load %arg14[%swap3A, %swap3A_198] {strides = array<i32>} : memref<200x128xf32, #tpu.memory_space<vmem>>, vector<1x16xf32>,
        %swap3A_200 = vector.shape_cast %swap3A_199 : vector<1x16xf32> to vector<16xf32>
        %swap3A_201 = vector.shape_cast %add3A_197 : vector<16xf32> to vector<1x16xf32>
        tpu.vector_store %arg14[%swap3A, %swap3A_198], %swap3A_201 {strides = array<i32>} : memref<200x128xf32, #tpu.memory_space<vmem>>, vector<1x16xf32>,
        %get3A_202 = arith.index_cast %scan3A_189 : i32 to index
        %get3A_203 = arith.constant 16 : index
        %get3A_204 = tpu.vector_load %arg13[%get3A_202, %get3A_203] {strides = array<i32>} : memref<200x128xf32, #tpu.memory_space<vmem>>, vector<1x16xf32>,
        %get3A_205 = vector.shape_cast %get3A_204 : vector<1x16xf32> to vector<16xf32>
        %get3A_206 = arith.index_cast %scan3A_189 : i32 to index
        %get3A_207 = arith.constant 16 : index
        %get3A_208 = tpu.vector_load %arg14[%get3A_206, %get3A_207] {strides = array<i32>} : memref<200x128xf32, #tpu.memory_space<vmem>>, vector<1x16xf32>,
        %get3A_209 = vector.shape_cast %get3A_208 : vector<1x16xf32> to vector<16xf32>
        %add3A_210 = arith.addf %get3A_205, %get3A_209 : vector<16xf32>
        %swap3A_211 = arith.index_cast %scan3A_189 : i32 to index
        %swap3A_212 = arith.constant 16 : index
        %swap3A_213 = tpu.vector_load %arg14[%swap3A_211, %swap3A_212] {strides = array<i32>} : memref<200x128xf32, #tpu.memory_space<vmem>>, vector<1x16xf32>,
        %swap3A_214 = vector.shape_cast %swap3A_213 : vector<1x16xf32> to vector<16xf32>
        %swap3A_215 = vector.shape_cast %add3A_210 : vector<16xf32> to vector<1x16xf32>
        tpu.vector_store %arg14[%swap3A_211, %swap3A_212], %swap3A_215 {strides = array<i32>} : memref<200x128xf32, #tpu.memory_space<vmem>>, vector<1x16xf32>,
        %get3A_216 = arith.index_cast %scan3A_189 : i32 to index
        %get3A_217 = arith.constant 32 : index
        %get3A_218 = tpu.vector_load %arg13[%get3A_216, %get3A_217] {strides = array<i32>} : memref<200x128xf32, #tpu.memory_space<vmem>>, vector<1x16xf32>,
        %get3A_219 = vector.shape_cast %get3A_218 : vector<1x16xf32> to vector<16xf32>
        %get3A_220 = arith.index_cast %scan3A_189 : i32 to index
        %get3A_221 = arith.constant 32 : index
        %get3A_222 = tpu.vector_load %arg14[%get3A_220, %get3A_221] {strides = array<i32>} : memref<200x128xf32, #tpu.memory_space<vmem>>, vector<1x16xf32>,
        %get3A_223 = vector.shape_cast %get3A_222 : vector<1x16xf32> to vector<16xf32>
        %add3A_224 = arith.addf %get3A_219, %get3A_223 : vector<16xf32>
        %swap3A_225 = arith.index_cast %scan3A_189 : i32 to index
        %swap3A_226 = arith.constant 32 : index
        %swap3A_227 = tpu.vector_load %arg14[%swap3A_225, %swap3A_226] {strides = array<i32>} : memref<200x128xf32, #tpu.memory_space<vmem>>, vector<1x16xf32>,
        %swap3A_228 = vector.shape_cast %swap3A_227 : vector<1x16xf32> to vector<16xf32>
        %swap3A_229 = vector.shape_cast %add3A_224 : vector<16xf32> to vector<1x16xf32>
        tpu.vector_store %arg14[%swap3A_225, %swap3A_226], %swap3A_229 {strides = array<i32>} : memref<200x128xf32, #tpu.memory_space<vmem>>, vector<1x16xf32>,
        %get3A_230 = arith.index_cast %scan3A_189 : i32 to index
        %get3A_231 = arith.constant 48 : index
        %get3A_232 = tpu.vector_load %arg13[%get3A_230, %get3A_231] {strides = array<i32>} : memref<200x128xf32, #tpu.memory_space<vmem>>, vector<1x16xf32>,
        %get3A_233 = vector.shape_cast %get3A_232 : vector<1x16xf32> to vector<16xf32>
        %get3A_234 = arith.index_cast %scan3A_189 : i32 to index
        %get3A_235 = arith.constant 48 : index
        %get3A_236 = tpu.vector_load %arg14[%get3A_234, %get3A_235] {strides = array<i32>} : memref<200x128xf32, #tpu.memory_space<vmem>>, vector<1x16xf32>,
        %get3A_237 = vector.shape_cast %get3A_236 : vector<1x16xf32> to vector<16xf32>
        %add3A_238 = arith.addf %get3A_233, %get3A_237 : vector<16xf32>
        %swap3A_239 = arith.index_cast %scan3A_189 : i32 to index
        %swap3A_240 = arith.constant 48 : index
        %swap3A_241 = tpu.vector_load %arg14[%swap3A_239, %swap3A_240] {strides = array<i32>} : memref<200x128xf32, #tpu.memory_space<vmem>>, vector<1x16xf32>,
        %swap3A_242 = vector.shape_cast %swap3A_241 : vector<1x16xf32> to vector<16xf32>
        %swap3A_243 = vector.shape_cast %add3A_238 : vector<16xf32> to vector<1x16xf32>
        tpu.vector_store %arg14[%swap3A_239, %swap3A_240], %swap3A_243 {strides = array<i32>} : memref<200x128xf32, #tpu.memory_space<vmem>>, vector<1x16xf32>,
        %get3A_244 = arith.index_cast %scan3A_189 : i32 to index
        %get3A_245 = arith.constant 64 : index
        %get3A_246 = tpu.vector_load %arg13[%get3A_244, %get3A_245] {strides = array<i32>} : memref<200x128xf32, #tpu.memory_space<vmem>>, vector<1x16xf32>,
        %get3A_247 = vector.shape_cast %get3A_246 : vector<1x16xf32> to vector<16xf32>
        %get3A_248 = arith.index_cast %scan3A_189 : i32 to index
        %get3A_249 = arith.constant 64 : index
        %get3A_250 = tpu.vector_load %arg14[%get3A_248, %get3A_249] {strides = array<i32>} : memref<200x128xf32, #tpu.memory_space<vmem>>, vector<1x16xf32>,
        %get3A_251 = vector.shape_cast %get3A_250 : vector<1x16xf32> to vector<16xf32>
        %add3A_252 = arith.addf %get3A_247, %get3A_251 : vector<16xf32>
        %swap3A_253 = arith.index_cast %scan3A_189 : i32 to index
        %swap3A_254 = arith.constant 64 : index
        %swap3A_255 = tpu.vector_load %arg14[%swap3A_253, %swap3A_254] {strides = array<i32>} : memref<200x128xf32, #tpu.memory_space<vmem>>, vector<1x16xf32>,
        %swap3A_256 = vector.shape_cast %swap3A_255 : vector<1x16xf32> to vector<16xf32>
        %swap3A_257 = vector.shape_cast %add3A_252 : vector<16xf32> to vector<1x16xf32>
        tpu.vector_store %arg14[%swap3A_253, %swap3A_254], %swap3A_257 {strides = array<i32>} : memref<200x128xf32, #tpu.memory_space<vmem>>, vector<1x16xf32>,
        %get3A_258 = arith.index_cast %scan3A_189 : i32 to index
        %get3A_259 = arith.constant 80 : index
        %get3A_260 = tpu.vector_load %arg13[%get3A_258, %get3A_259] {strides = array<i32>} : memref<200x128xf32, #tpu.memory_space<vmem>>, vector<1x16xf32>,
        %get3A_261 = vector.shape_cast %get3A_260 : vector<1x16xf32> to vector<16xf32>
        %get3A_262 = arith.index_cast %scan3A_189 : i32 to index
        %get3A_263 = arith.constant 80 : index
        %get3A_264 = tpu.vector_load %arg14[%get3A_262, %get3A_263] {strides = array<i32>} : memref<200x128xf32, #tpu.memory_space<vmem>>, vector<1x16xf32>,
        %get3A_265 = vector.shape_cast %get3A_264 : vector<1x16xf32> to vector<16xf32>
        %add3A_266 = arith.addf %get3A_261, %get3A_265 : vector<16xf32>
        %swap3A_267 = arith.index_cast %scan3A_189 : i32 to index
        %swap3A_268 = arith.constant 80 : index
        %swap3A_269 = tpu.vector_load %arg14[%swap3A_267, %swap3A_268] {strides = array<i32>} : memref<200x128xf32, #tpu.memory_space<vmem>>, vector<1x16xf32>,
        %swap3A_270 = vector.shape_cast %swap3A_269 : vector<1x16xf32> to vector<16xf32>
        %swap3A_271 = vector.shape_cast %add3A_266 : vector<16xf32> to vector<1x16xf32>
        tpu.vector_store %arg14[%swap3A_267, %swap3A_268], %swap3A_271 {strides = array<i32>} : memref<200x128xf32, #tpu.memory_space<vmem>>, vector<1x16xf32>,
        %get3A_272 = arith.index_cast %scan3A_189 : i32 to index
        %get3A_273 = arith.constant 96 : index
        %get3A_274 = tpu.vector_load %arg13[%get3A_272, %get3A_273] {strides = array<i32>} : memref<200x128xf32, #tpu.memory_space<vmem>>, vector<1x16xf32>,
        %get3A_275 = vector.shape_cast %get3A_274 : vector<1x16xf32> to vector<16xf32>
        %get3A_276 = arith.index_cast %scan3A_189 : i32 to index
        %get3A_277 = arith.constant 96 : index
        %get3A_278 = tpu.vector_load %arg14[%get3A_276, %get3A_277] {strides = array<i32>} : memref<200x128xf32, #tpu.memory_space<vmem>>, vector<1x16xf32>,
        %get3A_279 = vector.shape_cast %get3A_278 : vector<1x16xf32> to vector<16xf32>
        %add3A_280 = arith.addf %get3A_275, %get3A_279 : vector<16xf32>
        %swap3A_281 = arith.index_cast %scan3A_189 : i32 to index
        %swap3A_282 = arith.constant 96 : index
        %swap3A_283 = tpu.vector_load %arg14[%swap3A_281, %swap3A_282] {strides = array<i32>} : memref<200x128xf32, #tpu.memory_space<vmem>>, vector<1x16xf32>,
        %swap3A_284 = vector.shape_cast %swap3A_283 : vector<1x16xf32> to vector<16xf32>
        %swap3A_285 = vector.shape_cast %add3A_280 : vector<16xf32> to vector<1x16xf32>
        tpu.vector_store %arg14[%swap3A_281, %swap3A_282], %swap3A_285 {strides = array<i32>} : memref<200x128xf32, #tpu.memory_space<vmem>>, vector<1x16xf32>,
        %get3A_286 = arith.index_cast %scan3A_189 : i32 to index
        %get3A_287 = arith.constant 112 : index
        %get3A_288 = tpu.vector_load %arg13[%get3A_286, %get3A_287] {strides = array<i32>} : memref<200x128xf32, #tpu.memory_space<vmem>>, vector<1x16xf32>,
        %get3A_289 = vector.shape_cast %get3A_288 : vector<1x16xf32> to vector<16xf32>
        %get3A_290 = arith.index_cast %scan3A_189 : i32 to index
        %get3A_291 = arith.constant 112 : index
        %get3A_292 = tpu.vector_load %arg14[%get3A_290, %get3A_291] {strides = array<i32>} : memref<200x128xf32, #tpu.memory_space<vmem>>, vector<1x16xf32>,
        %get3A_293 = vector.shape_cast %get3A_292 : vector<1x16xf32> to vector<16xf32>
        %add3A_294 = arith.addf %get3A_289, %get3A_293 : vector<16xf32>
        %swap3A_295 = arith.index_cast %scan3A_189 : i32 to index
        %swap3A_296 = arith.constant 112 : index
        %swap3A_297 = tpu.vector_load %arg14[%swap3A_295, %swap3A_296] {strides = array<i32>} : memref<200x128xf32, #tpu.memory_space<vmem>>, vector<1x16xf32>,
        %swap3A_298 = vector.shape_cast %swap3A_297 : vector<1x16xf32> to vector<16xf32>
        %swap3A_299 = vector.shape_cast %add3A_294 : vector<16xf32> to vector<1x16xf32>
        tpu.vector_store %arg14[%swap3A_295, %swap3A_296], %swap3A_299 {strides = array<i32>} : memref<200x128xf32, #tpu.memory_space<vmem>>, vector<1x16xf32>,
      }
      %scan3A_158 = arith.constant 200 : i32
      %dma_start3A_159 = arith.constant 0 : i32
      %dma_start3A_160 = tpu.memref_slice %arg6[%add3A_146, %dma_start3A_159] : memref<128000x128xf32, #tpu.memory_space<hbm>> -> memref<200x128xf32, #tpu.memory_space<hbm>>
      %dma_start3A_161 = arith.constant 0 : i32
      %dma_start3A_162 = tpu.memref_slice %arg6[%add3A_146, %dma_start3A_161] : memref<128000x128xf32, #tpu.memory_space<hbm>> -> memref<200x128xf32, #tpu.memory_space<hbm>>
      tpu.enqueue_dma source(%arg14 : memref<200x128xf32, #tpu.memory_space<vmem>>) target(%dma_start3A_162 : memref<200x128xf32, #tpu.memory_space<hbm>>) target_semaphore(%arg18 : memref<!tpu.dma_semaphore, #tpu.memory_space<semaphore_mem>>)
      %mul3A_163 = arith.constant 2 : i32
      %mul3A_164 = arith.muli %mul3A_163, %scan3A_88 : i32
      %add3A_165 = arith.constant 3 : i32
      %add3A_166 = arith.addi %mul3A_164, %add3A_165 : i32
      %mul3A_167 = arith.constant 10000 : i32
      %mul3A_168 = arith.muli %add3A, %mul3A_167 : i32
      %add3A_169 = arith.constant 6000 : i32
      %add3A_170 = arith.addi %mul3A_168, %add3A_169 : i32
      %mul3A_171 = arith.constant 200 : i32
      %mul3A_172 = arith.muli %add3A_166, %mul3A_171 : i32
      %add3A_173 = arith.addi %add3A_170, %mul3A_172 : i32
      %mul3A_174 = arith.constant 4000 : i32
      %mul3A_175 = arith.muli %add3A, %mul3A_174 : i32
      %mul3A_176 = arith.constant 200 : i32
      %mul3A_177 = arith.muli %add3A_166, %mul3A_176 : i32
      %add3A_178 = arith.addi %mul3A_175, %mul3A_177 : i32
      "tpu.region"() ({
        %run_scoped3A = tpu.sem_alloc : memref<!tpu.dma_semaphore, #tpu.memory_space<semaphore_mem>>
        %dma_start3A_189 = tpu.memref_slice %arg4[%add3A_173] : memref<320000xi32, #tpu.memory_space<hbm>> -> memref<200xi32, #tpu.memory_space<hbm>>
        %dma_start3A_190 = tpu.memref_slice %arg4[%add3A_173] : memref<320000xi32, #tpu.memory_space<hbm>> -> memref<200xi32, #tpu.memory_space<hbm>>
        tpu.enqueue_dma source(%dma_start3A_190 : memref<200xi32, #tpu.memory_space<hbm>>) target(%arg11 : memref<200xi32, #tpu.memory_space<vmem>>) target_semaphore(%run_scoped3A : memref<!tpu.dma_semaphore, #tpu.memory_space<semaphore_mem>>)
        %dma_wait3A_191 = tpu.memref_slice %arg4[%add3A_173] : memref<320000xi32, #tpu.memory_space<hbm>> -> memref<200xi32, #tpu.memory_space<hbm>>
        %dma_wait3A_192 = tpu.memref_slice %arg4[%add3A_173] : memref<320000xi32, #tpu.memory_space<hbm>> -> memref<200xi32, #tpu.memory_space<hbm>>
        tpu.wait_dma2 semaphore(%run_scoped3A : memref<!tpu.dma_semaphore, #tpu.memory_space<semaphore_mem>>) src(%dma_wait3A_192 : memref<200xi32, #tpu.memory_space<hbm>>) dst(%arg11 : memref<200xi32, #tpu.memory_space<vmem>>)
        tpu.yield
      }) : () -> ()
      "tpu.region"() ({
        %run_scoped3A = tpu.sem_alloc : memref<!tpu.dma_semaphore, #tpu.memory_space<semaphore_mem>>
        %dma_start3A_189 = tpu.memref_slice %arg5[%add3A_173] : memref<320000xi32, #tpu.memory_space<hbm>> -> memref<200xi32, #tpu.memory_space<hbm>>
        %dma_start3A_190 = tpu.memref_slice %arg5[%add3A_173] : memref<320000xi32, #tpu.memory_space<hbm>> -> memref<200xi32, #tpu.memory_space<hbm>>
        tpu.enqueue_dma source(%dma_start3A_190 : memref<200xi32, #tpu.memory_space<hbm>>) target(%arg12 : memref<200xi32, #tpu.memory_space<vmem>>) target_semaphore(%run_scoped3A : memref<!tpu.dma_semaphore, #tpu.memory_space<semaphore_mem>>)
        %dma_wait3A_191 = tpu.memref_slice %arg5[%add3A_173] : memref<320000xi32, #tpu.memory_space<hbm>> -> memref<200xi32, #tpu.memory_space<hbm>>
        %dma_wait3A_192 = tpu.memref_slice %arg5[%add3A_173] : memref<320000xi32, #tpu.memory_space<hbm>> -> memref<200xi32, #tpu.memory_space<hbm>>
        tpu.wait_dma2 semaphore(%run_scoped3A : memref<!tpu.dma_semaphore, #tpu.memory_space<semaphore_mem>>) src(%dma_wait3A_192 : memref<200xi32, #tpu.memory_space<hbm>>) dst(%arg12 : memref<200xi32, #tpu.memory_space<vmem>>)
        tpu.yield
      }) : () -> ()
      %dma_wait3A_179 = arith.constant 0 : i32
      %dma_wait3A_180 = tpu.memref_slice %arg6[%add3A_178, %dma_wait3A_179] : memref<128000x128xf32, #tpu.memory_space<hbm>> -> memref<200x128xf32, #tpu.memory_space<hbm>>
      %dma_wait3A_181 = arith.constant 0 : i32
      %dma_wait3A_182 = tpu.memref_slice %arg6[%add3A_178, %dma_wait3A_181] : memref<128000x128xf32, #tpu.memory_space<hbm>> -> memref<200x128xf32, #tpu.memory_space<hbm>>
      tpu.wait_dma2 semaphore(%arg18 : memref<!tpu.dma_semaphore, #tpu.memory_space<semaphore_mem>>) src(%arg14 : memref<200x128xf32, #tpu.memory_space<vmem>>) dst(%dma_wait3A_182 : memref<200x128xf32, #tpu.memory_space<hbm>>)
      %dma_start3A_183 = arith.constant 0 : i32
      %dma_start3A_184 = arith.constant 0 : i32
      %dma_start3A_185 = tpu.memref_slice %arg2[%dma_start3A_183, %dma_start3A_184] : memref<10000x128xf32, #tpu.memory_space<hbm>> -> memref<10000x128xf32, #tpu.memory_space<hbm>>
      tpu.enqueue_indirect_dma source(%dma_start3A_185 : memref<10000x128xf32, #tpu.memory_space<hbm>>) target(%arg13 : memref<200x128xf32, #tpu.memory_space<vmem>>) offsets(%arg11 : memref<200xi32, #tpu.memory_space<vmem>>) semaphore(%arg16 : memref<!tpu.dma_semaphore, #tpu.memory_space<semaphore_mem>>)
      %dma_start3A_186 = arith.constant 0 : i32
      %dma_start3A_187 = arith.constant 0 : i32
      %dma_start3A_188 = tpu.memref_slice %arg3[%dma_start3A_186, %dma_start3A_187] : memref<10000x128xf32, #tpu.memory_space<hbm>> -> memref<10000x128xf32, #tpu.memory_space<hbm>>
      tpu.enqueue_indirect_dma source(%dma_start3A_188 : memref<10000x128xf32, #tpu.memory_space<hbm>>) target(%arg14 : memref<200x128xf32, #tpu.memory_space<vmem>>) offsets(%arg12 : memref<200xi32, #tpu.memory_space<vmem>>) semaphore(%arg16 : memref<!tpu.dma_semaphore, #tpu.memory_space<semaphore_mem>>)
    }
    %scan3A_36 = arith.constant 9 : i32
    %mul3A_37 = arith.constant 4000 : i32
    %mul3A_38 = arith.muli %add3A, %mul3A_37 : i32
    %add3A_39 = arith.constant 3600 : i32
    %add3A_40 = arith.addi %mul3A_38, %add3A_39 : i32
    %dma_wait3A = arith.constant 0 : i32
    %dma_wait3A_41 = arith.constant 0 : i32
    %dma_wait3A_42 = tpu.memref_slice %arg2[%dma_wait3A, %dma_wait3A_41] : memref<10000x128xf32, #tpu.memory_space<hbm>> -> memref<10000x128xf32, #tpu.memory_space<hbm>>
    tpu.wait_indirect_dma semaphore(%arg15 : memref<!tpu.dma_semaphore, #tpu.memory_space<semaphore_mem>>) src(%dma_wait3A_42 : memref<10000x128xf32, #tpu.memory_space<hbm>>) dst(%arg9 : memref<200x128xf32, #tpu.memory_space<vmem>>)
    %dma_wait3A_43 = arith.constant 0 : i32
    %dma_wait3A_44 = arith.constant 0 : i32
    %dma_wait3A_45 = tpu.memref_slice %arg3[%dma_wait3A_43, %dma_wait3A_44] : memref<10000x128xf32, #tpu.memory_space<hbm>> -> memref<10000x128xf32, #tpu.memory_space<hbm>>
    tpu.wait_indirect_dma semaphore(%arg15 : memref<!tpu.dma_semaphore, #tpu.memory_space<semaphore_mem>>) src(%dma_wait3A_45 : memref<10000x128xf32, #tpu.memory_space<hbm>>) dst(%arg10 : memref<200x128xf32, #tpu.memory_space<vmem>>)
    %scan3A_46 = arith.constant 0 : i32
    %scan3A_47 = arith.constant 0 : i32
    %scan3A_48 = arith.constant 200 : i32
    %scan3A_49 = arith.addi %scan3A_47, %scan3A_48 : i32
    %scan3A_50 = arith.constant 1 : i32
    scf.for %scan3A_88 = %scan3A_47 to %scan3A_49 step %scan3A_50  : i32 {
      %get3A = arith.index_cast %scan3A_88 : i32 to index
      %get3A_89 = arith.constant 0 : index
      %get3A_90 = tpu.vector_load %arg9[%get3A, %get3A_89] {strides = array<i32>} : memref<200x128xf32, #tpu.memory_space<vmem>>, vector<1x16xf32>,
      %get3A_91 = vector.shape_cast %get3A_90 : vector<1x16xf32> to vector<16xf32>
      %get3A_92 = arith.index_cast %scan3A_88 : i32 to index
      %get3A_93 = arith.constant 0 : index
      %get3A_94 = tpu.vector_load %arg10[%get3A_92, %get3A_93] {strides = array<i32>} : memref<200x128xf32, #tpu.memory_space<vmem>>, vector<1x16xf32>,
      %get3A_95 = vector.shape_cast %get3A_94 : vector<1x16xf32> to vector<16xf32>
      %add3A_96 = arith.addf %get3A_91, %get3A_95 : vector<16xf32>
      %swap3A = arith.index_cast %scan3A_88 : i32 to index
      %swap3A_97 = arith.constant 0 : index
      %swap3A_98 = tpu.vector_load %arg10[%swap3A, %swap3A_97] {strides = array<i32>} : memref<200x128xf32, #tpu.memory_space<vmem>>, vector<1x16xf32>,
      %swap3A_99 = vector.shape_cast %swap3A_98 : vector<1x16xf32> to vector<16xf32>
      %swap3A_100 = vector.shape_cast %add3A_96 : vector<16xf32> to vector<1x16xf32>
      tpu.vector_store %arg10[%swap3A, %swap3A_97], %swap3A_100 {strides = array<i32>} : memref<200x128xf32, #tpu.memory_space<vmem>>, vector<1x16xf32>,
      %get3A_101 = arith.index_cast %scan3A_88 : i32 to index
      %get3A_102 = arith.constant 16 : index
      %get3A_103 = tpu.vector_load %arg9[%get3A_101, %get3A_102] {strides = array<i32>} : memref<200x128xf32, #tpu.memory_space<vmem>>, vector<1x16xf32>,
      %get3A_104 = vector.shape_cast %get3A_103 : vector<1x16xf32> to vector<16xf32>
      %get3A_105 = arith.index_cast %scan3A_88 : i32 to index
      %get3A_106 = arith.constant 16 : index
      %get3A_107 = tpu.vector_load %arg10[%get3A_105, %get3A_106] {strides = array<i32>} : memref<200x128xf32, #tpu.memory_space<vmem>>, vector<1x16xf32>,
      %get3A_108 = vector.shape_cast %get3A_107 : vector<1x16xf32> to vector<16xf32>
      %add3A_109 = arith.addf %get3A_104, %get3A_108 : vector<16xf32>
      %swap3A_110 = arith.index_cast %scan3A_88 : i32 to index
      %swap3A_111 = arith.constant 16 : index
      %swap3A_112 = tpu.vector_load %arg10[%swap3A_110, %swap3A_111] {strides = array<i32>} : memref<200x128xf32, #tpu.memory_space<vmem>>, vector<1x16xf32>,
      %swap3A_113 = vector.shape_cast %swap3A_112 : vector<1x16xf32> to vector<16xf32>
      %swap3A_114 = vector.shape_cast %add3A_109 : vector<16xf32> to vector<1x16xf32>
      tpu.vector_store %arg10[%swap3A_110, %swap3A_111], %swap3A_114 {strides = array<i32>} : memref<200x128xf32, #tpu.memory_space<vmem>>, vector<1x16xf32>,
      %get3A_115 = arith.index_cast %scan3A_88 : i32 to index
      %get3A_116 = arith.constant 32 : index
      %get3A_117 = tpu.vector_load %arg9[%get3A_115, %get3A_116] {strides = array<i32>} : memref<200x128xf32, #tpu.memory_space<vmem>>, vector<1x16xf32>,
      %get3A_118 = vector.shape_cast %get3A_117 : vector<1x16xf32> to vector<16xf32>
      %get3A_119 = arith.index_cast %scan3A_88 : i32 to index
      %get3A_120 = arith.constant 32 : index
      %get3A_121 = tpu.vector_load %arg10[%get3A_119, %get3A_120] {strides = array<i32>} : memref<200x128xf32, #tpu.memory_space<vmem>>, vector<1x16xf32>,
      %get3A_122 = vector.shape_cast %get3A_121 : vector<1x16xf32> to vector<16xf32>
      %add3A_123 = arith.addf %get3A_118, %get3A_122 : vector<16xf32>
      %swap3A_124 = arith.index_cast %scan3A_88 : i32 to index
      %swap3A_125 = arith.constant 32 : index
      %swap3A_126 = tpu.vector_load %arg10[%swap3A_124, %swap3A_125] {strides = array<i32>} : memref<200x128xf32, #tpu.memory_space<vmem>>, vector<1x16xf32>,
      %swap3A_127 = vector.shape_cast %swap3A_126 : vector<1x16xf32> to vector<16xf32>
      %swap3A_128 = vector.shape_cast %add3A_123 : vector<16xf32> to vector<1x16xf32>
      tpu.vector_store %arg10[%swap3A_124, %swap3A_125], %swap3A_128 {strides = array<i32>} : memref<200x128xf32, #tpu.memory_space<vmem>>, vector<1x16xf32>,
      %get3A_129 = arith.index_cast %scan3A_88 : i32 to index
      %get3A_130 = arith.constant 48 : index
      %get3A_131 = tpu.vector_load %arg9[%get3A_129, %get3A_130] {strides = array<i32>} : memref<200x128xf32, #tpu.memory_space<vmem>>, vector<1x16xf32>,
      %get3A_132 = vector.shape_cast %get3A_131 : vector<1x16xf32> to vector<16xf32>
      %get3A_133 = arith.index_cast %scan3A_88 : i32 to index
      %get3A_134 = arith.constant 48 : index
      %get3A_135 = tpu.vector_load %arg10[%get3A_133, %get3A_134] {strides = array<i32>} : memref<200x128xf32, #tpu.memory_space<vmem>>, vector<1x16xf32>,
      %get3A_136 = vector.shape_cast %get3A_135 : vector<1x16xf32> to vector<16xf32>
      %add3A_137 = arith.addf %get3A_132, %get3A_136 : vector<16xf32>
      %swap3A_138 = arith.index_cast %scan3A_88 : i32 to index
      %swap3A_139 = arith.constant 48 : index
      %swap3A_140 = tpu.vector_load %arg10[%swap3A_138, %swap3A_139] {strides = array<i32>} : memref<200x128xf32, #tpu.memory_space<vmem>>, vector<1x16xf32>,
      %swap3A_141 = vector.shape_cast %swap3A_140 : vector<1x16xf32> to vector<16xf32>
      %swap3A_142 = vector.shape_cast %add3A_137 : vector<16xf32> to vector<1x16xf32>
      tpu.vector_store %arg10[%swap3A_138, %swap3A_139], %swap3A_142 {strides = array<i32>} : memref<200x128xf32, #tpu.memory_space<vmem>>, vector<1x16xf32>,
      %get3A_143 = arith.index_cast %scan3A_88 : i32 to index
      %get3A_144 = arith.constant 64 : index
      %get3A_145 = tpu.vector_load %arg9[%get3A_143, %get3A_144] {strides = array<i32>} : memref<200x128xf32, #tpu.memory_space<vmem>>, vector<1x16xf32>,
      %get3A_146 = vector.shape_cast %get3A_145 : vector<1x16xf32> to vector<16xf32>
      %get3A_147 = arith.index_cast %scan3A_88 : i32 to index
      %get3A_148 = arith.constant 64 : index
      %get3A_149 = tpu.vector_load %arg10[%get3A_147, %get3A_148] {strides = array<i32>} : memref<200x128xf32, #tpu.memory_space<vmem>>, vector<1x16xf32>,
      %get3A_150 = vector.shape_cast %get3A_149 : vector<1x16xf32> to vector<16xf32>
      %add3A_151 = arith.addf %get3A_146, %get3A_150 : vector<16xf32>
      %swap3A_152 = arith.index_cast %scan3A_88 : i32 to index
      %swap3A_153 = arith.constant 64 : index
      %swap3A_154 = tpu.vector_load %arg10[%swap3A_152, %swap3A_153] {strides = array<i32>} : memref<200x128xf32, #tpu.memory_space<vmem>>, vector<1x16xf32>,
      %swap3A_155 = vector.shape_cast %swap3A_154 : vector<1x16xf32> to vector<16xf32>
      %swap3A_156 = vector.shape_cast %add3A_151 : vector<16xf32> to vector<1x16xf32>
      tpu.vector_store %arg10[%swap3A_152, %swap3A_153], %swap3A_156 {strides = array<i32>} : memref<200x128xf32, #tpu.memory_space<vmem>>, vector<1x16xf32>,
      %get3A_157 = arith.index_cast %scan3A_88 : i32 to index
      %get3A_158 = arith.constant 80 : index
      %get3A_159 = tpu.vector_load %arg9[%get3A_157, %get3A_158] {strides = array<i32>} : memref<200x128xf32, #tpu.memory_space<vmem>>, vector<1x16xf32>,
      %get3A_160 = vector.shape_cast %get3A_159 : vector<1x16xf32> to vector<16xf32>
      %get3A_161 = arith.index_cast %scan3A_88 : i32 to index
      %get3A_162 = arith.constant 80 : index
      %get3A_163 = tpu.vector_load %arg10[%get3A_161, %get3A_162] {strides = array<i32>} : memref<200x128xf32, #tpu.memory_space<vmem>>, vector<1x16xf32>,
      %get3A_164 = vector.shape_cast %get3A_163 : vector<1x16xf32> to vector<16xf32>
      %add3A_165 = arith.addf %get3A_160, %get3A_164 : vector<16xf32>
      %swap3A_166 = arith.index_cast %scan3A_88 : i32 to index
      %swap3A_167 = arith.constant 80 : index
      %swap3A_168 = tpu.vector_load %arg10[%swap3A_166, %swap3A_167] {strides = array<i32>} : memref<200x128xf32, #tpu.memory_space<vmem>>, vector<1x16xf32>,
      %swap3A_169 = vector.shape_cast %swap3A_168 : vector<1x16xf32> to vector<16xf32>
      %swap3A_170 = vector.shape_cast %add3A_165 : vector<16xf32> to vector<1x16xf32>
      tpu.vector_store %arg10[%swap3A_166, %swap3A_167], %swap3A_170 {strides = array<i32>} : memref<200x128xf32, #tpu.memory_space<vmem>>, vector<1x16xf32>,
      %get3A_171 = arith.index_cast %scan3A_88 : i32 to index
      %get3A_172 = arith.constant 96 : index
      %get3A_173 = tpu.vector_load %arg9[%get3A_171, %get3A_172] {strides = array<i32>} : memref<200x128xf32, #tpu.memory_space<vmem>>, vector<1x16xf32>,
      %get3A_174 = vector.shape_cast %get3A_173 : vector<1x16xf32> to vector<16xf32>
      %get3A_175 = arith.index_cast %scan3A_88 : i32 to index
      %get3A_176 = arith.constant 96 : index
      %get3A_177 = tpu.vector_load %arg10[%get3A_175, %get3A_176] {strides = array<i32>} : memref<200x128xf32, #tpu.memory_space<vmem>>, vector<1x16xf32>,
      %get3A_178 = vector.shape_cast %get3A_177 : vector<1x16xf32> to vector<16xf32>
      %add3A_179 = arith.addf %get3A_174, %get3A_178 : vector<16xf32>
      %swap3A_180 = arith.index_cast %scan3A_88 : i32 to index
      %swap3A_181 = arith.constant 96 : index
      %swap3A_182 = tpu.vector_load %arg10[%swap3A_180, %swap3A_181] {strides = array<i32>} : memref<200x128xf32, #tpu.memory_space<vmem>>, vector<1x16xf32>,
      %swap3A_183 = vector.shape_cast %swap3A_182 : vector<1x16xf32> to vector<16xf32>
      %swap3A_184 = vector.shape_cast %add3A_179 : vector<16xf32> to vector<1x16xf32>
      tpu.vector_store %arg10[%swap3A_180, %swap3A_181], %swap3A_184 {strides = array<i32>} : memref<200x128xf32, #tpu.memory_space<vmem>>, vector<1x16xf32>,
      %get3A_185 = arith.index_cast %scan3A_88 : i32 to index
      %get3A_186 = arith.constant 112 : index
      %get3A_187 = tpu.vector_load %arg9[%get3A_185, %get3A_186] {strides = array<i32>} : memref<200x128xf32, #tpu.memory_space<vmem>>, vector<1x16xf32>,
      %get3A_188 = vector.shape_cast %get3A_187 : vector<1x16xf32> to vector<16xf32>
      %get3A_189 = arith.index_cast %scan3A_88 : i32 to index
      %get3A_190 = arith.constant 112 : index
      %get3A_191 = tpu.vector_load %arg10[%get3A_189, %get3A_190] {strides = array<i32>} : memref<200x128xf32, #tpu.memory_space<vmem>>, vector<1x16xf32>,
      %get3A_192 = vector.shape_cast %get3A_191 : vector<1x16xf32> to vector<16xf32>
      %add3A_193 = arith.addf %get3A_188, %get3A_192 : vector<16xf32>
      %swap3A_194 = arith.index_cast %scan3A_88 : i32 to index
      %swap3A_195 = arith.constant 112 : index
      %swap3A_196 = tpu.vector_load %arg10[%swap3A_194, %swap3A_195] {strides = array<i32>} : memref<200x128xf32, #tpu.memory_space<vmem>>, vector<1x16xf32>,
      %swap3A_197 = vector.shape_cast %swap3A_196 : vector<1x16xf32> to vector<16xf32>
      %swap3A_198 = vector.shape_cast %add3A_193 : vector<16xf32> to vector<1x16xf32>
      tpu.vector_store %arg10[%swap3A_194, %swap3A_195], %swap3A_198 {strides = array<i32>} : memref<200x128xf32, #tpu.memory_space<vmem>>, vector<1x16xf32>,
    }
    %scan3A_51 = arith.constant 200 : i32
    %dma_start3A_52 = arith.constant 0 : i32
    %dma_start3A_53 = tpu.memref_slice %arg6[%add3A_40, %dma_start3A_52] : memref<128000x128xf32, #tpu.memory_space<hbm>> -> memref<200x128xf32, #tpu.memory_space<hbm>>
    %dma_start3A_54 = arith.constant 0 : i32
    %dma_start3A_55 = tpu.memref_slice %arg6[%add3A_40, %dma_start3A_54] : memref<128000x128xf32, #tpu.memory_space<hbm>> -> memref<200x128xf32, #tpu.memory_space<hbm>>
    tpu.enqueue_dma source(%arg10 : memref<200x128xf32, #tpu.memory_space<vmem>>) target(%dma_start3A_55 : memref<200x128xf32, #tpu.memory_space<hbm>>) target_semaphore(%arg17 : memref<!tpu.dma_semaphore, #tpu.memory_space<semaphore_mem>>)
    %mul3A_56 = arith.constant 4000 : i32
    %mul3A_57 = arith.muli %add3A, %mul3A_56 : i32
    %add3A_58 = arith.constant 3800 : i32
    %add3A_59 = arith.addi %mul3A_57, %add3A_58 : i32
    %dma_wait3A_60 = arith.constant 0 : i32
    %dma_wait3A_61 = arith.constant 0 : i32
    %dma_wait3A_62 = tpu.memref_slice %arg2[%dma_wait3A_60, %dma_wait3A_61] : memref<10000x128xf32, #tpu.memory_space<hbm>> -> memref<10000x128xf32, #tpu.memory_space<hbm>>
    tpu.wait_indirect_dma semaphore(%arg16 : memref<!tpu.dma_semaphore, #tpu.memory_space<semaphore_mem>>) src(%dma_wait3A_62 : memref<10000x128xf32, #tpu.memory_space<hbm>>) dst(%arg13 : memref<200x128xf32, #tpu.memory_space<vmem>>)
    %dma_wait3A_63 = arith.constant 0 : i32
    %dma_wait3A_64 = arith.constant 0 : i32
    %dma_wait3A_65 = tpu.memref_slice %arg3[%dma_wait3A_63, %dma_wait3A_64] : memref<10000x128xf32, #tpu.memory_space<hbm>> -> memref<10000x128xf32, #tpu.memory_space<hbm>>
    tpu.wait_indirect_dma semaphore(%arg16 : memref<!tpu.dma_semaphore, #tpu.memory_space<semaphore_mem>>) src(%dma_wait3A_65 : memref<10000x128xf32, #tpu.memory_space<hbm>>) dst(%arg14 : memref<200x128xf32, #tpu.memory_space<vmem>>)
    %scan3A_66 = arith.constant 0 : i32
    %scan3A_67 = arith.constant 0 : i32
    %scan3A_68 = arith.constant 200 : i32
    %scan3A_69 = arith.addi %scan3A_67, %scan3A_68 : i32
    %scan3A_70 = arith.constant 1 : i32
    scf.for %scan3A_88 = %scan3A_67 to %scan3A_69 step %scan3A_70  : i32 {
      %get3A = arith.index_cast %scan3A_88 : i32 to index
      %get3A_89 = arith.constant 0 : index
      %get3A_90 = tpu.vector_load %arg13[%get3A, %get3A_89] {strides = array<i32>} : memref<200x128xf32, #tpu.memory_space<vmem>>, vector<1x16xf32>,
      %get3A_91 = vector.shape_cast %get3A_90 : vector<1x16xf32> to vector<16xf32>
      %get3A_92 = arith.index_cast %scan3A_88 : i32 to index
      %get3A_93 = arith.constant 0 : index
      %get3A_94 = tpu.vector_load %arg14[%get3A_92, %get3A_93] {strides = array<i32>} : memref<200x128xf32, #tpu.memory_space<vmem>>, vector<1x16xf32>,
      %get3A_95 = vector.shape_cast %get3A_94 : vector<1x16xf32> to vector<16xf32>
      %add3A_96 = arith.addf %get3A_91, %get3A_95 : vector<16xf32>
      %swap3A = arith.index_cast %scan3A_88 : i32 to index
      %swap3A_97 = arith.constant 0 : index
      %swap3A_98 = tpu.vector_load %arg14[%swap3A, %swap3A_97] {strides = array<i32>} : memref<200x128xf32, #tpu.memory_space<vmem>>, vector<1x16xf32>,
      %swap3A_99 = vector.shape_cast %swap3A_98 : vector<1x16xf32> to vector<16xf32>
      %swap3A_100 = vector.shape_cast %add3A_96 : vector<16xf32> to vector<1x16xf32>
      tpu.vector_store %arg14[%swap3A, %swap3A_97], %swap3A_100 {strides = array<i32>} : memref<200x128xf32, #tpu.memory_space<vmem>>, vector<1x16xf32>,
      %get3A_101 = arith.index_cast %scan3A_88 : i32 to index
      %get3A_102 = arith.constant 16 : index
      %get3A_103 = tpu.vector_load %arg13[%get3A_101, %get3A_102] {strides = array<i32>} : memref<200x128xf32, #tpu.memory_space<vmem>>, vector<1x16xf32>,
      %get3A_104 = vector.shape_cast %get3A_103 : vector<1x16xf32> to vector<16xf32>
      %get3A_105 = arith.index_cast %scan3A_88 : i32 to index
      %get3A_106 = arith.constant 16 : index
      %get3A_107 = tpu.vector_load %arg14[%get3A_105, %get3A_106] {strides = array<i32>} : memref<200x128xf32, #tpu.memory_space<vmem>>, vector<1x16xf32>,
      %get3A_108 = vector.shape_cast %get3A_107 : vector<1x16xf32> to vector<16xf32>
      %add3A_109 = arith.addf %get3A_104, %get3A_108 : vector<16xf32>
      %swap3A_110 = arith.index_cast %scan3A_88 : i32 to index
      %swap3A_111 = arith.constant 16 : index
      %swap3A_112 = tpu.vector_load %arg14[%swap3A_110, %swap3A_111] {strides = array<i32>} : memref<200x128xf32, #tpu.memory_space<vmem>>, vector<1x16xf32>,
      %swap3A_113 = vector.shape_cast %swap3A_112 : vector<1x16xf32> to vector<16xf32>
      %swap3A_114 = vector.shape_cast %add3A_109 : vector<16xf32> to vector<1x16xf32>
      tpu.vector_store %arg14[%swap3A_110, %swap3A_111], %swap3A_114 {strides = array<i32>} : memref<200x128xf32, #tpu.memory_space<vmem>>, vector<1x16xf32>,
      %get3A_115 = arith.index_cast %scan3A_88 : i32 to index
      %get3A_116 = arith.constant 32 : index
      %get3A_117 = tpu.vector_load %arg13[%get3A_115, %get3A_116] {strides = array<i32>} : memref<200x128xf32, #tpu.memory_space<vmem>>, vector<1x16xf32>,
      %get3A_118 = vector.shape_cast %get3A_117 : vector<1x16xf32> to vector<16xf32>
      %get3A_119 = arith.index_cast %scan3A_88 : i32 to index
      %get3A_120 = arith.constant 32 : index
      %get3A_121 = tpu.vector_load %arg14[%get3A_119, %get3A_120] {strides = array<i32>} : memref<200x128xf32, #tpu.memory_space<vmem>>, vector<1x16xf32>,
      %get3A_122 = vector.shape_cast %get3A_121 : vector<1x16xf32> to vector<16xf32>
      %add3A_123 = arith.addf %get3A_118, %get3A_122 : vector<16xf32>
      %swap3A_124 = arith.index_cast %scan3A_88 : i32 to index
      %swap3A_125 = arith.constant 32 : index
      %swap3A_126 = tpu.vector_load %arg14[%swap3A_124, %swap3A_125] {strides = array<i32>} : memref<200x128xf32, #tpu.memory_space<vmem>>, vector<1x16xf32>,
      %swap3A_127 = vector.shape_cast %swap3A_126 : vector<1x16xf32> to vector<16xf32>
      %swap3A_128 = vector.shape_cast %add3A_123 : vector<16xf32> to vector<1x16xf32>
      tpu.vector_store %arg14[%swap3A_124, %swap3A_125], %swap3A_128 {strides = array<i32>} : memref<200x128xf32, #tpu.memory_space<vmem>>, vector<1x16xf32>,
      %get3A_129 = arith.index_cast %scan3A_88 : i32 to index
      %get3A_130 = arith.constant 48 : index
      %get3A_131 = tpu.vector_load %arg13[%get3A_129, %get3A_130] {strides = array<i32>} : memref<200x128xf32, #tpu.memory_space<vmem>>, vector<1x16xf32>,
      %get3A_132 = vector.shape_cast %get3A_131 : vector<1x16xf32> to vector<16xf32>
      %get3A_133 = arith.index_cast %scan3A_88 : i32 to index
      %get3A_134 = arith.constant 48 : index
      %get3A_135 = tpu.vector_load %arg14[%get3A_133, %get3A_134] {strides = array<i32>} : memref<200x128xf32, #tpu.memory_space<vmem>>, vector<1x16xf32>,
      %get3A_136 = vector.shape_cast %get3A_135 : vector<1x16xf32> to vector<16xf32>
      %add3A_137 = arith.addf %get3A_132, %get3A_136 : vector<16xf32>
      %swap3A_138 = arith.index_cast %scan3A_88 : i32 to index
      %swap3A_139 = arith.constant 48 : index
      %swap3A_140 = tpu.vector_load %arg14[%swap3A_138, %swap3A_139] {strides = array<i32>} : memref<200x128xf32, #tpu.memory_space<vmem>>, vector<1x16xf32>,
      %swap3A_141 = vector.shape_cast %swap3A_140 : vector<1x16xf32> to vector<16xf32>
      %swap3A_142 = vector.shape_cast %add3A_137 : vector<16xf32> to vector<1x16xf32>
      tpu.vector_store %arg14[%swap3A_138, %swap3A_139], %swap3A_142 {strides = array<i32>} : memref<200x128xf32, #tpu.memory_space<vmem>>, vector<1x16xf32>,
      %get3A_143 = arith.index_cast %scan3A_88 : i32 to index
      %get3A_144 = arith.constant 64 : index
      %get3A_145 = tpu.vector_load %arg13[%get3A_143, %get3A_144] {strides = array<i32>} : memref<200x128xf32, #tpu.memory_space<vmem>>, vector<1x16xf32>,
      %get3A_146 = vector.shape_cast %get3A_145 : vector<1x16xf32> to vector<16xf32>
      %get3A_147 = arith.index_cast %scan3A_88 : i32 to index
      %get3A_148 = arith.constant 64 : index
      %get3A_149 = tpu.vector_load %arg14[%get3A_147, %get3A_148] {strides = array<i32>} : memref<200x128xf32, #tpu.memory_space<vmem>>, vector<1x16xf32>,
      %get3A_150 = vector.shape_cast %get3A_149 : vector<1x16xf32> to vector<16xf32>
      %add3A_151 = arith.addf %get3A_146, %get3A_150 : vector<16xf32>
      %swap3A_152 = arith.index_cast %scan3A_88 : i32 to index
      %swap3A_153 = arith.constant 64 : index
      %swap3A_154 = tpu.vector_load %arg14[%swap3A_152, %swap3A_153] {strides = array<i32>} : memref<200x128xf32, #tpu.memory_space<vmem>>, vector<1x16xf32>,
      %swap3A_155 = vector.shape_cast %swap3A_154 : vector<1x16xf32> to vector<16xf32>
      %swap3A_156 = vector.shape_cast %add3A_151 : vector<16xf32> to vector<1x16xf32>
      tpu.vector_store %arg14[%swap3A_152, %swap3A_153], %swap3A_156 {strides = array<i32>} : memref<200x128xf32, #tpu.memory_space<vmem>>, vector<1x16xf32>,
      %get3A_157 = arith.index_cast %scan3A_88 : i32 to index
      %get3A_158 = arith.constant 80 : index
      %get3A_159 = tpu.vector_load %arg13[%get3A_157, %get3A_158] {strides = array<i32>} : memref<200x128xf32, #tpu.memory_space<vmem>>, vector<1x16xf32>,
      %get3A_160 = vector.shape_cast %get3A_159 : vector<1x16xf32> to vector<16xf32>
      %get3A_161 = arith.index_cast %scan3A_88 : i32 to index
      %get3A_162 = arith.constant 80 : index
      %get3A_163 = tpu.vector_load %arg14[%get3A_161, %get3A_162] {strides = array<i32>} : memref<200x128xf32, #tpu.memory_space<vmem>>, vector<1x16xf32>,
      %get3A_164 = vector.shape_cast %get3A_163 : vector<1x16xf32> to vector<16xf32>
      %add3A_165 = arith.addf %get3A_160, %get3A_164 : vector<16xf32>
      %swap3A_166 = arith.index_cast %scan3A_88 : i32 to index
      %swap3A_167 = arith.constant 80 : index
      %swap3A_168 = tpu.vector_load %arg14[%swap3A_166, %swap3A_167] {strides = array<i32>} : memref<200x128xf32, #tpu.memory_space<vmem>>, vector<1x16xf32>,
      %swap3A_169 = vector.shape_cast %swap3A_168 : vector<1x16xf32> to vector<16xf32>
      %swap3A_170 = vector.shape_cast %add3A_165 : vector<16xf32> to vector<1x16xf32>
      tpu.vector_store %arg14[%swap3A_166, %swap3A_167], %swap3A_170 {strides = array<i32>} : memref<200x128xf32, #tpu.memory_space<vmem>>, vector<1x16xf32>,
      %get3A_171 = arith.index_cast %scan3A_88 : i32 to index
      %get3A_172 = arith.constant 96 : index
      %get3A_173 = tpu.vector_load %arg13[%get3A_171, %get3A_172] {strides = array<i32>} : memref<200x128xf32, #tpu.memory_space<vmem>>, vector<1x16xf32>,
      %get3A_174 = vector.shape_cast %get3A_173 : vector<1x16xf32> to vector<16xf32>
      %get3A_175 = arith.index_cast %scan3A_88 : i32 to index
      %get3A_176 = arith.constant 96 : index
      %get3A_177 = tpu.vector_load %arg14[%get3A_175, %get3A_176] {strides = array<i32>} : memref<200x128xf32, #tpu.memory_space<vmem>>, vector<1x16xf32>,
      %get3A_178 = vector.shape_cast %get3A_177 : vector<1x16xf32> to vector<16xf32>
      %add3A_179 = arith.addf %get3A_174, %get3A_178 : vector<16xf32>
      %swap3A_180 = arith.index_cast %scan3A_88 : i32 to index
      %swap3A_181 = arith.constant 96 : index
      %swap3A_182 = tpu.vector_load %arg14[%swap3A_180, %swap3A_181] {strides = array<i32>} : memref<200x128xf32, #tpu.memory_space<vmem>>, vector<1x16xf32>,
      %swap3A_183 = vector.shape_cast %swap3A_182 : vector<1x16xf32> to vector<16xf32>
      %swap3A_184 = vector.shape_cast %add3A_179 : vector<16xf32> to vector<1x16xf32>
      tpu.vector_store %arg14[%swap3A_180, %swap3A_181], %swap3A_184 {strides = array<i32>} : memref<200x128xf32, #tpu.memory_space<vmem>>, vector<1x16xf32>,
      %get3A_185 = arith.index_cast %scan3A_88 : i32 to index
      %get3A_186 = arith.constant 112 : index
      %get3A_187 = tpu.vector_load %arg13[%get3A_185, %get3A_186] {strides = array<i32>} : memref<200x128xf32, #tpu.memory_space<vmem>>, vector<1x16xf32>,
      %get3A_188 = vector.shape_cast %get3A_187 : vector<1x16xf32> to vector<16xf32>
      %get3A_189 = arith.index_cast %scan3A_88 : i32 to index
      %get3A_190 = arith.constant 112 : index
      %get3A_191 = tpu.vector_load %arg14[%get3A_189, %get3A_190] {strides = array<i32>} : memref<200x128xf32, #tpu.memory_space<vmem>>, vector<1x16xf32>,
      %get3A_192 = vector.shape_cast %get3A_191 : vector<1x16xf32> to vector<16xf32>
      %add3A_193 = arith.addf %get3A_188, %get3A_192 : vector<16xf32>
      %swap3A_194 = arith.index_cast %scan3A_88 : i32 to index
      %swap3A_195 = arith.constant 112 : index
      %swap3A_196 = tpu.vector_load %arg14[%swap3A_194, %swap3A_195] {strides = array<i32>} : memref<200x128xf32, #tpu.memory_space<vmem>>, vector<1x16xf32>,
      %swap3A_197 = vector.shape_cast %swap3A_196 : vector<1x16xf32> to vector<16xf32>
      %swap3A_198 = vector.shape_cast %add3A_193 : vector<16xf32> to vector<1x16xf32>
      tpu.vector_store %arg14[%swap3A_194, %swap3A_195], %swap3A_198 {strides = array<i32>} : memref<200x128xf32, #tpu.memory_space<vmem>>, vector<1x16xf32>,
    }
    %scan3A_71 = arith.constant 200 : i32
    %dma_start3A_72 = arith.constant 0 : i32
    %dma_start3A_73 = tpu.memref_slice %arg6[%add3A_59, %dma_start3A_72] : memref<128000x128xf32, #tpu.memory_space<hbm>> -> memref<200x128xf32, #tpu.memory_space<hbm>>
    %dma_start3A_74 = arith.constant 0 : i32
    %dma_start3A_75 = tpu.memref_slice %arg6[%add3A_59, %dma_start3A_74] : memref<128000x128xf32, #tpu.memory_space<hbm>> -> memref<200x128xf32, #tpu.memory_space<hbm>>
    tpu.enqueue_dma source(%arg14 : memref<200x128xf32, #tpu.memory_space<vmem>>) target(%dma_start3A_75 : memref<200x128xf32, #tpu.memory_space<hbm>>) target_semaphore(%arg18 : memref<!tpu.dma_semaphore, #tpu.memory_space<semaphore_mem>>)
    %dma_wait3A_76 = arith.constant 0 : i32
    %dma_wait3A_77 = arith.constant 0 : i32
    %dma_wait3A_78 = tpu.memref_slice %arg6[%dma_wait3A_76, %dma_wait3A_77] : memref<128000x128xf32, #tpu.memory_space<hbm>> -> memref<200x128xf32, #tpu.memory_space<hbm>>
    %dma_wait3A_79 = arith.constant 0 : i32
    %dma_wait3A_80 = arith.constant 0 : i32
    %dma_wait3A_81 = tpu.memref_slice %arg6[%dma_wait3A_79, %dma_wait3A_80] : memref<128000x128xf32, #tpu.memory_space<hbm>> -> memref<200x128xf32, #tpu.memory_space<hbm>>
    tpu.wait_dma2 semaphore(%arg17 : memref<!tpu.dma_semaphore, #tpu.memory_space<semaphore_mem>>) src(%arg10 : memref<200x128xf32, #tpu.memory_space<vmem>>) dst(%dma_wait3A_81 : memref<200x128xf32, #tpu.memory_space<hbm>>)
    %dma_wait3A_82 = arith.constant 0 : i32
    %dma_wait3A_83 = arith.constant 0 : i32
    %dma_wait3A_84 = tpu.memref_slice %arg6[%dma_wait3A_82, %dma_wait3A_83] : memref<128000x128xf32, #tpu.memory_space<hbm>> -> memref<200x128xf32, #tpu.memory_space<hbm>>
    %dma_wait3A_85 = arith.constant 0 : i32
    %dma_wait3A_86 = arith.constant 0 : i32
    %dma_wait3A_87 = tpu.memref_slice %arg6[%dma_wait3A_85, %dma_wait3A_86] : memref<128000x128xf32, #tpu.memory_space<hbm>> -> memref<200x128xf32, #tpu.memory_space<hbm>>
    tpu.wait_dma2 semaphore(%arg18 : memref<!tpu.dma_semaphore, #tpu.memory_space<semaphore_mem>>) src(%arg14 : memref<200x128xf32, #tpu.memory_space<vmem>>) dst(%dma_wait3A_87 : memref<200x128xf32, #tpu.memory_space<hbm>>)
    return
  }
}

#map = affine_map<(d0, d1) -> (0, 0)>
#map1 = affine_map<(d0, d1) -> (0)>
module attributes {stable_mosaic.version = 14 : i64} {
  func.func @body(%arg0: i32, %arg1: i32, %arg2: memref<10000x128xf32, #tpu.memory_space<hbm>>, %arg3: memref<10000x128xf32, #tpu.memory_space<hbm>>, %arg4: memref<320000xi32, #tpu.memory_space<hbm>>, %arg5: memref<320000xi32, #tpu.memory_space<hbm>>, %arg6: memref<192000x128xf32, #tpu.memory_space<hbm>>, %arg7: memref<200xi32, #tpu.memory_space<vmem>>, %arg8: memref<200xi32, #tpu.memory_space<vmem>>, %arg9: memref<200x128xf32, #tpu.memory_space<vmem>>, %arg10: memref<200x128xf32, #tpu.memory_space<vmem>>, %arg11: memref<200xi32, #tpu.memory_space<vmem>>, %arg12: memref<200xi32, #tpu.memory_space<vmem>>, %arg13: memref<200x128xf32, #tpu.memory_space<vmem>>, %arg14: memref<200x128xf32, #tpu.memory_space<vmem>>, %arg15: memref<!tpu.dma_semaphore, #tpu.memory_space<semaphore_mem>>, %arg16: memref<!tpu.dma_semaphore, #tpu.memory_space<semaphore_mem>>, %arg17: memref<!tpu.dma_semaphore, #tpu.memory_space<semaphore_mem>>, %arg18: memref<!tpu.dma_semaphore, #tpu.memory_space<semaphore_mem>>) attributes {dimension_semantics = [#tpu.dimension_semantics<core_parallel>, #tpu.dimension_semantics<subcore_parallel>], iteration_bounds = array<i64: 2, 16>, scalar_prefetch = 0 : i64, scratch_operands = 12 : i64, tpu.core_type = #tpu.core_type<sc_vector_subcore>, window_params = [{transform_indices = #map}, {transform_indices = #map}, {transform_indices = #map1}, {transform_indices = #map1}, {transform_indices = #map}]} {
    %mul3A = arith.constant 2 : i32
    %mul3A_0 = arith.muli %arg1, %mul3A : i32
    %add3A = arith.addi %mul3A_0, %arg0 : i32
    %mul3A_1 = arith.constant 10000 : i32
    %mul3A_2 = arith.muli %add3A, %mul3A_1 : i32
    %add3A_3 = arith.constant 0 : i32
    %add3A_4 = arith.addi %mul3A_2, %add3A_3 : i32
    %add3A_5 = arith.constant 0 : i32
    %add3A_6 = arith.addi %add3A_4, %add3A_5 : i32
    %mul3A_7 = arith.constant 6000 : i32
    %mul3A_8 = arith.muli %add3A, %mul3A_7 : i32
    %add3A_9 = arith.constant 0 : i32
    %add3A_10 = arith.addi %mul3A_8, %add3A_9 : i32
    "tpu.region"() ({
      %run_scoped3A = tpu.sem_alloc : memref<!tpu.dma_semaphore, #tpu.memory_space<semaphore_mem>>
      %dma_start3A_88 = tpu.memref_slice %arg4[%add3A_6] : memref<320000xi32, #tpu.memory_space<hbm>> -> memref<200xi32, #tpu.memory_space<hbm>>
      %dma_start3A_89 = tpu.memref_slice %arg4[%add3A_6] : memref<320000xi32, #tpu.memory_space<hbm>> -> memref<200xi32, #tpu.memory_space<hbm>>
      tpu.enqueue_dma source(%dma_start3A_89 : memref<200xi32, #tpu.memory_space<hbm>>) target(%arg7 : memref<200xi32, #tpu.memory_space<vmem>>) target_semaphore(%run_scoped3A : memref<!tpu.dma_semaphore, #tpu.memory_space<semaphore_mem>>)
      %dma_wait3A_90 = tpu.memref_slice %arg4[%add3A_6] : memref<320000xi32, #tpu.memory_space<hbm>> -> memref<200xi32, #tpu.memory_space<hbm>>
      %dma_wait3A_91 = tpu.memref_slice %arg4[%add3A_6] : memref<320000xi32, #tpu.memory_space<hbm>> -> memref<200xi32, #tpu.memory_space<hbm>>
      tpu.wait_dma2 semaphore(%run_scoped3A : memref<!tpu.dma_semaphore, #tpu.memory_space<semaphore_mem>>) src(%dma_wait3A_91 : memref<200xi32, #tpu.memory_space<hbm>>) dst(%arg7 : memref<200xi32, #tpu.memory_space<vmem>>)
      tpu.yield
    }) : () -> ()
    "tpu.region"() ({
      %run_scoped3A = tpu.sem_alloc : memref<!tpu.dma_semaphore, #tpu.memory_space<semaphore_mem>>
      %dma_start3A_88 = tpu.memref_slice %arg5[%add3A_6] : memref<320000xi32, #tpu.memory_space<hbm>> -> memref<200xi32, #tpu.memory_space<hbm>>
      %dma_start3A_89 = tpu.memref_slice %arg5[%add3A_6] : memref<320000xi32, #tpu.memory_space<hbm>> -> memref<200xi32, #tpu.memory_space<hbm>>
      tpu.enqueue_dma source(%dma_start3A_89 : memref<200xi32, #tpu.memory_space<hbm>>) target(%arg8 : memref<200xi32, #tpu.memory_space<vmem>>) target_semaphore(%run_scoped3A : memref<!tpu.dma_semaphore, #tpu.memory_space<semaphore_mem>>)
      %dma_wait3A_90 = tpu.memref_slice %arg5[%add3A_6] : memref<320000xi32, #tpu.memory_space<hbm>> -> memref<200xi32, #tpu.memory_space<hbm>>
      %dma_wait3A_91 = tpu.memref_slice %arg5[%add3A_6] : memref<320000xi32, #tpu.memory_space<hbm>> -> memref<200xi32, #tpu.memory_space<hbm>>
      tpu.wait_dma2 semaphore(%run_scoped3A : memref<!tpu.dma_semaphore, #tpu.memory_space<semaphore_mem>>) src(%dma_wait3A_91 : memref<200xi32, #tpu.memory_space<hbm>>) dst(%arg8 : memref<200xi32, #tpu.memory_space<vmem>>)
      tpu.yield
    }) : () -> ()
    %dma_start3A = arith.constant 0 : i32
    %dma_start3A_11 = arith.constant 0 : i32
    %dma_start3A_12 = tpu.memref_slice %arg2[%dma_start3A, %dma_start3A_11] : memref<10000x128xf32, #tpu.memory_space<hbm>> -> memref<10000x128xf32, #tpu.memory_space<hbm>>
    tpu.enqueue_indirect_dma source(%dma_start3A_12 : memref<10000x128xf32, #tpu.memory_space<hbm>>) target(%arg9 : memref<200x128xf32, #tpu.memory_space<vmem>>) offsets(%arg7 : memref<200xi32, #tpu.memory_space<vmem>>) semaphore(%arg15 : memref<!tpu.dma_semaphore, #tpu.memory_space<semaphore_mem>>)
    %dma_start3A_13 = arith.constant 0 : i32
    %dma_start3A_14 = arith.constant 0 : i32
    %dma_start3A_15 = tpu.memref_slice %arg3[%dma_start3A_13, %dma_start3A_14] : memref<10000x128xf32, #tpu.memory_space<hbm>> -> memref<10000x128xf32, #tpu.memory_space<hbm>>
    tpu.enqueue_indirect_dma source(%dma_start3A_15 : memref<10000x128xf32, #tpu.memory_space<hbm>>) target(%arg10 : memref<200x128xf32, #tpu.memory_space<vmem>>) offsets(%arg8 : memref<200xi32, #tpu.memory_space<vmem>>) semaphore(%arg15 : memref<!tpu.dma_semaphore, #tpu.memory_space<semaphore_mem>>)
    %mul3A_16 = arith.constant 10000 : i32
    %mul3A_17 = arith.muli %add3A, %mul3A_16 : i32
    %add3A_18 = arith.constant 0 : i32
    %add3A_19 = arith.addi %mul3A_17, %add3A_18 : i32
    %add3A_20 = arith.constant 200 : i32
    %add3A_21 = arith.addi %add3A_19, %add3A_20 : i32
    %mul3A_22 = arith.constant 6000 : i32
    %mul3A_23 = arith.muli %add3A, %mul3A_22 : i32
    %add3A_24 = arith.constant 200 : i32
    %add3A_25 = arith.addi %mul3A_23, %add3A_24 : i32
    "tpu.region"() ({
      %run_scoped3A = tpu.sem_alloc : memref<!tpu.dma_semaphore, #tpu.memory_space<semaphore_mem>>
      %dma_start3A_88 = tpu.memref_slice %arg4[%add3A_21] : memref<320000xi32, #tpu.memory_space<hbm>> -> memref<200xi32, #tpu.memory_space<hbm>>
      %dma_start3A_89 = tpu.memref_slice %arg4[%add3A_21] : memref<320000xi32, #tpu.memory_space<hbm>> -> memref<200xi32, #tpu.memory_space<hbm>>
      tpu.enqueue_dma source(%dma_start3A_89 : memref<200xi32, #tpu.memory_space<hbm>>) target(%arg11 : memref<200xi32, #tpu.memory_space<vmem>>) target_semaphore(%run_scoped3A : memref<!tpu.dma_semaphore, #tpu.memory_space<semaphore_mem>>)
      %dma_wait3A_90 = tpu.memref_slice %arg4[%add3A_21] : memref<320000xi32, #tpu.memory_space<hbm>> -> memref<200xi32, #tpu.memory_space<hbm>>
      %dma_wait3A_91 = tpu.memref_slice %arg4[%add3A_21] : memref<320000xi32, #tpu.memory_space<hbm>> -> memref<200xi32, #tpu.memory_space<hbm>>
      tpu.wait_dma2 semaphore(%run_scoped3A : memref<!tpu.dma_semaphore, #tpu.memory_space<semaphore_mem>>) src(%dma_wait3A_91 : memref<200xi32, #tpu.memory_space<hbm>>) dst(%arg11 : memref<200xi32, #tpu.memory_space<vmem>>)
      tpu.yield
    }) : () -> ()
    "tpu.region"() ({
      %run_scoped3A = tpu.sem_alloc : memref<!tpu.dma_semaphore, #tpu.memory_space<semaphore_mem>>
      %dma_start3A_88 = tpu.memref_slice %arg5[%add3A_21] : memref<320000xi32, #tpu.memory_space<hbm>> -> memref<200xi32, #tpu.memory_space<hbm>>
      %dma_start3A_89 = tpu.memref_slice %arg5[%add3A_21] : memref<320000xi32, #tpu.memory_space<hbm>> -> memref<200xi32, #tpu.memory_space<hbm>>
      tpu.enqueue_dma source(%dma_start3A_89 : memref<200xi32, #tpu.memory_space<hbm>>) target(%arg12 : memref<200xi32, #tpu.memory_space<vmem>>) target_semaphore(%run_scoped3A : memref<!tpu.dma_semaphore, #tpu.memory_space<semaphore_mem>>)
      %dma_wait3A_90 = tpu.memref_slice %arg5[%add3A_21] : memref<320000xi32, #tpu.memory_space<hbm>> -> memref<200xi32, #tpu.memory_space<hbm>>
      %dma_wait3A_91 = tpu.memref_slice %arg5[%add3A_21] : memref<320000xi32, #tpu.memory_space<hbm>> -> memref<200xi32, #tpu.memory_space<hbm>>
      tpu.wait_dma2 semaphore(%run_scoped3A : memref<!tpu.dma_semaphore, #tpu.memory_space<semaphore_mem>>) src(%dma_wait3A_91 : memref<200xi32, #tpu.memory_space<hbm>>) dst(%arg12 : memref<200xi32, #tpu.memory_space<vmem>>)
      tpu.yield
    }) : () -> ()
    %dma_start3A_26 = arith.constant 0 : i32
    %dma_start3A_27 = arith.constant 0 : i32
    %dma_start3A_28 = tpu.memref_slice %arg2[%dma_start3A_26, %dma_start3A_27] : memref<10000x128xf32, #tpu.memory_space<hbm>> -> memref<10000x128xf32, #tpu.memory_space<hbm>>
    tpu.enqueue_indirect_dma source(%dma_start3A_28 : memref<10000x128xf32, #tpu.memory_space<hbm>>) target(%arg13 : memref<200x128xf32, #tpu.memory_space<vmem>>) offsets(%arg11 : memref<200xi32, #tpu.memory_space<vmem>>) semaphore(%arg16 : memref<!tpu.dma_semaphore, #tpu.memory_space<semaphore_mem>>)
    %dma_start3A_29 = arith.constant 0 : i32
    %dma_start3A_30 = arith.constant 0 : i32
    %dma_start3A_31 = tpu.memref_slice %arg3[%dma_start3A_29, %dma_start3A_30] : memref<10000x128xf32, #tpu.memory_space<hbm>> -> memref<10000x128xf32, #tpu.memory_space<hbm>>
    tpu.enqueue_indirect_dma source(%dma_start3A_31 : memref<10000x128xf32, #tpu.memory_space<hbm>>) target(%arg14 : memref<200x128xf32, #tpu.memory_space<vmem>>) offsets(%arg12 : memref<200xi32, #tpu.memory_space<vmem>>) semaphore(%arg16 : memref<!tpu.dma_semaphore, #tpu.memory_space<semaphore_mem>>)
    %scan3A = arith.constant 0 : i32
    %scan3A_32 = arith.constant 0 : i32
    %scan3A_33 = arith.constant 14 : i32
    %scan3A_34 = arith.addi %scan3A_32, %scan3A_33 : i32
    %scan3A_35 = arith.constant 1 : i32
    scf.for %scan3A_88 = %scan3A_32 to %scan3A_34 step %scan3A_35  : i32 {
      %mul3A_89 = arith.constant 2 : i32
      %mul3A_90 = arith.muli %mul3A_89, %scan3A_88 : i32
      %mul3A_91 = arith.constant 6000 : i32
      %mul3A_92 = arith.muli %add3A, %mul3A_91 : i32
      %mul3A_93 = arith.constant 200 : i32
      %mul3A_94 = arith.muli %mul3A_90, %mul3A_93 : i32
      %add3A_95 = arith.addi %mul3A_92, %mul3A_94 : i32
      %dma_wait3A_96 = arith.constant 0 : i32
      %dma_wait3A_97 = arith.constant 0 : i32
      %dma_wait3A_98 = tpu.memref_slice %arg2[%dma_wait3A_96, %dma_wait3A_97] : memref<10000x128xf32, #tpu.memory_space<hbm>> -> memref<10000x128xf32, #tpu.memory_space<hbm>>
      tpu.wait_indirect_dma semaphore(%arg15 : memref<!tpu.dma_semaphore, #tpu.memory_space<semaphore_mem>>) src(%dma_wait3A_98 : memref<10000x128xf32, #tpu.memory_space<hbm>>) dst(%arg9 : memref<200x128xf32, #tpu.memory_space<vmem>>)
      %dma_wait3A_99 = arith.constant 0 : i32
      %dma_wait3A_100 = arith.constant 0 : i32
      %dma_wait3A_101 = tpu.memref_slice %arg3[%dma_wait3A_99, %dma_wait3A_100] : memref<10000x128xf32, #tpu.memory_space<hbm>> -> memref<10000x128xf32, #tpu.memory_space<hbm>>
      tpu.wait_indirect_dma semaphore(%arg15 : memref<!tpu.dma_semaphore, #tpu.memory_space<semaphore_mem>>) src(%dma_wait3A_101 : memref<10000x128xf32, #tpu.memory_space<hbm>>) dst(%arg10 : memref<200x128xf32, #tpu.memory_space<vmem>>)
      %scan3A_102 = arith.constant 0 : i32
      %scan3A_103 = arith.constant 0 : i32
      %scan3A_104 = arith.constant 200 : i32
      %scan3A_105 = arith.addi %scan3A_103, %scan3A_104 : i32
      %scan3A_106 = arith.constant 1 : i32
      scf.for %scan3A_189 = %scan3A_103 to %scan3A_105 step %scan3A_106  : i32 {
        %get3A = arith.index_cast %scan3A_189 : i32 to index
        %get3A_190 = arith.constant 0 : index
        %get3A_191 = tpu.vector_load %arg9[%get3A, %get3A_190] {strides = array<i32>} : memref<200x128xf32, #tpu.memory_space<vmem>>, vector<1x16xf32>,
        %get3A_192 = vector.shape_cast %get3A_191 : vector<1x16xf32> to vector<16xf32>
        %get3A_193 = arith.index_cast %scan3A_189 : i32 to index
        %get3A_194 = arith.constant 0 : index
        %get3A_195 = tpu.vector_load %arg10[%get3A_193, %get3A_194] {strides = array<i32>} : memref<200x128xf32, #tpu.memory_space<vmem>>, vector<1x16xf32>,
        %get3A_196 = vector.shape_cast %get3A_195 : vector<1x16xf32> to vector<16xf32>
        %add3A_197 = arith.addf %get3A_192, %get3A_196 : vector<16xf32>
        %swap3A = arith.index_cast %scan3A_189 : i32 to index
        %swap3A_198 = arith.constant 0 : index
        %swap3A_199 = tpu.vector_load %arg10[%swap3A, %swap3A_198] {strides = array<i32>} : memref<200x128xf32, #tpu.memory_space<vmem>>, vector<1x16xf32>,
        %swap3A_200 = vector.shape_cast %swap3A_199 : vector<1x16xf32> to vector<16xf32>
        %swap3A_201 = vector.shape_cast %add3A_197 : vector<16xf32> to vector<1x16xf32>
        tpu.vector_store %arg10[%swap3A, %swap3A_198], %swap3A_201 {strides = array<i32>} : memref<200x128xf32, #tpu.memory_space<vmem>>, vector<1x16xf32>,
        %get3A_202 = arith.index_cast %scan3A_189 : i32 to index
        %get3A_203 = arith.constant 16 : index
        %get3A_204 = tpu.vector_load %arg9[%get3A_202, %get3A_203] {strides = array<i32>} : memref<200x128xf32, #tpu.memory_space<vmem>>, vector<1x16xf32>,
        %get3A_205 = vector.shape_cast %get3A_204 : vector<1x16xf32> to vector<16xf32>
        %get3A_206 = arith.index_cast %scan3A_189 : i32 to index
        %get3A_207 = arith.constant 16 : index
        %get3A_208 = tpu.vector_load %arg10[%get3A_206, %get3A_207] {strides = array<i32>} : memref<200x128xf32, #tpu.memory_space<vmem>>, vector<1x16xf32>,
        %get3A_209 = vector.shape_cast %get3A_208 : vector<1x16xf32> to vector<16xf32>
        %add3A_210 = arith.addf %get3A_205, %get3A_209 : vector<16xf32>
        %swap3A_211 = arith.index_cast %scan3A_189 : i32 to index
        %swap3A_212 = arith.constant 16 : index
        %swap3A_213 = tpu.vector_load %arg10[%swap3A_211, %swap3A_212] {strides = array<i32>} : memref<200x128xf32, #tpu.memory_space<vmem>>, vector<1x16xf32>,
        %swap3A_214 = vector.shape_cast %swap3A_213 : vector<1x16xf32> to vector<16xf32>
        %swap3A_215 = vector.shape_cast %add3A_210 : vector<16xf32> to vector<1x16xf32>
        tpu.vector_store %arg10[%swap3A_211, %swap3A_212], %swap3A_215 {strides = array<i32>} : memref<200x128xf32, #tpu.memory_space<vmem>>, vector<1x16xf32>,
        %get3A_216 = arith.index_cast %scan3A_189 : i32 to index
        %get3A_217 = arith.constant 32 : index
        %get3A_218 = tpu.vector_load %arg9[%get3A_216, %get3A_217] {strides = array<i32>} : memref<200x128xf32, #tpu.memory_space<vmem>>, vector<1x16xf32>,
        %get3A_219 = vector.shape_cast %get3A_218 : vector<1x16xf32> to vector<16xf32>
        %get3A_220 = arith.index_cast %scan3A_189 : i32 to index
        %get3A_221 = arith.constant 32 : index
        %get3A_222 = tpu.vector_load %arg10[%get3A_220, %get3A_221] {strides = array<i32>} : memref<200x128xf32, #tpu.memory_space<vmem>>, vector<1x16xf32>,
        %get3A_223 = vector.shape_cast %get3A_222 : vector<1x16xf32> to vector<16xf32>
        %add3A_224 = arith.addf %get3A_219, %get3A_223 : vector<16xf32>
        %swap3A_225 = arith.index_cast %scan3A_189 : i32 to index
        %swap3A_226 = arith.constant 32 : index
        %swap3A_227 = tpu.vector_load %arg10[%swap3A_225, %swap3A_226] {strides = array<i32>} : memref<200x128xf32, #tpu.memory_space<vmem>>, vector<1x16xf32>,
        %swap3A_228 = vector.shape_cast %swap3A_227 : vector<1x16xf32> to vector<16xf32>
        %swap3A_229 = vector.shape_cast %add3A_224 : vector<16xf32> to vector<1x16xf32>
        tpu.vector_store %arg10[%swap3A_225, %swap3A_226], %swap3A_229 {strides = array<i32>} : memref<200x128xf32, #tpu.memory_space<vmem>>, vector<1x16xf32>,
        %get3A_230 = arith.index_cast %scan3A_189 : i32 to index
        %get3A_231 = arith.constant 48 : index
        %get3A_232 = tpu.vector_load %arg9[%get3A_230, %get3A_231] {strides = array<i32>} : memref<200x128xf32, #tpu.memory_space<vmem>>, vector<1x16xf32>,
        %get3A_233 = vector.shape_cast %get3A_232 : vector<1x16xf32> to vector<16xf32>
        %get3A_234 = arith.index_cast %scan3A_189 : i32 to index
        %get3A_235 = arith.constant 48 : index
        %get3A_236 = tpu.vector_load %arg10[%get3A_234, %get3A_235] {strides = array<i32>} : memref<200x128xf32, #tpu.memory_space<vmem>>, vector<1x16xf32>,
        %get3A_237 = vector.shape_cast %get3A_236 : vector<1x16xf32> to vector<16xf32>
        %add3A_238 = arith.addf %get3A_233, %get3A_237 : vector<16xf32>
        %swap3A_239 = arith.index_cast %scan3A_189 : i32 to index
        %swap3A_240 = arith.constant 48 : index
        %swap3A_241 = tpu.vector_load %arg10[%swap3A_239, %swap3A_240] {strides = array<i32>} : memref<200x128xf32, #tpu.memory_space<vmem>>, vector<1x16xf32>,
        %swap3A_242 = vector.shape_cast %swap3A_241 : vector<1x16xf32> to vector<16xf32>
        %swap3A_243 = vector.shape_cast %add3A_238 : vector<16xf32> to vector<1x16xf32>
        tpu.vector_store %arg10[%swap3A_239, %swap3A_240], %swap3A_243 {strides = array<i32>} : memref<200x128xf32, #tpu.memory_space<vmem>>, vector<1x16xf32>,
        %get3A_244 = arith.index_cast %scan3A_189 : i32 to index
        %get3A_245 = arith.constant 64 : index
        %get3A_246 = tpu.vector_load %arg9[%get3A_244, %get3A_245] {strides = array<i32>} : memref<200x128xf32, #tpu.memory_space<vmem>>, vector<1x16xf32>,
        %get3A_247 = vector.shape_cast %get3A_246 : vector<1x16xf32> to vector<16xf32>
        %get3A_248 = arith.index_cast %scan3A_189 : i32 to index
        %get3A_249 = arith.constant 64 : index
        %get3A_250 = tpu.vector_load %arg10[%get3A_248, %get3A_249] {strides = array<i32>} : memref<200x128xf32, #tpu.memory_space<vmem>>, vector<1x16xf32>,
        %get3A_251 = vector.shape_cast %get3A_250 : vector<1x16xf32> to vector<16xf32>
        %add3A_252 = arith.addf %get3A_247, %get3A_251 : vector<16xf32>
        %swap3A_253 = arith.index_cast %scan3A_189 : i32 to index
        %swap3A_254 = arith.constant 64 : index
        %swap3A_255 = tpu.vector_load %arg10[%swap3A_253, %swap3A_254] {strides = array<i32>} : memref<200x128xf32, #tpu.memory_space<vmem>>, vector<1x16xf32>,
        %swap3A_256 = vector.shape_cast %swap3A_255 : vector<1x16xf32> to vector<16xf32>
        %swap3A_257 = vector.shape_cast %add3A_252 : vector<16xf32> to vector<1x16xf32>
        tpu.vector_store %arg10[%swap3A_253, %swap3A_254], %swap3A_257 {strides = array<i32>} : memref<200x128xf32, #tpu.memory_space<vmem>>, vector<1x16xf32>,
        %get3A_258 = arith.index_cast %scan3A_189 : i32 to index
        %get3A_259 = arith.constant 80 : index
        %get3A_260 = tpu.vector_load %arg9[%get3A_258, %get3A_259] {strides = array<i32>} : memref<200x128xf32, #tpu.memory_space<vmem>>, vector<1x16xf32>,
        %get3A_261 = vector.shape_cast %get3A_260 : vector<1x16xf32> to vector<16xf32>
        %get3A_262 = arith.index_cast %scan3A_189 : i32 to index
        %get3A_263 = arith.constant 80 : index
        %get3A_264 = tpu.vector_load %arg10[%get3A_262, %get3A_263] {strides = array<i32>} : memref<200x128xf32, #tpu.memory_space<vmem>>, vector<1x16xf32>,
        %get3A_265 = vector.shape_cast %get3A_264 : vector<1x16xf32> to vector<16xf32>
        %add3A_266 = arith.addf %get3A_261, %get3A_265 : vector<16xf32>
        %swap3A_267 = arith.index_cast %scan3A_189 : i32 to index
        %swap3A_268 = arith.constant 80 : index
        %swap3A_269 = tpu.vector_load %arg10[%swap3A_267, %swap3A_268] {strides = array<i32>} : memref<200x128xf32, #tpu.memory_space<vmem>>, vector<1x16xf32>,
        %swap3A_270 = vector.shape_cast %swap3A_269 : vector<1x16xf32> to vector<16xf32>
        %swap3A_271 = vector.shape_cast %add3A_266 : vector<16xf32> to vector<1x16xf32>
        tpu.vector_store %arg10[%swap3A_267, %swap3A_268], %swap3A_271 {strides = array<i32>} : memref<200x128xf32, #tpu.memory_space<vmem>>, vector<1x16xf32>,
        %get3A_272 = arith.index_cast %scan3A_189 : i32 to index
        %get3A_273 = arith.constant 96 : index
        %get3A_274 = tpu.vector_load %arg9[%get3A_272, %get3A_273] {strides = array<i32>} : memref<200x128xf32, #tpu.memory_space<vmem>>, vector<1x16xf32>,
        %get3A_275 = vector.shape_cast %get3A_274 : vector<1x16xf32> to vector<16xf32>
        %get3A_276 = arith.index_cast %scan3A_189 : i32 to index
        %get3A_277 = arith.constant 96 : index
        %get3A_278 = tpu.vector_load %arg10[%get3A_276, %get3A_277] {strides = array<i32>} : memref<200x128xf32, #tpu.memory_space<vmem>>, vector<1x16xf32>,
        %get3A_279 = vector.shape_cast %get3A_278 : vector<1x16xf32> to vector<16xf32>
        %add3A_280 = arith.addf %get3A_275, %get3A_279 : vector<16xf32>
        %swap3A_281 = arith.index_cast %scan3A_189 : i32 to index
        %swap3A_282 = arith.constant 96 : index
        %swap3A_283 = tpu.vector_load %arg10[%swap3A_281, %swap3A_282] {strides = array<i32>} : memref<200x128xf32, #tpu.memory_space<vmem>>, vector<1x16xf32>,
        %swap3A_284 = vector.shape_cast %swap3A_283 : vector<1x16xf32> to vector<16xf32>
        %swap3A_285 = vector.shape_cast %add3A_280 : vector<16xf32> to vector<1x16xf32>
        tpu.vector_store %arg10[%swap3A_281, %swap3A_282], %swap3A_285 {strides = array<i32>} : memref<200x128xf32, #tpu.memory_space<vmem>>, vector<1x16xf32>,
        %get3A_286 = arith.index_cast %scan3A_189 : i32 to index
        %get3A_287 = arith.constant 112 : index
        %get3A_288 = tpu.vector_load %arg9[%get3A_286, %get3A_287] {strides = array<i32>} : memref<200x128xf32, #tpu.memory_space<vmem>>, vector<1x16xf32>,
        %get3A_289 = vector.shape_cast %get3A_288 : vector<1x16xf32> to vector<16xf32>
        %get3A_290 = arith.index_cast %scan3A_189 : i32 to index
        %get3A_291 = arith.constant 112 : index
        %get3A_292 = tpu.vector_load %arg10[%get3A_290, %get3A_291] {strides = array<i32>} : memref<200x128xf32, #tpu.memory_space<vmem>>, vector<1x16xf32>,
        %get3A_293 = vector.shape_cast %get3A_292 : vector<1x16xf32> to vector<16xf32>
        %add3A_294 = arith.addf %get3A_289, %get3A_293 : vector<16xf32>
        %swap3A_295 = arith.index_cast %scan3A_189 : i32 to index
        %swap3A_296 = arith.constant 112 : index
        %swap3A_297 = tpu.vector_load %arg10[%swap3A_295, %swap3A_296] {strides = array<i32>} : memref<200x128xf32, #tpu.memory_space<vmem>>, vector<1x16xf32>,
        %swap3A_298 = vector.shape_cast %swap3A_297 : vector<1x16xf32> to vector<16xf32>
        %swap3A_299 = vector.shape_cast %add3A_294 : vector<16xf32> to vector<1x16xf32>
        tpu.vector_store %arg10[%swap3A_295, %swap3A_296], %swap3A_299 {strides = array<i32>} : memref<200x128xf32, #tpu.memory_space<vmem>>, vector<1x16xf32>,
      }
      %scan3A_107 = arith.constant 200 : i32
      %dma_start3A_108 = arith.constant 0 : i32
      %dma_start3A_109 = tpu.memref_slice %arg6[%add3A_95, %dma_start3A_108] : memref<192000x128xf32, #tpu.memory_space<hbm>> -> memref<200x128xf32, #tpu.memory_space<hbm>>
      %dma_start3A_110 = arith.constant 0 : i32
      %dma_start3A_111 = tpu.memref_slice %arg6[%add3A_95, %dma_start3A_110] : memref<192000x128xf32, #tpu.memory_space<hbm>> -> memref<200x128xf32, #tpu.memory_space<hbm>>
      tpu.enqueue_dma source(%arg10 : memref<200x128xf32, #tpu.memory_space<vmem>>) target(%dma_start3A_111 : memref<200x128xf32, #tpu.memory_space<hbm>>) target_semaphore(%arg17 : memref<!tpu.dma_semaphore, #tpu.memory_space<semaphore_mem>>)
      %mul3A_112 = arith.constant 2 : i32
      %mul3A_113 = arith.muli %mul3A_112, %scan3A_88 : i32
      %add3A_114 = arith.constant 2 : i32
      %add3A_115 = arith.addi %mul3A_113, %add3A_114 : i32
      %mul3A_116 = arith.constant 10000 : i32
      %mul3A_117 = arith.muli %add3A, %mul3A_116 : i32
      %add3A_118 = arith.constant 0 : i32
      %add3A_119 = arith.addi %mul3A_117, %add3A_118 : i32
      %mul3A_120 = arith.constant 200 : i32
      %mul3A_121 = arith.muli %add3A_115, %mul3A_120 : i32
      %add3A_122 = arith.addi %add3A_119, %mul3A_121 : i32
      %mul3A_123 = arith.constant 6000 : i32
      %mul3A_124 = arith.muli %add3A, %mul3A_123 : i32
      %mul3A_125 = arith.constant 200 : i32
      %mul3A_126 = arith.muli %add3A_115, %mul3A_125 : i32
      %add3A_127 = arith.addi %mul3A_124, %mul3A_126 : i32
      "tpu.region"() ({
        %run_scoped3A = tpu.sem_alloc : memref<!tpu.dma_semaphore, #tpu.memory_space<semaphore_mem>>
        %dma_start3A_189 = tpu.memref_slice %arg4[%add3A_122] : memref<320000xi32, #tpu.memory_space<hbm>> -> memref<200xi32, #tpu.memory_space<hbm>>
        %dma_start3A_190 = tpu.memref_slice %arg4[%add3A_122] : memref<320000xi32, #tpu.memory_space<hbm>> -> memref<200xi32, #tpu.memory_space<hbm>>
        tpu.enqueue_dma source(%dma_start3A_190 : memref<200xi32, #tpu.memory_space<hbm>>) target(%arg7 : memref<200xi32, #tpu.memory_space<vmem>>) target_semaphore(%run_scoped3A : memref<!tpu.dma_semaphore, #tpu.memory_space<semaphore_mem>>)
        %dma_wait3A_191 = tpu.memref_slice %arg4[%add3A_122] : memref<320000xi32, #tpu.memory_space<hbm>> -> memref<200xi32, #tpu.memory_space<hbm>>
        %dma_wait3A_192 = tpu.memref_slice %arg4[%add3A_122] : memref<320000xi32, #tpu.memory_space<hbm>> -> memref<200xi32, #tpu.memory_space<hbm>>
        tpu.wait_dma2 semaphore(%run_scoped3A : memref<!tpu.dma_semaphore, #tpu.memory_space<semaphore_mem>>) src(%dma_wait3A_192 : memref<200xi32, #tpu.memory_space<hbm>>) dst(%arg7 : memref<200xi32, #tpu.memory_space<vmem>>)
        tpu.yield
      }) : () -> ()
      "tpu.region"() ({
        %run_scoped3A = tpu.sem_alloc : memref<!tpu.dma_semaphore, #tpu.memory_space<semaphore_mem>>
        %dma_start3A_189 = tpu.memref_slice %arg5[%add3A_122] : memref<320000xi32, #tpu.memory_space<hbm>> -> memref<200xi32, #tpu.memory_space<hbm>>
        %dma_start3A_190 = tpu.memref_slice %arg5[%add3A_122] : memref<320000xi32, #tpu.memory_space<hbm>> -> memref<200xi32, #tpu.memory_space<hbm>>
        tpu.enqueue_dma source(%dma_start3A_190 : memref<200xi32, #tpu.memory_space<hbm>>) target(%arg8 : memref<200xi32, #tpu.memory_space<vmem>>) target_semaphore(%run_scoped3A : memref<!tpu.dma_semaphore, #tpu.memory_space<semaphore_mem>>)
        %dma_wait3A_191 = tpu.memref_slice %arg5[%add3A_122] : memref<320000xi32, #tpu.memory_space<hbm>> -> memref<200xi32, #tpu.memory_space<hbm>>
        %dma_wait3A_192 = tpu.memref_slice %arg5[%add3A_122] : memref<320000xi32, #tpu.memory_space<hbm>> -> memref<200xi32, #tpu.memory_space<hbm>>
        tpu.wait_dma2 semaphore(%run_scoped3A : memref<!tpu.dma_semaphore, #tpu.memory_space<semaphore_mem>>) src(%dma_wait3A_192 : memref<200xi32, #tpu.memory_space<hbm>>) dst(%arg8 : memref<200xi32, #tpu.memory_space<vmem>>)
        tpu.yield
      }) : () -> ()
      %dma_wait3A_128 = arith.constant 0 : i32
      %dma_wait3A_129 = tpu.memref_slice %arg6[%add3A_127, %dma_wait3A_128] : memref<192000x128xf32, #tpu.memory_space<hbm>> -> memref<200x128xf32, #tpu.memory_space<hbm>>
      %dma_wait3A_130 = arith.constant 0 : i32
      %dma_wait3A_131 = tpu.memref_slice %arg6[%add3A_127, %dma_wait3A_130] : memref<192000x128xf32, #tpu.memory_space<hbm>> -> memref<200x128xf32, #tpu.memory_space<hbm>>
      tpu.wait_dma2 semaphore(%arg17 : memref<!tpu.dma_semaphore, #tpu.memory_space<semaphore_mem>>) src(%arg10 : memref<200x128xf32, #tpu.memory_space<vmem>>) dst(%dma_wait3A_131 : memref<200x128xf32, #tpu.memory_space<hbm>>)
      %dma_start3A_132 = arith.constant 0 : i32
      %dma_start3A_133 = arith.constant 0 : i32
      %dma_start3A_134 = tpu.memref_slice %arg2[%dma_start3A_132, %dma_start3A_133] : memref<10000x128xf32, #tpu.memory_space<hbm>> -> memref<10000x128xf32, #tpu.memory_space<hbm>>
      tpu.enqueue_indirect_dma source(%dma_start3A_134 : memref<10000x128xf32, #tpu.memory_space<hbm>>) target(%arg9 : memref<200x128xf32, #tpu.memory_space<vmem>>) offsets(%arg7 : memref<200xi32, #tpu.memory_space<vmem>>) semaphore(%arg15 : memref<!tpu.dma_semaphore, #tpu.memory_space<semaphore_mem>>)
      %dma_start3A_135 = arith.constant 0 : i32
      %dma_start3A_136 = arith.constant 0 : i32
      %dma_start3A_137 = tpu.memref_slice %arg3[%dma_start3A_135, %dma_start3A_136] : memref<10000x128xf32, #tpu.memory_space<hbm>> -> memref<10000x128xf32, #tpu.memory_space<hbm>>
      tpu.enqueue_indirect_dma source(%dma_start3A_137 : memref<10000x128xf32, #tpu.memory_space<hbm>>) target(%arg10 : memref<200x128xf32, #tpu.memory_space<vmem>>) offsets(%arg8 : memref<200xi32, #tpu.memory_space<vmem>>) semaphore(%arg15 : memref<!tpu.dma_semaphore, #tpu.memory_space<semaphore_mem>>)
      %mul3A_138 = arith.constant 2 : i32
      %mul3A_139 = arith.muli %mul3A_138, %scan3A_88 : i32
      %add3A_140 = arith.constant 1 : i32
      %add3A_141 = arith.addi %mul3A_139, %add3A_140 : i32
      %mul3A_142 = arith.constant 6000 : i32
      %mul3A_143 = arith.muli %add3A, %mul3A_142 : i32
      %mul3A_144 = arith.constant 200 : i32
      %mul3A_145 = arith.muli %add3A_141, %mul3A_144 : i32
      %add3A_146 = arith.addi %mul3A_143, %mul3A_145 : i32
      %dma_wait3A_147 = arith.constant 0 : i32
      %dma_wait3A_148 = arith.constant 0 : i32
      %dma_wait3A_149 = tpu.memref_slice %arg2[%dma_wait3A_147, %dma_wait3A_148] : memref<10000x128xf32, #tpu.memory_space<hbm>> -> memref<10000x128xf32, #tpu.memory_space<hbm>>
      tpu.wait_indirect_dma semaphore(%arg16 : memref<!tpu.dma_semaphore, #tpu.memory_space<semaphore_mem>>) src(%dma_wait3A_149 : memref<10000x128xf32, #tpu.memory_space<hbm>>) dst(%arg13 : memref<200x128xf32, #tpu.memory_space<vmem>>)
      %dma_wait3A_150 = arith.constant 0 : i32
      %dma_wait3A_151 = arith.constant 0 : i32
      %dma_wait3A_152 = tpu.memref_slice %arg3[%dma_wait3A_150, %dma_wait3A_151] : memref<10000x128xf32, #tpu.memory_space<hbm>> -> memref<10000x128xf32, #tpu.memory_space<hbm>>
      tpu.wait_indirect_dma semaphore(%arg16 : memref<!tpu.dma_semaphore, #tpu.memory_space<semaphore_mem>>) src(%dma_wait3A_152 : memref<10000x128xf32, #tpu.memory_space<hbm>>) dst(%arg14 : memref<200x128xf32, #tpu.memory_space<vmem>>)
      %scan3A_153 = arith.constant 0 : i32
      %scan3A_154 = arith.constant 0 : i32
      %scan3A_155 = arith.constant 200 : i32
      %scan3A_156 = arith.addi %scan3A_154, %scan3A_155 : i32
      %scan3A_157 = arith.constant 1 : i32
      scf.for %scan3A_189 = %scan3A_154 to %scan3A_156 step %scan3A_157  : i32 {
        %get3A = arith.index_cast %scan3A_189 : i32 to index
        %get3A_190 = arith.constant 0 : index
        %get3A_191 = tpu.vector_load %arg13[%get3A, %get3A_190] {strides = array<i32>} : memref<200x128xf32, #tpu.memory_space<vmem>>, vector<1x16xf32>,
        %get3A_192 = vector.shape_cast %get3A_191 : vector<1x16xf32> to vector<16xf32>
        %get3A_193 = arith.index_cast %scan3A_189 : i32 to index
        %get3A_194 = arith.constant 0 : index
        %get3A_195 = tpu.vector_load %arg14[%get3A_193, %get3A_194] {strides = array<i32>} : memref<200x128xf32, #tpu.memory_space<vmem>>, vector<1x16xf32>,
        %get3A_196 = vector.shape_cast %get3A_195 : vector<1x16xf32> to vector<16xf32>
        %add3A_197 = arith.addf %get3A_192, %get3A_196 : vector<16xf32>
        %swap3A = arith.index_cast %scan3A_189 : i32 to index
        %swap3A_198 = arith.constant 0 : index
        %swap3A_199 = tpu.vector_load %arg14[%swap3A, %swap3A_198] {strides = array<i32>} : memref<200x128xf32, #tpu.memory_space<vmem>>, vector<1x16xf32>,
        %swap3A_200 = vector.shape_cast %swap3A_199 : vector<1x16xf32> to vector<16xf32>
        %swap3A_201 = vector.shape_cast %add3A_197 : vector<16xf32> to vector<1x16xf32>
        tpu.vector_store %arg14[%swap3A, %swap3A_198], %swap3A_201 {strides = array<i32>} : memref<200x128xf32, #tpu.memory_space<vmem>>, vector<1x16xf32>,
        %get3A_202 = arith.index_cast %scan3A_189 : i32 to index
        %get3A_203 = arith.constant 16 : index
        %get3A_204 = tpu.vector_load %arg13[%get3A_202, %get3A_203] {strides = array<i32>} : memref<200x128xf32, #tpu.memory_space<vmem>>, vector<1x16xf32>,
        %get3A_205 = vector.shape_cast %get3A_204 : vector<1x16xf32> to vector<16xf32>
        %get3A_206 = arith.index_cast %scan3A_189 : i32 to index
        %get3A_207 = arith.constant 16 : index
        %get3A_208 = tpu.vector_load %arg14[%get3A_206, %get3A_207] {strides = array<i32>} : memref<200x128xf32, #tpu.memory_space<vmem>>, vector<1x16xf32>,
        %get3A_209 = vector.shape_cast %get3A_208 : vector<1x16xf32> to vector<16xf32>
        %add3A_210 = arith.addf %get3A_205, %get3A_209 : vector<16xf32>
        %swap3A_211 = arith.index_cast %scan3A_189 : i32 to index
        %swap3A_212 = arith.constant 16 : index
        %swap3A_213 = tpu.vector_load %arg14[%swap3A_211, %swap3A_212] {strides = array<i32>} : memref<200x128xf32, #tpu.memory_space<vmem>>, vector<1x16xf32>,
        %swap3A_214 = vector.shape_cast %swap3A_213 : vector<1x16xf32> to vector<16xf32>
        %swap3A_215 = vector.shape_cast %add3A_210 : vector<16xf32> to vector<1x16xf32>
        tpu.vector_store %arg14[%swap3A_211, %swap3A_212], %swap3A_215 {strides = array<i32>} : memref<200x128xf32, #tpu.memory_space<vmem>>, vector<1x16xf32>,
        %get3A_216 = arith.index_cast %scan3A_189 : i32 to index
        %get3A_217 = arith.constant 32 : index
        %get3A_218 = tpu.vector_load %arg13[%get3A_216, %get3A_217] {strides = array<i32>} : memref<200x128xf32, #tpu.memory_space<vmem>>, vector<1x16xf32>,
        %get3A_219 = vector.shape_cast %get3A_218 : vector<1x16xf32> to vector<16xf32>
        %get3A_220 = arith.index_cast %scan3A_189 : i32 to index
        %get3A_221 = arith.constant 32 : index
        %get3A_222 = tpu.vector_load %arg14[%get3A_220, %get3A_221] {strides = array<i32>} : memref<200x128xf32, #tpu.memory_space<vmem>>, vector<1x16xf32>,
        %get3A_223 = vector.shape_cast %get3A_222 : vector<1x16xf32> to vector<16xf32>
        %add3A_224 = arith.addf %get3A_219, %get3A_223 : vector<16xf32>
        %swap3A_225 = arith.index_cast %scan3A_189 : i32 to index
        %swap3A_226 = arith.constant 32 : index
        %swap3A_227 = tpu.vector_load %arg14[%swap3A_225, %swap3A_226] {strides = array<i32>} : memref<200x128xf32, #tpu.memory_space<vmem>>, vector<1x16xf32>,
        %swap3A_228 = vector.shape_cast %swap3A_227 : vector<1x16xf32> to vector<16xf32>
        %swap3A_229 = vector.shape_cast %add3A_224 : vector<16xf32> to vector<1x16xf32>
        tpu.vector_store %arg14[%swap3A_225, %swap3A_226], %swap3A_229 {strides = array<i32>} : memref<200x128xf32, #tpu.memory_space<vmem>>, vector<1x16xf32>,
        %get3A_230 = arith.index_cast %scan3A_189 : i32 to index
        %get3A_231 = arith.constant 48 : index
        %get3A_232 = tpu.vector_load %arg13[%get3A_230, %get3A_231] {strides = array<i32>} : memref<200x128xf32, #tpu.memory_space<vmem>>, vector<1x16xf32>,
        %get3A_233 = vector.shape_cast %get3A_232 : vector<1x16xf32> to vector<16xf32>
        %get3A_234 = arith.index_cast %scan3A_189 : i32 to index
        %get3A_235 = arith.constant 48 : index
        %get3A_236 = tpu.vector_load %arg14[%get3A_234, %get3A_235] {strides = array<i32>} : memref<200x128xf32, #tpu.memory_space<vmem>>, vector<1x16xf32>,
        %get3A_237 = vector.shape_cast %get3A_236 : vector<1x16xf32> to vector<16xf32>
        %add3A_238 = arith.addf %get3A_233, %get3A_237 : vector<16xf32>
        %swap3A_239 = arith.index_cast %scan3A_189 : i32 to index
        %swap3A_240 = arith.constant 48 : index
        %swap3A_241 = tpu.vector_load %arg14[%swap3A_239, %swap3A_240] {strides = array<i32>} : memref<200x128xf32, #tpu.memory_space<vmem>>, vector<1x16xf32>,
        %swap3A_242 = vector.shape_cast %swap3A_241 : vector<1x16xf32> to vector<16xf32>
        %swap3A_243 = vector.shape_cast %add3A_238 : vector<16xf32> to vector<1x16xf32>
        tpu.vector_store %arg14[%swap3A_239, %swap3A_240], %swap3A_243 {strides = array<i32>} : memref<200x128xf32, #tpu.memory_space<vmem>>, vector<1x16xf32>,
        %get3A_244 = arith.index_cast %scan3A_189 : i32 to index
        %get3A_245 = arith.constant 64 : index
        %get3A_246 = tpu.vector_load %arg13[%get3A_244, %get3A_245] {strides = array<i32>} : memref<200x128xf32, #tpu.memory_space<vmem>>, vector<1x16xf32>,
        %get3A_247 = vector.shape_cast %get3A_246 : vector<1x16xf32> to vector<16xf32>
        %get3A_248 = arith.index_cast %scan3A_189 : i32 to index
        %get3A_249 = arith.constant 64 : index
        %get3A_250 = tpu.vector_load %arg14[%get3A_248, %get3A_249] {strides = array<i32>} : memref<200x128xf32, #tpu.memory_space<vmem>>, vector<1x16xf32>,
        %get3A_251 = vector.shape_cast %get3A_250 : vector<1x16xf32> to vector<16xf32>
        %add3A_252 = arith.addf %get3A_247, %get3A_251 : vector<16xf32>
        %swap3A_253 = arith.index_cast %scan3A_189 : i32 to index
        %swap3A_254 = arith.constant 64 : index
        %swap3A_255 = tpu.vector_load %arg14[%swap3A_253, %swap3A_254] {strides = array<i32>} : memref<200x128xf32, #tpu.memory_space<vmem>>, vector<1x16xf32>,
        %swap3A_256 = vector.shape_cast %swap3A_255 : vector<1x16xf32> to vector<16xf32>
        %swap3A_257 = vector.shape_cast %add3A_252 : vector<16xf32> to vector<1x16xf32>
        tpu.vector_store %arg14[%swap3A_253, %swap3A_254], %swap3A_257 {strides = array<i32>} : memref<200x128xf32, #tpu.memory_space<vmem>>, vector<1x16xf32>,
        %get3A_258 = arith.index_cast %scan3A_189 : i32 to index
        %get3A_259 = arith.constant 80 : index
        %get3A_260 = tpu.vector_load %arg13[%get3A_258, %get3A_259] {strides = array<i32>} : memref<200x128xf32, #tpu.memory_space<vmem>>, vector<1x16xf32>,
        %get3A_261 = vector.shape_cast %get3A_260 : vector<1x16xf32> to vector<16xf32>
        %get3A_262 = arith.index_cast %scan3A_189 : i32 to index
        %get3A_263 = arith.constant 80 : index
        %get3A_264 = tpu.vector_load %arg14[%get3A_262, %get3A_263] {strides = array<i32>} : memref<200x128xf32, #tpu.memory_space<vmem>>, vector<1x16xf32>,
        %get3A_265 = vector.shape_cast %get3A_264 : vector<1x16xf32> to vector<16xf32>
        %add3A_266 = arith.addf %get3A_261, %get3A_265 : vector<16xf32>
        %swap3A_267 = arith.index_cast %scan3A_189 : i32 to index
        %swap3A_268 = arith.constant 80 : index
        %swap3A_269 = tpu.vector_load %arg14[%swap3A_267, %swap3A_268] {strides = array<i32>} : memref<200x128xf32, #tpu.memory_space<vmem>>, vector<1x16xf32>,
        %swap3A_270 = vector.shape_cast %swap3A_269 : vector<1x16xf32> to vector<16xf32>
        %swap3A_271 = vector.shape_cast %add3A_266 : vector<16xf32> to vector<1x16xf32>
        tpu.vector_store %arg14[%swap3A_267, %swap3A_268], %swap3A_271 {strides = array<i32>} : memref<200x128xf32, #tpu.memory_space<vmem>>, vector<1x16xf32>,
        %get3A_272 = arith.index_cast %scan3A_189 : i32 to index
        %get3A_273 = arith.constant 96 : index
        %get3A_274 = tpu.vector_load %arg13[%get3A_272, %get3A_273] {strides = array<i32>} : memref<200x128xf32, #tpu.memory_space<vmem>>, vector<1x16xf32>,
        %get3A_275 = vector.shape_cast %get3A_274 : vector<1x16xf32> to vector<16xf32>
        %get3A_276 = arith.index_cast %scan3A_189 : i32 to index
        %get3A_277 = arith.constant 96 : index
        %get3A_278 = tpu.vector_load %arg14[%get3A_276, %get3A_277] {strides = array<i32>} : memref<200x128xf32, #tpu.memory_space<vmem>>, vector<1x16xf32>,
        %get3A_279 = vector.shape_cast %get3A_278 : vector<1x16xf32> to vector<16xf32>
        %add3A_280 = arith.addf %get3A_275, %get3A_279 : vector<16xf32>
        %swap3A_281 = arith.index_cast %scan3A_189 : i32 to index
        %swap3A_282 = arith.constant 96 : index
        %swap3A_283 = tpu.vector_load %arg14[%swap3A_281, %swap3A_282] {strides = array<i32>} : memref<200x128xf32, #tpu.memory_space<vmem>>, vector<1x16xf32>,
        %swap3A_284 = vector.shape_cast %swap3A_283 : vector<1x16xf32> to vector<16xf32>
        %swap3A_285 = vector.shape_cast %add3A_280 : vector<16xf32> to vector<1x16xf32>
        tpu.vector_store %arg14[%swap3A_281, %swap3A_282], %swap3A_285 {strides = array<i32>} : memref<200x128xf32, #tpu.memory_space<vmem>>, vector<1x16xf32>,
        %get3A_286 = arith.index_cast %scan3A_189 : i32 to index
        %get3A_287 = arith.constant 112 : index
        %get3A_288 = tpu.vector_load %arg13[%get3A_286, %get3A_287] {strides = array<i32>} : memref<200x128xf32, #tpu.memory_space<vmem>>, vector<1x16xf32>,
        %get3A_289 = vector.shape_cast %get3A_288 : vector<1x16xf32> to vector<16xf32>
        %get3A_290 = arith.index_cast %scan3A_189 : i32 to index
        %get3A_291 = arith.constant 112 : index
        %get3A_292 = tpu.vector_load %arg14[%get3A_290, %get3A_291] {strides = array<i32>} : memref<200x128xf32, #tpu.memory_space<vmem>>, vector<1x16xf32>,
        %get3A_293 = vector.shape_cast %get3A_292 : vector<1x16xf32> to vector<16xf32>
        %add3A_294 = arith.addf %get3A_289, %get3A_293 : vector<16xf32>
        %swap3A_295 = arith.index_cast %scan3A_189 : i32 to index
        %swap3A_296 = arith.constant 112 : index
        %swap3A_297 = tpu.vector_load %arg14[%swap3A_295, %swap3A_296] {strides = array<i32>} : memref<200x128xf32, #tpu.memory_space<vmem>>, vector<1x16xf32>,
        %swap3A_298 = vector.shape_cast %swap3A_297 : vector<1x16xf32> to vector<16xf32>
        %swap3A_299 = vector.shape_cast %add3A_294 : vector<16xf32> to vector<1x16xf32>
        tpu.vector_store %arg14[%swap3A_295, %swap3A_296], %swap3A_299 {strides = array<i32>} : memref<200x128xf32, #tpu.memory_space<vmem>>, vector<1x16xf32>,
      }
      %scan3A_158 = arith.constant 200 : i32
      %dma_start3A_159 = arith.constant 0 : i32
      %dma_start3A_160 = tpu.memref_slice %arg6[%add3A_146, %dma_start3A_159] : memref<192000x128xf32, #tpu.memory_space<hbm>> -> memref<200x128xf32, #tpu.memory_space<hbm>>
      %dma_start3A_161 = arith.constant 0 : i32
      %dma_start3A_162 = tpu.memref_slice %arg6[%add3A_146, %dma_start3A_161] : memref<192000x128xf32, #tpu.memory_space<hbm>> -> memref<200x128xf32, #tpu.memory_space<hbm>>
      tpu.enqueue_dma source(%arg14 : memref<200x128xf32, #tpu.memory_space<vmem>>) target(%dma_start3A_162 : memref<200x128xf32, #tpu.memory_space<hbm>>) target_semaphore(%arg18 : memref<!tpu.dma_semaphore, #tpu.memory_space<semaphore_mem>>)
      %mul3A_163 = arith.constant 2 : i32
      %mul3A_164 = arith.muli %mul3A_163, %scan3A_88 : i32
      %add3A_165 = arith.constant 3 : i32
      %add3A_166 = arith.addi %mul3A_164, %add3A_165 : i32
      %mul3A_167 = arith.constant 10000 : i32
      %mul3A_168 = arith.muli %add3A, %mul3A_167 : i32
      %add3A_169 = arith.constant 0 : i32
      %add3A_170 = arith.addi %mul3A_168, %add3A_169 : i32
      %mul3A_171 = arith.constant 200 : i32
      %mul3A_172 = arith.muli %add3A_166, %mul3A_171 : i32
      %add3A_173 = arith.addi %add3A_170, %mul3A_172 : i32
      %mul3A_174 = arith.constant 6000 : i32
      %mul3A_175 = arith.muli %add3A, %mul3A_174 : i32
      %mul3A_176 = arith.constant 200 : i32
      %mul3A_177 = arith.muli %add3A_166, %mul3A_176 : i32
      %add3A_178 = arith.addi %mul3A_175, %mul3A_177 : i32
      "tpu.region"() ({
        %run_scoped3A = tpu.sem_alloc : memref<!tpu.dma_semaphore, #tpu.memory_space<semaphore_mem>>
        %dma_start3A_189 = tpu.memref_slice %arg4[%add3A_173] : memref<320000xi32, #tpu.memory_space<hbm>> -> memref<200xi32, #tpu.memory_space<hbm>>
        %dma_start3A_190 = tpu.memref_slice %arg4[%add3A_173] : memref<320000xi32, #tpu.memory_space<hbm>> -> memref<200xi32, #tpu.memory_space<hbm>>
        tpu.enqueue_dma source(%dma_start3A_190 : memref<200xi32, #tpu.memory_space<hbm>>) target(%arg11 : memref<200xi32, #tpu.memory_space<vmem>>) target_semaphore(%run_scoped3A : memref<!tpu.dma_semaphore, #tpu.memory_space<semaphore_mem>>)
        %dma_wait3A_191 = tpu.memref_slice %arg4[%add3A_173] : memref<320000xi32, #tpu.memory_space<hbm>> -> memref<200xi32, #tpu.memory_space<hbm>>
        %dma_wait3A_192 = tpu.memref_slice %arg4[%add3A_173] : memref<320000xi32, #tpu.memory_space<hbm>> -> memref<200xi32, #tpu.memory_space<hbm>>
        tpu.wait_dma2 semaphore(%run_scoped3A : memref<!tpu.dma_semaphore, #tpu.memory_space<semaphore_mem>>) src(%dma_wait3A_192 : memref<200xi32, #tpu.memory_space<hbm>>) dst(%arg11 : memref<200xi32, #tpu.memory_space<vmem>>)
        tpu.yield
      }) : () -> ()
      "tpu.region"() ({
        %run_scoped3A = tpu.sem_alloc : memref<!tpu.dma_semaphore, #tpu.memory_space<semaphore_mem>>
        %dma_start3A_189 = tpu.memref_slice %arg5[%add3A_173] : memref<320000xi32, #tpu.memory_space<hbm>> -> memref<200xi32, #tpu.memory_space<hbm>>
        %dma_start3A_190 = tpu.memref_slice %arg5[%add3A_173] : memref<320000xi32, #tpu.memory_space<hbm>> -> memref<200xi32, #tpu.memory_space<hbm>>
        tpu.enqueue_dma source(%dma_start3A_190 : memref<200xi32, #tpu.memory_space<hbm>>) target(%arg12 : memref<200xi32, #tpu.memory_space<vmem>>) target_semaphore(%run_scoped3A : memref<!tpu.dma_semaphore, #tpu.memory_space<semaphore_mem>>)
        %dma_wait3A_191 = tpu.memref_slice %arg5[%add3A_173] : memref<320000xi32, #tpu.memory_space<hbm>> -> memref<200xi32, #tpu.memory_space<hbm>>
        %dma_wait3A_192 = tpu.memref_slice %arg5[%add3A_173] : memref<320000xi32, #tpu.memory_space<hbm>> -> memref<200xi32, #tpu.memory_space<hbm>>
        tpu.wait_dma2 semaphore(%run_scoped3A : memref<!tpu.dma_semaphore, #tpu.memory_space<semaphore_mem>>) src(%dma_wait3A_192 : memref<200xi32, #tpu.memory_space<hbm>>) dst(%arg12 : memref<200xi32, #tpu.memory_space<vmem>>)
        tpu.yield
      }) : () -> ()
      %dma_wait3A_179 = arith.constant 0 : i32
      %dma_wait3A_180 = tpu.memref_slice %arg6[%add3A_178, %dma_wait3A_179] : memref<192000x128xf32, #tpu.memory_space<hbm>> -> memref<200x128xf32, #tpu.memory_space<hbm>>
      %dma_wait3A_181 = arith.constant 0 : i32
      %dma_wait3A_182 = tpu.memref_slice %arg6[%add3A_178, %dma_wait3A_181] : memref<192000x128xf32, #tpu.memory_space<hbm>> -> memref<200x128xf32, #tpu.memory_space<hbm>>
      tpu.wait_dma2 semaphore(%arg18 : memref<!tpu.dma_semaphore, #tpu.memory_space<semaphore_mem>>) src(%arg14 : memref<200x128xf32, #tpu.memory_space<vmem>>) dst(%dma_wait3A_182 : memref<200x128xf32, #tpu.memory_space<hbm>>)
      %dma_start3A_183 = arith.constant 0 : i32
      %dma_start3A_184 = arith.constant 0 : i32
      %dma_start3A_185 = tpu.memref_slice %arg2[%dma_start3A_183, %dma_start3A_184] : memref<10000x128xf32, #tpu.memory_space<hbm>> -> memref<10000x128xf32, #tpu.memory_space<hbm>>
      tpu.enqueue_indirect_dma source(%dma_start3A_185 : memref<10000x128xf32, #tpu.memory_space<hbm>>) target(%arg13 : memref<200x128xf32, #tpu.memory_space<vmem>>) offsets(%arg11 : memref<200xi32, #tpu.memory_space<vmem>>) semaphore(%arg16 : memref<!tpu.dma_semaphore, #tpu.memory_space<semaphore_mem>>)
      %dma_start3A_186 = arith.constant 0 : i32
      %dma_start3A_187 = arith.constant 0 : i32
      %dma_start3A_188 = tpu.memref_slice %arg3[%dma_start3A_186, %dma_start3A_187] : memref<10000x128xf32, #tpu.memory_space<hbm>> -> memref<10000x128xf32, #tpu.memory_space<hbm>>
      tpu.enqueue_indirect_dma source(%dma_start3A_188 : memref<10000x128xf32, #tpu.memory_space<hbm>>) target(%arg14 : memref<200x128xf32, #tpu.memory_space<vmem>>) offsets(%arg12 : memref<200xi32, #tpu.memory_space<vmem>>) semaphore(%arg16 : memref<!tpu.dma_semaphore, #tpu.memory_space<semaphore_mem>>)
    }
    %scan3A_36 = arith.constant 14 : i32
    %mul3A_37 = arith.constant 6000 : i32
    %mul3A_38 = arith.muli %add3A, %mul3A_37 : i32
    %add3A_39 = arith.constant 5600 : i32
    %add3A_40 = arith.addi %mul3A_38, %add3A_39 : i32
    %dma_wait3A = arith.constant 0 : i32
    %dma_wait3A_41 = arith.constant 0 : i32
    %dma_wait3A_42 = tpu.memref_slice %arg2[%dma_wait3A, %dma_wait3A_41] : memref<10000x128xf32, #tpu.memory_space<hbm>> -> memref<10000x128xf32, #tpu.memory_space<hbm>>
    tpu.wait_indirect_dma semaphore(%arg15 : memref<!tpu.dma_semaphore, #tpu.memory_space<semaphore_mem>>) src(%dma_wait3A_42 : memref<10000x128xf32, #tpu.memory_space<hbm>>) dst(%arg9 : memref<200x128xf32, #tpu.memory_space<vmem>>)
    %dma_wait3A_43 = arith.constant 0 : i32
    %dma_wait3A_44 = arith.constant 0 : i32
    %dma_wait3A_45 = tpu.memref_slice %arg3[%dma_wait3A_43, %dma_wait3A_44] : memref<10000x128xf32, #tpu.memory_space<hbm>> -> memref<10000x128xf32, #tpu.memory_space<hbm>>
    tpu.wait_indirect_dma semaphore(%arg15 : memref<!tpu.dma_semaphore, #tpu.memory_space<semaphore_mem>>) src(%dma_wait3A_45 : memref<10000x128xf32, #tpu.memory_space<hbm>>) dst(%arg10 : memref<200x128xf32, #tpu.memory_space<vmem>>)
    %scan3A_46 = arith.constant 0 : i32
    %scan3A_47 = arith.constant 0 : i32
    %scan3A_48 = arith.constant 200 : i32
    %scan3A_49 = arith.addi %scan3A_47, %scan3A_48 : i32
    %scan3A_50 = arith.constant 1 : i32
    scf.for %scan3A_88 = %scan3A_47 to %scan3A_49 step %scan3A_50  : i32 {
      %get3A = arith.index_cast %scan3A_88 : i32 to index
      %get3A_89 = arith.constant 0 : index
      %get3A_90 = tpu.vector_load %arg9[%get3A, %get3A_89] {strides = array<i32>} : memref<200x128xf32, #tpu.memory_space<vmem>>, vector<1x16xf32>,
      %get3A_91 = vector.shape_cast %get3A_90 : vector<1x16xf32> to vector<16xf32>
      %get3A_92 = arith.index_cast %scan3A_88 : i32 to index
      %get3A_93 = arith.constant 0 : index
      %get3A_94 = tpu.vector_load %arg10[%get3A_92, %get3A_93] {strides = array<i32>} : memref<200x128xf32, #tpu.memory_space<vmem>>, vector<1x16xf32>,
      %get3A_95 = vector.shape_cast %get3A_94 : vector<1x16xf32> to vector<16xf32>
      %add3A_96 = arith.addf %get3A_91, %get3A_95 : vector<16xf32>
      %swap3A = arith.index_cast %scan3A_88 : i32 to index
      %swap3A_97 = arith.constant 0 : index
      %swap3A_98 = tpu.vector_load %arg10[%swap3A, %swap3A_97] {strides = array<i32>} : memref<200x128xf32, #tpu.memory_space<vmem>>, vector<1x16xf32>,
      %swap3A_99 = vector.shape_cast %swap3A_98 : vector<1x16xf32> to vector<16xf32>
      %swap3A_100 = vector.shape_cast %add3A_96 : vector<16xf32> to vector<1x16xf32>
      tpu.vector_store %arg10[%swap3A, %swap3A_97], %swap3A_100 {strides = array<i32>} : memref<200x128xf32, #tpu.memory_space<vmem>>, vector<1x16xf32>,
      %get3A_101 = arith.index_cast %scan3A_88 : i32 to index
      %get3A_102 = arith.constant 16 : index
      %get3A_103 = tpu.vector_load %arg9[%get3A_101, %get3A_102] {strides = array<i32>} : memref<200x128xf32, #tpu.memory_space<vmem>>, vector<1x16xf32>,
      %get3A_104 = vector.shape_cast %get3A_103 : vector<1x16xf32> to vector<16xf32>
      %get3A_105 = arith.index_cast %scan3A_88 : i32 to index
      %get3A_106 = arith.constant 16 : index
      %get3A_107 = tpu.vector_load %arg10[%get3A_105, %get3A_106] {strides = array<i32>} : memref<200x128xf32, #tpu.memory_space<vmem>>, vector<1x16xf32>,
      %get3A_108 = vector.shape_cast %get3A_107 : vector<1x16xf32> to vector<16xf32>
      %add3A_109 = arith.addf %get3A_104, %get3A_108 : vector<16xf32>
      %swap3A_110 = arith.index_cast %scan3A_88 : i32 to index
      %swap3A_111 = arith.constant 16 : index
      %swap3A_112 = tpu.vector_load %arg10[%swap3A_110, %swap3A_111] {strides = array<i32>} : memref<200x128xf32, #tpu.memory_space<vmem>>, vector<1x16xf32>,
      %swap3A_113 = vector.shape_cast %swap3A_112 : vector<1x16xf32> to vector<16xf32>
      %swap3A_114 = vector.shape_cast %add3A_109 : vector<16xf32> to vector<1x16xf32>
      tpu.vector_store %arg10[%swap3A_110, %swap3A_111], %swap3A_114 {strides = array<i32>} : memref<200x128xf32, #tpu.memory_space<vmem>>, vector<1x16xf32>,
      %get3A_115 = arith.index_cast %scan3A_88 : i32 to index
      %get3A_116 = arith.constant 32 : index
      %get3A_117 = tpu.vector_load %arg9[%get3A_115, %get3A_116] {strides = array<i32>} : memref<200x128xf32, #tpu.memory_space<vmem>>, vector<1x16xf32>,
      %get3A_118 = vector.shape_cast %get3A_117 : vector<1x16xf32> to vector<16xf32>
      %get3A_119 = arith.index_cast %scan3A_88 : i32 to index
      %get3A_120 = arith.constant 32 : index
      %get3A_121 = tpu.vector_load %arg10[%get3A_119, %get3A_120] {strides = array<i32>} : memref<200x128xf32, #tpu.memory_space<vmem>>, vector<1x16xf32>,
      %get3A_122 = vector.shape_cast %get3A_121 : vector<1x16xf32> to vector<16xf32>
      %add3A_123 = arith.addf %get3A_118, %get3A_122 : vector<16xf32>
      %swap3A_124 = arith.index_cast %scan3A_88 : i32 to index
      %swap3A_125 = arith.constant 32 : index
      %swap3A_126 = tpu.vector_load %arg10[%swap3A_124, %swap3A_125] {strides = array<i32>} : memref<200x128xf32, #tpu.memory_space<vmem>>, vector<1x16xf32>,
      %swap3A_127 = vector.shape_cast %swap3A_126 : vector<1x16xf32> to vector<16xf32>
      %swap3A_128 = vector.shape_cast %add3A_123 : vector<16xf32> to vector<1x16xf32>
      tpu.vector_store %arg10[%swap3A_124, %swap3A_125], %swap3A_128 {strides = array<i32>} : memref<200x128xf32, #tpu.memory_space<vmem>>, vector<1x16xf32>,
      %get3A_129 = arith.index_cast %scan3A_88 : i32 to index
      %get3A_130 = arith.constant 48 : index
      %get3A_131 = tpu.vector_load %arg9[%get3A_129, %get3A_130] {strides = array<i32>} : memref<200x128xf32, #tpu.memory_space<vmem>>, vector<1x16xf32>,
      %get3A_132 = vector.shape_cast %get3A_131 : vector<1x16xf32> to vector<16xf32>
      %get3A_133 = arith.index_cast %scan3A_88 : i32 to index
      %get3A_134 = arith.constant 48 : index
      %get3A_135 = tpu.vector_load %arg10[%get3A_133, %get3A_134] {strides = array<i32>} : memref<200x128xf32, #tpu.memory_space<vmem>>, vector<1x16xf32>,
      %get3A_136 = vector.shape_cast %get3A_135 : vector<1x16xf32> to vector<16xf32>
      %add3A_137 = arith.addf %get3A_132, %get3A_136 : vector<16xf32>
      %swap3A_138 = arith.index_cast %scan3A_88 : i32 to index
      %swap3A_139 = arith.constant 48 : index
      %swap3A_140 = tpu.vector_load %arg10[%swap3A_138, %swap3A_139] {strides = array<i32>} : memref<200x128xf32, #tpu.memory_space<vmem>>, vector<1x16xf32>,
      %swap3A_141 = vector.shape_cast %swap3A_140 : vector<1x16xf32> to vector<16xf32>
      %swap3A_142 = vector.shape_cast %add3A_137 : vector<16xf32> to vector<1x16xf32>
      tpu.vector_store %arg10[%swap3A_138, %swap3A_139], %swap3A_142 {strides = array<i32>} : memref<200x128xf32, #tpu.memory_space<vmem>>, vector<1x16xf32>,
      %get3A_143 = arith.index_cast %scan3A_88 : i32 to index
      %get3A_144 = arith.constant 64 : index
      %get3A_145 = tpu.vector_load %arg9[%get3A_143, %get3A_144] {strides = array<i32>} : memref<200x128xf32, #tpu.memory_space<vmem>>, vector<1x16xf32>,
      %get3A_146 = vector.shape_cast %get3A_145 : vector<1x16xf32> to vector<16xf32>
      %get3A_147 = arith.index_cast %scan3A_88 : i32 to index
      %get3A_148 = arith.constant 64 : index
      %get3A_149 = tpu.vector_load %arg10[%get3A_147, %get3A_148] {strides = array<i32>} : memref<200x128xf32, #tpu.memory_space<vmem>>, vector<1x16xf32>,
      %get3A_150 = vector.shape_cast %get3A_149 : vector<1x16xf32> to vector<16xf32>
      %add3A_151 = arith.addf %get3A_146, %get3A_150 : vector<16xf32>
      %swap3A_152 = arith.index_cast %scan3A_88 : i32 to index
      %swap3A_153 = arith.constant 64 : index
      %swap3A_154 = tpu.vector_load %arg10[%swap3A_152, %swap3A_153] {strides = array<i32>} : memref<200x128xf32, #tpu.memory_space<vmem>>, vector<1x16xf32>,
      %swap3A_155 = vector.shape_cast %swap3A_154 : vector<1x16xf32> to vector<16xf32>
      %swap3A_156 = vector.shape_cast %add3A_151 : vector<16xf32> to vector<1x16xf32>
      tpu.vector_store %arg10[%swap3A_152, %swap3A_153], %swap3A_156 {strides = array<i32>} : memref<200x128xf32, #tpu.memory_space<vmem>>, vector<1x16xf32>,
      %get3A_157 = arith.index_cast %scan3A_88 : i32 to index
      %get3A_158 = arith.constant 80 : index
      %get3A_159 = tpu.vector_load %arg9[%get3A_157, %get3A_158] {strides = array<i32>} : memref<200x128xf32, #tpu.memory_space<vmem>>, vector<1x16xf32>,
      %get3A_160 = vector.shape_cast %get3A_159 : vector<1x16xf32> to vector<16xf32>
      %get3A_161 = arith.index_cast %scan3A_88 : i32 to index
      %get3A_162 = arith.constant 80 : index
      %get3A_163 = tpu.vector_load %arg10[%get3A_161, %get3A_162] {strides = array<i32>} : memref<200x128xf32, #tpu.memory_space<vmem>>, vector<1x16xf32>,
      %get3A_164 = vector.shape_cast %get3A_163 : vector<1x16xf32> to vector<16xf32>
      %add3A_165 = arith.addf %get3A_160, %get3A_164 : vector<16xf32>
      %swap3A_166 = arith.index_cast %scan3A_88 : i32 to index
      %swap3A_167 = arith.constant 80 : index
      %swap3A_168 = tpu.vector_load %arg10[%swap3A_166, %swap3A_167] {strides = array<i32>} : memref<200x128xf32, #tpu.memory_space<vmem>>, vector<1x16xf32>,
      %swap3A_169 = vector.shape_cast %swap3A_168 : vector<1x16xf32> to vector<16xf32>
      %swap3A_170 = vector.shape_cast %add3A_165 : vector<16xf32> to vector<1x16xf32>
      tpu.vector_store %arg10[%swap3A_166, %swap3A_167], %swap3A_170 {strides = array<i32>} : memref<200x128xf32, #tpu.memory_space<vmem>>, vector<1x16xf32>,
      %get3A_171 = arith.index_cast %scan3A_88 : i32 to index
      %get3A_172 = arith.constant 96 : index
      %get3A_173 = tpu.vector_load %arg9[%get3A_171, %get3A_172] {strides = array<i32>} : memref<200x128xf32, #tpu.memory_space<vmem>>, vector<1x16xf32>,
      %get3A_174 = vector.shape_cast %get3A_173 : vector<1x16xf32> to vector<16xf32>
      %get3A_175 = arith.index_cast %scan3A_88 : i32 to index
      %get3A_176 = arith.constant 96 : index
      %get3A_177 = tpu.vector_load %arg10[%get3A_175, %get3A_176] {strides = array<i32>} : memref<200x128xf32, #tpu.memory_space<vmem>>, vector<1x16xf32>,
      %get3A_178 = vector.shape_cast %get3A_177 : vector<1x16xf32> to vector<16xf32>
      %add3A_179 = arith.addf %get3A_174, %get3A_178 : vector<16xf32>
      %swap3A_180 = arith.index_cast %scan3A_88 : i32 to index
      %swap3A_181 = arith.constant 96 : index
      %swap3A_182 = tpu.vector_load %arg10[%swap3A_180, %swap3A_181] {strides = array<i32>} : memref<200x128xf32, #tpu.memory_space<vmem>>, vector<1x16xf32>,
      %swap3A_183 = vector.shape_cast %swap3A_182 : vector<1x16xf32> to vector<16xf32>
      %swap3A_184 = vector.shape_cast %add3A_179 : vector<16xf32> to vector<1x16xf32>
      tpu.vector_store %arg10[%swap3A_180, %swap3A_181], %swap3A_184 {strides = array<i32>} : memref<200x128xf32, #tpu.memory_space<vmem>>, vector<1x16xf32>,
      %get3A_185 = arith.index_cast %scan3A_88 : i32 to index
      %get3A_186 = arith.constant 112 : index
      %get3A_187 = tpu.vector_load %arg9[%get3A_185, %get3A_186] {strides = array<i32>} : memref<200x128xf32, #tpu.memory_space<vmem>>, vector<1x16xf32>,
      %get3A_188 = vector.shape_cast %get3A_187 : vector<1x16xf32> to vector<16xf32>
      %get3A_189 = arith.index_cast %scan3A_88 : i32 to index
      %get3A_190 = arith.constant 112 : index
      %get3A_191 = tpu.vector_load %arg10[%get3A_189, %get3A_190] {strides = array<i32>} : memref<200x128xf32, #tpu.memory_space<vmem>>, vector<1x16xf32>,
      %get3A_192 = vector.shape_cast %get3A_191 : vector<1x16xf32> to vector<16xf32>
      %add3A_193 = arith.addf %get3A_188, %get3A_192 : vector<16xf32>
      %swap3A_194 = arith.index_cast %scan3A_88 : i32 to index
      %swap3A_195 = arith.constant 112 : index
      %swap3A_196 = tpu.vector_load %arg10[%swap3A_194, %swap3A_195] {strides = array<i32>} : memref<200x128xf32, #tpu.memory_space<vmem>>, vector<1x16xf32>,
      %swap3A_197 = vector.shape_cast %swap3A_196 : vector<1x16xf32> to vector<16xf32>
      %swap3A_198 = vector.shape_cast %add3A_193 : vector<16xf32> to vector<1x16xf32>
      tpu.vector_store %arg10[%swap3A_194, %swap3A_195], %swap3A_198 {strides = array<i32>} : memref<200x128xf32, #tpu.memory_space<vmem>>, vector<1x16xf32>,
    }
    %scan3A_51 = arith.constant 200 : i32
    %dma_start3A_52 = arith.constant 0 : i32
    %dma_start3A_53 = tpu.memref_slice %arg6[%add3A_40, %dma_start3A_52] : memref<192000x128xf32, #tpu.memory_space<hbm>> -> memref<200x128xf32, #tpu.memory_space<hbm>>
    %dma_start3A_54 = arith.constant 0 : i32
    %dma_start3A_55 = tpu.memref_slice %arg6[%add3A_40, %dma_start3A_54] : memref<192000x128xf32, #tpu.memory_space<hbm>> -> memref<200x128xf32, #tpu.memory_space<hbm>>
    tpu.enqueue_dma source(%arg10 : memref<200x128xf32, #tpu.memory_space<vmem>>) target(%dma_start3A_55 : memref<200x128xf32, #tpu.memory_space<hbm>>) target_semaphore(%arg17 : memref<!tpu.dma_semaphore, #tpu.memory_space<semaphore_mem>>)
    %mul3A_56 = arith.constant 6000 : i32
    %mul3A_57 = arith.muli %add3A, %mul3A_56 : i32
    %add3A_58 = arith.constant 5800 : i32
    %add3A_59 = arith.addi %mul3A_57, %add3A_58 : i32
    %dma_wait3A_60 = arith.constant 0 : i32
    %dma_wait3A_61 = arith.constant 0 : i32
    %dma_wait3A_62 = tpu.memref_slice %arg2[%dma_wait3A_60, %dma_wait3A_61] : memref<10000x128xf32, #tpu.memory_space<hbm>> -> memref<10000x128xf32, #tpu.memory_space<hbm>>
    tpu.wait_indirect_dma semaphore(%arg16 : memref<!tpu.dma_semaphore, #tpu.memory_space<semaphore_mem>>) src(%dma_wait3A_62 : memref<10000x128xf32, #tpu.memory_space<hbm>>) dst(%arg13 : memref<200x128xf32, #tpu.memory_space<vmem>>)
    %dma_wait3A_63 = arith.constant 0 : i32
    %dma_wait3A_64 = arith.constant 0 : i32
    %dma_wait3A_65 = tpu.memref_slice %arg3[%dma_wait3A_63, %dma_wait3A_64] : memref<10000x128xf32, #tpu.memory_space<hbm>> -> memref<10000x128xf32, #tpu.memory_space<hbm>>
    tpu.wait_indirect_dma semaphore(%arg16 : memref<!tpu.dma_semaphore, #tpu.memory_space<semaphore_mem>>) src(%dma_wait3A_65 : memref<10000x128xf32, #tpu.memory_space<hbm>>) dst(%arg14 : memref<200x128xf32, #tpu.memory_space<vmem>>)
    %scan3A_66 = arith.constant 0 : i32
    %scan3A_67 = arith.constant 0 : i32
    %scan3A_68 = arith.constant 200 : i32
    %scan3A_69 = arith.addi %scan3A_67, %scan3A_68 : i32
    %scan3A_70 = arith.constant 1 : i32
    scf.for %scan3A_88 = %scan3A_67 to %scan3A_69 step %scan3A_70  : i32 {
      %get3A = arith.index_cast %scan3A_88 : i32 to index
      %get3A_89 = arith.constant 0 : index
      %get3A_90 = tpu.vector_load %arg13[%get3A, %get3A_89] {strides = array<i32>} : memref<200x128xf32, #tpu.memory_space<vmem>>, vector<1x16xf32>,
      %get3A_91 = vector.shape_cast %get3A_90 : vector<1x16xf32> to vector<16xf32>
      %get3A_92 = arith.index_cast %scan3A_88 : i32 to index
      %get3A_93 = arith.constant 0 : index
      %get3A_94 = tpu.vector_load %arg14[%get3A_92, %get3A_93] {strides = array<i32>} : memref<200x128xf32, #tpu.memory_space<vmem>>, vector<1x16xf32>,
      %get3A_95 = vector.shape_cast %get3A_94 : vector<1x16xf32> to vector<16xf32>
      %add3A_96 = arith.addf %get3A_91, %get3A_95 : vector<16xf32>
      %swap3A = arith.index_cast %scan3A_88 : i32 to index
      %swap3A_97 = arith.constant 0 : index
      %swap3A_98 = tpu.vector_load %arg14[%swap3A, %swap3A_97] {strides = array<i32>} : memref<200x128xf32, #tpu.memory_space<vmem>>, vector<1x16xf32>,
      %swap3A_99 = vector.shape_cast %swap3A_98 : vector<1x16xf32> to vector<16xf32>
      %swap3A_100 = vector.shape_cast %add3A_96 : vector<16xf32> to vector<1x16xf32>
      tpu.vector_store %arg14[%swap3A, %swap3A_97], %swap3A_100 {strides = array<i32>} : memref<200x128xf32, #tpu.memory_space<vmem>>, vector<1x16xf32>,
      %get3A_101 = arith.index_cast %scan3A_88 : i32 to index
      %get3A_102 = arith.constant 16 : index
      %get3A_103 = tpu.vector_load %arg13[%get3A_101, %get3A_102] {strides = array<i32>} : memref<200x128xf32, #tpu.memory_space<vmem>>, vector<1x16xf32>,
      %get3A_104 = vector.shape_cast %get3A_103 : vector<1x16xf32> to vector<16xf32>
      %get3A_105 = arith.index_cast %scan3A_88 : i32 to index
      %get3A_106 = arith.constant 16 : index
      %get3A_107 = tpu.vector_load %arg14[%get3A_105, %get3A_106] {strides = array<i32>} : memref<200x128xf32, #tpu.memory_space<vmem>>, vector<1x16xf32>,
      %get3A_108 = vector.shape_cast %get3A_107 : vector<1x16xf32> to vector<16xf32>
      %add3A_109 = arith.addf %get3A_104, %get3A_108 : vector<16xf32>
      %swap3A_110 = arith.index_cast %scan3A_88 : i32 to index
      %swap3A_111 = arith.constant 16 : index
      %swap3A_112 = tpu.vector_load %arg14[%swap3A_110, %swap3A_111] {strides = array<i32>} : memref<200x128xf32, #tpu.memory_space<vmem>>, vector<1x16xf32>,
      %swap3A_113 = vector.shape_cast %swap3A_112 : vector<1x16xf32> to vector<16xf32>
      %swap3A_114 = vector.shape_cast %add3A_109 : vector<16xf32> to vector<1x16xf32>
      tpu.vector_store %arg14[%swap3A_110, %swap3A_111], %swap3A_114 {strides = array<i32>} : memref<200x128xf32, #tpu.memory_space<vmem>>, vector<1x16xf32>,
      %get3A_115 = arith.index_cast %scan3A_88 : i32 to index
      %get3A_116 = arith.constant 32 : index
      %get3A_117 = tpu.vector_load %arg13[%get3A_115, %get3A_116] {strides = array<i32>} : memref<200x128xf32, #tpu.memory_space<vmem>>, vector<1x16xf32>,
      %get3A_118 = vector.shape_cast %get3A_117 : vector<1x16xf32> to vector<16xf32>
      %get3A_119 = arith.index_cast %scan3A_88 : i32 to index
      %get3A_120 = arith.constant 32 : index
      %get3A_121 = tpu.vector_load %arg14[%get3A_119, %get3A_120] {strides = array<i32>} : memref<200x128xf32, #tpu.memory_space<vmem>>, vector<1x16xf32>,
      %get3A_122 = vector.shape_cast %get3A_121 : vector<1x16xf32> to vector<16xf32>
      %add3A_123 = arith.addf %get3A_118, %get3A_122 : vector<16xf32>
      %swap3A_124 = arith.index_cast %scan3A_88 : i32 to index
      %swap3A_125 = arith.constant 32 : index
      %swap3A_126 = tpu.vector_load %arg14[%swap3A_124, %swap3A_125] {strides = array<i32>} : memref<200x128xf32, #tpu.memory_space<vmem>>, vector<1x16xf32>,
      %swap3A_127 = vector.shape_cast %swap3A_126 : vector<1x16xf32> to vector<16xf32>
      %swap3A_128 = vector.shape_cast %add3A_123 : vector<16xf32> to vector<1x16xf32>
      tpu.vector_store %arg14[%swap3A_124, %swap3A_125], %swap3A_128 {strides = array<i32>} : memref<200x128xf32, #tpu.memory_space<vmem>>, vector<1x16xf32>,
      %get3A_129 = arith.index_cast %scan3A_88 : i32 to index
      %get3A_130 = arith.constant 48 : index
      %get3A_131 = tpu.vector_load %arg13[%get3A_129, %get3A_130] {strides = array<i32>} : memref<200x128xf32, #tpu.memory_space<vmem>>, vector<1x16xf32>,
      %get3A_132 = vector.shape_cast %get3A_131 : vector<1x16xf32> to vector<16xf32>
      %get3A_133 = arith.index_cast %scan3A_88 : i32 to index
      %get3A_134 = arith.constant 48 : index
      %get3A_135 = tpu.vector_load %arg14[%get3A_133, %get3A_134] {strides = array<i32>} : memref<200x128xf32, #tpu.memory_space<vmem>>, vector<1x16xf32>,
      %get3A_136 = vector.shape_cast %get3A_135 : vector<1x16xf32> to vector<16xf32>
      %add3A_137 = arith.addf %get3A_132, %get3A_136 : vector<16xf32>
      %swap3A_138 = arith.index_cast %scan3A_88 : i32 to index
      %swap3A_139 = arith.constant 48 : index
      %swap3A_140 = tpu.vector_load %arg14[%swap3A_138, %swap3A_139] {strides = array<i32>} : memref<200x128xf32, #tpu.memory_space<vmem>>, vector<1x16xf32>,
      %swap3A_141 = vector.shape_cast %swap3A_140 : vector<1x16xf32> to vector<16xf32>
      %swap3A_142 = vector.shape_cast %add3A_137 : vector<16xf32> to vector<1x16xf32>
      tpu.vector_store %arg14[%swap3A_138, %swap3A_139], %swap3A_142 {strides = array<i32>} : memref<200x128xf32, #tpu.memory_space<vmem>>, vector<1x16xf32>,
      %get3A_143 = arith.index_cast %scan3A_88 : i32 to index
      %get3A_144 = arith.constant 64 : index
      %get3A_145 = tpu.vector_load %arg13[%get3A_143, %get3A_144] {strides = array<i32>} : memref<200x128xf32, #tpu.memory_space<vmem>>, vector<1x16xf32>,
      %get3A_146 = vector.shape_cast %get3A_145 : vector<1x16xf32> to vector<16xf32>
      %get3A_147 = arith.index_cast %scan3A_88 : i32 to index
      %get3A_148 = arith.constant 64 : index
      %get3A_149 = tpu.vector_load %arg14[%get3A_147, %get3A_148] {strides = array<i32>} : memref<200x128xf32, #tpu.memory_space<vmem>>, vector<1x16xf32>,
      %get3A_150 = vector.shape_cast %get3A_149 : vector<1x16xf32> to vector<16xf32>
      %add3A_151 = arith.addf %get3A_146, %get3A_150 : vector<16xf32>
      %swap3A_152 = arith.index_cast %scan3A_88 : i32 to index
      %swap3A_153 = arith.constant 64 : index
      %swap3A_154 = tpu.vector_load %arg14[%swap3A_152, %swap3A_153] {strides = array<i32>} : memref<200x128xf32, #tpu.memory_space<vmem>>, vector<1x16xf32>,
      %swap3A_155 = vector.shape_cast %swap3A_154 : vector<1x16xf32> to vector<16xf32>
      %swap3A_156 = vector.shape_cast %add3A_151 : vector<16xf32> to vector<1x16xf32>
      tpu.vector_store %arg14[%swap3A_152, %swap3A_153], %swap3A_156 {strides = array<i32>} : memref<200x128xf32, #tpu.memory_space<vmem>>, vector<1x16xf32>,
      %get3A_157 = arith.index_cast %scan3A_88 : i32 to index
      %get3A_158 = arith.constant 80 : index
      %get3A_159 = tpu.vector_load %arg13[%get3A_157, %get3A_158] {strides = array<i32>} : memref<200x128xf32, #tpu.memory_space<vmem>>, vector<1x16xf32>,
      %get3A_160 = vector.shape_cast %get3A_159 : vector<1x16xf32> to vector<16xf32>
      %get3A_161 = arith.index_cast %scan3A_88 : i32 to index
      %get3A_162 = arith.constant 80 : index
      %get3A_163 = tpu.vector_load %arg14[%get3A_161, %get3A_162] {strides = array<i32>} : memref<200x128xf32, #tpu.memory_space<vmem>>, vector<1x16xf32>,
      %get3A_164 = vector.shape_cast %get3A_163 : vector<1x16xf32> to vector<16xf32>
      %add3A_165 = arith.addf %get3A_160, %get3A_164 : vector<16xf32>
      %swap3A_166 = arith.index_cast %scan3A_88 : i32 to index
      %swap3A_167 = arith.constant 80 : index
      %swap3A_168 = tpu.vector_load %arg14[%swap3A_166, %swap3A_167] {strides = array<i32>} : memref<200x128xf32, #tpu.memory_space<vmem>>, vector<1x16xf32>,
      %swap3A_169 = vector.shape_cast %swap3A_168 : vector<1x16xf32> to vector<16xf32>
      %swap3A_170 = vector.shape_cast %add3A_165 : vector<16xf32> to vector<1x16xf32>
      tpu.vector_store %arg14[%swap3A_166, %swap3A_167], %swap3A_170 {strides = array<i32>} : memref<200x128xf32, #tpu.memory_space<vmem>>, vector<1x16xf32>,
      %get3A_171 = arith.index_cast %scan3A_88 : i32 to index
      %get3A_172 = arith.constant 96 : index
      %get3A_173 = tpu.vector_load %arg13[%get3A_171, %get3A_172] {strides = array<i32>} : memref<200x128xf32, #tpu.memory_space<vmem>>, vector<1x16xf32>,
      %get3A_174 = vector.shape_cast %get3A_173 : vector<1x16xf32> to vector<16xf32>
      %get3A_175 = arith.index_cast %scan3A_88 : i32 to index
      %get3A_176 = arith.constant 96 : index
      %get3A_177 = tpu.vector_load %arg14[%get3A_175, %get3A_176] {strides = array<i32>} : memref<200x128xf32, #tpu.memory_space<vmem>>, vector<1x16xf32>,
      %get3A_178 = vector.shape_cast %get3A_177 : vector<1x16xf32> to vector<16xf32>
      %add3A_179 = arith.addf %get3A_174, %get3A_178 : vector<16xf32>
      %swap3A_180 = arith.index_cast %scan3A_88 : i32 to index
      %swap3A_181 = arith.constant 96 : index
      %swap3A_182 = tpu.vector_load %arg14[%swap3A_180, %swap3A_181] {strides = array<i32>} : memref<200x128xf32, #tpu.memory_space<vmem>>, vector<1x16xf32>,
      %swap3A_183 = vector.shape_cast %swap3A_182 : vector<1x16xf32> to vector<16xf32>
      %swap3A_184 = vector.shape_cast %add3A_179 : vector<16xf32> to vector<1x16xf32>
      tpu.vector_store %arg14[%swap3A_180, %swap3A_181], %swap3A_184 {strides = array<i32>} : memref<200x128xf32, #tpu.memory_space<vmem>>, vector<1x16xf32>,
      %get3A_185 = arith.index_cast %scan3A_88 : i32 to index
      %get3A_186 = arith.constant 112 : index
      %get3A_187 = tpu.vector_load %arg13[%get3A_185, %get3A_186] {strides = array<i32>} : memref<200x128xf32, #tpu.memory_space<vmem>>, vector<1x16xf32>,
      %get3A_188 = vector.shape_cast %get3A_187 : vector<1x16xf32> to vector<16xf32>
      %get3A_189 = arith.index_cast %scan3A_88 : i32 to index
      %get3A_190 = arith.constant 112 : index
      %get3A_191 = tpu.vector_load %arg14[%get3A_189, %get3A_190] {strides = array<i32>} : memref<200x128xf32, #tpu.memory_space<vmem>>, vector<1x16xf32>,
      %get3A_192 = vector.shape_cast %get3A_191 : vector<1x16xf32> to vector<16xf32>
      %add3A_193 = arith.addf %get3A_188, %get3A_192 : vector<16xf32>
      %swap3A_194 = arith.index_cast %scan3A_88 : i32 to index
      %swap3A_195 = arith.constant 112 : index
      %swap3A_196 = tpu.vector_load %arg14[%swap3A_194, %swap3A_195] {strides = array<i32>} : memref<200x128xf32, #tpu.memory_space<vmem>>, vector<1x16xf32>,
      %swap3A_197 = vector.shape_cast %swap3A_196 : vector<1x16xf32> to vector<16xf32>
      %swap3A_198 = vector.shape_cast %add3A_193 : vector<16xf32> to vector<1x16xf32>
      tpu.vector_store %arg14[%swap3A_194, %swap3A_195], %swap3A_198 {strides = array<i32>} : memref<200x128xf32, #tpu.memory_space<vmem>>, vector<1x16xf32>,
    }
    %scan3A_71 = arith.constant 200 : i32
    %dma_start3A_72 = arith.constant 0 : i32
    %dma_start3A_73 = tpu.memref_slice %arg6[%add3A_59, %dma_start3A_72] : memref<192000x128xf32, #tpu.memory_space<hbm>> -> memref<200x128xf32, #tpu.memory_space<hbm>>
    %dma_start3A_74 = arith.constant 0 : i32
    %dma_start3A_75 = tpu.memref_slice %arg6[%add3A_59, %dma_start3A_74] : memref<192000x128xf32, #tpu.memory_space<hbm>> -> memref<200x128xf32, #tpu.memory_space<hbm>>
    tpu.enqueue_dma source(%arg14 : memref<200x128xf32, #tpu.memory_space<vmem>>) target(%dma_start3A_75 : memref<200x128xf32, #tpu.memory_space<hbm>>) target_semaphore(%arg18 : memref<!tpu.dma_semaphore, #tpu.memory_space<semaphore_mem>>)
    %dma_wait3A_76 = arith.constant 0 : i32
    %dma_wait3A_77 = arith.constant 0 : i32
    %dma_wait3A_78 = tpu.memref_slice %arg6[%dma_wait3A_76, %dma_wait3A_77] : memref<192000x128xf32, #tpu.memory_space<hbm>> -> memref<200x128xf32, #tpu.memory_space<hbm>>
    %dma_wait3A_79 = arith.constant 0 : i32
    %dma_wait3A_80 = arith.constant 0 : i32
    %dma_wait3A_81 = tpu.memref_slice %arg6[%dma_wait3A_79, %dma_wait3A_80] : memref<192000x128xf32, #tpu.memory_space<hbm>> -> memref<200x128xf32, #tpu.memory_space<hbm>>
    tpu.wait_dma2 semaphore(%arg17 : memref<!tpu.dma_semaphore, #tpu.memory_space<semaphore_mem>>) src(%arg10 : memref<200x128xf32, #tpu.memory_space<vmem>>) dst(%dma_wait3A_81 : memref<200x128xf32, #tpu.memory_space<hbm>>)
    %dma_wait3A_82 = arith.constant 0 : i32
    %dma_wait3A_83 = arith.constant 0 : i32
    %dma_wait3A_84 = tpu.memref_slice %arg6[%dma_wait3A_82, %dma_wait3A_83] : memref<192000x128xf32, #tpu.memory_space<hbm>> -> memref<200x128xf32, #tpu.memory_space<hbm>>
    %dma_wait3A_85 = arith.constant 0 : i32
    %dma_wait3A_86 = arith.constant 0 : i32
    %dma_wait3A_87 = tpu.memref_slice %arg6[%dma_wait3A_85, %dma_wait3A_86] : memref<192000x128xf32, #tpu.memory_space<hbm>> -> memref<200x128xf32, #tpu.memory_space<hbm>>
    tpu.wait_dma2 semaphore(%arg18 : memref<!tpu.dma_semaphore, #tpu.memory_space<semaphore_mem>>) src(%arg14 : memref<200x128xf32, #tpu.memory_space<vmem>>) dst(%dma_wait3A_87 : memref<200x128xf32, #tpu.memory_space<hbm>>)
    return
  }
}

#map = affine_map<(d0, d1) -> (0, 0)>
#map1 = affine_map<(d0, d1) -> (0)>
#map2 = affine_map<(d0, d1) -> (0, 0, 0)>
module attributes {stable_mosaic.version = 14 : i64} {
  func.func @body(%arg0: i32, %arg1: i32, %arg2: memref<192000x128xf32, #tpu.memory_space<hbm>>, %arg3: memref<320000xi32, #tpu.memory_space<hbm>>, %arg4: memref<2x10240x128xf32, #tpu.memory_space<hbm>>, %arg5: memref<80xi32, #tpu.memory_space<vmem>>, %arg6: memref<80x128xf32, #tpu.memory_space<vmem>>, %arg7: memref<80xi32, #tpu.memory_space<vmem>>, %arg8: memref<80x128xf32, #tpu.memory_space<vmem>>, %arg9: memref<10240x128xf32, #tpu.memory_space<vmem_shared>>, %arg10: memref<!tpu.dma_semaphore, #tpu.memory_space<semaphore_mem>>, %arg11: memref<!tpu.dma_semaphore, #tpu.memory_space<semaphore_mem>>, %arg12: memref<!tpu.dma_semaphore, #tpu.memory_space<semaphore_mem>>, %arg13: memref<!tpu.dma_semaphore, #tpu.memory_space<semaphore_mem>>) attributes {dimension_semantics = [#tpu.dimension_semantics<core_parallel>, #tpu.dimension_semantics<subcore_parallel>], iteration_bounds = array<i64: 2, 16>, scalar_prefetch = 0 : i64, scratch_operands = 9 : i64, tpu.core_type = #tpu.core_type<sc_vector_subcore>, window_params = [{transform_indices = #map}, {transform_indices = #map1}, {transform_indices = #map2}]} {
    %mul3A = arith.constant 2 : i32
    %mul3A_0 = arith.muli %arg1, %mul3A : i32
    %add3A = arith.addi %mul3A_0, %arg0 : i32
    %scan3A = arith.constant 0 : i32
    %scan3A_1 = arith.constant 0 : i32
    %scan3A_2 = arith.constant 80 : i32
    %scan3A_3 = arith.addi %scan3A_1, %scan3A_2 : i32
    %scan3A_4 = arith.constant 1 : i32
    scf.for %scan3A_105 = %scan3A_1 to %scan3A_3 step %scan3A_4  : i32 {
      %broadcast_in_dim3A = arith.constant 0.000000e+00 : f32
      %broadcast_in_dim3A_106 = vector.broadcast %broadcast_in_dim3A : f32 to vector<16xf32>
      %swap3A = arith.index_cast %scan3A_105 : i32 to index
      %swap3A_107 = arith.constant 0 : index
      %swap3A_108 = tpu.vector_load %arg6[%swap3A, %swap3A_107] {strides = array<i32>} : memref<80x128xf32, #tpu.memory_space<vmem>>, vector<1x16xf32>,
      %swap3A_109 = vector.shape_cast %swap3A_108 : vector<1x16xf32> to vector<16xf32>
      %swap3A_110 = vector.shape_cast %broadcast_in_dim3A_106 : vector<16xf32> to vector<1x16xf32>
      tpu.vector_store %arg6[%swap3A, %swap3A_107], %swap3A_110 {strides = array<i32>} : memref<80x128xf32, #tpu.memory_space<vmem>>, vector<1x16xf32>,
      %broadcast_in_dim3A_111 = arith.constant 0.000000e+00 : f32
      %broadcast_in_dim3A_112 = vector.broadcast %broadcast_in_dim3A_111 : f32 to vector<16xf32>
      %swap3A_113 = arith.index_cast %scan3A_105 : i32 to index
      %swap3A_114 = arith.constant 16 : index
      %swap3A_115 = tpu.vector_load %arg6[%swap3A_113, %swap3A_114] {strides = array<i32>} : memref<80x128xf32, #tpu.memory_space<vmem>>, vector<1x16xf32>,
      %swap3A_116 = vector.shape_cast %swap3A_115 : vector<1x16xf32> to vector<16xf32>
      %swap3A_117 = vector.shape_cast %broadcast_in_dim3A_112 : vector<16xf32> to vector<1x16xf32>
      tpu.vector_store %arg6[%swap3A_113, %swap3A_114], %swap3A_117 {strides = array<i32>} : memref<80x128xf32, #tpu.memory_space<vmem>>, vector<1x16xf32>,
      %broadcast_in_dim3A_118 = arith.constant 0.000000e+00 : f32
      %broadcast_in_dim3A_119 = vector.broadcast %broadcast_in_dim3A_118 : f32 to vector<16xf32>
      %swap3A_120 = arith.index_cast %scan3A_105 : i32 to index
      %swap3A_121 = arith.constant 32 : index
      %swap3A_122 = tpu.vector_load %arg6[%swap3A_120, %swap3A_121] {strides = array<i32>} : memref<80x128xf32, #tpu.memory_space<vmem>>, vector<1x16xf32>,
      %swap3A_123 = vector.shape_cast %swap3A_122 : vector<1x16xf32> to vector<16xf32>
      %swap3A_124 = vector.shape_cast %broadcast_in_dim3A_119 : vector<16xf32> to vector<1x16xf32>
      tpu.vector_store %arg6[%swap3A_120, %swap3A_121], %swap3A_124 {strides = array<i32>} : memref<80x128xf32, #tpu.memory_space<vmem>>, vector<1x16xf32>,
      %broadcast_in_dim3A_125 = arith.constant 0.000000e+00 : f32
      %broadcast_in_dim3A_126 = vector.broadcast %broadcast_in_dim3A_125 : f32 to vector<16xf32>
      %swap3A_127 = arith.index_cast %scan3A_105 : i32 to index
      %swap3A_128 = arith.constant 48 : index
      %swap3A_129 = tpu.vector_load %arg6[%swap3A_127, %swap3A_128] {strides = array<i32>} : memref<80x128xf32, #tpu.memory_space<vmem>>, vector<1x16xf32>,
      %swap3A_130 = vector.shape_cast %swap3A_129 : vector<1x16xf32> to vector<16xf32>
      %swap3A_131 = vector.shape_cast %broadcast_in_dim3A_126 : vector<16xf32> to vector<1x16xf32>
      tpu.vector_store %arg6[%swap3A_127, %swap3A_128], %swap3A_131 {strides = array<i32>} : memref<80x128xf32, #tpu.memory_space<vmem>>, vector<1x16xf32>,
      %broadcast_in_dim3A_132 = arith.constant 0.000000e+00 : f32
      %broadcast_in_dim3A_133 = vector.broadcast %broadcast_in_dim3A_132 : f32 to vector<16xf32>
      %swap3A_134 = arith.index_cast %scan3A_105 : i32 to index
      %swap3A_135 = arith.constant 64 : index
      %swap3A_136 = tpu.vector_load %arg6[%swap3A_134, %swap3A_135] {strides = array<i32>} : memref<80x128xf32, #tpu.memory_space<vmem>>, vector<1x16xf32>,
      %swap3A_137 = vector.shape_cast %swap3A_136 : vector<1x16xf32> to vector<16xf32>
      %swap3A_138 = vector.shape_cast %broadcast_in_dim3A_133 : vector<16xf32> to vector<1x16xf32>
      tpu.vector_store %arg6[%swap3A_134, %swap3A_135], %swap3A_138 {strides = array<i32>} : memref<80x128xf32, #tpu.memory_space<vmem>>, vector<1x16xf32>,
      %broadcast_in_dim3A_139 = arith.constant 0.000000e+00 : f32
      %broadcast_in_dim3A_140 = vector.broadcast %broadcast_in_dim3A_139 : f32 to vector<16xf32>
      %swap3A_141 = arith.index_cast %scan3A_105 : i32 to index
      %swap3A_142 = arith.constant 80 : index
      %swap3A_143 = tpu.vector_load %arg6[%swap3A_141, %swap3A_142] {strides = array<i32>} : memref<80x128xf32, #tpu.memory_space<vmem>>, vector<1x16xf32>,
      %swap3A_144 = vector.shape_cast %swap3A_143 : vector<1x16xf32> to vector<16xf32>
      %swap3A_145 = vector.shape_cast %broadcast_in_dim3A_140 : vector<16xf32> to vector<1x16xf32>
      tpu.vector_store %arg6[%swap3A_141, %swap3A_142], %swap3A_145 {strides = array<i32>} : memref<80x128xf32, #tpu.memory_space<vmem>>, vector<1x16xf32>,
      %broadcast_in_dim3A_146 = arith.constant 0.000000e+00 : f32
      %broadcast_in_dim3A_147 = vector.broadcast %broadcast_in_dim3A_146 : f32 to vector<16xf32>
      %swap3A_148 = arith.index_cast %scan3A_105 : i32 to index
      %swap3A_149 = arith.constant 96 : index
      %swap3A_150 = tpu.vector_load %arg6[%swap3A_148, %swap3A_149] {strides = array<i32>} : memref<80x128xf32, #tpu.memory_space<vmem>>, vector<1x16xf32>,
      %swap3A_151 = vector.shape_cast %swap3A_150 : vector<1x16xf32> to vector<16xf32>
      %swap3A_152 = vector.shape_cast %broadcast_in_dim3A_147 : vector<16xf32> to vector<1x16xf32>
      tpu.vector_store %arg6[%swap3A_148, %swap3A_149], %swap3A_152 {strides = array<i32>} : memref<80x128xf32, #tpu.memory_space<vmem>>, vector<1x16xf32>,
      %broadcast_in_dim3A_153 = arith.constant 0.000000e+00 : f32
      %broadcast_in_dim3A_154 = vector.broadcast %broadcast_in_dim3A_153 : f32 to vector<16xf32>
      %swap3A_155 = arith.index_cast %scan3A_105 : i32 to index
      %swap3A_156 = arith.constant 112 : index
      %swap3A_157 = tpu.vector_load %arg6[%swap3A_155, %swap3A_156] {strides = array<i32>} : memref<80x128xf32, #tpu.memory_space<vmem>>, vector<1x16xf32>,
      %swap3A_158 = vector.shape_cast %swap3A_157 : vector<1x16xf32> to vector<16xf32>
      %swap3A_159 = vector.shape_cast %broadcast_in_dim3A_154 : vector<16xf32> to vector<1x16xf32>
      tpu.vector_store %arg6[%swap3A_155, %swap3A_156], %swap3A_159 {strides = array<i32>} : memref<80x128xf32, #tpu.memory_space<vmem>>, vector<1x16xf32>,
    }
    %scan3A_5 = arith.constant 80 : i32
    %scan3A_6 = arith.constant 0 : i32
    %scan3A_7 = arith.constant 0 : i32
    %scan3A_8 = arith.constant 8 : i32
    %scan3A_9 = arith.addi %scan3A_7, %scan3A_8 : i32
    %scan3A_10 = arith.constant 1 : i32
    scf.for %scan3A_105 = %scan3A_7 to %scan3A_9 step %scan3A_10  : i32 {
      %mul3A_106 = arith.constant 640 : i32
      %mul3A_107 = arith.muli %arg1, %mul3A_106 : i32
      %mul3A_108 = arith.constant 80 : i32
      %mul3A_109 = arith.muli %scan3A_105, %mul3A_108 : i32
      %add3A_110 = arith.addi %mul3A_107, %mul3A_109 : i32
      "tpu.region"() ({
        %run_scoped3A = tpu.sem_alloc : memref<!tpu.dma_semaphore, #tpu.memory_space<semaphore_mem>>
        %dma_start3A_111 = arith.constant 0 : i32
        %dma_start3A_112 = arith.constant 0 : i32
        %dma_start3A_113 = tpu.memref_slice %arg6[%dma_start3A_111, %dma_start3A_112] : memref<80x128xf32, #tpu.memory_space<vmem>> -> memref<80x128xf32, #tpu.memory_space<vmem>>
        %dma_start3A_114 = arith.constant 0 : i32
        %dma_start3A_115 = tpu.memref_slice %arg9[%add3A_110, %dma_start3A_114] : memref<10240x128xf32, #tpu.memory_space<vmem_shared>> -> memref<80x128xf32, #tpu.memory_space<vmem_shared>>
        %dma_start3A_116 = arith.constant 0 : i32
        %dma_start3A_117 = tpu.memref_slice %arg9[%add3A_110, %dma_start3A_116] : memref<10240x128xf32, #tpu.memory_space<vmem_shared>> -> memref<80x128xf32, #tpu.memory_space<vmem_shared>>
        %dma_start3A_118 = arith.constant 0 : i32
        %dma_start3A_119 = arith.constant 0 : i32
        %dma_start3A_120 = tpu.memref_slice %arg6[%dma_start3A_118, %dma_start3A_119] : memref<80x128xf32, #tpu.memory_space<vmem>> -> memref<80x128xf32, #tpu.memory_space<vmem>>
        tpu.enqueue_dma source(%dma_start3A_120 : memref<80x128xf32, #tpu.memory_space<vmem>>) target(%dma_start3A_117 : memref<80x128xf32, #tpu.memory_space<vmem_shared>>) target_semaphore(%run_scoped3A : memref<!tpu.dma_semaphore, #tpu.memory_space<semaphore_mem>>)
        %dma_wait3A_121 = arith.constant 0 : i32
        %dma_wait3A_122 = arith.constant 0 : i32
        %dma_wait3A_123 = tpu.memref_slice %arg6[%dma_wait3A_121, %dma_wait3A_122] : memref<80x128xf32, #tpu.memory_space<vmem>> -> memref<80x128xf32, #tpu.memory_space<vmem>>
        %dma_wait3A_124 = arith.constant 0 : i32
        %dma_wait3A_125 = tpu.memref_slice %arg9[%add3A_110, %dma_wait3A_124] : memref<10240x128xf32, #tpu.memory_space<vmem_shared>> -> memref<80x128xf32, #tpu.memory_space<vmem_shared>>
        %dma_wait3A_126 = arith.constant 0 : i32
        %dma_wait3A_127 = tpu.memref_slice %arg9[%add3A_110, %dma_wait3A_126] : memref<10240x128xf32, #tpu.memory_space<vmem_shared>> -> memref<80x128xf32, #tpu.memory_space<vmem_shared>>
        %dma_wait3A_128 = arith.constant 0 : i32
        %dma_wait3A_129 = arith.constant 0 : i32
        %dma_wait3A_130 = tpu.memref_slice %arg6[%dma_wait3A_128, %dma_wait3A_129] : memref<80x128xf32, #tpu.memory_space<vmem>> -> memref<80x128xf32, #tpu.memory_space<vmem>>
        tpu.wait_dma2 semaphore(%run_scoped3A : memref<!tpu.dma_semaphore, #tpu.memory_space<semaphore_mem>>) src(%dma_wait3A_130 : memref<80x128xf32, #tpu.memory_space<vmem>>) dst(%dma_wait3A_127 : memref<80x128xf32, #tpu.memory_space<vmem_shared>>)
        tpu.yield
      }) : () -> ()
    }
    %scan3A_11 = arith.constant 8 : i32
    %barrier3A = arith.constant 0 : index
    tpu.barrier barrier_id(%barrier3A)
    %mul3A_12 = arith.constant 10000 : i32
    %mul3A_13 = arith.muli %add3A, %mul3A_12 : i32
    %add3A_14 = arith.constant 0 : i32
    %add3A_15 = arith.addi %mul3A_13, %add3A_14 : i32
    %add3A_16 = arith.constant 0 : i32
    %add3A_17 = arith.addi %add3A_15, %add3A_16 : i32
    %mul3A_18 = arith.constant 6000 : i32
    %mul3A_19 = arith.muli %add3A, %mul3A_18 : i32
    %add3A_20 = arith.constant 0 : i32
    %add3A_21 = arith.addi %mul3A_19, %add3A_20 : i32
    "tpu.region"() ({
      %run_scoped3A = tpu.sem_alloc : memref<!tpu.dma_semaphore, #tpu.memory_space<semaphore_mem>>
      %dma_start3A_105 = tpu.memref_slice %arg3[%add3A_17] : memref<320000xi32, #tpu.memory_space<hbm>> -> memref<80xi32, #tpu.memory_space<hbm>>
      %dma_start3A_106 = tpu.memref_slice %arg3[%add3A_17] : memref<320000xi32, #tpu.memory_space<hbm>> -> memref<80xi32, #tpu.memory_space<hbm>>
      tpu.enqueue_dma source(%dma_start3A_106 : memref<80xi32, #tpu.memory_space<hbm>>) target(%arg5 : memref<80xi32, #tpu.memory_space<vmem>>) target_semaphore(%run_scoped3A : memref<!tpu.dma_semaphore, #tpu.memory_space<semaphore_mem>>)
      %dma_wait3A_107 = tpu.memref_slice %arg3[%add3A_17] : memref<320000xi32, #tpu.memory_space<hbm>> -> memref<80xi32, #tpu.memory_space<hbm>>
      %dma_wait3A_108 = tpu.memref_slice %arg3[%add3A_17] : memref<320000xi32, #tpu.memory_space<hbm>> -> memref<80xi32, #tpu.memory_space<hbm>>
      tpu.wait_dma2 semaphore(%run_scoped3A : memref<!tpu.dma_semaphore, #tpu.memory_space<semaphore_mem>>) src(%dma_wait3A_108 : memref<80xi32, #tpu.memory_space<hbm>>) dst(%arg5 : memref<80xi32, #tpu.memory_space<vmem>>)
      tpu.yield
    }) : () -> ()
    %dma_start3A = arith.constant 0 : i32
    %dma_start3A_22 = tpu.memref_slice %arg2[%add3A_21, %dma_start3A] : memref<192000x128xf32, #tpu.memory_space<hbm>> -> memref<80x128xf32, #tpu.memory_space<hbm>>
    %dma_start3A_23 = arith.constant 0 : i32
    %dma_start3A_24 = tpu.memref_slice %arg2[%add3A_21, %dma_start3A_23] : memref<192000x128xf32, #tpu.memory_space<hbm>> -> memref<80x128xf32, #tpu.memory_space<hbm>>
    tpu.enqueue_dma source(%dma_start3A_24 : memref<80x128xf32, #tpu.memory_space<hbm>>) target(%arg6 : memref<80x128xf32, #tpu.memory_space<vmem>>) target_semaphore(%arg10 : memref<!tpu.dma_semaphore, #tpu.memory_space<semaphore_mem>>)
    %mul3A_25 = arith.constant 10000 : i32
    %mul3A_26 = arith.muli %add3A, %mul3A_25 : i32
    %add3A_27 = arith.constant 0 : i32
    %add3A_28 = arith.addi %mul3A_26, %add3A_27 : i32
    %add3A_29 = arith.constant 80 : i32
    %add3A_30 = arith.addi %add3A_28, %add3A_29 : i32
    %mul3A_31 = arith.constant 6000 : i32
    %mul3A_32 = arith.muli %add3A, %mul3A_31 : i32
    %add3A_33 = arith.constant 80 : i32
    %add3A_34 = arith.addi %mul3A_32, %add3A_33 : i32
    "tpu.region"() ({
      %run_scoped3A = tpu.sem_alloc : memref<!tpu.dma_semaphore, #tpu.memory_space<semaphore_mem>>
      %dma_start3A_105 = tpu.memref_slice %arg3[%add3A_30] : memref<320000xi32, #tpu.memory_space<hbm>> -> memref<80xi32, #tpu.memory_space<hbm>>
      %dma_start3A_106 = tpu.memref_slice %arg3[%add3A_30] : memref<320000xi32, #tpu.memory_space<hbm>> -> memref<80xi32, #tpu.memory_space<hbm>>
      tpu.enqueue_dma source(%dma_start3A_106 : memref<80xi32, #tpu.memory_space<hbm>>) target(%arg7 : memref<80xi32, #tpu.memory_space<vmem>>) target_semaphore(%run_scoped3A : memref<!tpu.dma_semaphore, #tpu.memory_space<semaphore_mem>>)
      %dma_wait3A_107 = tpu.memref_slice %arg3[%add3A_30] : memref<320000xi32, #tpu.memory_space<hbm>> -> memref<80xi32, #tpu.memory_space<hbm>>
      %dma_wait3A_108 = tpu.memref_slice %arg3[%add3A_30] : memref<320000xi32, #tpu.memory_space<hbm>> -> memref<80xi32, #tpu.memory_space<hbm>>
      tpu.wait_dma2 semaphore(%run_scoped3A : memref<!tpu.dma_semaphore, #tpu.memory_space<semaphore_mem>>) src(%dma_wait3A_108 : memref<80xi32, #tpu.memory_space<hbm>>) dst(%arg7 : memref<80xi32, #tpu.memory_space<vmem>>)
      tpu.yield
    }) : () -> ()
    %dma_start3A_35 = arith.constant 0 : i32
    %dma_start3A_36 = tpu.memref_slice %arg2[%add3A_34, %dma_start3A_35] : memref<192000x128xf32, #tpu.memory_space<hbm>> -> memref<80x128xf32, #tpu.memory_space<hbm>>
    %dma_start3A_37 = arith.constant 0 : i32
    %dma_start3A_38 = tpu.memref_slice %arg2[%add3A_34, %dma_start3A_37] : memref<192000x128xf32, #tpu.memory_space<hbm>> -> memref<80x128xf32, #tpu.memory_space<hbm>>
    tpu.enqueue_dma source(%dma_start3A_38 : memref<80x128xf32, #tpu.memory_space<hbm>>) target(%arg8 : memref<80x128xf32, #tpu.memory_space<vmem>>) target_semaphore(%arg11 : memref<!tpu.dma_semaphore, #tpu.memory_space<semaphore_mem>>)
    %scan3A_39 = arith.constant 0 : i32
    %scan3A_40 = arith.constant 0 : i32
    %scan3A_41 = arith.constant 36 : i32
    %scan3A_42 = arith.addi %scan3A_40, %scan3A_41 : i32
    %scan3A_43 = arith.constant 1 : i32
    scf.for %scan3A_105 = %scan3A_40 to %scan3A_42 step %scan3A_43  : i32 {
      %mul3A_106 = arith.constant 2 : i32
      %mul3A_107 = arith.muli %mul3A_106, %scan3A_105 : i32
      %mul3A_108 = arith.constant 6000 : i32
      %mul3A_109 = arith.muli %add3A, %mul3A_108 : i32
      %mul3A_110 = arith.constant 80 : i32
      %mul3A_111 = arith.muli %mul3A_107, %mul3A_110 : i32
      %add3A_112 = arith.addi %mul3A_109, %mul3A_111 : i32
      %dma_wait3A_113 = arith.constant 0 : i32
      %dma_wait3A_114 = tpu.memref_slice %arg2[%add3A_112, %dma_wait3A_113] : memref<192000x128xf32, #tpu.memory_space<hbm>> -> memref<80x128xf32, #tpu.memory_space<hbm>>
      %dma_wait3A_115 = arith.constant 0 : i32
      %dma_wait3A_116 = tpu.memref_slice %arg2[%add3A_112, %dma_wait3A_115] : memref<192000x128xf32, #tpu.memory_space<hbm>> -> memref<80x128xf32, #tpu.memory_space<hbm>>
      tpu.wait_dma2 semaphore(%arg10 : memref<!tpu.dma_semaphore, #tpu.memory_space<semaphore_mem>>) src(%dma_wait3A_116 : memref<80x128xf32, #tpu.memory_space<hbm>>) dst(%arg6 : memref<80x128xf32, #tpu.memory_space<vmem>>)
      %dma_start3A_117 = arith.constant 0 : i32
      %dma_start3A_118 = arith.constant 0 : i32
      %dma_start3A_119 = tpu.memref_slice %arg9[%dma_start3A_117, %dma_start3A_118] : memref<10240x128xf32, #tpu.memory_space<vmem_shared>> -> memref<10240x128xf32, #tpu.memory_space<vmem_shared>>
      tpu.enqueue_indirect_dma source(%arg6 : memref<80x128xf32, #tpu.memory_space<vmem>>) target(%dma_start3A_119 : memref<10240x128xf32, #tpu.memory_space<vmem_shared>>) offsets(%arg5 : memref<80xi32, #tpu.memory_space<vmem>>) semaphore(%arg12 : memref<!tpu.dma_semaphore, #tpu.memory_space<semaphore_mem>>) {add = true}
      %mul3A_120 = arith.constant 2 : i32
      %mul3A_121 = arith.muli %mul3A_120, %scan3A_105 : i32
      %add3A_122 = arith.constant 2 : i32
      %add3A_123 = arith.addi %mul3A_121, %add3A_122 : i32
      %mul3A_124 = arith.constant 10000 : i32
      %mul3A_125 = arith.muli %add3A, %mul3A_124 : i32
      %add3A_126 = arith.constant 0 : i32
      %add3A_127 = arith.addi %mul3A_125, %add3A_126 : i32
      %mul3A_128 = arith.constant 80 : i32
      %mul3A_129 = arith.muli %add3A_123, %mul3A_128 : i32
      %add3A_130 = arith.addi %add3A_127, %mul3A_129 : i32
      %mul3A_131 = arith.constant 6000 : i32
      %mul3A_132 = arith.muli %add3A, %mul3A_131 : i32
      %mul3A_133 = arith.constant 80 : i32
      %mul3A_134 = arith.muli %add3A_123, %mul3A_133 : i32
      %add3A_135 = arith.addi %mul3A_132, %mul3A_134 : i32
      %dma_wait3A_136 = arith.constant 0 : i32
      %dma_wait3A_137 = arith.constant 0 : i32
      %dma_wait3A_138 = tpu.memref_slice %arg9[%dma_wait3A_136, %dma_wait3A_137] : memref<10240x128xf32, #tpu.memory_space<vmem_shared>> -> memref<10240x128xf32, #tpu.memory_space<vmem_shared>>
      tpu.wait_indirect_dma semaphore(%arg12 : memref<!tpu.dma_semaphore, #tpu.memory_space<semaphore_mem>>) src(%arg6 : memref<80x128xf32, #tpu.memory_space<vmem>>) dst(%dma_wait3A_138 : memref<10240x128xf32, #tpu.memory_space<vmem_shared>>)
      "tpu.region"() ({
        %run_scoped3A = tpu.sem_alloc : memref<!tpu.dma_semaphore, #tpu.memory_space<semaphore_mem>>
        %dma_start3A_182 = tpu.memref_slice %arg3[%add3A_130] : memref<320000xi32, #tpu.memory_space<hbm>> -> memref<80xi32, #tpu.memory_space<hbm>>
        %dma_start3A_183 = tpu.memref_slice %arg3[%add3A_130] : memref<320000xi32, #tpu.memory_space<hbm>> -> memref<80xi32, #tpu.memory_space<hbm>>
        tpu.enqueue_dma source(%dma_start3A_183 : memref<80xi32, #tpu.memory_space<hbm>>) target(%arg5 : memref<80xi32, #tpu.memory_space<vmem>>) target_semaphore(%run_scoped3A : memref<!tpu.dma_semaphore, #tpu.memory_space<semaphore_mem>>)
        %dma_wait3A_184 = tpu.memref_slice %arg3[%add3A_130] : memref<320000xi32, #tpu.memory_space<hbm>> -> memref<80xi32, #tpu.memory_space<hbm>>
        %dma_wait3A_185 = tpu.memref_slice %arg3[%add3A_130] : memref<320000xi32, #tpu.memory_space<hbm>> -> memref<80xi32, #tpu.memory_space<hbm>>
        tpu.wait_dma2 semaphore(%run_scoped3A : memref<!tpu.dma_semaphore, #tpu.memory_space<semaphore_mem>>) src(%dma_wait3A_185 : memref<80xi32, #tpu.memory_space<hbm>>) dst(%arg5 : memref<80xi32, #tpu.memory_space<vmem>>)
        tpu.yield
      }) : () -> ()
      %dma_start3A_139 = arith.constant 0 : i32
      %dma_start3A_140 = tpu.memref_slice %arg2[%add3A_135, %dma_start3A_139] : memref<192000x128xf32, #tpu.memory_space<hbm>> -> memref<80x128xf32, #tpu.memory_space<hbm>>
      %dma_start3A_141 = arith.constant 0 : i32
      %dma_start3A_142 = tpu.memref_slice %arg2[%add3A_135, %dma_start3A_141] : memref<192000x128xf32, #tpu.memory_space<hbm>> -> memref<80x128xf32, #tpu.memory_space<hbm>>
      tpu.enqueue_dma source(%dma_start3A_142 : memref<80x128xf32, #tpu.memory_space<hbm>>) target(%arg6 : memref<80x128xf32, #tpu.memory_space<vmem>>) target_semaphore(%arg10 : memref<!tpu.dma_semaphore, #tpu.memory_space<semaphore_mem>>)
      %mul3A_143 = arith.constant 2 : i32
      %mul3A_144 = arith.muli %mul3A_143, %scan3A_105 : i32
      %add3A_145 = arith.constant 1 : i32
      %add3A_146 = arith.addi %mul3A_144, %add3A_145 : i32
      %mul3A_147 = arith.constant 6000 : i32
      %mul3A_148 = arith.muli %add3A, %mul3A_147 : i32
      %mul3A_149 = arith.constant 80 : i32
      %mul3A_150 = arith.muli %add3A_146, %mul3A_149 : i32
      %add3A_151 = arith.addi %mul3A_148, %mul3A_150 : i32
      %dma_wait3A_152 = arith.constant 0 : i32
      %dma_wait3A_153 = tpu.memref_slice %arg2[%add3A_151, %dma_wait3A_152] : memref<192000x128xf32, #tpu.memory_space<hbm>> -> memref<80x128xf32, #tpu.memory_space<hbm>>
      %dma_wait3A_154 = arith.constant 0 : i32
      %dma_wait3A_155 = tpu.memref_slice %arg2[%add3A_151, %dma_wait3A_154] : memref<192000x128xf32, #tpu.memory_space<hbm>> -> memref<80x128xf32, #tpu.memory_space<hbm>>
      tpu.wait_dma2 semaphore(%arg11 : memref<!tpu.dma_semaphore, #tpu.memory_space<semaphore_mem>>) src(%dma_wait3A_155 : memref<80x128xf32, #tpu.memory_space<hbm>>) dst(%arg8 : memref<80x128xf32, #tpu.memory_space<vmem>>)
      %dma_start3A_156 = arith.constant 0 : i32
      %dma_start3A_157 = arith.constant 0 : i32
      %dma_start3A_158 = tpu.memref_slice %arg9[%dma_start3A_156, %dma_start3A_157] : memref<10240x128xf32, #tpu.memory_space<vmem_shared>> -> memref<10240x128xf32, #tpu.memory_space<vmem_shared>>
      tpu.enqueue_indirect_dma source(%arg8 : memref<80x128xf32, #tpu.memory_space<vmem>>) target(%dma_start3A_158 : memref<10240x128xf32, #tpu.memory_space<vmem_shared>>) offsets(%arg7 : memref<80xi32, #tpu.memory_space<vmem>>) semaphore(%arg13 : memref<!tpu.dma_semaphore, #tpu.memory_space<semaphore_mem>>) {add = true}
      %mul3A_159 = arith.constant 2 : i32
      %mul3A_160 = arith.muli %mul3A_159, %scan3A_105 : i32
      %add3A_161 = arith.constant 3 : i32
      %add3A_162 = arith.addi %mul3A_160, %add3A_161 : i32
      %mul3A_163 = arith.constant 10000 : i32
      %mul3A_164 = arith.muli %add3A, %mul3A_163 : i32
      %add3A_165 = arith.constant 0 : i32
      %add3A_166 = arith.addi %mul3A_164, %add3A_165 : i32
      %mul3A_167 = arith.constant 80 : i32
      %mul3A_168 = arith.muli %add3A_162, %mul3A_167 : i32
      %add3A_169 = arith.addi %add3A_166, %mul3A_168 : i32
      %mul3A_170 = arith.constant 6000 : i32
      %mul3A_171 = arith.muli %add3A, %mul3A_170 : i32
      %mul3A_172 = arith.constant 80 : i32
      %mul3A_173 = arith.muli %add3A_162, %mul3A_172 : i32
      %add3A_174 = arith.addi %mul3A_171, %mul3A_173 : i32
      %dma_wait3A_175 = arith.constant 0 : i32
      %dma_wait3A_176 = arith.constant 0 : i32
      %dma_wait3A_177 = tpu.memref_slice %arg9[%dma_wait3A_175, %dma_wait3A_176] : memref<10240x128xf32, #tpu.memory_space<vmem_shared>> -> memref<10240x128xf32, #tpu.memory_space<vmem_shared>>
      tpu.wait_indirect_dma semaphore(%arg13 : memref<!tpu.dma_semaphore, #tpu.memory_space<semaphore_mem>>) src(%arg8 : memref<80x128xf32, #tpu.memory_space<vmem>>) dst(%dma_wait3A_177 : memref<10240x128xf32, #tpu.memory_space<vmem_shared>>)
      "tpu.region"() ({
        %run_scoped3A = tpu.sem_alloc : memref<!tpu.dma_semaphore, #tpu.memory_space<semaphore_mem>>
        %dma_start3A_182 = tpu.memref_slice %arg3[%add3A_169] : memref<320000xi32, #tpu.memory_space<hbm>> -> memref<80xi32, #tpu.memory_space<hbm>>
        %dma_start3A_183 = tpu.memref_slice %arg3[%add3A_169] : memref<320000xi32, #tpu.memory_space<hbm>> -> memref<80xi32, #tpu.memory_space<hbm>>
        tpu.enqueue_dma source(%dma_start3A_183 : memref<80xi32, #tpu.memory_space<hbm>>) target(%arg7 : memref<80xi32, #tpu.memory_space<vmem>>) target_semaphore(%run_scoped3A : memref<!tpu.dma_semaphore, #tpu.memory_space<semaphore_mem>>)
        %dma_wait3A_184 = tpu.memref_slice %arg3[%add3A_169] : memref<320000xi32, #tpu.memory_space<hbm>> -> memref<80xi32, #tpu.memory_space<hbm>>
        %dma_wait3A_185 = tpu.memref_slice %arg3[%add3A_169] : memref<320000xi32, #tpu.memory_space<hbm>> -> memref<80xi32, #tpu.memory_space<hbm>>
        tpu.wait_dma2 semaphore(%run_scoped3A : memref<!tpu.dma_semaphore, #tpu.memory_space<semaphore_mem>>) src(%dma_wait3A_185 : memref<80xi32, #tpu.memory_space<hbm>>) dst(%arg7 : memref<80xi32, #tpu.memory_space<vmem>>)
        tpu.yield
      }) : () -> ()
      %dma_start3A_178 = arith.constant 0 : i32
      %dma_start3A_179 = tpu.memref_slice %arg2[%add3A_174, %dma_start3A_178] : memref<192000x128xf32, #tpu.memory_space<hbm>> -> memref<80x128xf32, #tpu.memory_space<hbm>>
      %dma_start3A_180 = arith.constant 0 : i32
      %dma_start3A_181 = tpu.memref_slice %arg2[%add3A_174, %dma_start3A_180] : memref<192000x128xf32, #tpu.memory_space<hbm>> -> memref<80x128xf32, #tpu.memory_space<hbm>>
      tpu.enqueue_dma source(%dma_start3A_181 : memref<80x128xf32, #tpu.memory_space<hbm>>) target(%arg8 : memref<80x128xf32, #tpu.memory_space<vmem>>) target_semaphore(%arg11 : memref<!tpu.dma_semaphore, #tpu.memory_space<semaphore_mem>>)
    }
    %scan3A_44 = arith.constant 36 : i32
    %mul3A_45 = arith.constant 6000 : i32
    %mul3A_46 = arith.muli %add3A, %mul3A_45 : i32
    %add3A_47 = arith.constant 5760 : i32
    %add3A_48 = arith.addi %mul3A_46, %add3A_47 : i32
    %dma_wait3A = arith.constant 0 : i32
    %dma_wait3A_49 = tpu.memref_slice %arg2[%add3A_48, %dma_wait3A] : memref<192000x128xf32, #tpu.memory_space<hbm>> -> memref<80x128xf32, #tpu.memory_space<hbm>>
    %dma_wait3A_50 = arith.constant 0 : i32
    %dma_wait3A_51 = tpu.memref_slice %arg2[%add3A_48, %dma_wait3A_50] : memref<192000x128xf32, #tpu.memory_space<hbm>> -> memref<80x128xf32, #tpu.memory_space<hbm>>
    tpu.wait_dma2 semaphore(%arg10 : memref<!tpu.dma_semaphore, #tpu.memory_space<semaphore_mem>>) src(%dma_wait3A_51 : memref<80x128xf32, #tpu.memory_space<hbm>>) dst(%arg6 : memref<80x128xf32, #tpu.memory_space<vmem>>)
    %dma_start3A_52 = arith.constant 0 : i32
    %dma_start3A_53 = arith.constant 0 : i32
    %dma_start3A_54 = tpu.memref_slice %arg9[%dma_start3A_52, %dma_start3A_53] : memref<10240x128xf32, #tpu.memory_space<vmem_shared>> -> memref<10240x128xf32, #tpu.memory_space<vmem_shared>>
    tpu.enqueue_indirect_dma source(%arg6 : memref<80x128xf32, #tpu.memory_space<vmem>>) target(%dma_start3A_54 : memref<10240x128xf32, #tpu.memory_space<vmem_shared>>) offsets(%arg5 : memref<80xi32, #tpu.memory_space<vmem>>) semaphore(%arg12 : memref<!tpu.dma_semaphore, #tpu.memory_space<semaphore_mem>>) {add = true}
    %mul3A_55 = arith.constant 10000 : i32
    %mul3A_56 = arith.muli %add3A, %mul3A_55 : i32
    %add3A_57 = arith.constant 0 : i32
    %add3A_58 = arith.addi %mul3A_56, %add3A_57 : i32
    %add3A_59 = arith.constant 5920 : i32
    %add3A_60 = arith.addi %add3A_58, %add3A_59 : i32
    %mul3A_61 = arith.constant 6000 : i32
    %mul3A_62 = arith.muli %add3A, %mul3A_61 : i32
    %add3A_63 = arith.constant 5920 : i32
    %add3A_64 = arith.addi %mul3A_62, %add3A_63 : i32
    %dma_wait3A_65 = arith.constant 0 : i32
    %dma_wait3A_66 = arith.constant 0 : i32
    %dma_wait3A_67 = tpu.memref_slice %arg9[%dma_wait3A_65, %dma_wait3A_66] : memref<10240x128xf32, #tpu.memory_space<vmem_shared>> -> memref<10240x128xf32, #tpu.memory_space<vmem_shared>>
    tpu.wait_indirect_dma semaphore(%arg12 : memref<!tpu.dma_semaphore, #tpu.memory_space<semaphore_mem>>) src(%arg6 : memref<80x128xf32, #tpu.memory_space<vmem>>) dst(%dma_wait3A_67 : memref<10240x128xf32, #tpu.memory_space<vmem_shared>>)
    "tpu.region"() ({
      %run_scoped3A = tpu.sem_alloc : memref<!tpu.dma_semaphore, #tpu.memory_space<semaphore_mem>>
      %dma_start3A_105 = tpu.memref_slice %arg3[%add3A_60] : memref<320000xi32, #tpu.memory_space<hbm>> -> memref<80xi32, #tpu.memory_space<hbm>>
      %dma_start3A_106 = tpu.memref_slice %arg3[%add3A_60] : memref<320000xi32, #tpu.memory_space<hbm>> -> memref<80xi32, #tpu.memory_space<hbm>>
      tpu.enqueue_dma source(%dma_start3A_106 : memref<80xi32, #tpu.memory_space<hbm>>) target(%arg5 : memref<80xi32, #tpu.memory_space<vmem>>) target_semaphore(%run_scoped3A : memref<!tpu.dma_semaphore, #tpu.memory_space<semaphore_mem>>)
      %dma_wait3A_107 = tpu.memref_slice %arg3[%add3A_60] : memref<320000xi32, #tpu.memory_space<hbm>> -> memref<80xi32, #tpu.memory_space<hbm>>
      %dma_wait3A_108 = tpu.memref_slice %arg3[%add3A_60] : memref<320000xi32, #tpu.memory_space<hbm>> -> memref<80xi32, #tpu.memory_space<hbm>>
      tpu.wait_dma2 semaphore(%run_scoped3A : memref<!tpu.dma_semaphore, #tpu.memory_space<semaphore_mem>>) src(%dma_wait3A_108 : memref<80xi32, #tpu.memory_space<hbm>>) dst(%arg5 : memref<80xi32, #tpu.memory_space<vmem>>)
      tpu.yield
    }) : () -> ()
    %dma_start3A_68 = arith.constant 0 : i32
    %dma_start3A_69 = tpu.memref_slice %arg2[%add3A_64, %dma_start3A_68] : memref<192000x128xf32, #tpu.memory_space<hbm>> -> memref<80x128xf32, #tpu.memory_space<hbm>>
    %dma_start3A_70 = arith.constant 0 : i32
    %dma_start3A_71 = tpu.memref_slice %arg2[%add3A_64, %dma_start3A_70] : memref<192000x128xf32, #tpu.memory_space<hbm>> -> memref<80x128xf32, #tpu.memory_space<hbm>>
    tpu.enqueue_dma source(%dma_start3A_71 : memref<80x128xf32, #tpu.memory_space<hbm>>) target(%arg6 : memref<80x128xf32, #tpu.memory_space<vmem>>) target_semaphore(%arg10 : memref<!tpu.dma_semaphore, #tpu.memory_space<semaphore_mem>>)
    %mul3A_72 = arith.constant 6000 : i32
    %mul3A_73 = arith.muli %add3A, %mul3A_72 : i32
    %add3A_74 = arith.constant 5840 : i32
    %add3A_75 = arith.addi %mul3A_73, %add3A_74 : i32
    %dma_wait3A_76 = arith.constant 0 : i32
    %dma_wait3A_77 = tpu.memref_slice %arg2[%add3A_75, %dma_wait3A_76] : memref<192000x128xf32, #tpu.memory_space<hbm>> -> memref<80x128xf32, #tpu.memory_space<hbm>>
    %dma_wait3A_78 = arith.constant 0 : i32
    %dma_wait3A_79 = tpu.memref_slice %arg2[%add3A_75, %dma_wait3A_78] : memref<192000x128xf32, #tpu.memory_space<hbm>> -> memref<80x128xf32, #tpu.memory_space<hbm>>
    tpu.wait_dma2 semaphore(%arg11 : memref<!tpu.dma_semaphore, #tpu.memory_space<semaphore_mem>>) src(%dma_wait3A_79 : memref<80x128xf32, #tpu.memory_space<hbm>>) dst(%arg8 : memref<80x128xf32, #tpu.memory_space<vmem>>)
    %dma_start3A_80 = arith.constant 0 : i32
    %dma_start3A_81 = arith.constant 0 : i32
    %dma_start3A_82 = tpu.memref_slice %arg9[%dma_start3A_80, %dma_start3A_81] : memref<10240x128xf32, #tpu.memory_space<vmem_shared>> -> memref<10240x128xf32, #tpu.memory_space<vmem_shared>>
    tpu.enqueue_indirect_dma source(%arg8 : memref<80x128xf32, #tpu.memory_space<vmem>>) target(%dma_start3A_82 : memref<10240x128xf32, #tpu.memory_space<vmem_shared>>) offsets(%arg7 : memref<80xi32, #tpu.memory_space<vmem>>) semaphore(%arg13 : memref<!tpu.dma_semaphore, #tpu.memory_space<semaphore_mem>>) {add = true}
    %mul3A_83 = arith.constant 6000 : i32
    %mul3A_84 = arith.muli %add3A, %mul3A_83 : i32
    %add3A_85 = arith.constant 5920 : i32
    %add3A_86 = arith.addi %mul3A_84, %add3A_85 : i32
    %dma_wait3A_87 = arith.constant 0 : i32
    %dma_wait3A_88 = tpu.memref_slice %arg2[%add3A_86, %dma_wait3A_87] : memref<192000x128xf32, #tpu.memory_space<hbm>> -> memref<80x128xf32, #tpu.memory_space<hbm>>
    %dma_wait3A_89 = arith.constant 0 : i32
    %dma_wait3A_90 = tpu.memref_slice %arg2[%add3A_86, %dma_wait3A_89] : memref<192000x128xf32, #tpu.memory_space<hbm>> -> memref<80x128xf32, #tpu.memory_space<hbm>>
    tpu.wait_dma2 semaphore(%arg10 : memref<!tpu.dma_semaphore, #tpu.memory_space<semaphore_mem>>) src(%dma_wait3A_90 : memref<80x128xf32, #tpu.memory_space<hbm>>) dst(%arg6 : memref<80x128xf32, #tpu.memory_space<vmem>>)
    %dma_start3A_91 = arith.constant 0 : i32
    %dma_start3A_92 = arith.constant 0 : i32
    %dma_start3A_93 = tpu.memref_slice %arg9[%dma_start3A_91, %dma_start3A_92] : memref<10240x128xf32, #tpu.memory_space<vmem_shared>> -> memref<10240x128xf32, #tpu.memory_space<vmem_shared>>
    tpu.enqueue_indirect_dma source(%arg6 : memref<80x128xf32, #tpu.memory_space<vmem>>) target(%dma_start3A_93 : memref<10240x128xf32, #tpu.memory_space<vmem_shared>>) offsets(%arg5 : memref<80xi32, #tpu.memory_space<vmem>>) semaphore(%arg12 : memref<!tpu.dma_semaphore, #tpu.memory_space<semaphore_mem>>) {add = true}
    %dma_wait3A_94 = arith.constant 0 : i32
    %dma_wait3A_95 = arith.constant 0 : i32
    %dma_wait3A_96 = tpu.memref_slice %arg9[%dma_wait3A_94, %dma_wait3A_95] : memref<10240x128xf32, #tpu.memory_space<vmem_shared>> -> memref<10240x128xf32, #tpu.memory_space<vmem_shared>>
    tpu.wait_indirect_dma semaphore(%arg12 : memref<!tpu.dma_semaphore, #tpu.memory_space<semaphore_mem>>) src(%arg6 : memref<80x128xf32, #tpu.memory_space<vmem>>) dst(%dma_wait3A_96 : memref<10240x128xf32, #tpu.memory_space<vmem_shared>>)
    %dma_wait3A_97 = arith.constant 0 : i32
    %dma_wait3A_98 = arith.constant 0 : i32
    %dma_wait3A_99 = tpu.memref_slice %arg9[%dma_wait3A_97, %dma_wait3A_98] : memref<10240x128xf32, #tpu.memory_space<vmem_shared>> -> memref<10240x128xf32, #tpu.memory_space<vmem_shared>>
    tpu.wait_indirect_dma semaphore(%arg13 : memref<!tpu.dma_semaphore, #tpu.memory_space<semaphore_mem>>) src(%arg8 : memref<80x128xf32, #tpu.memory_space<vmem>>) dst(%dma_wait3A_99 : memref<10240x128xf32, #tpu.memory_space<vmem_shared>>)
    %barrier3A_100 = arith.constant 0 : index
    tpu.barrier barrier_id(%barrier3A_100)
    %mul3A_101 = arith.constant 640 : i32
    %mul3A_102 = arith.muli %arg1, %mul3A_101 : i32
    %mul3A_103 = arith.constant 640 : i32
    %mul3A_104 = arith.muli %arg1, %mul3A_103 : i32
    "tpu.region"() ({
      %run_scoped3A = tpu.sem_alloc : memref<!tpu.dma_semaphore, #tpu.memory_space<semaphore_mem>>
      %dma_start3A_105 = arith.constant 0 : i32
      %dma_start3A_106 = tpu.memref_slice %arg4[%arg0, %mul3A_104, %dma_start3A_105] : memref<2x10240x128xf32, #tpu.memory_space<hbm>> -> memref<1x640x128xf32, #tpu.memory_space<hbm>>
      %dma_start3A_107 = tpu.memref_squeeze %dma_start3A_106 : memref<1x640x128xf32, #tpu.memory_space<hbm>> -> memref<640x128xf32, #tpu.memory_space<hbm>>
      %dma_start3A_108 = arith.constant 0 : i32
      %dma_start3A_109 = tpu.memref_slice %arg9[%mul3A_102, %dma_start3A_108] : memref<10240x128xf32, #tpu.memory_space<vmem_shared>> -> memref<640x128xf32, #tpu.memory_space<vmem_shared>>
      tpu.enqueue_dma source(%dma_start3A_109 : memref<640x128xf32, #tpu.memory_space<vmem_shared>>) target(%dma_start3A_107 : memref<640x128xf32, #tpu.memory_space<hbm>>) target_semaphore(%run_scoped3A : memref<!tpu.dma_semaphore, #tpu.memory_space<semaphore_mem>>)
      %dma_wait3A_110 = arith.constant 0 : i32
      %dma_wait3A_111 = tpu.memref_slice %arg4[%arg0, %mul3A_104, %dma_wait3A_110] : memref<2x10240x128xf32, #tpu.memory_space<hbm>> -> memref<1x640x128xf32, #tpu.memory_space<hbm>>
      %dma_wait3A_112 = tpu.memref_squeeze %dma_wait3A_111 : memref<1x640x128xf32, #tpu.memory_space<hbm>> -> memref<640x128xf32, #tpu.memory_space<hbm>>
      %dma_wait3A_113 = arith.constant 0 : i32
      %dma_wait3A_114 = tpu.memref_slice %arg9[%mul3A_102, %dma_wait3A_113] : memref<10240x128xf32, #tpu.memory_space<vmem_shared>> -> memref<640x128xf32, #tpu.memory_space<vmem_shared>>
      tpu.wait_dma2 semaphore(%run_scoped3A : memref<!tpu.dma_semaphore, #tpu.memory_space<semaphore_mem>>) src(%dma_wait3A_114 : memref<640x128xf32, #tpu.memory_space<vmem_shared>>) dst(%dma_wait3A_112 : memref<640x128xf32, #tpu.memory_space<hbm>>)
      tpu.yield
    }) : () -> ()
    return
  }
}

module attributes {stable_mosaic.version = 14 : i64} {
  func.func @_pre_body(%arg0: i32, %arg1: memref<2000x128xf32, #tpu.memory_space<vmem>>, %arg2: memref<2000x3xf32, #tpu.memory_space<vmem>>, %arg3: memref<257x64xf32, #tpu.memory_space<vmem>>, %arg4: memref<192x64xf32, #tpu.memory_space<vmem>>, %arg5: memref<128x64xf32, #tpu.memory_space<vmem>>, %arg6: memref<1x64xf32, #tpu.memory_space<vmem>>, %arg7: memref<64x1xf32, #tpu.memory_space<vmem>>, %arg8: memref<1x1xf32, #tpu.memory_space<vmem>>, %arg9: memref<2000x128xf32, #tpu.memory_space<vmem>>, %arg10: memref<2000x128xf32, #tpu.memory_space<vmem>>, %arg11: memref<2000x64xf32, #tpu.memory_space<vmem>>, %arg12: memref<2000x1xf32, #tpu.memory_space<vmem>>) attributes {dimension_semantics = [#tpu.dimension_semantics<arbitrary>], iteration_bounds = array<i64: 5>, scalar_prefetch = 0 : i64, scratch_operands = 0 : i64, tpu.core_type = #tpu.core_type<tc>, window_params = [{transform_indices = @transform_0, window_bounds = array<i64: 2000, 128>}, {transform_indices = @transform_1, window_bounds = array<i64: 2000, 3>}, {pipeline_mode = #tpu.pipeline_mode<synchronous>, transform_indices = @transform_2, window_bounds = array<i64: 257, 64>}, {pipeline_mode = #tpu.pipeline_mode<synchronous>, transform_indices = @transform_3, window_bounds = array<i64: 192, 64>}, {pipeline_mode = #tpu.pipeline_mode<synchronous>, transform_indices = @transform_4, window_bounds = array<i64: 128, 64>}, {pipeline_mode = #tpu.pipeline_mode<synchronous>, transform_indices = @transform_5, window_bounds = array<i64: 1, 64>}, {pipeline_mode = #tpu.pipeline_mode<synchronous>, transform_indices = @transform_6, window_bounds = array<i64: 64, 1>}, {pipeline_mode = #tpu.pipeline_mode<synchronous>, transform_indices = @transform_7, window_bounds = array<i64: 1, 1>}, {transform_indices = @transform_8, window_bounds = array<i64: 2000, 128>}, {transform_indices = @transform_9, window_bounds = array<i64: 2000, 128>}, {transform_indices = @transform_10, window_bounds = array<i64: 2000, 64>}, {transform_indices = @transform_11, window_bounds = array<i64: 2000, 1>}]} {
    %get3A = arith.constant 0 : index
    %get3A_0 = arith.constant 0 : index
    %get3A_1 = vector.load %arg1[%get3A, %get3A_0] : memref<2000x128xf32, #tpu.memory_space<vmem>>, vector<2000x128xf32>
    %get3A_2 = arith.constant 0 : index
    %get3A_3 = arith.constant 0 : index
    %get3A_4 = vector.load %arg2[%get3A_2, %get3A_3] : memref<2000x3xf32, #tpu.memory_space<vmem>>, vector<2000x3xf32>
    %broadcast_in_dim3A = arith.constant 0.000000e+00 : f32
    %broadcast_in_dim3A_5 = vector.broadcast %broadcast_in_dim3A : f32 to vector<2000x61xf32>
    %get3A_6 = arith.constant 0 : index
    %get3A_7 = arith.constant 0 : index
    %get3A_8 = vector.load %arg3[%get3A_6, %get3A_7] : memref<257x64xf32, #tpu.memory_space<vmem>>, vector<128x64xf32>
    %dot_general3A = arith.constant dense<0.000000e+00> : vector<2000x64xf32>
    %dot_general3A_9 = tpu.matmul %get3A_1, %get3A_8, %dot_general3A {dimension_numbers = #tpu.dot_dimension_numbers<[1], [0], [0], [1], [0, 0, 1, 1], [], []>, transpose_lhs_hint = false} : vector<2000x128xf32>, vector<128x64xf32>, vector<2000x64xf32> -> vector<2000x64xf32>
    %get3A_10 = arith.constant 128 : index
    %get3A_11 = arith.constant 0 : index
    %get3A_12 = vector.load %arg3[%get3A_10, %get3A_11] : memref<257x64xf32, #tpu.memory_space<vmem>>, vector<128x64xf32>
    %dot_general3A_13 = arith.constant dense<0.000000e+00> : vector<2000x64xf32>
    %dot_general3A_14 = tpu.matmul %get3A_1, %get3A_12, %dot_general3A_13 {dimension_numbers = #tpu.dot_dimension_numbers<[1], [0], [0], [1], [0, 0, 1, 1], [], []>, transpose_lhs_hint = false} : vector<2000x128xf32>, vector<128x64xf32>, vector<2000x64xf32> -> vector<2000x64xf32>
    %concatenate3A = tpu.concatenate %dot_general3A_9, %get3A_4, %broadcast_in_dim3A_5 in 1 : vector<2000x64xf32>, vector<2000x3xf32>, vector<2000x61xf32> -> vector<2000x128xf32>
    %swap3A = arith.constant 0 : index
    %swap3A_15 = arith.constant 0 : index
    %swap3A_16 = vector.load %arg9[%swap3A, %swap3A_15] : memref<2000x128xf32, #tpu.memory_space<vmem>>, vector<2000x128xf32>
    tpu.vector_store %arg9[%swap3A, %swap3A_15], %concatenate3A {strides = array<i32>} : memref<2000x128xf32, #tpu.memory_space<vmem>>, vector<2000x128xf32>,
    %neg3A = arith.constant 0.000000e+00 : f32
    %neg3A_17 = vector.broadcast %neg3A : f32 to vector<2000x3xf32>
    %neg3A_18 = arith.subf %neg3A_17, %get3A_4 : vector<2000x3xf32>
    %concatenate3A_19 = tpu.concatenate %dot_general3A_14, %neg3A_18, %broadcast_in_dim3A_5 in 1 : vector<2000x64xf32>, vector<2000x3xf32>, vector<2000x61xf32> -> vector<2000x128xf32>
    %swap3A_20 = arith.constant 0 : index
    %swap3A_21 = arith.constant 0 : index
    %swap3A_22 = vector.load %arg10[%swap3A_20, %swap3A_21] : memref<2000x128xf32, #tpu.memory_space<vmem>>, vector<2000x128xf32>
    tpu.vector_store %arg10[%swap3A_20, %swap3A_21], %concatenate3A_19 {strides = array<i32>} : memref<2000x128xf32, #tpu.memory_space<vmem>>, vector<2000x128xf32>,
    %get3A_23 = arith.constant 0 : index
    %get3A_24 = arith.constant 0 : index
    %get3A_25 = vector.load %arg4[%get3A_23, %get3A_24] : memref<192x64xf32, #tpu.memory_space<vmem>>, vector<128x64xf32>
    %dot_general3A_26 = arith.constant dense<0.000000e+00> : vector<2000x64xf32>
    %dot_general3A_27 = tpu.matmul %get3A_1, %get3A_25, %dot_general3A_26 {dimension_numbers = #tpu.dot_dimension_numbers<[1], [0], [0], [1], [0, 0, 1, 1], [], []>, transpose_lhs_hint = false} : vector<2000x128xf32>, vector<128x64xf32>, vector<2000x64xf32> -> vector<2000x64xf32>
    %swap3A_28 = arith.constant 0 : index
    %swap3A_29 = arith.constant 0 : index
    %swap3A_30 = vector.load %arg11[%swap3A_28, %swap3A_29] : memref<2000x64xf32, #tpu.memory_space<vmem>>, vector<2000x64xf32>
    tpu.vector_store %arg11[%swap3A_28, %swap3A_29], %dot_general3A_27 {strides = array<i32>} : memref<2000x64xf32, #tpu.memory_space<vmem>>, vector<2000x64xf32>,
    %get3A_31 = arith.constant 0 : index
    %get3A_32 = arith.constant 0 : index
    %get3A_33 = vector.load %arg5[%get3A_31, %get3A_32] : memref<128x64xf32, #tpu.memory_space<vmem>>, vector<128x64xf32>
    %dot_general3A_34 = arith.constant dense<0.000000e+00> : vector<2000x64xf32>
    %dot_general3A_35 = tpu.matmul %get3A_1, %get3A_33, %dot_general3A_34 {dimension_numbers = #tpu.dot_dimension_numbers<[1], [0], [0], [1], [0, 0, 1, 1], [], []>, transpose_lhs_hint = false} : vector<2000x128xf32>, vector<128x64xf32>, vector<2000x64xf32> -> vector<2000x64xf32>
    %get3A_36 = arith.constant 0 : index
    %get3A_37 = arith.constant 0 : index
    %get3A_38 = vector.load %arg6[%get3A_36, %get3A_37] : memref<1x64xf32, #tpu.memory_space<vmem>>, vector<1x64xf32>
    %add3A = vector.broadcast %get3A_38 : vector<1x64xf32> to vector<2000x64xf32>
    %add3A_39 = arith.addf %dot_general3A_35, %add3A : vector<2000x64xf32>
    %max3A = arith.constant 0.000000e+00 : f32
    %max3A_40 = vector.broadcast %max3A : f32 to vector<2000x64xf32>
    %max3A_41 = arith.maximumf %add3A_39, %max3A_40 : vector<2000x64xf32>
    %get3A_42 = arith.constant 0 : index
    %get3A_43 = arith.constant 0 : index
    %get3A_44 = vector.load %arg7[%get3A_42, %get3A_43] : memref<64x1xf32, #tpu.memory_space<vmem>>, vector<64x1xf32>
    %dot_general3A_45 = arith.constant dense<0.000000e+00> : vector<2000x1xf32>
    %dot_general3A_46 = tpu.matmul %max3A_41, %get3A_44, %dot_general3A_45 {dimension_numbers = #tpu.dot_dimension_numbers<[1], [0], [0], [1], [0, 0, 1, 1], [], []>, transpose_lhs_hint = false} : vector<2000x64xf32>, vector<64x1xf32>, vector<2000x1xf32> -> vector<2000x1xf32>
    %get3A_47 = arith.constant 0 : index
    %get3A_48 = arith.constant 0 : index
    %get3A_49 = vector.load %arg8[%get3A_47, %get3A_48] : memref<1x1xf32, #tpu.memory_space<vmem>>, vector<1x1xf32>
    %add3A_50 = vector.broadcast %get3A_49 : vector<1x1xf32> to vector<2000x1xf32>
    %add3A_51 = arith.addf %dot_general3A_46, %add3A_50 : vector<2000x1xf32>
    %swap3A_52 = arith.constant 0 : index
    %swap3A_53 = arith.constant 0 : index
    %swap3A_54 = vector.load %arg12[%swap3A_52, %swap3A_53] : memref<2000x1xf32, #tpu.memory_space<vmem>>, vector<2000x1xf32>
    tpu.vector_store %arg12[%swap3A_52, %swap3A_53], %add3A_51 {strides = array<i32>} : memref<2000x1xf32, #tpu.memory_space<vmem>>, vector<2000x1xf32>,
    return
  }
  func.func @transform_0(%arg0: i32) -> (i32, i32) {
    %c0_i32 = arith.constant 0 : i32
    %c0_i32_0 = arith.constant 0 : i32
    return %arg0, %c0_i32 : i32, i32
  }
  func.func @transform_1(%arg0: i32) -> (i32, i32) {
    %c0_i32 = arith.constant 0 : i32
    %c0_i32_0 = arith.constant 0 : i32
    return %arg0, %c0_i32 : i32, i32
  }
  func.func @transform_2(%arg0: i32) -> (i32, i32) {
    %c0_i32 = arith.constant 0 : i32
    %c0_i32_0 = arith.constant 0 : i32
    %c0_i32_1 = arith.constant 0 : i32
    return %c0_i32, %c0_i32_0 : i32, i32
  }
  func.func @transform_3(%arg0: i32) -> (i32, i32) {
    %c0_i32 = arith.constant 0 : i32
    %c0_i32_0 = arith.constant 0 : i32
    %c0_i32_1 = arith.constant 0 : i32
    return %c0_i32, %c0_i32_0 : i32, i32
  }
  func.func @transform_4(%arg0: i32) -> (i32, i32) {
    %c0_i32 = arith.constant 0 : i32
    %c0_i32_0 = arith.constant 0 : i32
    %c0_i32_1 = arith.constant 0 : i32
    return %c0_i32, %c0_i32_0 : i32, i32
  }
  func.func @transform_5(%arg0: i32) -> (i32, i32) {
    %c0_i32 = arith.constant 0 : i32
    %c0_i32_0 = arith.constant 0 : i32
    %c0_i32_1 = arith.constant 0 : i32
    return %c0_i32, %c0_i32_0 : i32, i32
  }
  func.func @transform_6(%arg0: i32) -> (i32, i32) {
    %c0_i32 = arith.constant 0 : i32
    %c0_i32_0 = arith.constant 0 : i32
    %c0_i32_1 = arith.constant 0 : i32
    return %c0_i32, %c0_i32_0 : i32, i32
  }
  func.func @transform_7(%arg0: i32) -> (i32, i32) {
    %c0_i32 = arith.constant 0 : i32
    %c0_i32_0 = arith.constant 0 : i32
    %c0_i32_1 = arith.constant 0 : i32
    return %c0_i32, %c0_i32_0 : i32, i32
  }
  func.func @transform_8(%arg0: i32) -> (i32, i32) {
    %c0_i32 = arith.constant 0 : i32
    %c0_i32_0 = arith.constant 0 : i32
    return %arg0, %c0_i32 : i32, i32
  }
  func.func @transform_9(%arg0: i32) -> (i32, i32) {
    %c0_i32 = arith.constant 0 : i32
    %c0_i32_0 = arith.constant 0 : i32
    return %arg0, %c0_i32 : i32, i32
  }
  func.func @transform_10(%arg0: i32) -> (i32, i32) {
    %c0_i32 = arith.constant 0 : i32
    %c0_i32_0 = arith.constant 0 : i32
    return %arg0, %c0_i32 : i32, i32
  }
  func.func @transform_11(%arg0: i32) -> (i32, i32) {
    %c0_i32 = arith.constant 0 : i32
    %c0_i32_0 = arith.constant 0 : i32
    return %arg0, %c0_i32 : i32, i32
  }
}

module attributes {stable_mosaic.version = 14 : i64} {
  func.func @_edge_body(%arg0: i32, %arg1: memref<2000x128xf32, #tpu.memory_space<vmem>>, %arg2: memref<257x64xf32, #tpu.memory_space<vmem>>, %arg3: memref<1x64xf32, #tpu.memory_space<vmem>>, %arg4: memref<64x64xf32, #tpu.memory_space<vmem>>, %arg5: memref<1x64xf32, #tpu.memory_space<vmem>>, %arg6: memref<64x64xf32, #tpu.memory_space<vmem>>, %arg7: memref<1x64xf32, #tpu.memory_space<vmem>>, %arg8: memref<64x1xf32, #tpu.memory_space<vmem>>, %arg9: memref<2000x128xf32, #tpu.memory_space<vmem>>) attributes {dimension_semantics = [#tpu.dimension_semantics<arbitrary>], iteration_bounds = array<i64: 64>, scalar_prefetch = 0 : i64, scratch_operands = 0 : i64, tpu.core_type = #tpu.core_type<tc>, window_params = [{transform_indices = @transform_0, window_bounds = array<i64: 2000, 128>}, {pipeline_mode = #tpu.pipeline_mode<synchronous>, transform_indices = @transform_1, window_bounds = array<i64: 257, 64>}, {pipeline_mode = #tpu.pipeline_mode<synchronous>, transform_indices = @transform_2, window_bounds = array<i64: 1, 64>}, {pipeline_mode = #tpu.pipeline_mode<synchronous>, transform_indices = @transform_3, window_bounds = array<i64: 64, 64>}, {pipeline_mode = #tpu.pipeline_mode<synchronous>, transform_indices = @transform_4, window_bounds = array<i64: 1, 64>}, {pipeline_mode = #tpu.pipeline_mode<synchronous>, transform_indices = @transform_5, window_bounds = array<i64: 64, 64>}, {pipeline_mode = #tpu.pipeline_mode<synchronous>, transform_indices = @transform_6, window_bounds = array<i64: 1, 64>}, {pipeline_mode = #tpu.pipeline_mode<synchronous>, transform_indices = @transform_7, window_bounds = array<i64: 64, 1>}, {transform_indices = @transform_8, window_bounds = array<i64: 2000, 128>}]} {
    %get3A = arith.constant 0 : index
    %get3A_0 = arith.constant 0 : index
    %get3A_1 = vector.load %arg1[%get3A, %get3A_0] : memref<2000x128xf32, #tpu.memory_space<vmem>>, vector<2000x128xf32>
    %slice3A = vector.extract_strided_slice %get3A_1 {offsets = [0, 64], sizes = [2000, 16], strides = [1, 1]} : vector<2000x128xf32> to vector<2000x16xf32>
    %mul3A = arith.mulf %slice3A, %slice3A : vector<2000x16xf32>
    %get3A_2 = arith.constant 256 : index
    %get3A_3 = arith.constant 0 : index
    %get3A_4 = vector.load %arg2[%get3A_2, %get3A_3] : memref<257x64xf32, #tpu.memory_space<vmem>>, vector<1x64xf32>
    %broadcast_in_dim3A = vector.shape_cast %get3A_4 : vector<1x64xf32> to vector<1x64xf32>
    %broadcast_in_dim3A_5 = vector.broadcast %broadcast_in_dim3A : vector<1x64xf32> to vector<16x64xf32>
    %slice3A_6 = vector.extract_strided_slice %get3A_1 {offsets = [0, 0], sizes = [2000, 64], strides = [1, 1]} : vector<2000x128xf32> to vector<2000x64xf32>
    %dot_general3A = arith.constant dense<0.000000e+00> : vector<2000x64xf32>
    %dot_general3A_7 = tpu.matmul %mul3A, %broadcast_in_dim3A_5, %dot_general3A {dimension_numbers = #tpu.dot_dimension_numbers<[1], [0], [0], [1], [0, 0, 1, 1], [], []>, transpose_lhs_hint = false} : vector<2000x16xf32>, vector<16x64xf32>, vector<2000x64xf32> -> vector<2000x64xf32>
    %add3A = arith.addf %slice3A_6, %dot_general3A_7 : vector<2000x64xf32>
    %get3A_8 = arith.constant 0 : index
    %get3A_9 = arith.constant 0 : index
    %get3A_10 = vector.load %arg3[%get3A_8, %get3A_9] : memref<1x64xf32, #tpu.memory_space<vmem>>, vector<1x64xf32>
    %add3A_11 = vector.broadcast %get3A_10 : vector<1x64xf32> to vector<2000x64xf32>
    %add3A_12 = arith.addf %add3A, %add3A_11 : vector<2000x64xf32>
    %max3A = arith.constant 0.000000e+00 : f32
    %max3A_13 = vector.broadcast %max3A : f32 to vector<2000x64xf32>
    %max3A_14 = arith.maximumf %add3A_12, %max3A_13 : vector<2000x64xf32>
    %get3A_15 = arith.constant 0 : index
    %get3A_16 = arith.constant 0 : index
    %get3A_17 = vector.load %arg4[%get3A_15, %get3A_16] : memref<64x64xf32, #tpu.memory_space<vmem>>, vector<64x64xf32>
    %dot_general3A_18 = arith.constant dense<0.000000e+00> : vector<2000x64xf32>
    %dot_general3A_19 = tpu.matmul %max3A_14, %get3A_17, %dot_general3A_18 {dimension_numbers = #tpu.dot_dimension_numbers<[1], [0], [0], [1], [0, 0, 1, 1], [], []>, transpose_lhs_hint = false} : vector<2000x64xf32>, vector<64x64xf32>, vector<2000x64xf32> -> vector<2000x64xf32>
    %get3A_20 = arith.constant 0 : index
    %get3A_21 = arith.constant 0 : index
    %get3A_22 = vector.load %arg5[%get3A_20, %get3A_21] : memref<1x64xf32, #tpu.memory_space<vmem>>, vector<1x64xf32>
    %add3A_23 = vector.broadcast %get3A_22 : vector<1x64xf32> to vector<2000x64xf32>
    %add3A_24 = arith.addf %dot_general3A_19, %add3A_23 : vector<2000x64xf32>
    %max3A_25 = arith.constant 0.000000e+00 : f32
    %max3A_26 = vector.broadcast %max3A_25 : f32 to vector<2000x64xf32>
    %max3A_27 = arith.maximumf %add3A_24, %max3A_26 : vector<2000x64xf32>
    %get3A_28 = arith.constant 0 : index
    %get3A_29 = arith.constant 0 : index
    %get3A_30 = vector.load %arg6[%get3A_28, %get3A_29] : memref<64x64xf32, #tpu.memory_space<vmem>>, vector<64x64xf32>
    %dot_general3A_31 = arith.constant dense<0.000000e+00> : vector<2000x64xf32>
    %dot_general3A_32 = tpu.matmul %max3A_27, %get3A_30, %dot_general3A_31 {dimension_numbers = #tpu.dot_dimension_numbers<[1], [0], [0], [1], [0, 0, 1, 1], [], []>, transpose_lhs_hint = false} : vector<2000x64xf32>, vector<64x64xf32>, vector<2000x64xf32> -> vector<2000x64xf32>
    %get3A_33 = arith.constant 0 : index
    %get3A_34 = arith.constant 0 : index
    %get3A_35 = vector.load %arg7[%get3A_33, %get3A_34] : memref<1x64xf32, #tpu.memory_space<vmem>>, vector<1x64xf32>
    %add3A_36 = vector.broadcast %get3A_35 : vector<1x64xf32> to vector<2000x64xf32>
    %add3A_37 = arith.addf %dot_general3A_32, %add3A_36 : vector<2000x64xf32>
    %max3A_38 = arith.constant 0.000000e+00 : f32
    %max3A_39 = vector.broadcast %max3A_38 : f32 to vector<2000x64xf32>
    %max3A_40 = arith.maximumf %add3A_37, %max3A_39 : vector<2000x64xf32>
    %get3A_41 = arith.constant 0 : index
    %get3A_42 = arith.constant 0 : index
    %get3A_43 = vector.load %arg8[%get3A_41, %get3A_42] : memref<64x1xf32, #tpu.memory_space<vmem>>, vector<64x1xf32>
    %dot_general3A_44 = arith.constant dense<0.000000e+00> : vector<2000x1xf32>
    %dot_general3A_45 = tpu.matmul %max3A_40, %get3A_43, %dot_general3A_44 {dimension_numbers = #tpu.dot_dimension_numbers<[1], [0], [0], [1], [0, 0, 1, 1], [], []>, transpose_lhs_hint = false} : vector<2000x64xf32>, vector<64x1xf32>, vector<2000x1xf32> -> vector<2000x1xf32>
    %iota3A = tpu.iota {dimensions = array<i32: 1>} : vector<2000x16xi32>
    %eq3A = arith.constant 15 : i32
    %eq3A_46 = vector.broadcast %eq3A : i32 to vector<2000x16xi32>
    %eq3A_47 = arith.cmpi eq, %iota3A, %eq3A_46 : vector<2000x16xi32>
    %convert_element_type3A = arith.extui %eq3A_47 : vector<2000x16xi1> to vector<2000x16xi32>
    %convert_element_type3A_48 = arith.sitofp %convert_element_type3A : vector<2000x16xi32> to vector<2000x16xf32>
    %swap3A = arith.constant 0 : index
    %swap3A_49 = arith.constant 0 : index
    %swap3A_50 = vector.load %arg9[%swap3A, %swap3A_49] : memref<2000x128xf32, #tpu.memory_space<vmem>>, vector<2000x64xf32>
    tpu.vector_store %arg9[%swap3A, %swap3A_49], %max3A_27 {strides = array<i32>} : memref<2000x128xf32, #tpu.memory_space<vmem>>, vector<2000x64xf32>,
    %mul3A_51 = vector.broadcast %dot_general3A_45 : vector<2000x1xf32> to vector<2000x16xf32>
    %mul3A_52 = arith.mulf %slice3A, %mul3A_51 : vector<2000x16xf32>
    %jit3A = arith.constant -1.000000e+02 : f32
    %jit3A_53 = arith.constant 1.000000e+02 : f32
    %max3A_54 = vector.broadcast %jit3A : f32 to vector<2000x16xf32>
    %max3A_55 = arith.maximumf %max3A_54, %mul3A_52 : vector<2000x16xf32>
    %min3A = vector.broadcast %jit3A_53 : f32 to vector<2000x16xf32>
    %min3A_56 = arith.minimumf %min3A, %max3A_55 : vector<2000x16xf32>
    %add3A_57 = arith.addf %min3A_56, %convert_element_type3A_48 : vector<2000x16xf32>
    %swap3A_58 = arith.constant 0 : index
    %swap3A_59 = arith.constant 64 : index
    %swap3A_60 = vector.load %arg9[%swap3A_58, %swap3A_59] : memref<2000x128xf32, #tpu.memory_space<vmem>>, vector<2000x16xf32>
    tpu.vector_store %arg9[%swap3A_58, %swap3A_59], %add3A_57 {strides = array<i32>} : memref<2000x128xf32, #tpu.memory_space<vmem>>, vector<2000x16xf32>,
    return
  }
  func.func @transform_0(%arg0: i32) -> (i32, i32) {
    %c0_i32 = arith.constant 0 : i32
    %c0_i32_0 = arith.constant 0 : i32
    return %arg0, %c0_i32 : i32, i32
  }
  func.func @transform_1(%arg0: i32) -> (i32, i32) {
    %c0_i32 = arith.constant 0 : i32
    %c0_i32_0 = arith.constant 0 : i32
    %c0_i32_1 = arith.constant 0 : i32
    return %c0_i32, %c0_i32_0 : i32, i32
  }
  func.func @transform_2(%arg0: i32) -> (i32, i32) {
    %c0_i32 = arith.constant 0 : i32
    %c0_i32_0 = arith.constant 0 : i32
    %c0_i32_1 = arith.constant 0 : i32
    return %c0_i32, %c0_i32_0 : i32, i32
  }
  func.func @transform_3(%arg0: i32) -> (i32, i32) {
    %c0_i32 = arith.constant 0 : i32
    %c0_i32_0 = arith.constant 0 : i32
    %c0_i32_1 = arith.constant 0 : i32
    return %c0_i32, %c0_i32_0 : i32, i32
  }
  func.func @transform_4(%arg0: i32) -> (i32, i32) {
    %c0_i32 = arith.constant 0 : i32
    %c0_i32_0 = arith.constant 0 : i32
    %c0_i32_1 = arith.constant 0 : i32
    return %c0_i32, %c0_i32_0 : i32, i32
  }
  func.func @transform_5(%arg0: i32) -> (i32, i32) {
    %c0_i32 = arith.constant 0 : i32
    %c0_i32_0 = arith.constant 0 : i32
    %c0_i32_1 = arith.constant 0 : i32
    return %c0_i32, %c0_i32_0 : i32, i32
  }
  func.func @transform_6(%arg0: i32) -> (i32, i32) {
    %c0_i32 = arith.constant 0 : i32
    %c0_i32_0 = arith.constant 0 : i32
    %c0_i32_1 = arith.constant 0 : i32
    return %c0_i32, %c0_i32_0 : i32, i32
  }
  func.func @transform_7(%arg0: i32) -> (i32, i32) {
    %c0_i32 = arith.constant 0 : i32
    %c0_i32_0 = arith.constant 0 : i32
    %c0_i32_1 = arith.constant 0 : i32
    return %c0_i32, %c0_i32_0 : i32, i32
  }
  func.func @transform_8(%arg0: i32) -> (i32, i32) {
    %c0_i32 = arith.constant 0 : i32
    %c0_i32_0 = arith.constant 0 : i32
    return %arg0, %c0_i32 : i32, i32
  }
}

module attributes {stable_mosaic.version = 14 : i64} {
  func.func @_edge_body(%arg0: i32, %arg1: memref<2000x128xf32, #tpu.memory_space<vmem>>, %arg2: memref<257x64xf32, #tpu.memory_space<vmem>>, %arg3: memref<1x64xf32, #tpu.memory_space<vmem>>, %arg4: memref<64x64xf32, #tpu.memory_space<vmem>>, %arg5: memref<1x64xf32, #tpu.memory_space<vmem>>, %arg6: memref<64x64xf32, #tpu.memory_space<vmem>>, %arg7: memref<1x64xf32, #tpu.memory_space<vmem>>, %arg8: memref<64x1xf32, #tpu.memory_space<vmem>>, %arg9: memref<2000x128xf32, #tpu.memory_space<vmem>>) attributes {dimension_semantics = [#tpu.dimension_semantics<arbitrary>], iteration_bounds = array<i64: 96>, scalar_prefetch = 0 : i64, scratch_operands = 0 : i64, tpu.core_type = #tpu.core_type<tc>, window_params = [{transform_indices = @transform_0, window_bounds = array<i64: 2000, 128>}, {pipeline_mode = #tpu.pipeline_mode<synchronous>, transform_indices = @transform_1, window_bounds = array<i64: 257, 64>}, {pipeline_mode = #tpu.pipeline_mode<synchronous>, transform_indices = @transform_2, window_bounds = array<i64: 1, 64>}, {pipeline_mode = #tpu.pipeline_mode<synchronous>, transform_indices = @transform_3, window_bounds = array<i64: 64, 64>}, {pipeline_mode = #tpu.pipeline_mode<synchronous>, transform_indices = @transform_4, window_bounds = array<i64: 1, 64>}, {pipeline_mode = #tpu.pipeline_mode<synchronous>, transform_indices = @transform_5, window_bounds = array<i64: 64, 64>}, {pipeline_mode = #tpu.pipeline_mode<synchronous>, transform_indices = @transform_6, window_bounds = array<i64: 1, 64>}, {pipeline_mode = #tpu.pipeline_mode<synchronous>, transform_indices = @transform_7, window_bounds = array<i64: 64, 1>}, {transform_indices = @transform_8, window_bounds = array<i64: 2000, 128>}]} {
    %get3A = arith.constant 0 : index
    %get3A_0 = arith.constant 0 : index
    %get3A_1 = vector.load %arg1[%get3A, %get3A_0] : memref<2000x128xf32, #tpu.memory_space<vmem>>, vector<2000x128xf32>
    %slice3A = vector.extract_strided_slice %get3A_1 {offsets = [0, 64], sizes = [2000, 16], strides = [1, 1]} : vector<2000x128xf32> to vector<2000x16xf32>
    %mul3A = arith.mulf %slice3A, %slice3A : vector<2000x16xf32>
    %get3A_2 = arith.constant 256 : index
    %get3A_3 = arith.constant 0 : index
    %get3A_4 = vector.load %arg2[%get3A_2, %get3A_3] : memref<257x64xf32, #tpu.memory_space<vmem>>, vector<1x64xf32>
    %broadcast_in_dim3A = vector.shape_cast %get3A_4 : vector<1x64xf32> to vector<1x64xf32>
    %broadcast_in_dim3A_5 = vector.broadcast %broadcast_in_dim3A : vector<1x64xf32> to vector<16x64xf32>
    %slice3A_6 = vector.extract_strided_slice %get3A_1 {offsets = [0, 0], sizes = [2000, 64], strides = [1, 1]} : vector<2000x128xf32> to vector<2000x64xf32>
    %dot_general3A = arith.constant dense<0.000000e+00> : vector<2000x64xf32>
    %dot_general3A_7 = tpu.matmul %mul3A, %broadcast_in_dim3A_5, %dot_general3A {dimension_numbers = #tpu.dot_dimension_numbers<[1], [0], [0], [1], [0, 0, 1, 1], [], []>, transpose_lhs_hint = false} : vector<2000x16xf32>, vector<16x64xf32>, vector<2000x64xf32> -> vector<2000x64xf32>
    %add3A = arith.addf %slice3A_6, %dot_general3A_7 : vector<2000x64xf32>
    %get3A_8 = arith.constant 0 : index
    %get3A_9 = arith.constant 0 : index
    %get3A_10 = vector.load %arg3[%get3A_8, %get3A_9] : memref<1x64xf32, #tpu.memory_space<vmem>>, vector<1x64xf32>
    %add3A_11 = vector.broadcast %get3A_10 : vector<1x64xf32> to vector<2000x64xf32>
    %add3A_12 = arith.addf %add3A, %add3A_11 : vector<2000x64xf32>
    %max3A = arith.constant 0.000000e+00 : f32
    %max3A_13 = vector.broadcast %max3A : f32 to vector<2000x64xf32>
    %max3A_14 = arith.maximumf %add3A_12, %max3A_13 : vector<2000x64xf32>
    %get3A_15 = arith.constant 0 : index
    %get3A_16 = arith.constant 0 : index
    %get3A_17 = vector.load %arg4[%get3A_15, %get3A_16] : memref<64x64xf32, #tpu.memory_space<vmem>>, vector<64x64xf32>
    %dot_general3A_18 = arith.constant dense<0.000000e+00> : vector<2000x64xf32>
    %dot_general3A_19 = tpu.matmul %max3A_14, %get3A_17, %dot_general3A_18 {dimension_numbers = #tpu.dot_dimension_numbers<[1], [0], [0], [1], [0, 0, 1, 1], [], []>, transpose_lhs_hint = false} : vector<2000x64xf32>, vector<64x64xf32>, vector<2000x64xf32> -> vector<2000x64xf32>
    %get3A_20 = arith.constant 0 : index
    %get3A_21 = arith.constant 0 : index
    %get3A_22 = vector.load %arg5[%get3A_20, %get3A_21] : memref<1x64xf32, #tpu.memory_space<vmem>>, vector<1x64xf32>
    %add3A_23 = vector.broadcast %get3A_22 : vector<1x64xf32> to vector<2000x64xf32>
    %add3A_24 = arith.addf %dot_general3A_19, %add3A_23 : vector<2000x64xf32>
    %max3A_25 = arith.constant 0.000000e+00 : f32
    %max3A_26 = vector.broadcast %max3A_25 : f32 to vector<2000x64xf32>
    %max3A_27 = arith.maximumf %add3A_24, %max3A_26 : vector<2000x64xf32>
    %get3A_28 = arith.constant 0 : index
    %get3A_29 = arith.constant 0 : index
    %get3A_30 = vector.load %arg6[%get3A_28, %get3A_29] : memref<64x64xf32, #tpu.memory_space<vmem>>, vector<64x64xf32>
    %dot_general3A_31 = arith.constant dense<0.000000e+00> : vector<2000x64xf32>
    %dot_general3A_32 = tpu.matmul %max3A_27, %get3A_30, %dot_general3A_31 {dimension_numbers = #tpu.dot_dimension_numbers<[1], [0], [0], [1], [0, 0, 1, 1], [], []>, transpose_lhs_hint = false} : vector<2000x64xf32>, vector<64x64xf32>, vector<2000x64xf32> -> vector<2000x64xf32>
    %get3A_33 = arith.constant 0 : index
    %get3A_34 = arith.constant 0 : index
    %get3A_35 = vector.load %arg7[%get3A_33, %get3A_34] : memref<1x64xf32, #tpu.memory_space<vmem>>, vector<1x64xf32>
    %add3A_36 = vector.broadcast %get3A_35 : vector<1x64xf32> to vector<2000x64xf32>
    %add3A_37 = arith.addf %dot_general3A_32, %add3A_36 : vector<2000x64xf32>
    %max3A_38 = arith.constant 0.000000e+00 : f32
    %max3A_39 = vector.broadcast %max3A_38 : f32 to vector<2000x64xf32>
    %max3A_40 = arith.maximumf %add3A_37, %max3A_39 : vector<2000x64xf32>
    %get3A_41 = arith.constant 0 : index
    %get3A_42 = arith.constant 0 : index
    %get3A_43 = vector.load %arg8[%get3A_41, %get3A_42] : memref<64x1xf32, #tpu.memory_space<vmem>>, vector<64x1xf32>
    %dot_general3A_44 = arith.constant dense<0.000000e+00> : vector<2000x1xf32>
    %dot_general3A_45 = tpu.matmul %max3A_40, %get3A_43, %dot_general3A_44 {dimension_numbers = #tpu.dot_dimension_numbers<[1], [0], [0], [1], [0, 0, 1, 1], [], []>, transpose_lhs_hint = false} : vector<2000x64xf32>, vector<64x1xf32>, vector<2000x1xf32> -> vector<2000x1xf32>
    %iota3A = tpu.iota {dimensions = array<i32: 1>} : vector<2000x16xi32>
    %eq3A = arith.constant 15 : i32
    %eq3A_46 = vector.broadcast %eq3A : i32 to vector<2000x16xi32>
    %eq3A_47 = arith.cmpi eq, %iota3A, %eq3A_46 : vector<2000x16xi32>
    %convert_element_type3A = arith.extui %eq3A_47 : vector<2000x16xi1> to vector<2000x16xi32>
    %convert_element_type3A_48 = arith.sitofp %convert_element_type3A : vector<2000x16xi32> to vector<2000x16xf32>
    %swap3A = arith.constant 0 : index
    %swap3A_49 = arith.constant 0 : index
    %swap3A_50 = vector.load %arg9[%swap3A, %swap3A_49] : memref<2000x128xf32, #tpu.memory_space<vmem>>, vector<2000x64xf32>
    tpu.vector_store %arg9[%swap3A, %swap3A_49], %max3A_27 {strides = array<i32>} : memref<2000x128xf32, #tpu.memory_space<vmem>>, vector<2000x64xf32>,
    %mul3A_51 = vector.broadcast %dot_general3A_45 : vector<2000x1xf32> to vector<2000x16xf32>
    %mul3A_52 = arith.mulf %slice3A, %mul3A_51 : vector<2000x16xf32>
    %jit3A = arith.constant -1.000000e+02 : f32
    %jit3A_53 = arith.constant 1.000000e+02 : f32
    %max3A_54 = vector.broadcast %jit3A : f32 to vector<2000x16xf32>
    %max3A_55 = arith.maximumf %max3A_54, %mul3A_52 : vector<2000x16xf32>
    %min3A = vector.broadcast %jit3A_53 : f32 to vector<2000x16xf32>
    %min3A_56 = arith.minimumf %min3A, %max3A_55 : vector<2000x16xf32>
    %add3A_57 = arith.addf %min3A_56, %convert_element_type3A_48 : vector<2000x16xf32>
    %swap3A_58 = arith.constant 0 : index
    %swap3A_59 = arith.constant 64 : index
    %swap3A_60 = vector.load %arg9[%swap3A_58, %swap3A_59] : memref<2000x128xf32, #tpu.memory_space<vmem>>, vector<2000x16xf32>
    tpu.vector_store %arg9[%swap3A_58, %swap3A_59], %add3A_57 {strides = array<i32>} : memref<2000x128xf32, #tpu.memory_space<vmem>>, vector<2000x16xf32>,
    return
  }
  func.func @transform_0(%arg0: i32) -> (i32, i32) {
    %c0_i32 = arith.constant 0 : i32
    %c0_i32_0 = arith.constant 0 : i32
    return %arg0, %c0_i32 : i32, i32
  }
  func.func @transform_1(%arg0: i32) -> (i32, i32) {
    %c0_i32 = arith.constant 0 : i32
    %c0_i32_0 = arith.constant 0 : i32
    %c0_i32_1 = arith.constant 0 : i32
    return %c0_i32, %c0_i32_0 : i32, i32
  }
  func.func @transform_2(%arg0: i32) -> (i32, i32) {
    %c0_i32 = arith.constant 0 : i32
    %c0_i32_0 = arith.constant 0 : i32
    %c0_i32_1 = arith.constant 0 : i32
    return %c0_i32, %c0_i32_0 : i32, i32
  }
  func.func @transform_3(%arg0: i32) -> (i32, i32) {
    %c0_i32 = arith.constant 0 : i32
    %c0_i32_0 = arith.constant 0 : i32
    %c0_i32_1 = arith.constant 0 : i32
    return %c0_i32, %c0_i32_0 : i32, i32
  }
  func.func @transform_4(%arg0: i32) -> (i32, i32) {
    %c0_i32 = arith.constant 0 : i32
    %c0_i32_0 = arith.constant 0 : i32
    %c0_i32_1 = arith.constant 0 : i32
    return %c0_i32, %c0_i32_0 : i32, i32
  }
  func.func @transform_5(%arg0: i32) -> (i32, i32) {
    %c0_i32 = arith.constant 0 : i32
    %c0_i32_0 = arith.constant 0 : i32
    %c0_i32_1 = arith.constant 0 : i32
    return %c0_i32, %c0_i32_0 : i32, i32
  }
  func.func @transform_6(%arg0: i32) -> (i32, i32) {
    %c0_i32 = arith.constant 0 : i32
    %c0_i32_0 = arith.constant 0 : i32
    %c0_i32_1 = arith.constant 0 : i32
    return %c0_i32, %c0_i32_0 : i32, i32
  }
  func.func @transform_7(%arg0: i32) -> (i32, i32) {
    %c0_i32 = arith.constant 0 : i32
    %c0_i32_0 = arith.constant 0 : i32
    %c0_i32_1 = arith.constant 0 : i32
    return %c0_i32, %c0_i32_0 : i32, i32
  }
  func.func @transform_8(%arg0: i32) -> (i32, i32) {
    %c0_i32 = arith.constant 0 : i32
    %c0_i32_0 = arith.constant 0 : i32
    return %arg0, %c0_i32 : i32, i32
  }
}

module attributes {stable_mosaic.version = 14 : i64} {
  func.func @_node_body(%arg0: i32, %arg1: memref<1x2000x128xf32, #tpu.memory_space<vmem>>, %arg2: memref<1x2000x128xf32, #tpu.memory_space<vmem>>, %arg3: memref<1x2000x128xf32, #tpu.memory_space<vmem>>, %arg4: memref<1x2000x128xf32, #tpu.memory_space<vmem>>, %arg5: memref<2000x64xf32, #tpu.memory_space<vmem>>, %arg6: memref<192x64xf32, #tpu.memory_space<vmem>>, %arg7: memref<1x64xf32, #tpu.memory_space<vmem>>, %arg8: memref<64x128xf32, #tpu.memory_space<vmem>>, %arg9: memref<1x128xf32, #tpu.memory_space<vmem>>, %arg10: memref<2000x128xf32, #tpu.memory_space<vmem>>, %arg11: memref<2000x3xf32, #tpu.memory_space<vmem>>) attributes {dimension_semantics = [#tpu.dimension_semantics<arbitrary>], iteration_bounds = array<i64: 5>, scalar_prefetch = 0 : i64, scratch_operands = 0 : i64, tpu.core_type = #tpu.core_type<tc>, window_params = [{transform_indices = @transform_0, window_bounds = array<i64: 1, 2000, 128>}, {transform_indices = @transform_1, window_bounds = array<i64: 1, 2000, 128>}, {transform_indices = @transform_2, window_bounds = array<i64: 1, 2000, 128>}, {transform_indices = @transform_3, window_bounds = array<i64: 1, 2000, 128>}, {transform_indices = @transform_4, window_bounds = array<i64: 2000, 64>}, {pipeline_mode = #tpu.pipeline_mode<synchronous>, transform_indices = @transform_5, window_bounds = array<i64: 192, 64>}, {pipeline_mode = #tpu.pipeline_mode<synchronous>, transform_indices = @transform_6, window_bounds = array<i64: 1, 64>}, {pipeline_mode = #tpu.pipeline_mode<synchronous>, transform_indices = @transform_7, window_bounds = array<i64: 64, 128>}, {pipeline_mode = #tpu.pipeline_mode<synchronous>, transform_indices = @transform_8, window_bounds = array<i64: 1, 128>}, {transform_indices = @transform_9, window_bounds = array<i64: 2000, 128>}, {transform_indices = @transform_10, window_bounds = array<i64: 2000, 3>}]} {
    %get3A = arith.constant 0 : index
    %get3A_0 = arith.constant 0 : index
    %get3A_1 = arith.constant 0 : index
    %get3A_2 = vector.load %arg1[%get3A, %get3A_0, %get3A_1] : memref<1x2000x128xf32, #tpu.memory_space<vmem>>, vector<1x2000x128xf32>
    %get3A_3 = vector.shape_cast %get3A_2 : vector<1x2000x128xf32> to vector<2000x128xf32>
    %get3A_4 = arith.constant 0 : index
    %get3A_5 = arith.constant 0 : index
    %get3A_6 = arith.constant 0 : index
    %get3A_7 = vector.load %arg2[%get3A_4, %get3A_5, %get3A_6] : memref<1x2000x128xf32, #tpu.memory_space<vmem>>, vector<1x2000x128xf32>
    %get3A_8 = vector.shape_cast %get3A_7 : vector<1x2000x128xf32> to vector<2000x128xf32>
    %add3A = arith.addf %get3A_3, %get3A_8 : vector<2000x128xf32>
    %get3A_9 = arith.constant 0 : index
    %get3A_10 = arith.constant 0 : index
    %get3A_11 = arith.constant 0 : index
    %get3A_12 = vector.load %arg3[%get3A_9, %get3A_10, %get3A_11] : memref<1x2000x128xf32, #tpu.memory_space<vmem>>, vector<1x2000x128xf32>
    %get3A_13 = vector.shape_cast %get3A_12 : vector<1x2000x128xf32> to vector<2000x128xf32>
    %get3A_14 = arith.constant 0 : index
    %get3A_15 = arith.constant 0 : index
    %get3A_16 = arith.constant 0 : index
    %get3A_17 = vector.load %arg4[%get3A_14, %get3A_15, %get3A_16] : memref<1x2000x128xf32, #tpu.memory_space<vmem>>, vector<1x2000x128xf32>
    %get3A_18 = vector.shape_cast %get3A_17 : vector<1x2000x128xf32> to vector<2000x128xf32>
    %add3A_19 = arith.addf %get3A_13, %get3A_18 : vector<2000x128xf32>
    %add3A_20 = arith.addf %add3A, %add3A_19 : vector<2000x128xf32>
    %slice3A = vector.extract_strided_slice %add3A_20 {offsets = [0, 0], sizes = [2000, 64], strides = [1, 1]} : vector<2000x128xf32> to vector<2000x64xf32>
    %get3A_21 = arith.constant 0 : index
    %get3A_22 = arith.constant 0 : index
    %get3A_23 = vector.load %arg5[%get3A_21, %get3A_22] : memref<2000x64xf32, #tpu.memory_space<vmem>>, vector<2000x64xf32>
    %get3A_24 = arith.constant 128 : index
    %get3A_25 = arith.constant 0 : index
    %get3A_26 = vector.load %arg6[%get3A_24, %get3A_25] : memref<192x64xf32, #tpu.memory_space<vmem>>, vector<64x64xf32>
    %dot_general3A = arith.constant dense<0.000000e+00> : vector<2000x64xf32>
    %dot_general3A_27 = tpu.matmul %slice3A, %get3A_26, %dot_general3A {dimension_numbers = #tpu.dot_dimension_numbers<[1], [0], [0], [1], [0, 0, 1, 1], [], []>, transpose_lhs_hint = false} : vector<2000x64xf32>, vector<64x64xf32>, vector<2000x64xf32> -> vector<2000x64xf32>
    %add3A_28 = arith.addf %get3A_23, %dot_general3A_27 : vector<2000x64xf32>
    %get3A_29 = arith.constant 0 : index
    %get3A_30 = arith.constant 0 : index
    %get3A_31 = vector.load %arg7[%get3A_29, %get3A_30] : memref<1x64xf32, #tpu.memory_space<vmem>>, vector<1x64xf32>
    %add3A_32 = vector.broadcast %get3A_31 : vector<1x64xf32> to vector<2000x64xf32>
    %add3A_33 = arith.addf %add3A_28, %add3A_32 : vector<2000x64xf32>
    %max3A = arith.constant 0.000000e+00 : f32
    %max3A_34 = vector.broadcast %max3A : f32 to vector<2000x64xf32>
    %max3A_35 = arith.maximumf %add3A_33, %max3A_34 : vector<2000x64xf32>
    %get3A_36 = arith.constant 0 : index
    %get3A_37 = arith.constant 0 : index
    %get3A_38 = vector.load %arg8[%get3A_36, %get3A_37] : memref<64x128xf32, #tpu.memory_space<vmem>>, vector<64x128xf32>
    %dot_general3A_39 = arith.constant dense<0.000000e+00> : vector<2000x128xf32>
    %dot_general3A_40 = tpu.matmul %max3A_35, %get3A_38, %dot_general3A_39 {dimension_numbers = #tpu.dot_dimension_numbers<[1], [0], [0], [1], [0, 0, 1, 1], [], []>, transpose_lhs_hint = false} : vector<2000x64xf32>, vector<64x128xf32>, vector<2000x128xf32> -> vector<2000x128xf32>
    %get3A_41 = arith.constant 0 : index
    %get3A_42 = arith.constant 0 : index
    %get3A_43 = vector.load %arg9[%get3A_41, %get3A_42] : memref<1x128xf32, #tpu.memory_space<vmem>>, vector<1x128xf32>
    %add3A_44 = vector.broadcast %get3A_43 : vector<1x128xf32> to vector<2000x128xf32>
    %add3A_45 = arith.addf %dot_general3A_40, %add3A_44 : vector<2000x128xf32>
    %swap3A = arith.constant 0 : index
    %swap3A_46 = arith.constant 0 : index
    %swap3A_47 = vector.load %arg10[%swap3A, %swap3A_46] : memref<2000x128xf32, #tpu.memory_space<vmem>>, vector<2000x128xf32>
    tpu.vector_store %arg10[%swap3A, %swap3A_46], %add3A_45 {strides = array<i32>} : memref<2000x128xf32, #tpu.memory_space<vmem>>, vector<2000x128xf32>,
    %slice3A_48 = vector.extract_strided_slice %add3A_20 {offsets = [0, 64], sizes = [2000, 3], strides = [1, 1]} : vector<2000x128xf32> to vector<2000x3xf32>
    %slice3A_49 = vector.extract_strided_slice %add3A_20 {offsets = [0, 79], sizes = [2000, 1], strides = [1, 1]} : vector<2000x128xf32> to vector<2000x1xf32>
    %max3A_50 = arith.constant 1.000000e+00 : f32
    %max3A_51 = vector.broadcast %max3A_50 : f32 to vector<2000x1xf32>
    %max3A_52 = arith.maximumf %slice3A_49, %max3A_51 : vector<2000x1xf32>
    %div3A = vector.broadcast %max3A_52 : vector<2000x1xf32> to vector<2000x3xf32>
    %div3A_53 = arith.divf %slice3A_48, %div3A : vector<2000x3xf32>
    %swap3A_54 = arith.constant 0 : index
    %swap3A_55 = arith.constant 0 : index
    %swap3A_56 = vector.load %arg11[%swap3A_54, %swap3A_55] : memref<2000x3xf32, #tpu.memory_space<vmem>>, vector<2000x3xf32>
    tpu.vector_store %arg11[%swap3A_54, %swap3A_55], %div3A_53 {strides = array<i32>} : memref<2000x3xf32, #tpu.memory_space<vmem>>, vector<2000x3xf32>,
    return
  }
  func.func @transform_0(%arg0: i32) -> (i32, i32, i32) {
    %c0_i32 = arith.constant 0 : i32
    %c0_i32_0 = arith.constant 0 : i32
    %c0_i32_1 = arith.constant 0 : i32
    return %c0_i32, %arg0, %c0_i32_0 : i32, i32, i32
  }
  func.func @transform_1(%arg0: i32) -> (i32, i32, i32) {
    %c1_i32 = arith.constant 1 : i32
    %c0_i32 = arith.constant 0 : i32
    %c0_i32_0 = arith.constant 0 : i32
    return %c1_i32, %arg0, %c0_i32 : i32, i32, i32
  }
  func.func @transform_2(%arg0: i32) -> (i32, i32, i32) {
    %c0_i32 = arith.constant 0 : i32
    %c0_i32_0 = arith.constant 0 : i32
    %c0_i32_1 = arith.constant 0 : i32
    return %c0_i32, %arg0, %c0_i32_0 : i32, i32, i32
  }
  func.func @transform_3(%arg0: i32) -> (i32, i32, i32) {
    %c1_i32 = arith.constant 1 : i32
    %c0_i32 = arith.constant 0 : i32
    %c0_i32_0 = arith.constant 0 : i32
    return %c1_i32, %arg0, %c0_i32 : i32, i32, i32
  }
  func.func @transform_4(%arg0: i32) -> (i32, i32) {
    %c0_i32 = arith.constant 0 : i32
    %c0_i32_0 = arith.constant 0 : i32
    return %arg0, %c0_i32 : i32, i32
  }
  func.func @transform_5(%arg0: i32) -> (i32, i32) {
    %c0_i32 = arith.constant 0 : i32
    %c0_i32_0 = arith.constant 0 : i32
    %c0_i32_1 = arith.constant 0 : i32
    return %c0_i32, %c0_i32_0 : i32, i32
  }
  func.func @transform_6(%arg0: i32) -> (i32, i32) {
    %c0_i32 = arith.constant 0 : i32
    %c0_i32_0 = arith.constant 0 : i32
    %c0_i32_1 = arith.constant 0 : i32
    return %c0_i32, %c0_i32_0 : i32, i32
  }
  func.func @transform_7(%arg0: i32) -> (i32, i32) {
    %c0_i32 = arith.constant 0 : i32
    %c0_i32_0 = arith.constant 0 : i32
    %c0_i32_1 = arith.constant 0 : i32
    return %c0_i32, %c0_i32_0 : i32, i32
  }
  func.func @transform_8(%arg0: i32) -> (i32, i32) {
    %c0_i32 = arith.constant 0 : i32
    %c0_i32_0 = arith.constant 0 : i32
    %c0_i32_1 = arith.constant 0 : i32
    return %c0_i32, %c0_i32_0 : i32, i32
  }
  func.func @transform_9(%arg0: i32) -> (i32, i32) {
    %c0_i32 = arith.constant 0 : i32
    %c0_i32_0 = arith.constant 0 : i32
    return %arg0, %c0_i32 : i32, i32
  }
  func.func @transform_10(%arg0: i32) -> (i32, i32) {
    %c0_i32 = arith.constant 0 : i32
    %c0_i32_0 = arith.constant 0 : i32
    return %arg0, %c0_i32 : i32, i32
  }
}

</mosaic_0001>

<sc_bundles>
// kernel: kernel.10.cloned.1.call-start
scs
__scs_entry_jumppad:
0x0: {  	(pc) =	sbr.rel $0x88, $3  }
0x1: {  	(tag) =	ssettag $0x0;
	lr =	simm.s32 $0x1  }
0x2: {  	[smem:$0x3F8F] =	sst lr;
	_ =	strace $0xD0000000  }
0x3: {  	_ = 	snop  }
0x4: {  	_ = 	snop  }
0x5: {  	_ = 	snop  }
0x6: {  	_ = 	snop  }
0x7: {  	_ = 	snop  }
__scs_overlays_trampoline_lowered:
0x8: {  	[smem:$0x3F9E] =	sst s0  }
0x9: {  	[smem:$0x3F9F] =	sst s1  }
0xa: {  	[smem:$0x3FA0] =	sst s2  }
0xb: {  	[smem:$0x3FA1] =	sst s3  }
0xc: {  	[smem:$0x3FA2] =	sst s4  }
0xd: {  	[smem:$0x3FA3] =	sst s5  }
0xe: {  	[smem:$0x3FA4] =	sst s6  }
0xf: {  	[smem:$0x3FA5] =	sst s7  }
0x10: {  	[smem:$0x3FA6] =	sst s8  }
0x11: {  	[smem:$0x3FA7] =	sst s9;
	s0 =	simm.s32 @!p0 $0x0  }
0x12: {  	s1 =	sld [smem:$0x3F8D];
	s0 =	simm.s32 @p0 $0x1  }
0x13: {  	[smem:$0x3FA8] =	sst s0;
	s0 =	simm.s32 @!p1 $0x0  }
0x14: {  	s2 =	sld [smem:$0x3F8C];
	s0 =	simm.s32 @p1 $0x1  }
0x15: {  	[smem:$0x3FA9] =	sst s0;
	s0 =	simm.s32 @!p2 $0x0  }
0x16: {  	s3 =	sld [smem:$0x3FDB];
	s0 =	simm.s32 @p2 $0x1  }
0x17: {  	s4 =	simm.s32 $0x1BF5;
	[smem:$0x3FAB] =	sst s0  }
0x18: {  	s0 =	sld [smem:$0x3F8E];
	_ =	swait.ge [sflag:s4], $0x0  }
0x19: {  	s7 =	sld [smem:$0x3F8F]  }
0x1a: {  	s8 =	sadd.s32 $0xFFFFE003, lr  }
0x1b: {  	s9 =	sadd.s32 $0xFFFFFEF7, lr;
	s5 =	simm.s32 $0xFFFFFFFF;
	p2 =	slt.u32 s8, $0xFFFFF086  }
0x1c: {  	p1 =	slt.u32 s9, $0xF7A;
	s5 =	simm.s32 @!p2 $0x0  }
0x1d: {  	s5 =	simm.s32 @p1 $0x1;
	p0 =	seq.s32 s7, s2  }
0x1e: {  	s7 =	smul.u32 @!p0 $0xF7A, s2;
	p2 =	seq.s32 @!p0 s5, $0x0  }
0x1f: {  	s9 =	smul.u32 $0xF7A, s1;
	s8 =	simm.s32 @!p0 $0x1BF5;
	p2 =	por !p2, p0  }
0x20: {  	[sflag:s8] =	ssyncset.s32 @!p0 $0xFFFFF086;
	s6 =	sadd.s32 @!p0 s3, s7;
	s7 =	simm.s32 @!p0 $0x108  }
0x21: {  	s3 =	sadd.s32 s3, s9;
	s6 =	sadd.s32 @!p0 $0x88, s6;
	s7 =	simm.s32 @p2 $0x1082  }
0x22: {  	[simem:s7], [sflag:s8] =	dma.local @!p0 [hbm:s6], $0xF7A  }
0x23: {  	s9 =	sor.u32 $0xD0000000, s2;
	s6 =	simm.s32 $0x108;
	_ =	swait.ge @!p0 [sflag:s8], $0x0  }
0x24: {  	s3 =	sadd.s32 $0x88, s3;
	s6 =	simm.s32 @!p1 $0x1082;
	[sflag:s4] =	ssyncset.s32 $0xFFFFF086  }
0x25: {  	[simem:s6], [sflag:s4] =	dma.local [hbm:s3], $0xF7A  }
0x26: {  	[smem:$0x3F8F] =	sst s1;
	(tag) =	ssettag s2;
	_ =	strace s9  }
0x27: {  	s1 =	sld [smem:$0x3F9F]  }
0x28: {  	s2 =	sld [smem:$0x3FA0]  }
0x29: {  	s4 =	sld [smem:$0x3FA2]  }
0x2a: {  	p0 =	seq.s32 s5, $0x0;
	s5 =	sld [smem:$0x3FA3]  }
0x2b: {  	s6 =	sld [smem:$0x3FA4]  }
0x2c: {  	s7 =	sld [smem:$0x3FA5]  }
0x2d: {  	s3 =	simm.s32 $0x108;
	s8 =	sld [smem:$0x3FA6]  }
0x2e: {  	s3 =	simm.s32 @!p0 $0x1082;
	s9 =	sld [smem:$0x3FA7]  }
0x2f: {  	lr =	sadd.s32 s0, s3;
	s0 =	sld [smem:$0x3F9E]  }
0x30: {  	s3 =	sld [smem:$0x3FA1]  }
0x31: {  	[smem:$0x3FAA] =	sst s10  }
0x32: {  	s10 =	sld [smem:$0x3FA8];
	_ =	sdelay $0x3  }
0x33: {  	p0 =	seq.s32 s10, $0x1;
	s10 =	sld [smem:$0x3FAA];
	_ =	sdelay $0x3  }
0x34: {  	[smem:$0x3FAA] =	sst s10  }
0x35: {  	s10 =	sld [smem:$0x3FA9];
	_ =	sdelay $0x3  }
0x36: {  	p1 =	seq.s32 s10, $0x1;
	s10 =	sld [smem:$0x3FAA];
	_ =	sdelay $0x3  }
0x37: {  	[smem:$0x3FAA] =	sst s10  }
0x38: {  	s10 =	sld [smem:$0x3FAB]  }
0x39: {  	_ = 	snop;
	(pc) =	sbr.ind lr, $3  }
0x3a: {  	_ = 	snop  }
0x3b: {  	_ = 	snop  }
0x3c: {  	p2 =	seq.s32 s10, $0x1;
	s10 =	sld [smem:$0x3FAA]  }
0x3d: {  	_ =	shalt  }
0x3e: {  	_ =	shalt  }
0x3f: {  	_ =	shalt  }
0x40: {  	_ =	shalt  }
0x41: {  	_ =	shalt  }
0x42: {  	_ =	shalt  }
0x43: {  	_ =	shalt  }
0x44: {  	_ =	shalt  }
0x45: {  	_ =	shalt  }
0x46: {  	_ =	shalt  }
0x47: {  	_ =	shalt  }
0x48: {  	_ =	shalt  }
0x49: {  	_ =	shalt  }
0x4a: {  	_ =	shalt  }
0x4b: {  	_ =	shalt  }
0x4c: {  	_ =	shalt  }
0x4d: {  	_ =	shalt  }
0x4e: {  	_ =	shalt  }
0x4f: {  	_ =	shalt  }
0x50: {  	_ =	shalt  }
0x51: {  	_ =	shalt  }
0x52: {  	_ =	shalt  }
0x53: {  	_ =	shalt  }
0x54: {  	_ =	shalt  }
0x55: {  	_ =	shalt  }
0x56: {  	_ =	shalt  }
0x57: {  	_ =	shalt  }
0x58: {  	_ =	shalt  }
0x59: {  	_ =	shalt  }
0x5a: {  	_ =	shalt  }
0x5b: {  	_ =	shalt  }
0x5c: {  	_ =	shalt  }
0x5d: {  	_ =	shalt  }
0x5e: {  	_ =	shalt  }
0x5f: {  	_ =	shalt  }
0x60: {  	_ =	shalt  }
0x61: {  	_ =	shalt  }
0x62: {  	_ =	shalt  }
0x63: {  	_ =	shalt  }
0x64: {  	_ =	shalt  }
0x65: {  	_ =	shalt  }
0x66: {  	_ =	shalt  }
0x67: {  	_ =	shalt  }
0x68: {  	_ =	shalt  }
0x69: {  	_ =	shalt  }
0x6a: {  	_ =	shalt  }
0x6b: {  	_ =	shalt  }
0x6c: {  	_ =	shalt  }
0x6d: {  	_ =	shalt  }
0x6e: {  	_ =	shalt  }
0x6f: {  	_ =	shalt  }
0x70: {  	_ =	shalt  }
0x71: {  	_ =	shalt  }
0x72: {  	_ =	shalt  }
0x73: {  	_ =	shalt  }
0x74: {  	_ =	shalt  }
0x75: {  	_ =	shalt  }
0x76: {  	_ =	shalt  }
0x77: {  	_ =	shalt  }
0x78: {  	_ =	shalt  }
0x79: {  	_ =	shalt  }
0x7a: {  	_ =	shalt  }
0x7b: {  	_ =	shalt  }
0x7c: {  	_ =	shalt  }
0x7d: {  	_ =	shalt  }
0x7e: {  	_ =	shalt  }
0x7f: {  	_ =	shalt  }
0x80: {  	_ =	shalt  }
0x81: {  	_ =	shalt  }
0x82: {  	_ =	shalt  }
0x83: {  	_ =	shalt  }
0x84: {  	_ =	shalt  }
0x85: {  	_ =	shalt  }
0x86: {  	_ =	shalt  }
0x87: {  	_ =	shalt  }
.Lfunc_end0:
.L_simem_size_0:
called_computation_lowered:
.L_overlay_start_0:
0x88: {  	s2 =	sld [smem:$0x3FD9]  }
0x89: {  	s3 =	sld [smem:$0x3FFE];
	_ =	sdelay $0x1  }
0x8a: {  	s1 =	srdreg.scid  }
0x8b: {  	s0 =	sand.u32 $0x1, s1  }
0x8c: {  	s17 =	sshll.u32 s0, $0xA;
	s2 =	sadd.s32 s3, s2  }
0x8d: {  	s2 =	sadd.s32 s2, s17  }
0x8e: {  	[smem:$0x3FB6] =	sst s2  }
0x8f: {  	_ = 	snop  }
0x90: {  	(tm) =	ssettm $0x1  }
0x91: {  	s18 =	sld [smem:$0x3FFB];
	_ =	sdelay $0x3  }
0x92: {  	_ =	strace s18  }
0x93: {  	s2 =	sld [smem:$0x3FFC];
	_ =	sdelay $0x3  }
0x94: {  	_ =	strace s2  }
0x95: {  	s2 =	sld [smem:$0x3FFD];
	_ =	sdelay $0x3  }
0x96: {  	_ =	strace s2  }
0x97: {  	_ =	strace $0x8FFFFFFF  }
0x98: {  	s19 =	sld [smem:$0x3FDB];
	_ =	sdelay $0x1  }
0x99: {  	s20 =	simm.s32 $_scs_section_size  }
0x9a: {  	s4 =	simm.s32 $_size__tile_overlayer_lowered;
	s5 =	simm.s32 $_tile_overlayer_lowered  }
0x9b: {  	s6 =	simm.s32 $0x1BFF;
	s21 =	sshll.u32 s5, $0x1;
	s3 =	sadd.s32 s20, s19  }
0x9c: {  	s22 =	simm.s32 $0x0;
	s4 =	sshll.u32 s4, $0x1;
	s5 =	sadd.s32 s21, s3  }
0x9d: {  	[timem:s22], [sflag:s6] =	dma.local [hbm:s5], s4  }
0x9e: {  	_ =	swait.ge [sflag:s6], s4  }
0x9f: {  	s4 =	ssub.s32 $0x0, s4;
	[sflag:s6] =	ssyncset.done $0x0  }
0xa0: {  	[sflag:s6] =	ssyncadd.s32 s4;
	_ =	sdelay $0x1  }
0xa1: {  	s23 =	simm.s32 $0x1B8B  }
0xa2: {  	_ =	swait.ge [sflag:s23], $0x1  }
0xa3: {  	[sflag:s23] =	ssyncset.done $0x0  }
0xa4: {  	[sflag:s23] =	ssyncadd.s32 $0xFFFFFFFF  }
0xa5: {  	s4 =	sld [smem:$0x0]  }
0xa6: {  	s5 =	sand.u32 $0xFFFFFFFE, s1  }
0xa7: {  	p0 =	sne.s32 s1, s5  }
0xa8: {  	s5 =	sshll.u32 @p0 s5, $0xE  }
0xa9: {  	s5 =	sadd.s32 @p0 $0x11B8D, s5;
	s6 =	sshll.u32 @p0 s4, $0x11  }
0xaa: {  	s5 =	sor.u32 @p0 s6, s5  }
0xab: {  	[sflag:s5] =	ssyncadd.remote.s32 @p0 $0x1;
	_ =	sdelay $0x1  }
0xac: {  	s5 =	simm.s32 @p0 $0x1B8D  }
0xad: {  	_ =	swait.eq @p0 [sflag:s5], $0x1  }
0xae: {  	[sflag:s5] =	ssyncadd.s32 @p0 $0xFFFFFFFF  }
0xaf: {  	s6 =	sshll.u32 @!p0 s1, $0xE  }
0xb0: {  	s6 =	sor.u32 @!p0 $0x4000, s6;
	s5 =	simm.s32 @!p0 $0x1B8D  }
0xb1: {  	s4 =	sshll.u32 @!p0 s4, $0x11;
	s6 =	sadd.s32 @!p0 $0x11B8D, s6;
	_ =	swait.eq @!p0 [sflag:s5], $0x1  }
0xb2: {  	s4 =	sor.u32 @!p0 s4, s6;
	[sflag:s5] =	ssyncadd.s32 @!p0 $0xFFFFFFFF  }
0xb3: {  	s25 =	simm.s32 $0x1B8E;
	s24 =	sld [smem:$0x3FFE];
	[sflag:s4] =	ssyncadd.remote.s32 @!p0 $0x1  }
0xb4: {  	s26 =	simm.s32 $execute0_lowered;
	[smem:$0x3FD2] =	sst s25  }
0xb5: {  	s5 =	sshll.u32 s26, $0x1;
	_ =	strace $0x80000049;
	[dreg:$0x1] =	wrdreg $0xFFFFFFFF  }
0xb6: {  	s28 =	simm.s32 $_size_execute0_lowered;
	s3 =	sadd.s32 s3, s5;
	[dreg:$0x0] =	wrdreg $0x0  }
0xb7: {  	s5 =	sshll.u32 s28, $0x1;
	[dreg:$0x2] =	wrdreg s3  }
0xb8: {  	[dreg:$0x3] =	wrdreg s5  }
0xb9: {  	[dreg:$0x4] =	wrdreg $0xC0  }
0xba: {  	_ =	task [dreg:s22], $0x5FFFF  }
0xbb: {  	[dreg:$0x1] =	wrdreg $0xFFFFFFFF  }
0xbc: {  	[dreg:$0x0] =	wrdreg $0x60  }
0xbd: {  	[dreg:$0x2] =	wrdreg s24  }
0xbe: {  	[dreg:$0x3] =	wrdreg $0x9  }
0xbf: {  	_ =	task.clear_ibuf [dreg:s22], $0x4FFFF;
	_ =	strace $0x90000049  }
0xc0: {  	s29 =	simm.s32 $0x9;
	_ =	strace $0x8000004B  }
0xc1: {  	_ =	swait.ge [sflag:s29], $0x1  }
0xc2: {  	[sflag:s29] =	ssyncadd.s32 $0xFFFFFFFF  }
0xc3: {  	_ =	strace $0x9000004B  }
0xc4: {  	_ =	sfence  }
0xc5: {  	s30 =	sld [smem:$0x0];
	_ =	sdelay $0x2  }
0xc6: {  	s31 =	sshll.u32 s1, $0xD;
	s1 =	sshrl.u32 s1, $0x2  }
0xc7: {  	s4 =	sand.u32 $0x4000, s31;
	s1 =	sadd.s32 s1, s30  }
0xc8: {  	s0 =	sor.u32 s4, s0;
	s1 =	sshll.u32 s1, $0x11  }
0xc9: {  	s0 =	sor.u32 s1, s0  }
0xca: {  	s0 =	sadd.s32 $0x8F2B, s0  }
0xcb: {  	[sflag:s0] =	ssyncadd.remote.s32 $0x1  }
0xcc: {  	_ =	sfence.sel $0xFFFF  }
0xcd: {  	[dreg:$0x0] =	wrdreg $0xFFFFFFFF;
	(pc) =	sbr.abs _section_cstart, $3  }
0xce: {  	[dreg:$0x1] =	wrdreg $0xFFFFFFFF  }
0xcf: {  	_ =	task.clear_ibuf [dreg:s22], $0x2FFFF;
	_ =	strace $0x9FFFFFFF  }
0xd0: {  	(tm) =	ssettm $0x7FFFFFFF  }
0xd1: {  	_ =	shalt  }
tec
execute0_lowered:
.L_overlay_start_1:
0x0: {  	(tag) =	ssettag $0x1  }
0x1: {  	s0 =	rddreg [dreg:$0x0];
	s2 =	simm.s32 $0x0;
	s1 =	srdreg.scid  }
0x2: {  	s3 =	stileid.u32;
	s28 =	simm.s32 $0x13000;
	s29 =	simm.s32 $0x1  }
0x3: {  	s30 =	simm.s32 $0x3;
	s31 =	simm.s32 $0x2;
	[smem:$0x7FF] =	sst s2  }
0x4: {  	s1 =	sand.u32 $0x1, s1;
	s4 =	sshll.u32 s3, $0x1;
	s3 =	sadd.s32 $0x18000, s0  }
0x5: {  	s5 =	sadd.s32 $0xE200, s0;
	s6 =	sadd.s32 $0x4400, s0;
	s7 =	sadd.s32 $0x281600, s0  }
0x6: {  	_ =	strace $0x8000004A;
	s8 =	sor.u32 s1, s4;
	s1 =	ssub.s32 $0x2, s1  }
0x7: {  	s4 =	sadd.s32 $0x3F200, s0;
	s9 =	smul.u32 $0x2710, s8;
	s10 =	sshrl.u32 s1, $0x1  }
0x8: {  	s0 =	simm.s32 $0x4;
	s11 =	smul.u32 $0xBB800, s8;
	s19 =	ssub.s32 s1, s10  }
0x9: {  	s10 =	smul.u32 $0x1770, s8;
	s20 =	sshrl.u32 s9, $0x3;
	s22 =	sadd.s32 $0xC8, s9  }
0xa: {  	s25 =	sshrl.u32 s11, $0x3;
	s14 =	sadd.s32 $0x190, s9;
	s15 =	sadd.s32 $0x258, s9  }
0xb: {  	s18 =	smax.u32 s19, $0x1;
	s19 =	simm.s32 $0x5;
	s21 =	sadd.s32 s5, s20  }
0xc: {  	s1 =	sadd.s32 s6, s20;
	s23 =	sshrl.u32 s22, $0x3;
	s13 =	sadd.s32 $0xC8, s10  }
0xd: {  	s20 =	simm.s32 $0x100;
	s22 =	simm.s32 $0x200;
	[dreg:$0x2] =	wrdreg s21  }
0xe: {  	[dreg:$0x3] =	wrdreg s1;
	s24 =	sadd.s32 s5, s23;
	s1 =	sadd.s32 s6, s23  }
0xf: {  	s21 =	simm.s32 $0xC8;
	s23 =	simm.s32 $0x6600;
	[dreg:$0x4] =	wrdreg s24  }
0x10: {  	[dreg:$0x5] =	wrdreg s1;
	s1 =	sadd.s32 s7, s25;
	s24 =	simm.s32 $0xCA00  }
0x11: {  	s25 =	simm.s32 $0xCB00;
	s26 =	sadd.s32 $0x15E00, s1;
	s17 =	sadd.s32 $0x16A80, s1  }
0x12: {  	s1 =	simm.s32 $0x0;
	[dreg:$0x6] =	wrdreg s26;
	s26 =	simm.s32 $0xCC00  }
.LBB2_1:
0x13: {  	s8 =	rddreg [dreg:$0x2]  }
0x14: {  	[tilespmem:s2], [sflag:$0x5] =	stream.linear.gather [hbm4b:s8+s2], $0xC8, $0x38;
	[tilespmem:$0x19400] =	vst v63  }
0x15: {  	_ =	swait.ge [sflag:s19], $0xC8  }
0x16: {  	[sflag:s19] =	ssyncset.done $0x0  }
0x17: {  	s11 =	rddreg [dreg:$0x3];
	[sflag:s19] =	ssyncadd.s32 $0xFFFFFF38  }
0x18: {  	[tilespmem:s20], [sflag:$0x5] =	stream.linear.gather [hbm4b:s11+s2], $0xC8, $0x38;
	[tilespmem:$0x19400] =	vst v63  }
0x19: {  	_ =	swait.ge [sflag:s19], $0xC8  }
0x1a: {  	[sflag:s19] =	ssyncset.done $0x0  }
0x1b: {  	[sflag:s19] =	ssyncadd.s32 $0xFFFFFF38  }
0x1c: {  	[tilespmem:s22], [sflag:$0x1] =	stream.indirect.gather [hbm4b:s3+s21], $0x80, s2, s21, $0xb8;
	[tilespmem:$0x19400] =	vst v63  }
0x1d: {  	_ = 	snop  }
0x1e: {  	[tilespmem:s23], [sflag:$0x1] =	stream.indirect.gather [hbm4b:s4+s21], $0x80, s20, s21, $0xb8;
	[tilespmem:$0x19400] =	vst v63  }
0x1f: {  	s12 =	rddreg [dreg:$0x4]  }
0x20: {  	[tilespmem:s24], [sflag:$0x5] =	stream.linear.gather [hbm4b:s12+s2], $0xC8, $0x38;
	[tilespmem:$0x19400] =	vst v63  }
0x21: {  	_ =	swait.ge [sflag:s19], $0xC8  }
0x22: {  	[sflag:s19] =	ssyncset.done $0x0  }
0x23: {  	s16 =	rddreg [dreg:$0x5];
	[sflag:s19] =	ssyncadd.s32 $0xFFFFFF38  }
0x24: {  	[tilespmem:s25], [sflag:$0x5] =	stream.linear.gather [hbm4b:s16+s2], $0xC8, $0x38;
	[tilespmem:$0x19400] =	vst v63  }
0x25: {  	_ =	swait.ge [sflag:s19], $0xC8  }
0x26: {  	[sflag:s19] =	ssyncset.done $0x0  }
0x27: {  	[sflag:s19] =	ssyncadd.s32 $0xFFFFFF38  }
0x28: {  	[tilespmem:s26], [sflag:$0x2] =	stream.indirect.gather [hbm4b:s3+s21], $0x80, s24, s21, $0xb8;
	[tilespmem:$0x19400] =	vst v63  }
0x29: {  	s8 =	simm.s32 $0x0  }
0x2a: {  	[tilespmem:s28], [sflag:$0x2] =	stream.indirect.gather [hbm4b:s4+s21], $0x80, s25, s21, $0xb8;
	[tilespmem:$0x19400] =	vst v63  }
.LBB2_2:
0x2b: {  	_ =	swait.ge [sflag:s29], $0x6400  }
0x2c: {  	[sflag:s29] =	ssyncset.done $0x0  }
0x2d: {  	[sflag:s29] =	ssyncadd.s32 $0xFFFF9C00  }
0x2e: {  	_ =	swait.ge [sflag:s29], $0x6400  }
0x2f: {  	[sflag:s29] =	ssyncset.done $0x0  }
0x30: {  	s11 =	simm.s32 $0x0;
	[sflag:s29] =	ssyncadd.s32 $0xFFFF9C00  }
0x31: {  	v6 =	vld [tilespmem:s11+$0x200]  }
0x32: {  	v11 =	vld [tilespmem:s11+$0x210]  }
0x33: {  	v5 =	vld [tilespmem:s11+$0x220]  }
0x34: {  	v4 =	vld [tilespmem:s11+$0x230]  }
0x35: {  	v3 =	vld [tilespmem:s11+$0x240]  }
0x36: {  	v2 =	vld [tilespmem:s11+$0x250]  }
0x37: {  	v1 =	vld [tilespmem:s11+$0x260]  }
0x38: {  	v0 =	vld [tilespmem:s11+$0x270]  }
0x39: {  	v12 =	vld [tilespmem:s11+$0x6600]  }
0x3a: {  	v13 =	vld [tilespmem:s11+$0x6610]  }
0x3b: {  	v10 =	vld [tilespmem:s11+$0x6620]  }
0x3c: {  	v9 =	vld [tilespmem:s11+$0x6630]  }
0x3d: {  	v8 =	vld [tilespmem:s11+$0x6640]  }
0x3e: {  	v7 =	vld [tilespmem:s11+$0x6650];
	v12 =	vadd.f32 v12, v6  }
0x3f: {  	s9 =	simm.s32 $0x200;
	v11 =	vadd.f32 v13, v11;
	v6 =	vld [tilespmem:s11+$0x6660]  }
.LBB2_3:
0x40: {  	s12 =	sshra.s32 s9, $0x2;
	p0 =	sne.s32 s9, $0x18E00;
	[tilespmem:s11+$0x6600] =	vst v12;
	v5 =	vadd.f32 v10, v5;
	v10 =	vld [tilespmem:s11+$0x6670]  }
0x41: {  	v12 =	vld [tilespmem:s12+$0x200];
	[tilespmem:s11+$0x6610] =	vst v11;
	v4 =	vadd.f32 v9, v4  }
0x42: {  	v11 =	vld [tilespmem:s12+$0x210];
	[tilespmem:s11+$0x6620] =	vst v5;
	v3 =	vadd.f32 v8, v3  }
0x43: {  	v5 =	vld [tilespmem:s12+$0x220];
	[tilespmem:s11+$0x6630] =	vst v4;
	v2 =	vadd.f32 v7, v2  }
0x44: {  	v4 =	vld [tilespmem:s12+$0x230];
	[tilespmem:s11+$0x6640] =	vst v3;
	v1 =	vadd.f32 v6, v1  }
0x45: {  	v3 =	vld [tilespmem:s12+$0x240];
	[tilespmem:s11+$0x6650] =	vst v2;
	v0 =	vadd.f32 v10, v0  }
0x46: {  	v2 =	vld [tilespmem:s12+$0x250];
	[tilespmem:s11+$0x6660] =	vst v1  }
0x47: {  	v1 =	vld [tilespmem:s12+$0x260];
	[tilespmem:s11+$0x6670] =	vst v0;
	s11 =	smov.u32 s12  }
0x48: {  	v0 =	vld [tilespmem:s11+$0x270]  }
0x49: {  	v6 =	vld [tilespmem:s11+$0x6600]  }
0x4a: {  	v13 =	vld [tilespmem:s11+$0x6610]  }
.Ltmp0:
0x4b: {  	v10 =	vld [tilespmem:s11+$0x6620];
	(pc) =	sbr.rel @p0 .LBB2_3-.Ltmp0, $4  }
0x4c: {  	v9 =	vld [tilespmem:s11+$0x6630]  }
0x4d: {  	v8 =	vld [tilespmem:s11+$0x6640]  }
0x4e: {  	v12 =	vadd.f32 v6, v12;
	v7 =	vld [tilespmem:s11+$0x6650]  }
0x4f: {  	s9 =	sadd.s32 $0x200, s9;
	v11 =	vadd.f32 v13, v11;
	v6 =	vld [tilespmem:s11+$0x6660]  }
0x50: {  	[tilespmem:s11+$0x6600] =	vst v12;
	v5 =	vadd.f32 v10, v5;
	v10 =	vld [tilespmem:s11+$0x6670]  }
0x51: {  	[tilespmem:s11+$0x6610] =	vst v11;
	v4 =	vadd.f32 v9, v4  }
0x52: {  	[tilespmem:s11+$0x6620] =	vst v5;
	v3 =	vadd.f32 v8, v3  }
0x53: {  	s9 =	smul.u32 $0x190, s8;
	[tilespmem:s11+$0x6630] =	vst v4;
	v2 =	vadd.f32 v7, v2  }
0x54: {  	[tilespmem:s11+$0x6640] =	vst v3;
	v1 =	vadd.f32 v6, v1  }
0x55: {  	s12 =	sadd.s32 s10, s9;
	[tilespmem:s11+$0x6650] =	vst v2;
	v0 =	vadd.f32 v10, v0  }
0x56: {  	s12 =	sshll.u32 s12, $0x4;
	[tilespmem:s11+$0x6660] =	vst v1  }
0x57: {  	s16 =	sadd.s32 s7, s12;
	s12 =	simm.s32 $0x0;
	[tilespmem:s11+$0x6670] =	vst v0  }
0x58: {  	[hbm4b:s16+s12] =	stream.linear.scatter [tilespmem:s23], [sflag:$0x3], $0x6400, $0x38;
	[tilespmem:$0x19400] =	vst v63  }
0x59: {  	s16 =	sadd.s32 s9, s14  }
0x5a: {  	s11 =	sshrl.u32 s16, $0x3  }
0x5b: {  	s16 =	sadd.s32 s5, s11  }
0x5c: {  	[tilespmem:s12], [sflag:$0x5] =	stream.linear.gather [hbm4b:s16+s12], $0xC8, $0x38;
	[tilespmem:$0x19400] =	vst v63  }
0x5d: {  	_ =	swait.ge [sflag:s19], $0xC8  }
0x5e: {  	[sflag:s19] =	ssyncset.done $0x0  }
0x5f: {  	s11 =	sadd.s32 s6, s11;
	[sflag:s19] =	ssyncadd.s32 $0xFFFFFF38  }
0x60: {  	[tilespmem:s20], [sflag:$0x5] =	stream.linear.gather [hbm4b:s11+s12], $0xC8, $0x38;
	[tilespmem:$0x19400] =	vst v63  }
0x61: {  	_ =	swait.ge [sflag:s19], $0xC8  }
0x62: {  	[sflag:s19] =	ssyncset.done $0x0  }
0x63: {  	[sflag:s19] =	ssyncadd.s32 $0xFFFFFF38  }
0x64: {  	_ =	swait.ge [sflag:s30], $0x6400  }
0x65: {  	[sflag:s30] =	ssyncset.done $0x0  }
0x66: {  	[sflag:s30] =	ssyncadd.s32 $0xFFFF9C00  }
0x67: {  	[tilespmem:s22], [sflag:$0x1] =	stream.indirect.gather [hbm4b:s3+s21], $0x80, s12, s21, $0xb8;
	[tilespmem:$0x19400] =	vst v63  }
0x68: {  	_ = 	snop  }
0x69: {  	[tilespmem:s23], [sflag:$0x1] =	stream.indirect.gather [hbm4b:s4+s21], $0x80, s20, s21, $0xb8;
	[tilespmem:$0x19400] =	vst v63  }
0x6a: {  	_ =	swait.ge [sflag:s31], $0x6400  }
0x6b: {  	[sflag:s31] =	ssyncset.done $0x0  }
0x6c: {  	[sflag:s31] =	ssyncadd.s32 $0xFFFF9C00  }
0x6d: {  	_ =	swait.ge [sflag:s31], $0x6400  }
0x6e: {  	[sflag:s31] =	ssyncset.done $0x0  }
0x6f: {  	s11 =	simm.s32 $0x0;
	[sflag:s31] =	ssyncadd.s32 $0xFFFF9C00  }
0x70: {  	v7 =	vld [tilespmem:s11+$0xCC00]  }
0x71: {  	v11 =	vld [tilespmem:s11+$0xCC10]  }
0x72: {  	v5 =	vld [tilespmem:s11+$0xCC20]  }
0x73: {  	v4 =	vld [tilespmem:s11+$0xCC30]  }
0x74: {  	v3 =	vld [tilespmem:s11+$0xCC40]  }
0x75: {  	v2 =	vld [tilespmem:s11+$0xCC50]  }
0x76: {  	v1 =	vld [tilespmem:s11+$0xCC60]  }
0x77: {  	v0 =	vld [tilespmem:s11+$0xCC70]  }
0x78: {  	v12 =	vld [tilespmem:s11+$0x13000]  }
0x79: {  	v13 =	vld [tilespmem:s11+$0x13010]  }
0x7a: {  	v10 =	vld [tilespmem:s11+$0x13020]  }
0x7b: {  	v9 =	vld [tilespmem:s11+$0x13030]  }
0x7c: {  	v8 =	vld [tilespmem:s11+$0x13040]  }
0x7d: {  	v6 =	vld [tilespmem:s11+$0x13050];
	v12 =	vadd.f32 v12, v7  }
0x7e: {  	s12 =	simm.s32 $0x200;
	v11 =	vadd.f32 v13, v11;
	v7 =	vld [tilespmem:s11+$0x13060]  }
.LBB2_5:
0x7f: {  	s16 =	sshra.s32 s12, $0x2;
	p0 =	sne.s32 s12, $0x18E00;
	[tilespmem:s11+$0x13000] =	vst v12;
	v5 =	vadd.f32 v10, v5;
	v10 =	vld [tilespmem:s11+$0x13070]  }
0x80: {  	v12 =	vld [tilespmem:s16+$0xCC00];
	[tilespmem:s11+$0x13010] =	vst v11;
	v4 =	vadd.f32 v9, v4  }
0x81: {  	v11 =	vld [tilespmem:s16+$0xCC10];
	[tilespmem:s11+$0x13020] =	vst v5;
	v3 =	vadd.f32 v8, v3  }
0x82: {  	v5 =	vld [tilespmem:s16+$0xCC20];
	[tilespmem:s11+$0x13030] =	vst v4;
	v2 =	vadd.f32 v6, v2  }
0x83: {  	v4 =	vld [tilespmem:s16+$0xCC30];
	[tilespmem:s11+$0x13040] =	vst v3;
	v1 =	vadd.f32 v7, v1  }
0x84: {  	v3 =	vld [tilespmem:s16+$0xCC40];
	[tilespmem:s11+$0x13050] =	vst v2;
	v0 =	vadd.f32 v10, v0  }
0x85: {  	v2 =	vld [tilespmem:s16+$0xCC50];
	[tilespmem:s11+$0x13060] =	vst v1  }
0x86: {  	v1 =	vld [tilespmem:s16+$0xCC60];
	[tilespmem:s11+$0x13070] =	vst v0;
	s11 =	smov.u32 s16  }
0x87: {  	v0 =	vld [tilespmem:s11+$0xCC70]  }
0x88: {  	v6 =	vld [tilespmem:s11+$0x13000]  }
0x89: {  	v7 =	vld [tilespmem:s11+$0x13010]  }
.Ltmp1:
0x8a: {  	v10 =	vld [tilespmem:s11+$0x13020];
	(pc) =	sbr.rel @p0 .LBB2_5-.Ltmp1, $4  }
0x8b: {  	v9 =	vld [tilespmem:s11+$0x13030]  }
0x8c: {  	v8 =	vld [tilespmem:s11+$0x13040]  }
0x8d: {  	v12 =	vadd.f32 v6, v12;
	v6 =	vld [tilespmem:s11+$0x13050]  }
0x8e: {  	s12 =	sadd.s32 $0x200, s12;
	v11 =	vadd.f32 v7, v11;
	v7 =	vld [tilespmem:s11+$0x13060]  }
0x8f: {  	[tilespmem:s11+$0x13000] =	vst v12;
	v5 =	vadd.f32 v10, v5;
	v63 =	vld [tilespmem:s11+$0x13070]  }
0x90: {  	[tilespmem:s11+$0x13010] =	vst v11;
	v4 =	vadd.f32 v9, v4  }
0x91: {  	[tilespmem:s11+$0x13020] =	vst v5;
	v3 =	vadd.f32 v8, v3  }
0x92: {  	[tilespmem:s11+$0x13030] =	vst v4;
	v2 =	vadd.f32 v6, v2  }
0x93: {  	s12 =	sadd.s32 s13, s9;
	[tilespmem:s11+$0x13040] =	vst v3;
	v1 =	vadd.f32 v7, v1  }
0x94: {  	s12 =	sshll.u32 s12, $0x4;
	[tilespmem:s11+$0x13050] =	vst v2;
	v0 =	vadd.f32 v63, v0  }
0x95: {  	s16 =	sadd.s32 s7, s12;
	s12 =	sadd.s32 s9, s15;
	[tilespmem:s11+$0x13060] =	vst v1  }
0x96: {  	s9 =	sshrl.u32 s12, $0x3;
	[tilespmem:s11+$0x13070] =	vst v0  }
0x97: {  	[hbm4b:s16+s2] =	stream.linear.scatter [tilespmem:s28], [sflag:$0x4], $0x6400, $0x38;
	[tilespmem:$0x19400] =	vst v63  }
0x98: {  	s16 =	sadd.s32 s5, s9  }
0x99: {  	[tilespmem:s24], [sflag:$0x5] =	stream.linear.gather [hbm4b:s16+s2], $0xC8, $0x38;
	[tilespmem:$0x19400] =	vst v63  }
0x9a: {  	_ =	swait.ge [sflag:s19], $0xC8  }
0x9b: {  	[sflag:s19] =	ssyncset.done $0x0  }
0x9c: {  	s9 =	sadd.s32 s6, s9;
	[sflag:s19] =	ssyncadd.s32 $0xFFFFFF38  }
0x9d: {  	[tilespmem:s25], [sflag:$0x5] =	stream.linear.gather [hbm4b:s9+s2], $0xC8, $0x38;
	[tilespmem:$0x19400] =	vst v63  }
0x9e: {  	_ =	swait.ge [sflag:s19], $0xC8  }
0x9f: {  	[sflag:s19] =	ssyncset.done $0x0  }
0xa0: {  	s8 =	sadd.s32 $0x1, s8;
	[sflag:s19] =	ssyncadd.s32 $0xFFFFFF38  }
0xa1: {  	p0 =	sne.s32 s8, $0xE;
	_ =	swait.ge [sflag:s0], $0x6400  }
.Ltmp2:
0xa2: {  	[sflag:s0] =	ssyncset.done $0x0;
	(pc) =	sbr.rel @p0 .LBB2_2-.Ltmp2, $4  }
0xa3: {  	[sflag:s0] =	ssyncadd.s32 $0xFFFF9C00  }
0xa4: {  	[tilespmem:s26], [sflag:$0x2] =	stream.indirect.gather [hbm4b:s3+s21], $0x80, s24, s21, $0xb8;
	[tilespmem:$0x19400] =	vst v63  }
0xa5: {  	_ = 	snop  }
0xa6: {  	[tilespmem:s28], [sflag:$0x2] =	stream.indirect.gather [hbm4b:s4+s21], $0x80, s25, s21, $0xb8;
	[tilespmem:$0x19400] =	vst v63  }
0xa7: {  	_ =	swait.ge [sflag:s29], $0x6400  }
0xa8: {  	[sflag:s29] =	ssyncset.done $0x0  }
0xa9: {  	[sflag:s29] =	ssyncadd.s32 $0xFFFF9C00  }
0xaa: {  	_ =	swait.ge [sflag:s29], $0x6400  }
0xab: {  	[sflag:s29] =	ssyncset.done $0x0  }
0xac: {  	s8 =	simm.s32 $0x0;
	[sflag:s29] =	ssyncadd.s32 $0xFFFF9C00  }
0xad: {  	v7 =	vld [tilespmem:s8+$0x200]  }
0xae: {  	v11 =	vld [tilespmem:s8+$0x210]  }
0xaf: {  	v5 =	vld [tilespmem:s8+$0x220]  }
0xb0: {  	v4 =	vld [tilespmem:s8+$0x230]  }
0xb1: {  	v3 =	vld [tilespmem:s8+$0x240]  }
0xb2: {  	v2 =	vld [tilespmem:s8+$0x250]  }
0xb3: {  	v1 =	vld [tilespmem:s8+$0x260]  }
0xb4: {  	v0 =	vld [tilespmem:s8+$0x270]  }
0xb5: {  	v12 =	vld [tilespmem:s8+$0x6600]  }
0xb6: {  	v13 =	vld [tilespmem:s8+$0x6610]  }
0xb7: {  	v10 =	vld [tilespmem:s8+$0x6620]  }
0xb8: {  	v9 =	vld [tilespmem:s8+$0x6630]  }
0xb9: {  	v8 =	vld [tilespmem:s8+$0x6640]  }
0xba: {  	v6 =	vld [tilespmem:s8+$0x6650];
	v12 =	vadd.f32 v12, v7  }
0xbb: {  	s9 =	simm.s32 $0x200;
	v11 =	vadd.f32 v13, v11;
	v7 =	vld [tilespmem:s8+$0x6660]  }
.LBB2_8:
0xbc: {  	s11 =	sshra.s32 s9, $0x2;
	p0 =	sne.s32 s9, $0x18E00;
	[tilespmem:s8+$0x6600] =	vst v12;
	v5 =	vadd.f32 v10, v5;
	v10 =	vld [tilespmem:s8+$0x6670]  }
0xbd: {  	v12 =	vld [tilespmem:s11+$0x200];
	[tilespmem:s8+$0x6610] =	vst v11;
	v4 =	vadd.f32 v9, v4  }
0xbe: {  	v11 =	vld [tilespmem:s11+$0x210];
	[tilespmem:s8+$0x6620] =	vst v5;
	v3 =	vadd.f32 v8, v3  }
0xbf: {  	v5 =	vld [tilespmem:s11+$0x220];
	[tilespmem:s8+$0x6630] =	vst v4;
	v2 =	vadd.f32 v6, v2  }
0xc0: {  	v4 =	vld [tilespmem:s11+$0x230];
	[tilespmem:s8+$0x6640] =	vst v3;
	v1 =	vadd.f32 v7, v1  }
0xc1: {  	v3 =	vld [tilespmem:s11+$0x240];
	[tilespmem:s8+$0x6650] =	vst v2;
	v0 =	vadd.f32 v10, v0  }
0xc2: {  	v2 =	vld [tilespmem:s11+$0x250];
	[tilespmem:s8+$0x6660] =	vst v1  }
0xc3: {  	v1 =	vld [tilespmem:s11+$0x260];
	[tilespmem:s8+$0x6670] =	vst v0;
	s8 =	smov.u32 s11  }
0xc4: {  	v0 =	vld [tilespmem:s8+$0x270]  }
0xc5: {  	v6 =	vld [tilespmem:s8+$0x6600]  }
0xc6: {  	v7 =	vld [tilespmem:s8+$0x6610]  }
.Ltmp3:
0xc7: {  	v10 =	vld [tilespmem:s8+$0x6620];
	(pc) =	sbr.rel @p0 .LBB2_8-.Ltmp3, $4  }
0xc8: {  	v9 =	vld [tilespmem:s8+$0x6630]  }
0xc9: {  	v8 =	vld [tilespmem:s8+$0x6640]  }
0xca: {  	v12 =	vadd.f32 v6, v12;
	v6 =	vld [tilespmem:s8+$0x6650]  }
0xcb: {  	s9 =	sadd.s32 $0x200, s9;
	v11 =	vadd.f32 v7, v11;
	v7 =	vld [tilespmem:s8+$0x6660]  }
0xcc: {  	[tilespmem:s8+$0x6600] =	vst v12;
	v5 =	vadd.f32 v10, v5;
	v10 =	vld [tilespmem:s8+$0x6670]  }
0xcd: {  	[tilespmem:s8+$0x6610] =	vst v11;
	v4 =	vadd.f32 v9, v4  }
0xce: {  	[tilespmem:s8+$0x6620] =	vst v5;
	v3 =	vadd.f32 v8, v3  }
0xcf: {  	[tilespmem:s8+$0x6630] =	vst v4;
	v2 =	vadd.f32 v6, v2  }
0xd0: {  	[tilespmem:s8+$0x6640] =	vst v3;
	v1 =	vadd.f32 v7, v1  }
0xd1: {  	[tilespmem:s8+$0x6650] =	vst v2;
	v0 =	vadd.f32 v10, v0  }
0xd2: {  	[tilespmem:s8+$0x6660] =	vst v1  }
0xd3: {  	s16 =	simm.s32 $0x0;
	s9 =	rddreg [dreg:$0x6];
	[tilespmem:s8+$0x6670] =	vst v0  }
0xd4: {  	[hbm4b:s9+s16] =	stream.linear.scatter [tilespmem:s23], [sflag:$0x3], $0x6400, $0x38;
	[tilespmem:$0x19400] =	vst v63  }
0xd5: {  	_ =	swait.ge [sflag:s31], $0x6400  }
0xd6: {  	[sflag:s31] =	ssyncset.done $0x0  }
0xd7: {  	[sflag:s31] =	ssyncadd.s32 $0xFFFF9C00  }
0xd8: {  	_ =	swait.ge [sflag:s31], $0x6400  }
0xd9: {  	[sflag:s31] =	ssyncset.done $0x0  }
0xda: {  	s8 =	simm.s32 $0x0;
	[sflag:s31] =	ssyncadd.s32 $0xFFFF9C00  }
0xdb: {  	v7 =	vld [tilespmem:s8+$0xCC00]  }
0xdc: {  	v11 =	vld [tilespmem:s8+$0xCC10]  }
0xdd: {  	v5 =	vld [tilespmem:s8+$0xCC20]  }
0xde: {  	v4 =	vld [tilespmem:s8+$0xCC30]  }
0xdf: {  	v3 =	vld [tilespmem:s8+$0xCC40]  }
0xe0: {  	v2 =	vld [tilespmem:s8+$0xCC50]  }
0xe1: {  	v1 =	vld [tilespmem:s8+$0xCC60]  }
0xe2: {  	v0 =	vld [tilespmem:s8+$0xCC70]  }
0xe3: {  	v12 =	vld [tilespmem:s8+$0x13000]  }
0xe4: {  	v13 =	vld [tilespmem:s8+$0x13010]  }
0xe5: {  	v10 =	vld [tilespmem:s8+$0x13020]  }
0xe6: {  	v9 =	vld [tilespmem:s8+$0x13030]  }
0xe7: {  	v8 =	vld [tilespmem:s8+$0x13040]  }
0xe8: {  	v6 =	vld [tilespmem:s8+$0x13050];
	v12 =	vadd.f32 v12, v7  }
0xe9: {  	s9 =	simm.s32 $0x200;
	v11 =	vadd.f32 v13, v11;
	v7 =	vld [tilespmem:s8+$0x13060]  }
.LBB2_10:
0xea: {  	s11 =	sshra.s32 s9, $0x2;
	p0 =	sne.s32 s9, $0x18E00;
	[tilespmem:s8+$0x13000] =	vst v12;
	v5 =	vadd.f32 v10, v5;
	v10 =	vld [tilespmem:s8+$0x13070]  }
0xeb: {  	v12 =	vld [tilespmem:s11+$0xCC00];
	[tilespmem:s8+$0x13010] =	vst v11;
	v4 =	vadd.f32 v9, v4  }
0xec: {  	v11 =	vld [tilespmem:s11+$0xCC10];
	[tilespmem:s8+$0x13020] =	vst v5;
	v3 =	vadd.f32 v8, v3  }
0xed: {  	v5 =	vld [tilespmem:s11+$0xCC20];
	[tilespmem:s8+$0x13030] =	vst v4;
	v2 =	vadd.f32 v6, v2  }
0xee: {  	v4 =	vld [tilespmem:s11+$0xCC30];
	[tilespmem:s8+$0x13040] =	vst v3;
	v1 =	vadd.f32 v7, v1  }
0xef: {  	v3 =	vld [tilespmem:s11+$0xCC40];
	[tilespmem:s8+$0x13050] =	vst v2;
	v0 =	vadd.f32 v10, v0  }
0xf0: {  	v2 =	vld [tilespmem:s11+$0xCC50];
	[tilespmem:s8+$0x13060] =	vst v1  }
0xf1: {  	v1 =	vld [tilespmem:s11+$0xCC60];
	[tilespmem:s8+$0x13070] =	vst v0;
	s8 =	smov.u32 s11  }
0xf2: {  	v0 =	vld [tilespmem:s8+$0xCC70]  }
0xf3: {  	v6 =	vld [tilespmem:s8+$0x13000]  }
0xf4: {  	v7 =	vld [tilespmem:s8+$0x13010]  }
.Ltmp4:
0xf5: {  	v10 =	vld [tilespmem:s8+$0x13020];
	(pc) =	sbr.rel @p0 .LBB2_10-.Ltmp4, $4  }
0xf6: {  	v9 =	vld [tilespmem:s8+$0x13030]  }
0xf7: {  	v8 =	vld [tilespmem:s8+$0x13040]  }
0xf8: {  	v12 =	vadd.f32 v6, v12;
	v6 =	vld [tilespmem:s8+$0x13050]  }
0xf9: {  	s9 =	sadd.s32 $0x200, s9;
	v11 =	vadd.f32 v7, v11;
	v7 =	vld [tilespmem:s8+$0x13060]  }
0xfa: {  	[tilespmem:s8+$0x13000] =	vst v12;
	v5 =	vadd.f32 v10, v5;
	v63 =	vld [tilespmem:s8+$0x13070]  }
0xfb: {  	[tilespmem:s8+$0x13010] =	vst v11;
	v4 =	vadd.f32 v9, v4  }
0xfc: {  	[tilespmem:s8+$0x13020] =	vst v5;
	v3 =	vadd.f32 v8, v3  }
0xfd: {  	[tilespmem:s8+$0x13030] =	vst v4;
	v2 =	vadd.f32 v6, v2  }
0xfe: {  	[tilespmem:s8+$0x13040] =	vst v3;
	v1 =	vadd.f32 v7, v1  }
0xff: {  	[tilespmem:s8+$0x13050] =	vst v2;
	v0 =	vadd.f32 v63, v0  }
0x100: {  	[tilespmem:s8+$0x13060] =	vst v1  }
0x101: {  	s1 =	sadd.s32 $0x1, s1;
	[tilespmem:s8+$0x13070] =	vst v0  }
0x102: {  	[hbm4b:s17+s2] =	stream.linear.scatter [tilespmem:s28], [sflag:$0x4], $0x6400, $0x38;
	[tilespmem:$0x19400] =	vst v63  }
0x103: {  	p0 =	sne.s32 s1, s18;
	_ =	swait.ge [sflag:s30], $0x6400  }
.Ltmp5:
0x104: {  	[sflag:s30] =	ssyncset.done $0x0;
	(pc) =	sbr.rel @p0 .LBB2_1-.Ltmp5, $4  }
0x105: {  	[sflag:s30] =	ssyncadd.s32 $0xFFFF9C00  }
0x106: {  	_ =	swait.ge [sflag:s0], $0x6400  }
0x107: {  	[sflag:s0] =	ssyncset.done $0x0  }
0x108: {  	[sflag:s0] =	ssyncadd.s32 $0xFFFF9C00  }
0x109: {  	_ =	sfence.sel $0x180000  }
0x10a: {  	[bflag:$0x0] =	sbarrier.arrive $0xFFFF  }
0x10b: {  	_ =	strace $0x9000004A  }
0x10c: {  	s0 =	stileid.u32;
	[bflag:$0x2] =	sbarrier.arrive $0xFFFF  }
0x10d: {  	p0 =	sne.s32 s0, $0x0;
	s0 =	rddreg [dreg:$0x1]  }
0x10e: {  	s0 =	sadd.s32 @!p0 $0x100000, s0  }
0x10f: {  	[sflag:s0] =	ssyncadd.tile.s32 @!p0 $0x1;
	_ =	shalt  }
.Lfunc_end2:
_tile_overlayer_lowered:
.L_overlay_start_2:
0x110: {  	(tag) =	ssettag $0x2  }
0x111: {  	s0 =	rddreg [dreg:$0x0];
	s2 =	stileid.u32  }
0x112: {  	s1 =	rddreg [dreg:$0x1];
	p0 =	sne.s32 s2, $0x0  }
0x113: {  	s3 =	rddreg [dreg:$0x2];
	[bflag:$0x3] =	sbarrier.arrive $0xFFFF;
	s2 =	simm.s32 @!p0 $0x1C05  }
0x114: {  	[timem:s3], [sflag:s2] =	dma.local @!p0 [hbm:s0], s1  }
0x115: {  	s0 =	simm.s32 @!p0 $0x5  }
0x116: {  	_ =	swait.ge @!p0 [sflag:s0], s1  }
0x117: {  	s1 =	ssub.s32 @!p0 $0x0, s1;
	[sflag:s0] =	ssyncset.done @!p0 $0x0  }
0x118: {  	[sflag:s0] =	ssyncadd.s32 @!p0 s1  }
0x119: {  	[bflag:$0x3] =	sbarrier.arrive $0xFFFF  }
0x11a: {  	_ =	shalt  }

// kernel: kernel.13.cloned.1.call-start
scs
__scs_entry_jumppad:
0x0: {  	(pc) =	sbr.rel $0x88, $3  }
0x1: {  	(tag) =	ssettag $0x0;
	lr =	simm.s32 $0x1  }
0x2: {  	[smem:$0x3F8F] =	sst lr;
	_ =	strace $0xD0000000  }
0x3: {  	_ = 	snop  }
0x4: {  	_ = 	snop  }
0x5: {  	_ = 	snop  }
0x6: {  	_ = 	snop  }
0x7: {  	_ = 	snop  }
__scs_overlays_trampoline_lowered:
0x8: {  	[smem:$0x3F9E] =	sst s0  }
0x9: {  	[smem:$0x3F9F] =	sst s1  }
0xa: {  	[smem:$0x3FA0] =	sst s2  }
0xb: {  	[smem:$0x3FA1] =	sst s3  }
0xc: {  	[smem:$0x3FA2] =	sst s4  }
0xd: {  	[smem:$0x3FA3] =	sst s5  }
0xe: {  	[smem:$0x3FA4] =	sst s6  }
0xf: {  	[smem:$0x3FA5] =	sst s7  }
0x10: {  	[smem:$0x3FA6] =	sst s8  }
0x11: {  	[smem:$0x3FA7] =	sst s9;
	s0 =	simm.s32 @!p0 $0x0  }
0x12: {  	s1 =	sld [smem:$0x3F8D];
	s0 =	simm.s32 @p0 $0x1  }
0x13: {  	[smem:$0x3FA8] =	sst s0;
	s0 =	simm.s32 @!p1 $0x0  }
0x14: {  	s2 =	sld [smem:$0x3F8C];
	s0 =	simm.s32 @p1 $0x1  }
0x15: {  	[smem:$0x3FA9] =	sst s0;
	s0 =	simm.s32 @!p2 $0x0  }
0x16: {  	s3 =	sld [smem:$0x3FDB];
	s0 =	simm.s32 @p2 $0x1  }
0x17: {  	s4 =	simm.s32 $0x1BF5;
	[smem:$0x3FAB] =	sst s0  }
0x18: {  	s0 =	sld [smem:$0x3F8E];
	_ =	swait.ge [sflag:s4], $0x0  }
0x19: {  	s7 =	sld [smem:$0x3F8F]  }
0x1a: {  	s8 =	sadd.s32 $0xFFFFE003, lr  }
0x1b: {  	s9 =	sadd.s32 $0xFFFFFEF7, lr;
	s5 =	simm.s32 $0xFFFFFFFF;
	p2 =	slt.u32 s8, $0xFFFFF086  }
0x1c: {  	p1 =	slt.u32 s9, $0xF7A;
	s5 =	simm.s32 @!p2 $0x0  }
0x1d: {  	s5 =	simm.s32 @p1 $0x1;
	p0 =	seq.s32 s7, s2  }
0x1e: {  	s7 =	smul.u32 @!p0 $0xF7A, s2;
	p2 =	seq.s32 @!p0 s5, $0x0  }
0x1f: {  	s9 =	smul.u32 $0xF7A, s1;
	s8 =	simm.s32 @!p0 $0x1BF5;
	p2 =	por !p2, p0  }
0x20: {  	[sflag:s8] =	ssyncset.s32 @!p0 $0xFFFFF086;
	s6 =	sadd.s32 @!p0 s3, s7;
	s7 =	simm.s32 @!p0 $0x108  }
0x21: {  	s3 =	sadd.s32 s3, s9;
	s6 =	sadd.s32 @!p0 $0x88, s6;
	s7 =	simm.s32 @p2 $0x1082  }
0x22: {  	[simem:s7], [sflag:s8] =	dma.local @!p0 [hbm:s6], $0xF7A  }
0x23: {  	s9 =	sor.u32 $0xD0000000, s2;
	s6 =	simm.s32 $0x108;
	_ =	swait.ge @!p0 [sflag:s8], $0x0  }
0x24: {  	s3 =	sadd.s32 $0x88, s3;
	s6 =	simm.s32 @!p1 $0x1082;
	[sflag:s4] =	ssyncset.s32 $0xFFFFF086  }
0x25: {  	[simem:s6], [sflag:s4] =	dma.local [hbm:s3], $0xF7A  }
0x26: {  	[smem:$0x3F8F] =	sst s1;
	(tag) =	ssettag s2;
	_ =	strace s9  }
0x27: {  	s1 =	sld [smem:$0x3F9F]  }
0x28: {  	s2 =	sld [smem:$0x3FA0]  }
0x29: {  	s4 =	sld [smem:$0x3FA2]  }
0x2a: {  	p0 =	seq.s32 s5, $0x0;
	s5 =	sld [smem:$0x3FA3]  }
0x2b: {  	s6 =	sld [smem:$0x3FA4]  }
0x2c: {  	s7 =	sld [smem:$0x3FA5]  }
0x2d: {  	s3 =	simm.s32 $0x108;
	s8 =	sld [smem:$0x3FA6]  }
0x2e: {  	s3 =	simm.s32 @!p0 $0x1082;
	s9 =	sld [smem:$0x3FA7]  }
0x2f: {  	lr =	sadd.s32 s0, s3;
	s0 =	sld [smem:$0x3F9E]  }
0x30: {  	s3 =	sld [smem:$0x3FA1]  }
0x31: {  	[smem:$0x3FAA] =	sst s10  }
0x32: {  	s10 =	sld [smem:$0x3FA8];
	_ =	sdelay $0x3  }
0x33: {  	p0 =	seq.s32 s10, $0x1;
	s10 =	sld [smem:$0x3FAA];
	_ =	sdelay $0x3  }
0x34: {  	[smem:$0x3FAA] =	sst s10  }
0x35: {  	s10 =	sld [smem:$0x3FA9];
	_ =	sdelay $0x3  }
0x36: {  	p1 =	seq.s32 s10, $0x1;
	s10 =	sld [smem:$0x3FAA];
	_ =	sdelay $0x3  }
0x37: {  	[smem:$0x3FAA] =	sst s10  }
0x38: {  	s10 =	sld [smem:$0x3FAB]  }
0x39: {  	_ = 	snop;
	(pc) =	sbr.ind lr, $3  }
0x3a: {  	_ = 	snop  }
0x3b: {  	_ = 	snop  }
0x3c: {  	p2 =	seq.s32 s10, $0x1;
	s10 =	sld [smem:$0x3FAA]  }
0x3d: {  	_ =	shalt  }
0x3e: {  	_ =	shalt  }
0x3f: {  	_ =	shalt  }
0x40: {  	_ =	shalt  }
0x41: {  	_ =	shalt  }
0x42: {  	_ =	shalt  }
0x43: {  	_ =	shalt  }
0x44: {  	_ =	shalt  }
0x45: {  	_ =	shalt  }
0x46: {  	_ =	shalt  }
0x47: {  	_ =	shalt  }
0x48: {  	_ =	shalt  }
0x49: {  	_ =	shalt  }
0x4a: {  	_ =	shalt  }
0x4b: {  	_ =	shalt  }
0x4c: {  	_ =	shalt  }
0x4d: {  	_ =	shalt  }
0x4e: {  	_ =	shalt  }
0x4f: {  	_ =	shalt  }
0x50: {  	_ =	shalt  }
0x51: {  	_ =	shalt  }
0x52: {  	_ =	shalt  }
0x53: {  	_ =	shalt  }
0x54: {  	_ =	shalt  }
0x55: {  	_ =	shalt  }
0x56: {  	_ =	shalt  }
0x57: {  	_ =	shalt  }
0x58: {  	_ =	shalt  }
0x59: {  	_ =	shalt  }
0x5a: {  	_ =	shalt  }
0x5b: {  	_ =	shalt  }
0x5c: {  	_ =	shalt  }
0x5d: {  	_ =	shalt  }
0x5e: {  	_ =	shalt  }
0x5f: {  	_ =	shalt  }
0x60: {  	_ =	shalt  }
0x61: {  	_ =	shalt  }
0x62: {  	_ =	shalt  }
0x63: {  	_ =	shalt  }
0x64: {  	_ =	shalt  }
0x65: {  	_ =	shalt  }
0x66: {  	_ =	shalt  }
0x67: {  	_ =	shalt  }
0x68: {  	_ =	shalt  }
0x69: {  	_ =	shalt  }
0x6a: {  	_ =	shalt  }
0x6b: {  	_ =	shalt  }
0x6c: {  	_ =	shalt  }
0x6d: {  	_ =	shalt  }
0x6e: {  	_ =	shalt  }
0x6f: {  	_ =	shalt  }
0x70: {  	_ =	shalt  }
0x71: {  	_ =	shalt  }
0x72: {  	_ =	shalt  }
0x73: {  	_ =	shalt  }
0x74: {  	_ =	shalt  }
0x75: {  	_ =	shalt  }
0x76: {  	_ =	shalt  }
0x77: {  	_ =	shalt  }
0x78: {  	_ =	shalt  }
0x79: {  	_ =	shalt  }
0x7a: {  	_ =	shalt  }
0x7b: {  	_ =	shalt  }
0x7c: {  	_ =	shalt  }
0x7d: {  	_ =	shalt  }
0x7e: {  	_ =	shalt  }
0x7f: {  	_ =	shalt  }
0x80: {  	_ =	shalt  }
0x81: {  	_ =	shalt  }
0x82: {  	_ =	shalt  }
0x83: {  	_ =	shalt  }
0x84: {  	_ =	shalt  }
0x85: {  	_ =	shalt  }
0x86: {  	_ =	shalt  }
0x87: {  	_ =	shalt  }
.Lfunc_end0:
.L_simem_size_0:
called_computation.1_lowered:
.L_overlay_start_0:
0x88: {  	s2 =	sld [smem:$0x3FD9]  }
0x89: {  	s3 =	sld [smem:$0x3FFE];
	_ =	sdelay $0x1  }
0x8a: {  	s1 =	srdreg.scid  }
0x8b: {  	s0 =	sand.u32 $0x1, s1  }
0x8c: {  	s16 =	sshll.u32 s0, $0xA;
	s2 =	sadd.s32 s3, s2  }
0x8d: {  	s2 =	sadd.s32 s2, s16  }
0x8e: {  	[smem:$0x3FB6] =	sst s2  }
0x8f: {  	_ = 	snop  }
0x90: {  	(tm) =	ssettm $0x1  }
0x91: {  	s17 =	sld [smem:$0x3FFB];
	_ =	sdelay $0x3  }
0x92: {  	_ =	strace s17  }
0x93: {  	s2 =	sld [smem:$0x3FFC];
	_ =	sdelay $0x3  }
0x94: {  	_ =	strace s2  }
0x95: {  	s2 =	sld [smem:$0x3FFD];
	_ =	sdelay $0x3  }
0x96: {  	_ =	strace s2  }
0x97: {  	_ =	strace $0x8FFFFFFF  }
0x98: {  	s18 =	sld [smem:$0x3FDB];
	_ =	sdelay $0x1  }
0x99: {  	s19 =	simm.s32 $_scs_section_size  }
0x9a: {  	s4 =	simm.s32 $_size__tile_overlayer_lowered;
	s5 =	simm.s32 $_tile_overlayer_lowered  }
0x9b: {  	s22 =	simm.s32 $0x1BFF;
	s21 =	sshll.u32 s5, $0x1;
	s2 =	sadd.s32 s19, s18  }
0x9c: {  	s6 =	simm.s32 $0x0;
	s20 =	sshll.u32 s4, $0x1;
	s4 =	sadd.s32 s21, s2  }
0x9d: {  	[timem:s6], [sflag:s22] =	dma.local [hbm:s4], s20  }
0x9e: {  	_ =	swait.ge [sflag:s22], s20  }
0x9f: {  	s3 =	ssub.s32 $0x0, s20;
	[sflag:s22] =	ssyncset.done $0x0  }
0xa0: {  	[sflag:s22] =	ssyncadd.s32 s3;
	_ =	sdelay $0x1  }
0xa1: {  	s23 =	simm.s32 $0x1B8B  }
0xa2: {  	_ =	swait.ge [sflag:s23], $0x1  }
0xa3: {  	[sflag:s23] =	ssyncset.done $0x0  }
0xa4: {  	s25 =	simm.s32 $0x1B8E;
	s24 =	sld [smem:$0x3FFE];
	[sflag:s23] =	ssyncadd.s32 $0xFFFFFFFF  }
0xa5: {  	s26 =	simm.s32 $execute0_lowered;
	[smem:$0x3FD2] =	sst s25  }
0xa6: {  	s4 =	sshll.u32 s26, $0x1;
	_ =	strace $0x80000046;
	[dreg:$0x1] =	wrdreg $0xFFFFFFFF  }
0xa7: {  	s28 =	simm.s32 $_size_execute0_lowered;
	s2 =	sadd.s32 s2, s4;
	[dreg:$0x0] =	wrdreg $0x0  }
0xa8: {  	s4 =	sshll.u32 s28, $0x1;
	[dreg:$0x2] =	wrdreg s2  }
0xa9: {  	[dreg:$0x3] =	wrdreg s4  }
0xaa: {  	[dreg:$0x4] =	wrdreg $0xC0  }
0xab: {  	_ =	task [dreg:s6], $0x5FFFF  }
0xac: {  	[dreg:$0x1] =	wrdreg $0xFFFFFFFF  }
0xad: {  	[dreg:$0x0] =	wrdreg $0x60  }
0xae: {  	[dreg:$0x2] =	wrdreg s24  }
0xaf: {  	[dreg:$0x3] =	wrdreg $0xA  }
0xb0: {  	_ =	task.clear_ibuf [dreg:s6], $0x4FFFF;
	_ =	strace $0x90000046  }
0xb1: {  	s29 =	simm.s32 $0xA;
	_ =	strace $0x80000048  }
0xb2: {  	_ =	swait.ge [sflag:s29], $0x1  }
0xb3: {  	[sflag:s29] =	ssyncadd.s32 $0xFFFFFFFF  }
0xb4: {  	_ =	strace $0x90000048  }
0xb5: {  	_ =	sfence  }
0xb6: {  	s30 =	sld [smem:$0x0];
	_ =	sdelay $0x2  }
0xb7: {  	s31 =	sshll.u32 s1, $0xD;
	s1 =	sshrl.u32 s1, $0x2  }
0xb8: {  	s3 =	sand.u32 $0x4000, s31;
	s1 =	sadd.s32 s1, s30  }
0xb9: {  	s0 =	sor.u32 s3, s0;
	s1 =	sshll.u32 s1, $0x11  }
0xba: {  	s0 =	sor.u32 s1, s0  }
0xbb: {  	s0 =	sadd.s32 $0x8F2B, s0  }
0xbc: {  	[sflag:s0] =	ssyncadd.remote.s32 $0x1  }
0xbd: {  	_ =	sfence.sel $0xFFFF  }
0xbe: {  	[dreg:$0x0] =	wrdreg $0xFFFFFFFF;
	(pc) =	sbr.abs _section_cstart, $3  }
0xbf: {  	[dreg:$0x1] =	wrdreg $0xFFFFFFFF  }
0xc0: {  	_ =	task.clear_ibuf [dreg:s6], $0x2FFFF;
	_ =	strace $0x9FFFFFFF  }
0xc1: {  	(tm) =	ssettm $0x7FFFFFFF  }
tec
execute0_lowered:
.L_overlay_start_1:
0x0: {  	(tag) =	ssettag $0x1  }
0x1: {  	s0 =	rddreg [dreg:$0x0]  }
0x2: {  	s1 =	srdreg.scid;
	s3 =	stileid.u32;
	s2 =	simm.s32 $0x0  }
0x3: {  	s28 =	simm.s32 $0x13000;
	s29 =	simm.s32 $0x1;
	s30 =	simm.s32 $0x3  }
0x4: {  	s31 =	simm.s32 $0x2;
	s1 =	sand.u32 $0x1, s1;
	s3 =	sshll.u32 s3, $0x1  }
0x5: {  	[smem:$0x7FF] =	sst s2;
	s4 =	sadd.s32 $0x3F200, s0;
	s5 =	sadd.s32 $0xE200, s0  }
0x6: {  	s6 =	sadd.s32 $0x4400, s0;
	s7 =	sadd.s32 $0x8D600, s0;
	s8 =	sor.u32 s1, s3  }
0x7: {  	_ =	strace $0x80000047;
	s1 =	ssub.s32 $0x2, s1;
	s9 =	smul.u32 $0x2710, s8  }
0x8: {  	s3 =	sadd.s32 $0x18000, s0;
	s10 =	sshrl.u32 s1, $0x1;
	s22 =	smul.u32 $0x7D000, s8  }
0x9: {  	s0 =	simm.s32 $0x4;
	s18 =	ssub.s32 s1, s10;
	s10 =	smul.u32 $0xFA0, s8  }
0xa: {  	s11 =	sshrl.u32 s9, $0x3;
	s21 =	sadd.s32 $0x1838, s9;
	s25 =	sshrl.u32 s22, $0x3  }
0xb: {  	s14 =	sadd.s32 $0x1900, s9;
	s15 =	sadd.s32 $0x19C8, s9;
	s19 =	sadd.s32 $0x2EE, s11  }
0xc: {  	s18 =	smax.u32 s18, $0x1;
	s22 =	simm.s32 $0x200;
	s20 =	sadd.s32 s5, s19  }
0xd: {  	s23 =	sshrl.u32 s21, $0x3;
	s1 =	sadd.s32 s6, s19;
	[dreg:$0x2] =	wrdreg s20  }
0xe: {  	s13 =	sadd.s32 $0xC8, s10;
	s24 =	sadd.s32 s5, s23;
	[dreg:$0x3] =	wrdreg s1  }
0xf: {  	s21 =	simm.s32 $0xC8;
	s19 =	simm.s32 $0x5;
	[dreg:$0x4] =	wrdreg s24  }
0x10: {  	s1 =	sadd.s32 s6, s23;
	s20 =	simm.s32 $0x100;
	s23 =	simm.s32 $0x6600  }
0x11: {  	s24 =	simm.s32 $0xCA00;
	[dreg:$0x5] =	wrdreg s1;
	s1 =	sadd.s32 s7, s25  }
0x12: {  	s25 =	simm.s32 $0xCB00;
	s26 =	sadd.s32 $0xE100, s1;
	s17 =	sadd.s32 $0xED80, s1  }
0x13: {  	s1 =	simm.s32 $0x0;
	[dreg:$0x6] =	wrdreg s26;
	s26 =	simm.s32 $0xCC00  }
.LBB2_1:
0x14: {  	s8 =	rddreg [dreg:$0x2]  }
0x15: {  	[tilespmem:s2], [sflag:$0x5] =	stream.linear.gather [hbm4b:s8+s2], $0xC8, $0x38;
	[tilespmem:$0x19400] =	vst v63  }
0x16: {  	_ =	swait.ge [sflag:s19], $0xC8  }
0x17: {  	[sflag:s19] =	ssyncset.done $0x0  }
0x18: {  	s11 =	rddreg [dreg:$0x3];
	[sflag:s19] =	ssyncadd.s32 $0xFFFFFF38  }
0x19: {  	[tilespmem:s20], [sflag:$0x5] =	stream.linear.gather [hbm4b:s11+s2], $0xC8, $0x38;
	[tilespmem:$0x19400] =	vst v63  }
0x1a: {  	_ =	swait.ge [sflag:s19], $0xC8  }
0x1b: {  	[sflag:s19] =	ssyncset.done $0x0  }
0x1c: {  	[sflag:s19] =	ssyncadd.s32 $0xFFFFFF38  }
0x1d: {  	[tilespmem:s22], [sflag:$0x1] =	stream.indirect.gather [hbm4b:s3+s21], $0x80, s2, s21, $0xb8;
	[tilespmem:$0x19400] =	vst v63  }
0x1e: {  	_ = 	snop  }
0x1f: {  	[tilespmem:s23], [sflag:$0x1] =	stream.indirect.gather [hbm4b:s4+s21], $0x80, s20, s21, $0xb8;
	[tilespmem:$0x19400] =	vst v63  }
0x20: {  	s12 =	rddreg [dreg:$0x4]  }
0x21: {  	[tilespmem:s24], [sflag:$0x5] =	stream.linear.gather [hbm4b:s12+s2], $0xC8, $0x38;
	[tilespmem:$0x19400] =	vst v63  }
0x22: {  	_ =	swait.ge [sflag:s19], $0xC8  }
0x23: {  	[sflag:s19] =	ssyncset.done $0x0  }
0x24: {  	s16 =	rddreg [dreg:$0x5];
	[sflag:s19] =	ssyncadd.s32 $0xFFFFFF38  }
0x25: {  	[tilespmem:s25], [sflag:$0x5] =	stream.linear.gather [hbm4b:s16+s2], $0xC8, $0x38;
	[tilespmem:$0x19400] =	vst v63  }
0x26: {  	_ =	swait.ge [sflag:s19], $0xC8  }
0x27: {  	[sflag:s19] =	ssyncset.done $0x0  }
0x28: {  	[sflag:s19] =	ssyncadd.s32 $0xFFFFFF38  }
0x29: {  	[tilespmem:s26], [sflag:$0x2] =	stream.indirect.gather [hbm4b:s3+s21], $0x80, s24, s21, $0xb8;
	[tilespmem:$0x19400] =	vst v63  }
0x2a: {  	s8 =	simm.s32 $0x0  }
0x2b: {  	[tilespmem:s28], [sflag:$0x2] =	stream.indirect.gather [hbm4b:s4+s21], $0x80, s25, s21, $0xb8;
	[tilespmem:$0x19400] =	vst v63  }
.LBB2_2:
0x2c: {  	_ =	swait.ge [sflag:s29], $0x6400  }
0x2d: {  	[sflag:s29] =	ssyncset.done $0x0  }
0x2e: {  	[sflag:s29] =	ssyncadd.s32 $0xFFFF9C00  }
0x2f: {  	_ =	swait.ge [sflag:s29], $0x6400  }
0x30: {  	[sflag:s29] =	ssyncset.done $0x0  }
0x31: {  	s11 =	simm.s32 $0x0;
	[sflag:s29] =	ssyncadd.s32 $0xFFFF9C00  }
0x32: {  	v6 =	vld [tilespmem:s11+$0x200]  }
0x33: {  	v11 =	vld [tilespmem:s11+$0x210]  }
0x34: {  	v5 =	vld [tilespmem:s11+$0x220]  }
0x35: {  	v4 =	vld [tilespmem:s11+$0x230]  }
0x36: {  	v3 =	vld [tilespmem:s11+$0x240]  }
0x37: {  	v2 =	vld [tilespmem:s11+$0x250]  }
0x38: {  	v1 =	vld [tilespmem:s11+$0x260]  }
0x39: {  	v0 =	vld [tilespmem:s11+$0x270]  }
0x3a: {  	v12 =	vld [tilespmem:s11+$0x6600]  }
0x3b: {  	v13 =	vld [tilespmem:s11+$0x6610]  }
0x3c: {  	v10 =	vld [tilespmem:s11+$0x6620]  }
0x3d: {  	v9 =	vld [tilespmem:s11+$0x6630]  }
0x3e: {  	v8 =	vld [tilespmem:s11+$0x6640]  }
0x3f: {  	v7 =	vld [tilespmem:s11+$0x6650];
	v12 =	vadd.f32 v12, v6  }
0x40: {  	s9 =	simm.s32 $0x200;
	v11 =	vadd.f32 v13, v11;
	v6 =	vld [tilespmem:s11+$0x6660]  }
.LBB2_3:
0x41: {  	s12 =	sshra.s32 s9, $0x2;
	p0 =	sne.s32 s9, $0x18E00;
	[tilespmem:s11+$0x6600] =	vst v12;
	v5 =	vadd.f32 v10, v5;
	v10 =	vld [tilespmem:s11+$0x6670]  }
0x42: {  	v12 =	vld [tilespmem:s12+$0x200];
	[tilespmem:s11+$0x6610] =	vst v11;
	v4 =	vadd.f32 v9, v4  }
0x43: {  	v11 =	vld [tilespmem:s12+$0x210];
	[tilespmem:s11+$0x6620] =	vst v5;
	v3 =	vadd.f32 v8, v3  }
0x44: {  	v5 =	vld [tilespmem:s12+$0x220];
	[tilespmem:s11+$0x6630] =	vst v4;
	v2 =	vadd.f32 v7, v2  }
0x45: {  	v4 =	vld [tilespmem:s12+$0x230];
	[tilespmem:s11+$0x6640] =	vst v3;
	v1 =	vadd.f32 v6, v1  }
0x46: {  	v3 =	vld [tilespmem:s12+$0x240];
	[tilespmem:s11+$0x6650] =	vst v2;
	v0 =	vadd.f32 v10, v0  }
0x47: {  	v2 =	vld [tilespmem:s12+$0x250];
	[tilespmem:s11+$0x6660] =	vst v1  }
0x48: {  	v1 =	vld [tilespmem:s12+$0x260];
	[tilespmem:s11+$0x6670] =	vst v0;
	s11 =	smov.u32 s12  }
0x49: {  	v0 =	vld [tilespmem:s11+$0x270]  }
0x4a: {  	v6 =	vld [tilespmem:s11+$0x6600]  }
0x4b: {  	v13 =	vld [tilespmem:s11+$0x6610]  }
.Ltmp0:
0x4c: {  	v10 =	vld [tilespmem:s11+$0x6620];
	(pc) =	sbr.rel @p0 .LBB2_3-.Ltmp0, $4  }
0x4d: {  	v9 =	vld [tilespmem:s11+$0x6630]  }
0x4e: {  	v8 =	vld [tilespmem:s11+$0x6640]  }
0x4f: {  	v12 =	vadd.f32 v6, v12;
	v7 =	vld [tilespmem:s11+$0x6650]  }
0x50: {  	s9 =	sadd.s32 $0x200, s9;
	v11 =	vadd.f32 v13, v11;
	v6 =	vld [tilespmem:s11+$0x6660]  }
0x51: {  	[tilespmem:s11+$0x6600] =	vst v12;
	v5 =	vadd.f32 v10, v5;
	v10 =	vld [tilespmem:s11+$0x6670]  }
0x52: {  	[tilespmem:s11+$0x6610] =	vst v11;
	v4 =	vadd.f32 v9, v4  }
0x53: {  	[tilespmem:s11+$0x6620] =	vst v5;
	v3 =	vadd.f32 v8, v3  }
0x54: {  	s9 =	smul.u32 $0x190, s8;
	[tilespmem:s11+$0x6630] =	vst v4;
	v2 =	vadd.f32 v7, v2  }
0x55: {  	[tilespmem:s11+$0x6640] =	vst v3;
	v1 =	vadd.f32 v6, v1  }
0x56: {  	s12 =	sadd.s32 s10, s9;
	[tilespmem:s11+$0x6650] =	vst v2;
	v0 =	vadd.f32 v10, v0  }
0x57: {  	s12 =	sshll.u32 s12, $0x4;
	[tilespmem:s11+$0x6660] =	vst v1  }
0x58: {  	s16 =	sadd.s32 s7, s12;
	s12 =	simm.s32 $0x0;
	[tilespmem:s11+$0x6670] =	vst v0  }
0x59: {  	[hbm4b:s16+s12] =	stream.linear.scatter [tilespmem:s23], [sflag:$0x3], $0x6400, $0x38;
	[tilespmem:$0x19400] =	vst v63  }
0x5a: {  	s16 =	sadd.s32 s9, s14  }
0x5b: {  	s11 =	sshrl.u32 s16, $0x3  }
0x5c: {  	s16 =	sadd.s32 s5, s11  }
0x5d: {  	[tilespmem:s12], [sflag:$0x5] =	stream.linear.gather [hbm4b:s16+s12], $0xC8, $0x38;
	[tilespmem:$0x19400] =	vst v63  }
0x5e: {  	_ =	swait.ge [sflag:s19], $0xC8  }
0x5f: {  	[sflag:s19] =	ssyncset.done $0x0  }
0x60: {  	s11 =	sadd.s32 s6, s11;
	[sflag:s19] =	ssyncadd.s32 $0xFFFFFF38  }
0x61: {  	[tilespmem:s20], [sflag:$0x5] =	stream.linear.gather [hbm4b:s11+s12], $0xC8, $0x38;
	[tilespmem:$0x19400] =	vst v63  }
0x62: {  	_ =	swait.ge [sflag:s19], $0xC8  }
0x63: {  	[sflag:s19] =	ssyncset.done $0x0  }
0x64: {  	[sflag:s19] =	ssyncadd.s32 $0xFFFFFF38  }
0x65: {  	_ =	swait.ge [sflag:s30], $0x6400  }
0x66: {  	[sflag:s30] =	ssyncset.done $0x0  }
0x67: {  	[sflag:s30] =	ssyncadd.s32 $0xFFFF9C00  }
0x68: {  	[tilespmem:s22], [sflag:$0x1] =	stream.indirect.gather [hbm4b:s3+s21], $0x80, s12, s21, $0xb8;
	[tilespmem:$0x19400] =	vst v63  }
0x69: {  	_ = 	snop  }
0x6a: {  	[tilespmem:s23], [sflag:$0x1] =	stream.indirect.gather [hbm4b:s4+s21], $0x80, s20, s21, $0xb8;
	[tilespmem:$0x19400] =	vst v63  }
0x6b: {  	_ =	swait.ge [sflag:s31], $0x6400  }
0x6c: {  	[sflag:s31] =	ssyncset.done $0x0  }
0x6d: {  	[sflag:s31] =	ssyncadd.s32 $0xFFFF9C00  }
0x6e: {  	_ =	swait.ge [sflag:s31], $0x6400  }
0x6f: {  	[sflag:s31] =	ssyncset.done $0x0  }
0x70: {  	s11 =	simm.s32 $0x0;
	[sflag:s31] =	ssyncadd.s32 $0xFFFF9C00  }
0x71: {  	v7 =	vld [tilespmem:s11+$0xCC00]  }
0x72: {  	v11 =	vld [tilespmem:s11+$0xCC10]  }
0x73: {  	v5 =	vld [tilespmem:s11+$0xCC20]  }
0x74: {  	v4 =	vld [tilespmem:s11+$0xCC30]  }
0x75: {  	v3 =	vld [tilespmem:s11+$0xCC40]  }
0x76: {  	v2 =	vld [tilespmem:s11+$0xCC50]  }
0x77: {  	v1 =	vld [tilespmem:s11+$0xCC60]  }
0x78: {  	v0 =	vld [tilespmem:s11+$0xCC70]  }
0x79: {  	v12 =	vld [tilespmem:s11+$0x13000]  }
0x7a: {  	v13 =	vld [tilespmem:s11+$0x13010]  }
0x7b: {  	v10 =	vld [tilespmem:s11+$0x13020]  }
0x7c: {  	v9 =	vld [tilespmem:s11+$0x13030]  }
0x7d: {  	v8 =	vld [tilespmem:s11+$0x13040]  }
0x7e: {  	v6 =	vld [tilespmem:s11+$0x13050];
	v12 =	vadd.f32 v12, v7  }
0x7f: {  	s12 =	simm.s32 $0x200;
	v11 =	vadd.f32 v13, v11;
	v7 =	vld [tilespmem:s11+$0x13060]  }
.LBB2_5:
0x80: {  	s16 =	sshra.s32 s12, $0x2;
	p0 =	sne.s32 s12, $0x18E00;
	[tilespmem:s11+$0x13000] =	vst v12;
	v5 =	vadd.f32 v10, v5;
	v10 =	vld [tilespmem:s11+$0x13070]  }
0x81: {  	v12 =	vld [tilespmem:s16+$0xCC00];
	[tilespmem:s11+$0x13010] =	vst v11;
	v4 =	vadd.f32 v9, v4  }
0x82: {  	v11 =	vld [tilespmem:s16+$0xCC10];
	[tilespmem:s11+$0x13020] =	vst v5;
	v3 =	vadd.f32 v8, v3  }
0x83: {  	v5 =	vld [tilespmem:s16+$0xCC20];
	[tilespmem:s11+$0x13030] =	vst v4;
	v2 =	vadd.f32 v6, v2  }
0x84: {  	v4 =	vld [tilespmem:s16+$0xCC30];
	[tilespmem:s11+$0x13040] =	vst v3;
	v1 =	vadd.f32 v7, v1  }
0x85: {  	v3 =	vld [tilespmem:s16+$0xCC40];
	[tilespmem:s11+$0x13050] =	vst v2;
	v0 =	vadd.f32 v10, v0  }
0x86: {  	v2 =	vld [tilespmem:s16+$0xCC50];
	[tilespmem:s11+$0x13060] =	vst v1  }
0x87: {  	v1 =	vld [tilespmem:s16+$0xCC60];
	[tilespmem:s11+$0x13070] =	vst v0;
	s11 =	smov.u32 s16  }
0x88: {  	v0 =	vld [tilespmem:s11+$0xCC70]  }
0x89: {  	v6 =	vld [tilespmem:s11+$0x13000]  }
0x8a: {  	v7 =	vld [tilespmem:s11+$0x13010]  }
.Ltmp1:
0x8b: {  	v10 =	vld [tilespmem:s11+$0x13020];
	(pc) =	sbr.rel @p0 .LBB2_5-.Ltmp1, $4  }
0x8c: {  	v9 =	vld [tilespmem:s11+$0x13030]  }
0x8d: {  	v8 =	vld [tilespmem:s11+$0x13040]  }
0x8e: {  	v12 =	vadd.f32 v6, v12;
	v6 =	vld [tilespmem:s11+$0x13050]  }
0x8f: {  	s12 =	sadd.s32 $0x200, s12;
	v11 =	vadd.f32 v7, v11;
	v7 =	vld [tilespmem:s11+$0x13060]  }
0x90: {  	[tilespmem:s11+$0x13000] =	vst v12;
	v5 =	vadd.f32 v10, v5;
	v63 =	vld [tilespmem:s11+$0x13070]  }
0x91: {  	[tilespmem:s11+$0x13010] =	vst v11;
	v4 =	vadd.f32 v9, v4  }
0x92: {  	[tilespmem:s11+$0x13020] =	vst v5;
	v3 =	vadd.f32 v8, v3  }
0x93: {  	[tilespmem:s11+$0x13030] =	vst v4;
	v2 =	vadd.f32 v6, v2  }
0x94: {  	s12 =	sadd.s32 s13, s9;
	[tilespmem:s11+$0x13040] =	vst v3;
	v1 =	vadd.f32 v7, v1  }
0x95: {  	s12 =	sshll.u32 s12, $0x4;
	[tilespmem:s11+$0x13050] =	vst v2;
	v0 =	vadd.f32 v63, v0  }
0x96: {  	s16 =	sadd.s32 s7, s12;
	s12 =	sadd.s32 s9, s15;
	[tilespmem:s11+$0x13060] =	vst v1  }
0x97: {  	s9 =	sshrl.u32 s12, $0x3;
	[tilespmem:s11+$0x13070] =	vst v0  }
0x98: {  	[hbm4b:s16+s2] =	stream.linear.scatter [tilespmem:s28], [sflag:$0x4], $0x6400, $0x38;
	[tilespmem:$0x19400] =	vst v63  }
0x99: {  	s16 =	sadd.s32 s5, s9  }
0x9a: {  	[tilespmem:s24], [sflag:$0x5] =	stream.linear.gather [hbm4b:s16+s2], $0xC8, $0x38;
	[tilespmem:$0x19400] =	vst v63  }
0x9b: {  	_ =	swait.ge [sflag:s19], $0xC8  }
0x9c: {  	[sflag:s19] =	ssyncset.done $0x0  }
0x9d: {  	s9 =	sadd.s32 s6, s9;
	[sflag:s19] =	ssyncadd.s32 $0xFFFFFF38  }
0x9e: {  	[tilespmem:s25], [sflag:$0x5] =	stream.linear.gather [hbm4b:s9+s2], $0xC8, $0x38;
	[tilespmem:$0x19400] =	vst v63  }
0x9f: {  	_ =	swait.ge [sflag:s19], $0xC8  }
0xa0: {  	[sflag:s19] =	ssyncset.done $0x0  }
0xa1: {  	s8 =	sadd.s32 $0x1, s8;
	[sflag:s19] =	ssyncadd.s32 $0xFFFFFF38  }
0xa2: {  	p0 =	sne.s32 s8, $0x9;
	_ =	swait.ge [sflag:s0], $0x6400  }
.Ltmp2:
0xa3: {  	[sflag:s0] =	ssyncset.done $0x0;
	(pc) =	sbr.rel @p0 .LBB2_2-.Ltmp2, $4  }
0xa4: {  	[sflag:s0] =	ssyncadd.s32 $0xFFFF9C00  }
0xa5: {  	[tilespmem:s26], [sflag:$0x2] =	stream.indirect.gather [hbm4b:s3+s21], $0x80, s24, s21, $0xb8;
	[tilespmem:$0x19400] =	vst v63  }
0xa6: {  	_ = 	snop  }
0xa7: {  	[tilespmem:s28], [sflag:$0x2] =	stream.indirect.gather [hbm4b:s4+s21], $0x80, s25, s21, $0xb8;
	[tilespmem:$0x19400] =	vst v63  }
0xa8: {  	_ =	swait.ge [sflag:s29], $0x6400  }
0xa9: {  	[sflag:s29] =	ssyncset.done $0x0  }
0xaa: {  	[sflag:s29] =	ssyncadd.s32 $0xFFFF9C00  }
0xab: {  	_ =	swait.ge [sflag:s29], $0x6400  }
0xac: {  	[sflag:s29] =	ssyncset.done $0x0  }
0xad: {  	s8 =	simm.s32 $0x0;
	[sflag:s29] =	ssyncadd.s32 $0xFFFF9C00  }
0xae: {  	v7 =	vld [tilespmem:s8+$0x200]  }
0xaf: {  	v11 =	vld [tilespmem:s8+$0x210]  }
0xb0: {  	v5 =	vld [tilespmem:s8+$0x220]  }
0xb1: {  	v4 =	vld [tilespmem:s8+$0x230]  }
0xb2: {  	v3 =	vld [tilespmem:s8+$0x240]  }
0xb3: {  	v2 =	vld [tilespmem:s8+$0x250]  }
0xb4: {  	v1 =	vld [tilespmem:s8+$0x260]  }
0xb5: {  	v0 =	vld [tilespmem:s8+$0x270]  }
0xb6: {  	v12 =	vld [tilespmem:s8+$0x6600]  }
0xb7: {  	v13 =	vld [tilespmem:s8+$0x6610]  }
0xb8: {  	v10 =	vld [tilespmem:s8+$0x6620]  }
0xb9: {  	v9 =	vld [tilespmem:s8+$0x6630]  }
0xba: {  	v8 =	vld [tilespmem:s8+$0x6640]  }
0xbb: {  	v6 =	vld [tilespmem:s8+$0x6650];
	v12 =	vadd.f32 v12, v7  }
0xbc: {  	s9 =	simm.s32 $0x200;
	v11 =	vadd.f32 v13, v11;
	v7 =	vld [tilespmem:s8+$0x6660]  }
.LBB2_8:
0xbd: {  	s11 =	sshra.s32 s9, $0x2;
	p0 =	sne.s32 s9, $0x18E00;
	[tilespmem:s8+$0x6600] =	vst v12;
	v5 =	vadd.f32 v10, v5;
	v10 =	vld [tilespmem:s8+$0x6670]  }
0xbe: {  	v12 =	vld [tilespmem:s11+$0x200];
	[tilespmem:s8+$0x6610] =	vst v11;
	v4 =	vadd.f32 v9, v4  }
0xbf: {  	v11 =	vld [tilespmem:s11+$0x210];
	[tilespmem:s8+$0x6620] =	vst v5;
	v3 =	vadd.f32 v8, v3  }
0xc0: {  	v5 =	vld [tilespmem:s11+$0x220];
	[tilespmem:s8+$0x6630] =	vst v4;
	v2 =	vadd.f32 v6, v2  }
0xc1: {  	v4 =	vld [tilespmem:s11+$0x230];
	[tilespmem:s8+$0x6640] =	vst v3;
	v1 =	vadd.f32 v7, v1  }
0xc2: {  	v3 =	vld [tilespmem:s11+$0x240];
	[tilespmem:s8+$0x6650] =	vst v2;
	v0 =	vadd.f32 v10, v0  }
0xc3: {  	v2 =	vld [tilespmem:s11+$0x250];
	[tilespmem:s8+$0x6660] =	vst v1  }
0xc4: {  	v1 =	vld [tilespmem:s11+$0x260];
	[tilespmem:s8+$0x6670] =	vst v0;
	s8 =	smov.u32 s11  }
0xc5: {  	v0 =	vld [tilespmem:s8+$0x270]  }
0xc6: {  	v6 =	vld [tilespmem:s8+$0x6600]  }
0xc7: {  	v7 =	vld [tilespmem:s8+$0x6610]  }
.Ltmp3:
0xc8: {  	v10 =	vld [tilespmem:s8+$0x6620];
	(pc) =	sbr.rel @p0 .LBB2_8-.Ltmp3, $4  }
0xc9: {  	v9 =	vld [tilespmem:s8+$0x6630]  }
0xca: {  	v8 =	vld [tilespmem:s8+$0x6640]  }
0xcb: {  	v12 =	vadd.f32 v6, v12;
	v6 =	vld [tilespmem:s8+$0x6650]  }
0xcc: {  	s9 =	sadd.s32 $0x200, s9;
	v11 =	vadd.f32 v7, v11;
	v7 =	vld [tilespmem:s8+$0x6660]  }
0xcd: {  	[tilespmem:s8+$0x6600] =	vst v12;
	v5 =	vadd.f32 v10, v5;
	v10 =	vld [tilespmem:s8+$0x6670]  }
0xce: {  	[tilespmem:s8+$0x6610] =	vst v11;
	v4 =	vadd.f32 v9, v4  }
0xcf: {  	[tilespmem:s8+$0x6620] =	vst v5;
	v3 =	vadd.f32 v8, v3  }
0xd0: {  	[tilespmem:s8+$0x6630] =	vst v4;
	v2 =	vadd.f32 v6, v2  }
0xd1: {  	[tilespmem:s8+$0x6640] =	vst v3;
	v1 =	vadd.f32 v7, v1  }
0xd2: {  	[tilespmem:s8+$0x6650] =	vst v2;
	v0 =	vadd.f32 v10, v0  }
0xd3: {  	[tilespmem:s8+$0x6660] =	vst v1  }
0xd4: {  	s16 =	simm.s32 $0x0;
	s9 =	rddreg [dreg:$0x6];
	[tilespmem:s8+$0x6670] =	vst v0  }
0xd5: {  	[hbm4b:s9+s16] =	stream.linear.scatter [tilespmem:s23], [sflag:$0x3], $0x6400, $0x38;
	[tilespmem:$0x19400] =	vst v63  }
0xd6: {  	_ =	swait.ge [sflag:s31], $0x6400  }
0xd7: {  	[sflag:s31] =	ssyncset.done $0x0  }
0xd8: {  	[sflag:s31] =	ssyncadd.s32 $0xFFFF9C00  }
0xd9: {  	_ =	swait.ge [sflag:s31], $0x6400  }
0xda: {  	[sflag:s31] =	ssyncset.done $0x0  }
0xdb: {  	s8 =	simm.s32 $0x0;
	[sflag:s31] =	ssyncadd.s32 $0xFFFF9C00  }
0xdc: {  	v7 =	vld [tilespmem:s8+$0xCC00]  }
0xdd: {  	v11 =	vld [tilespmem:s8+$0xCC10]  }
0xde: {  	v5 =	vld [tilespmem:s8+$0xCC20]  }
0xdf: {  	v4 =	vld [tilespmem:s8+$0xCC30]  }
0xe0: {  	v3 =	vld [tilespmem:s8+$0xCC40]  }
0xe1: {  	v2 =	vld [tilespmem:s8+$0xCC50]  }
0xe2: {  	v1 =	vld [tilespmem:s8+$0xCC60]  }
0xe3: {  	v0 =	vld [tilespmem:s8+$0xCC70]  }
0xe4: {  	v12 =	vld [tilespmem:s8+$0x13000]  }
0xe5: {  	v13 =	vld [tilespmem:s8+$0x13010]  }
0xe6: {  	v10 =	vld [tilespmem:s8+$0x13020]  }
0xe7: {  	v9 =	vld [tilespmem:s8+$0x13030]  }
0xe8: {  	v8 =	vld [tilespmem:s8+$0x13040]  }
0xe9: {  	v6 =	vld [tilespmem:s8+$0x13050];
	v12 =	vadd.f32 v12, v7  }
0xea: {  	s9 =	simm.s32 $0x200;
	v11 =	vadd.f32 v13, v11;
	v7 =	vld [tilespmem:s8+$0x13060]  }
.LBB2_10:
0xeb: {  	s11 =	sshra.s32 s9, $0x2;
	p0 =	sne.s32 s9, $0x18E00;
	[tilespmem:s8+$0x13000] =	vst v12;
	v5 =	vadd.f32 v10, v5;
	v10 =	vld [tilespmem:s8+$0x13070]  }
0xec: {  	v12 =	vld [tilespmem:s11+$0xCC00];
	[tilespmem:s8+$0x13010] =	vst v11;
	v4 =	vadd.f32 v9, v4  }
0xed: {  	v11 =	vld [tilespmem:s11+$0xCC10];
	[tilespmem:s8+$0x13020] =	vst v5;
	v3 =	vadd.f32 v8, v3  }
0xee: {  	v5 =	vld [tilespmem:s11+$0xCC20];
	[tilespmem:s8+$0x13030] =	vst v4;
	v2 =	vadd.f32 v6, v2  }
0xef: {  	v4 =	vld [tilespmem:s11+$0xCC30];
	[tilespmem:s8+$0x13040] =	vst v3;
	v1 =	vadd.f32 v7, v1  }
0xf0: {  	v3 =	vld [tilespmem:s11+$0xCC40];
	[tilespmem:s8+$0x13050] =	vst v2;
	v0 =	vadd.f32 v10, v0  }
0xf1: {  	v2 =	vld [tilespmem:s11+$0xCC50];
	[tilespmem:s8+$0x13060] =	vst v1  }
0xf2: {  	v1 =	vld [tilespmem:s11+$0xCC60];
	[tilespmem:s8+$0x13070] =	vst v0;
	s8 =	smov.u32 s11  }
0xf3: {  	v0 =	vld [tilespmem:s8+$0xCC70]  }
0xf4: {  	v6 =	vld [tilespmem:s8+$0x13000]  }
0xf5: {  	v7 =	vld [tilespmem:s8+$0x13010]  }
.Ltmp4:
0xf6: {  	v10 =	vld [tilespmem:s8+$0x13020];
	(pc) =	sbr.rel @p0 .LBB2_10-.Ltmp4, $4  }
0xf7: {  	v9 =	vld [tilespmem:s8+$0x13030]  }
0xf8: {  	v8 =	vld [tilespmem:s8+$0x13040]  }
0xf9: {  	v12 =	vadd.f32 v6, v12;
	v6 =	vld [tilespmem:s8+$0x13050]  }
0xfa: {  	s9 =	sadd.s32 $0x200, s9;
	v11 =	vadd.f32 v7, v11;
	v7 =	vld [tilespmem:s8+$0x13060]  }
0xfb: {  	[tilespmem:s8+$0x13000] =	vst v12;
	v5 =	vadd.f32 v10, v5;
	v63 =	vld [tilespmem:s8+$0x13070]  }
0xfc: {  	[tilespmem:s8+$0x13010] =	vst v11;
	v4 =	vadd.f32 v9, v4  }
0xfd: {  	[tilespmem:s8+$0x13020] =	vst v5;
	v3 =	vadd.f32 v8, v3  }
0xfe: {  	[tilespmem:s8+$0x13030] =	vst v4;
	v2 =	vadd.f32 v6, v2  }
0xff: {  	[tilespmem:s8+$0x13040] =	vst v3;
	v1 =	vadd.f32 v7, v1  }
0x100: {  	[tilespmem:s8+$0x13050] =	vst v2;
	v0 =	vadd.f32 v63, v0  }
0x101: {  	[tilespmem:s8+$0x13060] =	vst v1  }
0x102: {  	s1 =	sadd.s32 $0x1, s1;
	[tilespmem:s8+$0x13070] =	vst v0  }
0x103: {  	[hbm4b:s17+s2] =	stream.linear.scatter [tilespmem:s28], [sflag:$0x4], $0x6400, $0x38;
	[tilespmem:$0x19400] =	vst v63  }
0x104: {  	p0 =	sne.s32 s1, s18;
	_ =	swait.ge [sflag:s30], $0x6400  }
.Ltmp5:
0x105: {  	[sflag:s30] =	ssyncset.done $0x0;
	(pc) =	sbr.rel @p0 .LBB2_1-.Ltmp5, $4  }
0x106: {  	[sflag:s30] =	ssyncadd.s32 $0xFFFF9C00  }
0x107: {  	_ =	swait.ge [sflag:s0], $0x6400  }
0x108: {  	[sflag:s0] =	ssyncset.done $0x0  }
0x109: {  	[sflag:s0] =	ssyncadd.s32 $0xFFFF9C00  }
0x10a: {  	_ =	sfence.sel $0x180000  }
0x10b: {  	[bflag:$0x0] =	sbarrier.arrive $0xFFFF  }
0x10c: {  	_ =	strace $0x90000047  }
0x10d: {  	s0 =	stileid.u32;
	[bflag:$0x2] =	sbarrier.arrive $0xFFFF  }
0x10e: {  	p0 =	sne.s32 s0, $0x0;
	s0 =	rddreg [dreg:$0x1]  }
0x10f: {  	s0 =	sadd.s32 @!p0 $0x100000, s0  }
0x110: {  	[sflag:s0] =	ssyncadd.tile.s32 @!p0 $0x1;
	_ =	shalt  }
.Lfunc_end2:
_tile_overlayer_lowered:
.L_overlay_start_2:
0x111: {  	(tag) =	ssettag $0x2  }
0x112: {  	s0 =	rddreg [dreg:$0x0];
	s2 =	stileid.u32  }
0x113: {  	s1 =	rddreg [dreg:$0x1];
	p0 =	sne.s32 s2, $0x0  }
0x114: {  	s3 =	rddreg [dreg:$0x2];
	[bflag:$0x3] =	sbarrier.arrive $0xFFFF;
	s2 =	simm.s32 @!p0 $0x1C05  }
0x115: {  	[timem:s3], [sflag:s2] =	dma.local @!p0 [hbm:s0], s1  }
0x116: {  	s0 =	simm.s32 @!p0 $0x5  }
0x117: {  	_ =	swait.ge @!p0 [sflag:s0], s1  }
0x118: {  	s1 =	ssub.s32 @!p0 $0x0, s1;
	[sflag:s0] =	ssyncset.done @!p0 $0x0  }
0x119: {  	[sflag:s0] =	ssyncadd.s32 @!p0 s1  }
0x11a: {  	[bflag:$0x3] =	sbarrier.arrive $0xFFFF  }
0x11b: {  	_ =	shalt  }

// kernel: kernel.16.cloned.1.call-start
scs
__scs_entry_jumppad:
0x0: {  	(pc) =	sbr.rel $0x88, $3  }
0x1: {  	(tag) =	ssettag $0x0;
	lr =	simm.s32 $0x1  }
0x2: {  	[smem:$0x3F8F] =	sst lr;
	_ =	strace $0xD0000000  }
0x3: {  	_ = 	snop  }
0x4: {  	_ = 	snop  }
0x5: {  	_ = 	snop  }
0x6: {  	_ = 	snop  }
0x7: {  	_ = 	snop  }
__scs_overlays_trampoline_lowered:
0x8: {  	[smem:$0x3F9E] =	sst s0  }
0x9: {  	[smem:$0x3F9F] =	sst s1  }
0xa: {  	[smem:$0x3FA0] =	sst s2  }
0xb: {  	[smem:$0x3FA1] =	sst s3  }
0xc: {  	[smem:$0x3FA2] =	sst s4  }
0xd: {  	[smem:$0x3FA3] =	sst s5  }
0xe: {  	[smem:$0x3FA4] =	sst s6  }
0xf: {  	[smem:$0x3FA5] =	sst s7  }
0x10: {  	[smem:$0x3FA6] =	sst s8  }
0x11: {  	[smem:$0x3FA7] =	sst s9;
	s0 =	simm.s32 @!p0 $0x0  }
0x12: {  	s1 =	sld [smem:$0x3F8D];
	s0 =	simm.s32 @p0 $0x1  }
0x13: {  	[smem:$0x3FA8] =	sst s0;
	s0 =	simm.s32 @!p1 $0x0  }
0x14: {  	s2 =	sld [smem:$0x3F8C];
	s0 =	simm.s32 @p1 $0x1  }
0x15: {  	[smem:$0x3FA9] =	sst s0;
	s0 =	simm.s32 @!p2 $0x0  }
0x16: {  	s3 =	sld [smem:$0x3FDB];
	s0 =	simm.s32 @p2 $0x1  }
0x17: {  	s4 =	simm.s32 $0x1BF5;
	[smem:$0x3FAB] =	sst s0  }
0x18: {  	s0 =	sld [smem:$0x3F8E];
	_ =	swait.ge [sflag:s4], $0x0  }
0x19: {  	s7 =	sld [smem:$0x3F8F]  }
0x1a: {  	s8 =	sadd.s32 $0xFFFFE003, lr  }
0x1b: {  	s9 =	sadd.s32 $0xFFFFFEF7, lr;
	s5 =	simm.s32 $0xFFFFFFFF;
	p2 =	slt.u32 s8, $0xFFFFF086  }
0x1c: {  	p1 =	slt.u32 s9, $0xF7A;
	s5 =	simm.s32 @!p2 $0x0  }
0x1d: {  	s5 =	simm.s32 @p1 $0x1;
	p0 =	seq.s32 s7, s2  }
0x1e: {  	s7 =	smul.u32 @!p0 $0xF7A, s2;
	p2 =	seq.s32 @!p0 s5, $0x0  }
0x1f: {  	s9 =	smul.u32 $0xF7A, s1;
	s8 =	simm.s32 @!p0 $0x1BF5;
	p2 =	por !p2, p0  }
0x20: {  	[sflag:s8] =	ssyncset.s32 @!p0 $0xFFFFF086;
	s6 =	sadd.s32 @!p0 s3, s7;
	s7 =	simm.s32 @!p0 $0x108  }
0x21: {  	s3 =	sadd.s32 s3, s9;
	s6 =	sadd.s32 @!p0 $0x88, s6;
	s7 =	simm.s32 @p2 $0x1082  }
0x22: {  	[simem:s7], [sflag:s8] =	dma.local @!p0 [hbm:s6], $0xF7A  }
0x23: {  	s9 =	sor.u32 $0xD0000000, s2;
	s6 =	simm.s32 $0x108;
	_ =	swait.ge @!p0 [sflag:s8], $0x0  }
0x24: {  	s3 =	sadd.s32 $0x88, s3;
	s6 =	simm.s32 @!p1 $0x1082;
	[sflag:s4] =	ssyncset.s32 $0xFFFFF086  }
0x25: {  	[simem:s6], [sflag:s4] =	dma.local [hbm:s3], $0xF7A  }
0x26: {  	[smem:$0x3F8F] =	sst s1;
	(tag) =	ssettag s2;
	_ =	strace s9  }
0x27: {  	s1 =	sld [smem:$0x3F9F]  }
0x28: {  	s2 =	sld [smem:$0x3FA0]  }
0x29: {  	s4 =	sld [smem:$0x3FA2]  }
0x2a: {  	p0 =	seq.s32 s5, $0x0;
	s5 =	sld [smem:$0x3FA3]  }
0x2b: {  	s6 =	sld [smem:$0x3FA4]  }
0x2c: {  	s7 =	sld [smem:$0x3FA5]  }
0x2d: {  	s3 =	simm.s32 $0x108;
	s8 =	sld [smem:$0x3FA6]  }
0x2e: {  	s3 =	simm.s32 @!p0 $0x1082;
	s9 =	sld [smem:$0x3FA7]  }
0x2f: {  	lr =	sadd.s32 s0, s3;
	s0 =	sld [smem:$0x3F9E]  }
0x30: {  	s3 =	sld [smem:$0x3FA1]  }
0x31: {  	[smem:$0x3FAA] =	sst s10  }
0x32: {  	s10 =	sld [smem:$0x3FA8];
	_ =	sdelay $0x3  }
0x33: {  	p0 =	seq.s32 s10, $0x1;
	s10 =	sld [smem:$0x3FAA];
	_ =	sdelay $0x3  }
0x34: {  	[smem:$0x3FAA] =	sst s10  }
0x35: {  	s10 =	sld [smem:$0x3FA9];
	_ =	sdelay $0x3  }
0x36: {  	p1 =	seq.s32 s10, $0x1;
	s10 =	sld [smem:$0x3FAA];
	_ =	sdelay $0x3  }
0x37: {  	[smem:$0x3FAA] =	sst s10  }
0x38: {  	s10 =	sld [smem:$0x3FAB]  }
0x39: {  	_ = 	snop;
	(pc) =	sbr.ind lr, $3  }
0x3a: {  	_ = 	snop  }
0x3b: {  	_ = 	snop  }
0x3c: {  	p2 =	seq.s32 s10, $0x1;
	s10 =	sld [smem:$0x3FAA]  }
0x3d: {  	_ =	shalt  }
0x3e: {  	_ =	shalt  }
0x3f: {  	_ =	shalt  }
0x40: {  	_ =	shalt  }
0x41: {  	_ =	shalt  }
0x42: {  	_ =	shalt  }
0x43: {  	_ =	shalt  }
0x44: {  	_ =	shalt  }
0x45: {  	_ =	shalt  }
0x46: {  	_ =	shalt  }
0x47: {  	_ =	shalt  }
0x48: {  	_ =	shalt  }
0x49: {  	_ =	shalt  }
0x4a: {  	_ =	shalt  }
0x4b: {  	_ =	shalt  }
0x4c: {  	_ =	shalt  }
0x4d: {  	_ =	shalt  }
0x4e: {  	_ =	shalt  }
0x4f: {  	_ =	shalt  }
0x50: {  	_ =	shalt  }
0x51: {  	_ =	shalt  }
0x52: {  	_ =	shalt  }
0x53: {  	_ =	shalt  }
0x54: {  	_ =	shalt  }
0x55: {  	_ =	shalt  }
0x56: {  	_ =	shalt  }
0x57: {  	_ =	shalt  }
0x58: {  	_ =	shalt  }
0x59: {  	_ =	shalt  }
0x5a: {  	_ =	shalt  }
0x5b: {  	_ =	shalt  }
0x5c: {  	_ =	shalt  }
0x5d: {  	_ =	shalt  }
0x5e: {  	_ =	shalt  }
0x5f: {  	_ =	shalt  }
0x60: {  	_ =	shalt  }
0x61: {  	_ =	shalt  }
0x62: {  	_ =	shalt  }
0x63: {  	_ =	shalt  }
0x64: {  	_ =	shalt  }
0x65: {  	_ =	shalt  }
0x66: {  	_ =	shalt  }
0x67: {  	_ =	shalt  }
0x68: {  	_ =	shalt  }
0x69: {  	_ =	shalt  }
0x6a: {  	_ =	shalt  }
0x6b: {  	_ =	shalt  }
0x6c: {  	_ =	shalt  }
0x6d: {  	_ =	shalt  }
0x6e: {  	_ =	shalt  }
0x6f: {  	_ =	shalt  }
0x70: {  	_ =	shalt  }
0x71: {  	_ =	shalt  }
0x72: {  	_ =	shalt  }
0x73: {  	_ =	shalt  }
0x74: {  	_ =	shalt  }
0x75: {  	_ =	shalt  }
0x76: {  	_ =	shalt  }
0x77: {  	_ =	shalt  }
0x78: {  	_ =	shalt  }
0x79: {  	_ =	shalt  }
0x7a: {  	_ =	shalt  }
0x7b: {  	_ =	shalt  }
0x7c: {  	_ =	shalt  }
0x7d: {  	_ =	shalt  }
0x7e: {  	_ =	shalt  }
0x7f: {  	_ =	shalt  }
0x80: {  	_ =	shalt  }
0x81: {  	_ =	shalt  }
0x82: {  	_ =	shalt  }
0x83: {  	_ =	shalt  }
0x84: {  	_ =	shalt  }
0x85: {  	_ =	shalt  }
0x86: {  	_ =	shalt  }
0x87: {  	_ =	shalt  }
.Lfunc_end0:
.L_simem_size_0:
called_computation.2_lowered:
.L_overlay_start_0:
0x88: {  	s2 =	sld [smem:$0x3FD9]  }
0x89: {  	s3 =	sld [smem:$0x3FFE];
	_ =	sdelay $0x1  }
0x8a: {  	s1 =	srdreg.scid  }
0x8b: {  	s0 =	sand.u32 $0x1, s1  }
0x8c: {  	s17 =	sshll.u32 s0, $0xA;
	s2 =	sadd.s32 s3, s2  }
0x8d: {  	s2 =	sadd.s32 s2, s17  }
0x8e: {  	[smem:$0x3FB6] =	sst s2  }
0x8f: {  	_ = 	snop  }
0x90: {  	(tm) =	ssettm $0x1  }
0x91: {  	s18 =	sld [smem:$0x3FFB];
	_ =	sdelay $0x3  }
0x92: {  	_ =	strace s18  }
0x93: {  	s2 =	sld [smem:$0x3FFC];
	_ =	sdelay $0x3  }
0x94: {  	_ =	strace s2  }
0x95: {  	s2 =	sld [smem:$0x3FFD];
	_ =	sdelay $0x3  }
0x96: {  	_ =	strace s2  }
0x97: {  	_ =	strace $0x8FFFFFFF  }
0x98: {  	s19 =	sld [smem:$0x3FDB];
	_ =	sdelay $0x1  }
0x99: {  	s20 =	simm.s32 $_scs_section_size  }
0x9a: {  	s4 =	simm.s32 $_size__tile_overlayer_lowered;
	s5 =	simm.s32 $_tile_overlayer_lowered  }
0x9b: {  	s6 =	simm.s32 $0x1BFF;
	s21 =	sshll.u32 s5, $0x1;
	s3 =	sadd.s32 s20, s19  }
0x9c: {  	s22 =	simm.s32 $0x0;
	s4 =	sshll.u32 s4, $0x1;
	s5 =	sadd.s32 s21, s3  }
0x9d: {  	[timem:s22], [sflag:s6] =	dma.local [hbm:s5], s4  }
0x9e: {  	_ =	swait.ge [sflag:s6], s4  }
0x9f: {  	s4 =	ssub.s32 $0x0, s4;
	[sflag:s6] =	ssyncset.done $0x0  }
0xa0: {  	[sflag:s6] =	ssyncadd.s32 s4;
	_ =	sdelay $0x1  }
0xa1: {  	s23 =	simm.s32 $0x1B8B  }
0xa2: {  	_ =	swait.ge [sflag:s23], $0x1  }
0xa3: {  	[sflag:s23] =	ssyncset.done $0x0  }
0xa4: {  	[sflag:s23] =	ssyncadd.s32 $0xFFFFFFFF  }
0xa5: {  	s4 =	sld [smem:$0x0]  }
0xa6: {  	s5 =	sand.u32 $0xFFFFFFFE, s1  }
0xa7: {  	p0 =	sne.s32 s1, s5  }
0xa8: {  	s5 =	sshll.u32 @p0 s5, $0xE  }
0xa9: {  	s5 =	sadd.s32 @p0 $0x11B8D, s5;
	s6 =	sshll.u32 @p0 s4, $0x11  }
0xaa: {  	s5 =	sor.u32 @p0 s6, s5  }
0xab: {  	[sflag:s5] =	ssyncadd.remote.s32 @p0 $0x1;
	_ =	sdelay $0x1  }
0xac: {  	s5 =	simm.s32 @p0 $0x1B8D  }
0xad: {  	_ =	swait.eq @p0 [sflag:s5], $0x1  }
0xae: {  	[sflag:s5] =	ssyncadd.s32 @p0 $0xFFFFFFFF  }
0xaf: {  	s6 =	sshll.u32 @!p0 s1, $0xE  }
0xb0: {  	s6 =	sor.u32 @!p0 $0x4000, s6;
	s5 =	simm.s32 @!p0 $0x1B8D  }
0xb1: {  	s4 =	sshll.u32 @!p0 s4, $0x11;
	s6 =	sadd.s32 @!p0 $0x11B8D, s6;
	_ =	swait.eq @!p0 [sflag:s5], $0x1  }
0xb2: {  	s4 =	sor.u32 @!p0 s4, s6;
	[sflag:s5] =	ssyncadd.s32 @!p0 $0xFFFFFFFF  }
0xb3: {  	s25 =	simm.s32 $0x1B8E;
	s24 =	sld [smem:$0x3FFE];
	[sflag:s4] =	ssyncadd.remote.s32 @!p0 $0x1  }
0xb4: {  	s26 =	simm.s32 $execute0_lowered;
	[smem:$0x3FD2] =	sst s25  }
0xb5: {  	s5 =	sshll.u32 s26, $0x1;
	_ =	strace $0x8000004F;
	[dreg:$0x1] =	wrdreg $0xFFFFFFFF  }
0xb6: {  	s28 =	simm.s32 $_size_execute0_lowered;
	s3 =	sadd.s32 s3, s5;
	[dreg:$0x0] =	wrdreg $0x0  }
0xb7: {  	s5 =	sshll.u32 s28, $0x1;
	[dreg:$0x2] =	wrdreg s3  }
0xb8: {  	[dreg:$0x3] =	wrdreg s5  }
0xb9: {  	[dreg:$0x4] =	wrdreg $0xC0  }
0xba: {  	_ =	task [dreg:s22], $0x5FFFF  }
0xbb: {  	[dreg:$0x1] =	wrdreg $0xFFFFFFFF  }
0xbc: {  	[dreg:$0x0] =	wrdreg $0x60  }
0xbd: {  	[dreg:$0x2] =	wrdreg s24  }
0xbe: {  	[dreg:$0x3] =	wrdreg $0x51000  }
0xbf: {  	[dreg:$0x4] =	wrdreg $0x9  }
0xc0: {  	_ =	task.clear_ibuf [dreg:s22], $0x5FFFF;
	_ =	strace $0x9000004F  }
0xc1: {  	s29 =	simm.s32 $0x9;
	_ =	strace $0x80000051  }
0xc2: {  	_ =	swait.ge [sflag:s29], $0x1  }
0xc3: {  	[sflag:s29] =	ssyncadd.s32 $0xFFFFFFFF  }
0xc4: {  	_ =	strace $0x90000051  }
0xc5: {  	_ =	sfence  }
0xc6: {  	s30 =	sld [smem:$0x0];
	_ =	sdelay $0x2  }
0xc7: {  	s31 =	sshll.u32 s1, $0xD;
	s1 =	sshrl.u32 s1, $0x2  }
0xc8: {  	s4 =	sand.u32 $0x4000, s31;
	s1 =	sadd.s32 s1, s30  }
0xc9: {  	s0 =	sor.u32 s4, s0;
	s1 =	sshll.u32 s1, $0x11  }
0xca: {  	s0 =	sor.u32 s1, s0  }
0xcb: {  	s0 =	sadd.s32 $0x8F2B, s0  }
0xcc: {  	[sflag:s0] =	ssyncadd.remote.s32 $0x1  }
0xcd: {  	_ =	sfence.sel $0xFFFF  }
0xce: {  	[dreg:$0x0] =	wrdreg $0xFFFFFFFF;
	(pc) =	sbr.abs _section_cstart, $3  }
0xcf: {  	[dreg:$0x1] =	wrdreg $0xFFFFFFFF  }
0xd0: {  	_ =	task.clear_ibuf [dreg:s22], $0x2FFFF;
	_ =	strace $0x9FFFFFFF  }
0xd1: {  	(tm) =	ssettm $0x7FFFFFFF  }
tec
execute0_lowered:
.L_overlay_start_1:
0x0: {  	(tag) =	ssettag $0x1  }
0x1: {  	s13 =	stileid.u32  }
0x2: {  	s0 =	rddreg [dreg:$0x0];
	s6 =	smul.u32 $0x14000, s13  }
0x3: {  	s2 =	rddreg [dreg:$0x1];
	s19 =	smul.u32 $0x50000, s13  }
0x4: {  	s1 =	srdreg.scid;
	s23 =	smul.u32 $0x4E20, s13  }
0x5: {  	s3 =	simm.s32 $0x0;
	s1 =	sand.u32 $0x1, s1;
	s26 =	smul.u32 $0x2EE00, s13  }
0x6: {  	s28 =	simm.s32 $0x2900;
	s29 =	simm.s32 $0x1;
	s5 =	smul.u32 $0x140000, s1  }
0x7: {  	s30 =	simm.s32 $0x50;
	s4 =	sshll.u32 s13, $0x1;
	s25 =	smul.u32 $0x2710, s1  }
0x8: {  	s7 =	sor.u32 s1, s4;
	s15 =	ssub.s32 $0x2, s1;
	s1 =	smul.u32 $0x17700, s1  }
0x9: {  	[smem:$0x7FF] =	sst s3;
	s8 =	sadd.s32 $0x763600, s0;
	s9 =	smul.u32 $0x2710, s7  }
0xa: {  	s31 =	simm.s32 $0x3;
	_ =	strace $0x80000050;
	s10 =	smul.u32 $0x17700, s7  }
0xb: {  	s4 =	sadd.s32 $0xE200, s0;
	s11 =	sshrl.u32 s15, $0x1;
	s7 =	smul.u32 $0xBB800, s7  }
0xc: {  	s22 =	sshrl.u32 s19, $0x2;
	s5 =	sadd.s32 s6, s5;
	s6 =	ssub.s32 s15, s11  }
0xd: {  	s12 =	sadd.s32 s22, s2;
	s5 =	sshrl.u32 s5, $0x3;
	s16 =	sshrl.u32 s9, $0x3  }
0xe: {  	s17 =	sadd.s32 s8, s10;
	s7 =	sshrl.u32 s7, $0x3;
	s24 =	smax.u32 s6, $0x1  }
0xf: {  	s14 =	sadd.s32 $0x2800, s12;
	s15 =	sadd.s32 $0x5000, s12;
	s19 =	sadd.s32 $0xF000, s12  }
0x10: {  	s6 =	sadd.s32 s26, s8;
	s26 =	simm.s32 $0x2880;
	s0 =	sadd.s32 s5, s0  }
0x11: {  	s5 =	sadd.s32 s4, s16;
	[dreg:$0x3] =	wrdreg s17;
	s7 =	sadd.s32 s8, s7  }
0x12: {  	[dreg:$0x9] =	wrdreg s24;
	s16 =	sadd.s32 $0x7800, s12;
	s17 =	sadd.s32 $0xA000, s12  }
0x13: {  	s1 =	sadd.s32 s1, s6;
	s24 =	simm.s32 $0x80;
	s18 =	sadd.s32 $0xA, s5  }
0x14: {  	s6 =	simm.s32 $0x0;
	s20 =	sadd.s32 $0x500, s7;
	[dreg:$0x4] =	wrdreg s18  }
0x15: {  	s21 =	sadd.s32 $0x2E4, s5;
	s7 =	sadd.s32 $0x17200, s7;
	[dreg:$0x5] =	wrdreg s20  }
0x16: {  	s0 =	sadd.s32 $0xDD600, s0;
	s10 =	sadd.s32 $0xF00, s1;
	[dreg:$0x6] =	wrdreg s21  }
0x17: {  	s1 =	simm.s32 $0x4;
	[dreg:$0x8] =	wrdreg s0;
	s0 =	sadd.s32 s25, s23  }
0x18: {  	[dreg:$0x7] =	wrdreg s7;
	s18 =	sadd.s32 $0xC800, s12;
	s7 =	sadd.s32 $0xF0, s0  }
0x19: {  	s20 =	sadd.s32 $0x11800, s12;
	s25 =	simm.s32 $0x5;
	s7 =	sshrl.u32 s7, $0x3  }
0x1a: {  	v0 =	vimm.f32 $0.0e+00;
	s23 =	sadd.s32 $0xA0, s0;
	s0 =	simm.s32 $0x2;
	s21 =	sadd.s32 s7, s4  }
.LBB2_1:
0x1b: {  	s7 =	simm.s32 $0x0;
	s8 =	simm.s32 $0x200  }
.LBB2_2:
0x1c: {  	p0 =	sne.s32 s8, $0x9E00;
	[tilespmem:s7+$0xF0] =	vst v0  }
0x1d: {  	[tilespmem:s7+$0x80] =	vst v0  }
0x1e: {  	[tilespmem:s7+$0x90] =	vst v0  }
.Ltmp0:
0x1f: {  	[tilespmem:s7+$0xA0] =	vst v0;
	(pc) =	sbr.rel @p0 .LBB2_2-.Ltmp0, $4  }
0x20: {  	[tilespmem:s7+$0xB0] =	vst v0  }
0x21: {  	[tilespmem:s7+$0xC0] =	vst v0  }
0x22: {  	[tilespmem:s7+$0xD0] =	vst v0  }
0x23: {  	[tilespmem:s7+$0xE0] =	vst v0;
	s7 =	sshra.s32 s8, $0x2;
	s8 =	sadd.s32 $0x200, s8  }
0x24: {  	[tilespmem:s7+$0xF0] =	vst v0  }
0x25: {  	[tilespmem:s7+$0x80] =	vst v0  }
0x26: {  	[tilespmem:s7+$0x90] =	vst v0  }
0x27: {  	[tilespmem:s7+$0xA0] =	vst v0  }
0x28: {  	[tilespmem:s7+$0xB0] =	vst v0  }
0x29: {  	[tilespmem:s7+$0xC0] =	vst v0  }
0x2a: {  	[tilespmem:s7+$0xD0] =	vst v0  }
0x2b: {  	[tilespmem:s7+$0xE0] =	vst v0  }
0x2c: {  	[spmem:s12] =	stream.linear.scatter [tilespmem:s24], [sflag:$0x5], $0x2800, $0x38;
	[tilespmem:$0x19100] =	vst v63  }
0x2d: {  	_ =	swait.ge [sflag:s25], $0x2800  }
0x2e: {  	[sflag:s25] =	ssyncset.done $0x0  }
0x2f: {  	[sflag:s25] =	ssyncadd.s32 $0xFFFFD800  }
0x30: {  	[spmem:s14] =	stream.linear.scatter [tilespmem:s24], [sflag:$0x5], $0x2800, $0x38;
	[tilespmem:$0x19100] =	vst v63  }
0x31: {  	_ =	swait.ge [sflag:s25], $0x2800  }
0x32: {  	[sflag:s25] =	ssyncset.done $0x0  }
0x33: {  	[sflag:s25] =	ssyncadd.s32 $0xFFFFD800  }
0x34: {  	[spmem:s15] =	stream.linear.scatter [tilespmem:s24], [sflag:$0x5], $0x2800, $0x38;
	[tilespmem:$0x19100] =	vst v63  }
0x35: {  	_ =	swait.ge [sflag:s25], $0x2800  }
0x36: {  	[sflag:s25] =	ssyncset.done $0x0  }
0x37: {  	[sflag:s25] =	ssyncadd.s32 $0xFFFFD800  }
0x38: {  	[spmem:s16] =	stream.linear.scatter [tilespmem:s24], [sflag:$0x5], $0x2800, $0x38;
	[tilespmem:$0x19100] =	vst v63  }
0x39: {  	_ =	swait.ge [sflag:s25], $0x2800  }
0x3a: {  	[sflag:s25] =	ssyncset.done $0x0  }
0x3b: {  	[sflag:s25] =	ssyncadd.s32 $0xFFFFD800  }
0x3c: {  	[spmem:s17] =	stream.linear.scatter [tilespmem:s24], [sflag:$0x5], $0x2800, $0x38;
	[tilespmem:$0x19100] =	vst v63  }
0x3d: {  	_ =	swait.ge [sflag:s25], $0x2800  }
0x3e: {  	[sflag:s25] =	ssyncset.done $0x0  }
0x3f: {  	[sflag:s25] =	ssyncadd.s32 $0xFFFFD800  }
0x40: {  	[spmem:s18] =	stream.linear.scatter [tilespmem:s24], [sflag:$0x5], $0x2800, $0x38;
	[tilespmem:$0x19100] =	vst v63  }
0x41: {  	_ =	swait.ge [sflag:s25], $0x2800  }
0x42: {  	[sflag:s25] =	ssyncset.done $0x0  }
0x43: {  	[sflag:s25] =	ssyncadd.s32 $0xFFFFD800  }
0x44: {  	[spmem:s19] =	stream.linear.scatter [tilespmem:s24], [sflag:$0x5], $0x2800, $0x38;
	[tilespmem:$0x19100] =	vst v63  }
0x45: {  	_ =	swait.ge [sflag:s25], $0x2800  }
0x46: {  	[sflag:s25] =	ssyncset.done $0x0  }
0x47: {  	[sflag:s25] =	ssyncadd.s32 $0xFFFFD800  }
0x48: {  	[spmem:s20] =	stream.linear.scatter [tilespmem:s24], [sflag:$0x5], $0x2800, $0x38;
	[tilespmem:$0x19100] =	vst v63  }
0x49: {  	_ =	swait.ge [sflag:s25], $0x2800  }
0x4a: {  	[sflag:s25] =	ssyncset.done $0x0  }
0x4b: {  	[sflag:s25] =	ssyncadd.s32 $0xFFFFD800  }
0x4c: {  	s13 =	simm.s32 $0x0;
	[bflag:$0x0] =	sbarrier.arrive $0xFFFF  }
0x4d: {  	[tilespmem:s13], [sflag:$0x5] =	stream.linear.gather [hbm4b:s5+s13], $0x50, $0x38;
	[tilespmem:$0x19100] =	vst v63  }
0x4e: {  	_ =	swait.ge [sflag:s25], $0x50  }
0x4f: {  	[sflag:s25] =	ssyncset.done $0x0  }
0x50: {  	s8 =	rddreg [dreg:$0x3];
	[sflag:s25] =	ssyncadd.s32 $0xFFFFFFB0  }
0x51: {  	[tilespmem:s24], [sflag:$0x1] =	stream.linear.gather [hbm4b:s8+s13], $0x2800, $0x38;
	[tilespmem:$0x19100] =	vst v63  }
0x52: {  	s22 =	rddreg [dreg:$0x4]  }
0x53: {  	[tilespmem:s26], [sflag:$0x5] =	stream.linear.gather [hbm4b:s22+s13], $0x50, $0x38;
	[tilespmem:$0x19100] =	vst v63  }
0x54: {  	_ =	swait.ge [sflag:s25], $0x50  }
0x55: {  	[sflag:s25] =	ssyncset.done $0x0  }
0x56: {  	s9 =	rddreg [dreg:$0x5];
	[sflag:s25] =	ssyncadd.s32 $0xFFFFFFB0  }
0x57: {  	[tilespmem:s28], [sflag:$0x2] =	stream.linear.gather [hbm4b:s9+s13], $0x2800, $0x38;
	[tilespmem:$0x19100] =	vst v63  }
0x58: {  	_ =	swait.ge [sflag:s29], $0x2800  }
0x59: {  	[sflag:s29] =	ssyncset.done $0x0  }
0x5a: {  	[sflag:s29] =	ssyncadd.s32 $0xFFFFD800  }
0x5b: {  	[spmem:s2] =	stream.indirect.scatter.add.f32 [tilespmem:s24], [sflag:$0x3], $0x80, s3, s30, $0xb8;
	[tilespmem:$0x19100] =	vst v63  }
0x5c: {  	_ =	swait.ge [sflag:s31], $0x2800  }
0x5d: {  	s11 =	sshrl.u32 s23, $0x3;
	[sflag:s31] =	ssyncset.done $0x0  }
0x5e: {  	s7 =	sadd.s32 s4, s11;
	[sflag:s31] =	ssyncadd.s32 $0xFFFFD800  }
0x5f: {  	[tilespmem:s3], [sflag:$0x5] =	stream.linear.gather [hbm4b:s7+s3], $0x50, $0x38;
	[tilespmem:$0x19100] =	vst v63  }
0x60: {  	_ =	swait.ge [sflag:s25], $0x50  }
0x61: {  	[sflag:s25] =	ssyncset.done $0x0  }
0x62: {  	s13 =	sadd.s32 $0xFFFFFB00, s10;
	[sflag:s25] =	ssyncadd.s32 $0xFFFFFFB0  }
0x63: {  	[tilespmem:s24], [sflag:$0x1] =	stream.linear.gather [hbm4b:s13+s3], $0x2800, $0x38;
	[tilespmem:$0x19100] =	vst v63  }
0x64: {  	_ =	swait.ge [sflag:s0], $0x2800  }
0x65: {  	[sflag:s0] =	ssyncset.done $0x0  }
0x66: {  	[sflag:s0] =	ssyncadd.s32 $0xFFFFD800  }
0x67: {  	[spmem:s2] =	stream.indirect.scatter.add.f32 [tilespmem:s28], [sflag:$0x4], $0x80, s26, s30, $0xb8;
	[tilespmem:$0x19100] =	vst v63  }
0x68: {  	_ =	swait.ge [sflag:s1], $0x2800  }
0x69: {  	[sflag:s1] =	ssyncset.done $0x0  }
0x6a: {  	s22 =	sadd.s32 $0x0, s21;
	[sflag:s1] =	ssyncadd.s32 $0xFFFFD800  }
0x6b: {  	[tilespmem:s26], [sflag:$0x5] =	stream.linear.gather [hbm4b:s22+s3], $0x50, $0x38;
	[tilespmem:$0x19100] =	vst v63  }
0x6c: {  	_ =	swait.ge [sflag:s25], $0x50  }
0x6d: {  	s8 =	sadd.s32 $0xA00, s10;
	s9 =	sadd.s32 $0xA0, s23;
	[sflag:s25] =	ssyncset.done $0x0  }
0x6e: {  	s7 =	simm.s32 $0x14;
	s22 =	smov.u32 s10;
	[sflag:s25] =	ssyncadd.s32 $0xFFFFFFB0  }
.LBB2_4:
0x6f: {  	[tilespmem:s28], [sflag:$0x2] =	stream.linear.gather [hbm4b:s22+s3], $0x2800, $0x38;
	[tilespmem:$0x19100] =	vst v63  }
0x70: {  	s11 =	smov.u32 s7;
	s22 =	smov.u32 s8  }
0x71: {  	p0 =	sne.s32 s7, $0x2BC;
	s7 =	sadd.s32 $0x14, s7;
	_ =	swait.ge [sflag:s29], $0x2800  }
0x72: {  	[sflag:s29] =	ssyncset.done $0x0  }
0x73: {  	[sflag:s29] =	ssyncadd.s32 $0xFFFFD800  }
0x74: {  	[spmem:s2] =	stream.indirect.scatter.add.f32 [tilespmem:s24], [sflag:$0x3], $0x80, s3, s30, $0xb8;
	[tilespmem:$0x19100] =	vst v63  }
0x75: {  	_ =	swait.ge [sflag:s31], $0x2800  }
0x76: {  	s13 =	sshrl.u32 s9, $0x3;
	[sflag:s31] =	ssyncset.done $0x0  }
0x77: {  	s13 =	sadd.s32 s4, s13;
	[sflag:s31] =	ssyncadd.s32 $0xFFFFD800  }
0x78: {  	[tilespmem:s3], [sflag:$0x5] =	stream.linear.gather [hbm4b:s13+s3], $0x50, $0x38;
	[tilespmem:$0x19100] =	vst v63  }
0x79: {  	_ =	swait.ge [sflag:s25], $0x50  }
0x7a: {  	[sflag:s25] =	ssyncset.done $0x0  }
0x7b: {  	s13 =	sadd.s32 $0xFFFFFB00, s8;
	[sflag:s25] =	ssyncadd.s32 $0xFFFFFFB0  }
0x7c: {  	[tilespmem:s24], [sflag:$0x1] =	stream.linear.gather [hbm4b:s13+s3], $0x2800, $0x38;
	[tilespmem:$0x19100] =	vst v63  }
0x7d: {  	_ =	swait.ge [sflag:s0], $0x2800  }
0x7e: {  	[sflag:s0] =	ssyncset.done $0x0  }
0x7f: {  	[sflag:s0] =	ssyncadd.s32 $0xFFFFD800  }
0x80: {  	[spmem:s2] =	stream.indirect.scatter.add.f32 [tilespmem:s28], [sflag:$0x4], $0x80, s26, s30, $0xb8;
	[tilespmem:$0x19100] =	vst v63  }
0x81: {  	_ =	swait.ge [sflag:s1], $0x2800  }
0x82: {  	[sflag:s1] =	ssyncset.done $0x0  }
.Ltmp1:
0x83: {  	s11 =	sadd.s32 s11, s21;
	[sflag:s1] =	ssyncadd.s32 $0xFFFFD800;
	(pc) =	sbr.rel @p0 .LBB2_4-.Ltmp1, $4  }
0x84: {  	[tilespmem:s26], [sflag:$0x5] =	stream.linear.gather [hbm4b:s11+s3], $0x50, $0x38;
	[tilespmem:$0x19100] =	vst v63  }
0x85: {  	_ =	swait.ge [sflag:s25], $0x50  }
0x86: {  	[sflag:s25] =	ssyncset.done $0x0  }
0x87: {  	s9 =	sadd.s32 $0xA0, s9;
	s8 =	sadd.s32 $0xA00, s8;
	[sflag:s25] =	ssyncadd.s32 $0xFFFFFFB0  }
0x88: {  	[tilespmem:s28], [sflag:$0x2] =	stream.linear.gather [hbm4b:s22+s3], $0x2800, $0x38;
	[tilespmem:$0x19100] =	vst v63  }
0x89: {  	_ =	swait.ge [sflag:s29], $0x2800  }
0x8a: {  	[sflag:s29] =	ssyncset.done $0x0  }
0x8b: {  	[sflag:s29] =	ssyncadd.s32 $0xFFFFD800  }
0x8c: {  	[spmem:s2] =	stream.indirect.scatter.add.f32 [tilespmem:s24], [sflag:$0x3], $0x80, s3, s30, $0xb8;
	[tilespmem:$0x19100] =	vst v63  }
0x8d: {  	_ =	swait.ge [sflag:s31], $0x2800  }
0x8e: {  	[sflag:s31] =	ssyncset.done $0x0  }
0x8f: {  	s7 =	rddreg [dreg:$0x6];
	[sflag:s31] =	ssyncadd.s32 $0xFFFFD800  }
0x90: {  	[tilespmem:s3], [sflag:$0x5] =	stream.linear.gather [hbm4b:s7+s3], $0x50, $0x38;
	[tilespmem:$0x19100] =	vst v63  }
0x91: {  	_ =	swait.ge [sflag:s25], $0x50  }
0x92: {  	[sflag:s25] =	ssyncset.done $0x0  }
0x93: {  	s11 =	rddreg [dreg:$0x7];
	[sflag:s25] =	ssyncadd.s32 $0xFFFFFFB0  }
0x94: {  	[tilespmem:s24], [sflag:$0x1] =	stream.linear.gather [hbm4b:s11+s3], $0x2800, $0x38;
	[tilespmem:$0x19100] =	vst v63  }
0x95: {  	_ =	swait.ge [sflag:s0], $0x2800  }
0x96: {  	[sflag:s0] =	ssyncset.done $0x0  }
0x97: {  	[sflag:s0] =	ssyncadd.s32 $0xFFFFD800  }
0x98: {  	[spmem:s2] =	stream.indirect.scatter.add.f32 [tilespmem:s28], [sflag:$0x4], $0x80, s26, s30, $0xb8;
	[tilespmem:$0x19100] =	vst v63  }
0x99: {  	_ =	swait.ge [sflag:s29], $0x2800  }
0x9a: {  	[sflag:s29] =	ssyncset.done $0x0  }
0x9b: {  	[sflag:s29] =	ssyncadd.s32 $0xFFFFD800  }
0x9c: {  	[spmem:s2] =	stream.indirect.scatter.add.f32 [tilespmem:s24], [sflag:$0x3], $0x80, s3, s30, $0xb8;
	[tilespmem:$0x19100] =	vst v63  }
0x9d: {  	_ =	swait.ge [sflag:s31], $0x2800  }
0x9e: {  	[sflag:s31] =	ssyncset.done $0x0  }
0x9f: {  	[sflag:s31] =	ssyncadd.s32 $0xFFFFD800  }
0xa0: {  	_ =	swait.ge [sflag:s1], $0x2800  }
0xa1: {  	[sflag:s1] =	ssyncset.done $0x0  }
0xa2: {  	s13 =	stileid.u32;
	[sflag:s1] =	ssyncadd.s32 $0xFFFFD800  }
0xa3: {  	s7 =	sshll.u32 s13, $0x6;
	[bflag:$0x0] =	sbarrier.arrive $0xFFFF  }
0xa4: {  	s8 =	sshrl.u32 s12, $0x3;
	s7 =	sor.u32 $0x1C05, s7;
	s9 =	rddreg [dreg:$0x8]  }
0xa5: {  	[hbm:s9], [sflag:s7] =	dma.local [spmem:s8], $0x2800  }
0xa6: {  	_ =	swait.ge [sflag:s25], $0x2800  }
0xa7: {  	s6 =	sadd.s32 $0x1, s6;
	s22 =	rddreg [dreg:$0x9]  }
0xa8: {  	p0 =	sne.s32 s6, s22  }
.Ltmp2:
0xa9: {  	_ = 	snop;
	(pc) =	sbr.rel @p0 .LBB2_1-.Ltmp2, $3  }
0xaa: {  	_ =	sdelay $0x1  }
0xab: {  	[sflag:s25] =	ssyncset.done $0x0  }
0xac: {  	[sflag:s25] =	ssyncadd.s32 $0xFFFFD800  }
0xad: {  	_ =	sfence.sel $0x180000  }
0xae: {  	[bflag:$0x0] =	sbarrier.arrive $0xFFFF  }
0xaf: {  	_ =	strace $0x90000050  }
0xb0: {  	s0 =	stileid.u32;
	[bflag:$0x2] =	sbarrier.arrive $0xFFFF  }
0xb1: {  	p0 =	sne.s32 s0, $0x0;
	s0 =	rddreg [dreg:$0x2]  }
0xb2: {  	s0 =	sadd.s32 @!p0 $0x100000, s0  }
0xb3: {  	[sflag:s0] =	ssyncadd.tile.s32 @!p0 $0x1;
	_ =	shalt  }
.Lfunc_end2:
_tile_overlayer_lowered:
.L_overlay_start_2:
0xb4: {  	(tag) =	ssettag $0x2  }
0xb5: {  	s0 =	rddreg [dreg:$0x0];
	s2 =	stileid.u32  }
0xb6: {  	s1 =	rddreg [dreg:$0x1];
	p0 =	sne.s32 s2, $0x0  }
0xb7: {  	s3 =	rddreg [dreg:$0x2];
	[bflag:$0x3] =	sbarrier.arrive $0xFFFF;
	s2 =	simm.s32 @!p0 $0x1C05  }
0xb8: {  	[timem:s3], [sflag:s2] =	dma.local @!p0 [hbm:s0], s1  }
0xb9: {  	s0 =	simm.s32 @!p0 $0x5  }
0xba: {  	_ =	swait.ge @!p0 [sflag:s0], s1  }
0xbb: {  	s1 =	ssub.s32 @!p0 $0x0, s1;
	[sflag:s0] =	ssyncset.done @!p0 $0x0  }
0xbc: {  	[sflag:s0] =	ssyncadd.s32 @!p0 s1  }
0xbd: {  	[bflag:$0x3] =	sbarrier.arrive $0xFFFF  }
0xbe: {  	_ =	shalt  }

// kernel: kernel.19.cloned.1.call-start
scs
__scs_entry_jumppad:
0x0: {  	(pc) =	sbr.rel $0x88, $3  }
0x1: {  	(tag) =	ssettag $0x0;
	lr =	simm.s32 $0x1  }
0x2: {  	[smem:$0x3F8F] =	sst lr;
	_ =	strace $0xD0000000  }
0x3: {  	_ = 	snop  }
0x4: {  	_ = 	snop  }
0x5: {  	_ = 	snop  }
0x6: {  	_ = 	snop  }
0x7: {  	_ = 	snop  }
__scs_overlays_trampoline_lowered:
0x8: {  	[smem:$0x3F9E] =	sst s0  }
0x9: {  	[smem:$0x3F9F] =	sst s1  }
0xa: {  	[smem:$0x3FA0] =	sst s2  }
0xb: {  	[smem:$0x3FA1] =	sst s3  }
0xc: {  	[smem:$0x3FA2] =	sst s4  }
0xd: {  	[smem:$0x3FA3] =	sst s5  }
0xe: {  	[smem:$0x3FA4] =	sst s6  }
0xf: {  	[smem:$0x3FA5] =	sst s7  }
0x10: {  	[smem:$0x3FA6] =	sst s8  }
0x11: {  	[smem:$0x3FA7] =	sst s9;
	s0 =	simm.s32 @!p0 $0x0  }
0x12: {  	s1 =	sld [smem:$0x3F8D];
	s0 =	simm.s32 @p0 $0x1  }
0x13: {  	[smem:$0x3FA8] =	sst s0;
	s0 =	simm.s32 @!p1 $0x0  }
0x14: {  	s2 =	sld [smem:$0x3F8C];
	s0 =	simm.s32 @p1 $0x1  }
0x15: {  	[smem:$0x3FA9] =	sst s0;
	s0 =	simm.s32 @!p2 $0x0  }
0x16: {  	s3 =	sld [smem:$0x3FDB];
	s0 =	simm.s32 @p2 $0x1  }
0x17: {  	s4 =	simm.s32 $0x1BF5;
	[smem:$0x3FAB] =	sst s0  }
0x18: {  	s0 =	sld [smem:$0x3F8E];
	_ =	swait.ge [sflag:s4], $0x0  }
0x19: {  	s7 =	sld [smem:$0x3F8F]  }
0x1a: {  	s8 =	sadd.s32 $0xFFFFE003, lr  }
0x1b: {  	s9 =	sadd.s32 $0xFFFFFEF7, lr;
	s5 =	simm.s32 $0xFFFFFFFF;
	p2 =	slt.u32 s8, $0xFFFFF086  }
0x1c: {  	p1 =	slt.u32 s9, $0xF7A;
	s5 =	simm.s32 @!p2 $0x0  }
0x1d: {  	s5 =	simm.s32 @p1 $0x1;
	p0 =	seq.s32 s7, s2  }
0x1e: {  	s7 =	smul.u32 @!p0 $0xF7A, s2;
	p2 =	seq.s32 @!p0 s5, $0x0  }
0x1f: {  	s9 =	smul.u32 $0xF7A, s1;
	s8 =	simm.s32 @!p0 $0x1BF5;
	p2 =	por !p2, p0  }
0x20: {  	[sflag:s8] =	ssyncset.s32 @!p0 $0xFFFFF086;
	s6 =	sadd.s32 @!p0 s3, s7;
	s7 =	simm.s32 @!p0 $0x108  }
0x21: {  	s3 =	sadd.s32 s3, s9;
	s6 =	sadd.s32 @!p0 $0x88, s6;
	s7 =	simm.s32 @p2 $0x1082  }
0x22: {  	[simem:s7], [sflag:s8] =	dma.local @!p0 [hbm:s6], $0xF7A  }
0x23: {  	s9 =	sor.u32 $0xD0000000, s2;
	s6 =	simm.s32 $0x108;
	_ =	swait.ge @!p0 [sflag:s8], $0x0  }
0x24: {  	s3 =	sadd.s32 $0x88, s3;
	s6 =	simm.s32 @!p1 $0x1082;
	[sflag:s4] =	ssyncset.s32 $0xFFFFF086  }
0x25: {  	[simem:s6], [sflag:s4] =	dma.local [hbm:s3], $0xF7A  }
0x26: {  	[smem:$0x3F8F] =	sst s1;
	(tag) =	ssettag s2;
	_ =	strace s9  }
0x27: {  	s1 =	sld [smem:$0x3F9F]  }
0x28: {  	s2 =	sld [smem:$0x3FA0]  }
0x29: {  	s4 =	sld [smem:$0x3FA2]  }
0x2a: {  	p0 =	seq.s32 s5, $0x0;
	s5 =	sld [smem:$0x3FA3]  }
0x2b: {  	s6 =	sld [smem:$0x3FA4]  }
0x2c: {  	s7 =	sld [smem:$0x3FA5]  }
0x2d: {  	s3 =	simm.s32 $0x108;
	s8 =	sld [smem:$0x3FA6]  }
0x2e: {  	s3 =	simm.s32 @!p0 $0x1082;
	s9 =	sld [smem:$0x3FA7]  }
0x2f: {  	lr =	sadd.s32 s0, s3;
	s0 =	sld [smem:$0x3F9E]  }
0x30: {  	s3 =	sld [smem:$0x3FA1]  }
0x31: {  	[smem:$0x3FAA] =	sst s10  }
0x32: {  	s10 =	sld [smem:$0x3FA8];
	_ =	sdelay $0x3  }
0x33: {  	p0 =	seq.s32 s10, $0x1;
	s10 =	sld [smem:$0x3FAA];
	_ =	sdelay $0x3  }
0x34: {  	[smem:$0x3FAA] =	sst s10  }
0x35: {  	s10 =	sld [smem:$0x3FA9];
	_ =	sdelay $0x3  }
0x36: {  	p1 =	seq.s32 s10, $0x1;
	s10 =	sld [smem:$0x3FAA];
	_ =	sdelay $0x3  }
0x37: {  	[smem:$0x3FAA] =	sst s10  }
0x38: {  	s10 =	sld [smem:$0x3FAB]  }
0x39: {  	_ = 	snop;
	(pc) =	sbr.ind lr, $3  }
0x3a: {  	_ = 	snop  }
0x3b: {  	_ = 	snop  }
0x3c: {  	p2 =	seq.s32 s10, $0x1;
	s10 =	sld [smem:$0x3FAA]  }
0x3d: {  	_ =	shalt  }
0x3e: {  	_ =	shalt  }
0x3f: {  	_ =	shalt  }
0x40: {  	_ =	shalt  }
0x41: {  	_ =	shalt  }
0x42: {  	_ =	shalt  }
0x43: {  	_ =	shalt  }
0x44: {  	_ =	shalt  }
0x45: {  	_ =	shalt  }
0x46: {  	_ =	shalt  }
0x47: {  	_ =	shalt  }
0x48: {  	_ =	shalt  }
0x49: {  	_ =	shalt  }
0x4a: {  	_ =	shalt  }
0x4b: {  	_ =	shalt  }
0x4c: {  	_ =	shalt  }
0x4d: {  	_ =	shalt  }
0x4e: {  	_ =	shalt  }
0x4f: {  	_ =	shalt  }
0x50: {  	_ =	shalt  }
0x51: {  	_ =	shalt  }
0x52: {  	_ =	shalt  }
0x53: {  	_ =	shalt  }
0x54: {  	_ =	shalt  }
0x55: {  	_ =	shalt  }
0x56: {  	_ =	shalt  }
0x57: {  	_ =	shalt  }
0x58: {  	_ =	shalt  }
0x59: {  	_ =	shalt  }
0x5a: {  	_ =	shalt  }
0x5b: {  	_ =	shalt  }
0x5c: {  	_ =	shalt  }
0x5d: {  	_ =	shalt  }
0x5e: {  	_ =	shalt  }
0x5f: {  	_ =	shalt  }
0x60: {  	_ =	shalt  }
0x61: {  	_ =	shalt  }
0x62: {  	_ =	shalt  }
0x63: {  	_ =	shalt  }
0x64: {  	_ =	shalt  }
0x65: {  	_ =	shalt  }
0x66: {  	_ =	shalt  }
0x67: {  	_ =	shalt  }
0x68: {  	_ =	shalt  }
0x69: {  	_ =	shalt  }
0x6a: {  	_ =	shalt  }
0x6b: {  	_ =	shalt  }
0x6c: {  	_ =	shalt  }
0x6d: {  	_ =	shalt  }
0x6e: {  	_ =	shalt  }
0x6f: {  	_ =	shalt  }
0x70: {  	_ =	shalt  }
0x71: {  	_ =	shalt  }
0x72: {  	_ =	shalt  }
0x73: {  	_ =	shalt  }
0x74: {  	_ =	shalt  }
0x75: {  	_ =	shalt  }
0x76: {  	_ =	shalt  }
0x77: {  	_ =	shalt  }
0x78: {  	_ =	shalt  }
0x79: {  	_ =	shalt  }
0x7a: {  	_ =	shalt  }
0x7b: {  	_ =	shalt  }
0x7c: {  	_ =	shalt  }
0x7d: {  	_ =	shalt  }
0x7e: {  	_ =	shalt  }
0x7f: {  	_ =	shalt  }
0x80: {  	_ =	shalt  }
0x81: {  	_ =	shalt  }
0x82: {  	_ =	shalt  }
0x83: {  	_ =	shalt  }
0x84: {  	_ =	shalt  }
0x85: {  	_ =	shalt  }
0x86: {  	_ =	shalt  }
0x87: {  	_ =	shalt  }
.Lfunc_end0:
.L_simem_size_0:
called_computation.3_lowered:
.L_overlay_start_0:
0x88: {  	s2 =	sld [smem:$0x3FD9]  }
0x89: {  	s3 =	sld [smem:$0x3FFE];
	_ =	sdelay $0x1  }
0x8a: {  	s1 =	srdreg.scid  }
0x8b: {  	s0 =	sand.u32 $0x1, s1  }
0x8c: {  	s17 =	sshll.u32 s0, $0xA;
	s2 =	sadd.s32 s3, s2  }
0x8d: {  	s2 =	sadd.s32 s2, s17  }
0x8e: {  	[smem:$0x3FB6] =	sst s2  }
0x8f: {  	_ = 	snop  }
0x90: {  	(tm) =	ssettm $0x1  }
0x91: {  	s18 =	sld [smem:$0x3FFB];
	_ =	sdelay $0x3  }
0x92: {  	_ =	strace s18  }
0x93: {  	s2 =	sld [smem:$0x3FFC];
	_ =	sdelay $0x3  }
0x94: {  	_ =	strace s2  }
0x95: {  	s2 =	sld [smem:$0x3FFD];
	_ =	sdelay $0x3  }
0x96: {  	_ =	strace s2  }
0x97: {  	_ =	strace $0x8FFFFFFF  }
0x98: {  	s19 =	sld [smem:$0x3FDB];
	_ =	sdelay $0x1  }
0x99: {  	s20 =	simm.s32 $_scs_section_size  }
0x9a: {  	s4 =	simm.s32 $_size__tile_overlayer_lowered;
	s5 =	simm.s32 $_tile_overlayer_lowered  }
0x9b: {  	s6 =	simm.s32 $0x1BFF;
	s21 =	sshll.u32 s5, $0x1;
	s3 =	sadd.s32 s20, s19  }
0x9c: {  	s22 =	simm.s32 $0x0;
	s4 =	sshll.u32 s4, $0x1;
	s5 =	sadd.s32 s21, s3  }
0x9d: {  	[timem:s22], [sflag:s6] =	dma.local [hbm:s5], s4  }
0x9e: {  	_ =	swait.ge [sflag:s6], s4  }
0x9f: {  	s4 =	ssub.s32 $0x0, s4;
	[sflag:s6] =	ssyncset.done $0x0  }
0xa0: {  	[sflag:s6] =	ssyncadd.s32 s4;
	_ =	sdelay $0x1  }
0xa1: {  	s23 =	simm.s32 $0x1B8B  }
0xa2: {  	_ =	swait.ge [sflag:s23], $0x1  }
0xa3: {  	[sflag:s23] =	ssyncset.done $0x0  }
0xa4: {  	[sflag:s23] =	ssyncadd.s32 $0xFFFFFFFF  }
0xa5: {  	s4 =	sld [smem:$0x0]  }
0xa6: {  	s5 =	sand.u32 $0xFFFFFFFE, s1  }
0xa7: {  	p0 =	sne.s32 s1, s5  }
0xa8: {  	s5 =	sshll.u32 @p0 s5, $0xE  }
0xa9: {  	s5 =	sadd.s32 @p0 $0x11B8D, s5;
	s6 =	sshll.u32 @p0 s4, $0x11  }
0xaa: {  	s5 =	sor.u32 @p0 s6, s5  }
0xab: {  	[sflag:s5] =	ssyncadd.remote.s32 @p0 $0x1;
	_ =	sdelay $0x1  }
0xac: {  	s5 =	simm.s32 @p0 $0x1B8D  }
0xad: {  	_ =	swait.eq @p0 [sflag:s5], $0x1  }
0xae: {  	[sflag:s5] =	ssyncadd.s32 @p0 $0xFFFFFFFF  }
0xaf: {  	s6 =	sshll.u32 @!p0 s1, $0xE  }
0xb0: {  	s6 =	sor.u32 @!p0 $0x4000, s6;
	s5 =	simm.s32 @!p0 $0x1B8D  }
0xb1: {  	s4 =	sshll.u32 @!p0 s4, $0x11;
	s6 =	sadd.s32 @!p0 $0x11B8D, s6;
	_ =	swait.eq @!p0 [sflag:s5], $0x1  }
0xb2: {  	s4 =	sor.u32 @!p0 s4, s6;
	[sflag:s5] =	ssyncadd.s32 @!p0 $0xFFFFFFFF  }
0xb3: {  	s25 =	simm.s32 $0x1B8E;
	s24 =	sld [smem:$0x3FFE];
	[sflag:s4] =	ssyncadd.remote.s32 @!p0 $0x1  }
0xb4: {  	s26 =	simm.s32 $execute0_lowered;
	[smem:$0x3FD2] =	sst s25  }
0xb5: {  	s5 =	sshll.u32 s26, $0x1;
	_ =	strace $0x8000004C;
	[dreg:$0x1] =	wrdreg $0xFFFFFFFF  }
0xb6: {  	s28 =	simm.s32 $_size_execute0_lowered;
	s3 =	sadd.s32 s3, s5;
	[dreg:$0x0] =	wrdreg $0x0  }
0xb7: {  	s5 =	sshll.u32 s28, $0x1;
	[dreg:$0x2] =	wrdreg s3  }
0xb8: {  	[dreg:$0x3] =	wrdreg s5  }
0xb9: {  	[dreg:$0x4] =	wrdreg $0xC0  }
0xba: {  	_ =	task [dreg:s22], $0x5FFFF  }
0xbb: {  	[dreg:$0x1] =	wrdreg $0xFFFFFFFF  }
0xbc: {  	[dreg:$0x0] =	wrdreg $0x60  }
0xbd: {  	[dreg:$0x2] =	wrdreg s24  }
0xbe: {  	[dreg:$0x3] =	wrdreg $0x51000  }
0xbf: {  	[dreg:$0x4] =	wrdreg $0xA  }
0xc0: {  	_ =	task.clear_ibuf [dreg:s22], $0x5FFFF;
	_ =	strace $0x9000004C  }
0xc1: {  	s29 =	simm.s32 $0xA;
	_ =	strace $0x8000004E  }
0xc2: {  	_ =	swait.ge [sflag:s29], $0x1  }
0xc3: {  	[sflag:s29] =	ssyncadd.s32 $0xFFFFFFFF  }
0xc4: {  	_ =	strace $0x9000004E  }
0xc5: {  	_ =	sfence  }
0xc6: {  	s30 =	sld [smem:$0x0];
	_ =	sdelay $0x2  }
0xc7: {  	s31 =	sshll.u32 s1, $0xD;
	s1 =	sshrl.u32 s1, $0x2  }
0xc8: {  	s4 =	sand.u32 $0x4000, s31;
	s1 =	sadd.s32 s1, s30  }
0xc9: {  	s0 =	sor.u32 s4, s0;
	s1 =	sshll.u32 s1, $0x11  }
0xca: {  	s0 =	sor.u32 s1, s0  }
0xcb: {  	s0 =	sadd.s32 $0x8F2B, s0  }
0xcc: {  	[sflag:s0] =	ssyncadd.remote.s32 $0x1  }
0xcd: {  	_ =	sfence.sel $0xFFFF  }
0xce: {  	[dreg:$0x0] =	wrdreg $0xFFFFFFFF;
	(pc) =	sbr.abs _section_cstart, $3  }
0xcf: {  	[dreg:$0x1] =	wrdreg $0xFFFFFFFF  }
0xd0: {  	_ =	task.clear_ibuf [dreg:s22], $0x2FFFF;
	_ =	strace $0x9FFFFFFF  }
0xd1: {  	(tm) =	ssettm $0x7FFFFFFF  }
tec
execute0_lowered:
.L_overlay_start_1:
0x0: {  	(tag) =	ssettag $0x1  }
0x1: {  	s0 =	rddreg [dreg:$0x0];
	s17 =	stileid.u32  }
0x2: {  	s1 =	srdreg.scid;
	s5 =	smul.u32 $0x14000, s17  }
0x3: {  	s2 =	rddreg [dreg:$0x1];
	s3 =	simm.s32 $0x0;
	s9 =	smul.u32 $0x50000, s17  }
0x4: {  	s28 =	simm.s32 $0x3;
	s29 =	simm.s32 $0x2;
	s24 =	smul.u32 $0x4E20, s17  }
0x5: {  	s30 =	simm.s32 $0x4;
	s1 =	sand.u32 $0x1, s1;
	s26 =	smul.u32 $0x1F400, s17  }
0x6: {  	s31 =	simm.s32 $0x0;
	[smem:$0x7FF] =	sst s3;
	s4 =	smul.u32 $0x140000, s1  }
0x7: {  	s6 =	sshll.u32 s17, $0x1;
	s18 =	sadd.s32 $0x56F600, s0;
	s25 =	smul.u32 $0x2710, s1  }
0x8: {  	s15 =	sor.u32 s1, s6;
	s16 =	ssub.s32 $0x2, s1;
	s1 =	smul.u32 $0xFA00, s1  }
0x9: {  	s19 =	sadd.s32 $0xE200, s0;
	_ =	strace $0x8000004D;
	s6 =	smul.u32 $0x2710, s15  }
0xa: {  	s7 =	sshrl.u32 s16, $0x1;
	s8 =	smul.u32 $0x7D000, s15;
	s23 =	sshrl.u32 s9, $0x2  }
0xb: {  	s4 =	sadd.s32 s5, s4;
	s5 =	smul.u32 $0xFA00, s15;
	s9 =	sadd.s32 s23, s2  }
0xc: {  	s23 =	simm.s32 $0x2880;
	s4 =	sshrl.u32 s4, $0x3;
	s6 =	sshrl.u32 s6, $0x3  }
0xd: {  	s21 =	sshrl.u32 s8, $0x3;
	s11 =	sadd.s32 $0x2800, s9;
	s12 =	sadd.s32 $0x5000, s9  }
0xe: {  	s13 =	sadd.s32 $0x7800, s9;
	s14 =	sadd.s32 $0xA000, s9;
	s15 =	sadd.s32 $0xC800, s9  }
0xf: {  	s17 =	sadd.s32 $0x11800, s9;
	s0 =	sadd.s32 s4, s0;
	s4 =	ssub.s32 s16, s7  }
0x10: {  	s6 =	sadd.s32 s19, s6;
	s5 =	sadd.s32 s18, s5;
	s7 =	sadd.s32 s18, s21  }
0x11: {  	s16 =	sadd.s32 $0xF000, s9;
	s21 =	simm.s32 $0x80;
	s20 =	sadd.s32 $0x2EE, s6  }
0x12: {  	[dreg:$0x4] =	wrdreg s5;
	s22 =	sadd.s32 $0x2F8, s6;
	s7 =	sadd.s32 $0x500, s7  }
0x13: {  	s8 =	sadd.s32 $0x8D600, s0;
	s10 =	smax.u32 s4, $0x1;
	s0 =	sadd.s32 s25, s24  }
0x14: {  	s4 =	sadd.s32 s26, s18;
	s24 =	simm.s32 $0x2900;
	[dreg:$0x3] =	wrdreg s20  }
0x15: {  	s25 =	simm.s32 $0x1;
	s26 =	simm.s32 $0x50;
	[dreg:$0x5] =	wrdreg s22  }
0x16: {  	s20 =	sadd.s32 $0x1860, s0;
	s0 =	sadd.s32 $0x1810, s0;
	s1 =	sadd.s32 s1, s4  }
0x17: {  	s22 =	simm.s32 $0x5;
	s20 =	sshrl.u32 s20, $0x3;
	s0 =	sshrl.u32 s0, $0x3  }
0x18: {  	v0 =	vimm.f32 $0.0e+00;
	s4 =	sadd.s32 $0xF00, s1;
	s18 =	sadd.s32 s20, s19;
	s20 =	sadd.s32 s0, s19  }
.LBB2_1:
0x19: {  	s0 =	simm.s32 $0x0;
	s1 =	simm.s32 $0x200  }
.LBB2_2:
0x1a: {  	p0 =	sne.s32 s1, $0x9E00;
	[tilespmem:s0+$0xF0] =	vst v0  }
0x1b: {  	[tilespmem:s0+$0x80] =	vst v0  }
0x1c: {  	[tilespmem:s0+$0x90] =	vst v0  }
.Ltmp0:
0x1d: {  	[tilespmem:s0+$0xA0] =	vst v0;
	(pc) =	sbr.rel @p0 .LBB2_2-.Ltmp0, $4  }
0x1e: {  	[tilespmem:s0+$0xB0] =	vst v0  }
0x1f: {  	[tilespmem:s0+$0xC0] =	vst v0  }
0x20: {  	[tilespmem:s0+$0xD0] =	vst v0  }
0x21: {  	[tilespmem:s0+$0xE0] =	vst v0;
	s0 =	sshra.s32 s1, $0x2;
	s1 =	sadd.s32 $0x200, s1  }
0x22: {  	[tilespmem:s0+$0xF0] =	vst v0  }
0x23: {  	[tilespmem:s0+$0x80] =	vst v0  }
0x24: {  	[tilespmem:s0+$0x90] =	vst v0  }
0x25: {  	[tilespmem:s0+$0xA0] =	vst v0  }
0x26: {  	[tilespmem:s0+$0xB0] =	vst v0  }
0x27: {  	[tilespmem:s0+$0xC0] =	vst v0  }
0x28: {  	[tilespmem:s0+$0xD0] =	vst v0  }
0x29: {  	[tilespmem:s0+$0xE0] =	vst v0  }
0x2a: {  	[spmem:s9] =	stream.linear.scatter [tilespmem:s21], [sflag:$0x5], $0x2800, $0x38;
	[tilespmem:$0x19100] =	vst v63  }
0x2b: {  	_ =	swait.ge [sflag:s22], $0x2800  }
0x2c: {  	[sflag:s22] =	ssyncset.done $0x0  }
0x2d: {  	[sflag:s22] =	ssyncadd.s32 $0xFFFFD800  }
0x2e: {  	[spmem:s11] =	stream.linear.scatter [tilespmem:s21], [sflag:$0x5], $0x2800, $0x38;
	[tilespmem:$0x19100] =	vst v63  }
0x2f: {  	_ =	swait.ge [sflag:s22], $0x2800  }
0x30: {  	[sflag:s22] =	ssyncset.done $0x0  }
0x31: {  	[sflag:s22] =	ssyncadd.s32 $0xFFFFD800  }
0x32: {  	[spmem:s12] =	stream.linear.scatter [tilespmem:s21], [sflag:$0x5], $0x2800, $0x38;
	[tilespmem:$0x19100] =	vst v63  }
0x33: {  	_ =	swait.ge [sflag:s22], $0x2800  }
0x34: {  	[sflag:s22] =	ssyncset.done $0x0  }
0x35: {  	[sflag:s22] =	ssyncadd.s32 $0xFFFFD800  }
0x36: {  	[spmem:s13] =	stream.linear.scatter [tilespmem:s21], [sflag:$0x5], $0x2800, $0x38;
	[tilespmem:$0x19100] =	vst v63  }
0x37: {  	_ =	swait.ge [sflag:s22], $0x2800  }
0x38: {  	[sflag:s22] =	ssyncset.done $0x0  }
0x39: {  	[sflag:s22] =	ssyncadd.s32 $0xFFFFD800  }
0x3a: {  	[spmem:s14] =	stream.linear.scatter [tilespmem:s21], [sflag:$0x5], $0x2800, $0x38;
	[tilespmem:$0x19100] =	vst v63  }
0x3b: {  	_ =	swait.ge [sflag:s22], $0x2800  }
0x3c: {  	[sflag:s22] =	ssyncset.done $0x0  }
0x3d: {  	[sflag:s22] =	ssyncadd.s32 $0xFFFFD800  }
0x3e: {  	[spmem:s15] =	stream.linear.scatter [tilespmem:s21], [sflag:$0x5], $0x2800, $0x38;
	[tilespmem:$0x19100] =	vst v63  }
0x3f: {  	_ =	swait.ge [sflag:s22], $0x2800  }
0x40: {  	[sflag:s22] =	ssyncset.done $0x0  }
0x41: {  	[sflag:s22] =	ssyncadd.s32 $0xFFFFD800  }
0x42: {  	[spmem:s16] =	stream.linear.scatter [tilespmem:s21], [sflag:$0x5], $0x2800, $0x38;
	[tilespmem:$0x19100] =	vst v63  }
0x43: {  	_ =	swait.ge [sflag:s22], $0x2800  }
0x44: {  	[sflag:s22] =	ssyncset.done $0x0  }
0x45: {  	[sflag:s22] =	ssyncadd.s32 $0xFFFFD800  }
0x46: {  	[spmem:s17] =	stream.linear.scatter [tilespmem:s21], [sflag:$0x5], $0x2800, $0x38;
	[tilespmem:$0x19100] =	vst v63  }
0x47: {  	_ =	swait.ge [sflag:s22], $0x2800  }
0x48: {  	[sflag:s22] =	ssyncset.done $0x0  }
0x49: {  	[sflag:s22] =	ssyncadd.s32 $0xFFFFD800  }
0x4a: {  	[bflag:$0x0] =	sbarrier.arrive $0xFFFF  }
0x4b: {  	s5 =	simm.s32 $0x0;
	s1 =	rddreg [dreg:$0x3]  }
0x4c: {  	[tilespmem:s5], [sflag:$0x5] =	stream.linear.gather [hbm4b:s1+s5], $0x50, $0x38;
	[tilespmem:$0x19100] =	vst v63  }
0x4d: {  	_ =	swait.ge [sflag:s22], $0x50  }
0x4e: {  	[sflag:s22] =	ssyncset.done $0x0  }
0x4f: {  	s6 =	rddreg [dreg:$0x4];
	[sflag:s22] =	ssyncadd.s32 $0xFFFFFFB0  }
0x50: {  	[tilespmem:s21], [sflag:$0x1] =	stream.linear.gather [hbm4b:s6+s5], $0x2800, $0x38;
	[tilespmem:$0x19100] =	vst v63  }
0x51: {  	s19 =	rddreg [dreg:$0x5]  }
0x52: {  	[tilespmem:s23], [sflag:$0x5] =	stream.linear.gather [hbm4b:s19+s5], $0x50, $0x38;
	[tilespmem:$0x19100] =	vst v63  }
0x53: {  	_ =	swait.ge [sflag:s22], $0x50  }
0x54: {  	[sflag:s22] =	ssyncset.done $0x0  }
0x55: {  	[sflag:s22] =	ssyncadd.s32 $0xFFFFFFB0  }
0x56: {  	[tilespmem:s24], [sflag:$0x2] =	stream.linear.gather [hbm4b:s7+s5], $0x2800, $0x38;
	[tilespmem:$0x19100] =	vst v63  }
0x57: {  	_ =	swait.ge [sflag:s25], $0x2800  }
0x58: {  	[sflag:s25] =	ssyncset.done $0x0  }
0x59: {  	[sflag:s25] =	ssyncadd.s32 $0xFFFFD800  }
0x5a: {  	[spmem:s2] =	stream.indirect.scatter.add.f32 [tilespmem:s21], [sflag:$0x3], $0x80, s3, s26, $0xb8;
	[tilespmem:$0x19100] =	vst v63  }
0x5b: {  	_ =	swait.ge [sflag:s28], $0x2800  }
0x5c: {  	[sflag:s28] =	ssyncset.done $0x0  }
0x5d: {  	s5 =	sadd.s32 $0x0, s20;
	[sflag:s28] =	ssyncadd.s32 $0xFFFFD800  }
0x5e: {  	[tilespmem:s3], [sflag:$0x5] =	stream.linear.gather [hbm4b:s5+s3], $0x50, $0x38;
	[tilespmem:$0x19100] =	vst v63  }
0x5f: {  	_ =	swait.ge [sflag:s22], $0x50  }
0x60: {  	[sflag:s22] =	ssyncset.done $0x0  }
0x61: {  	s6 =	sadd.s32 $0xFFFFFB00, s4;
	[sflag:s22] =	ssyncadd.s32 $0xFFFFFFB0  }
0x62: {  	[tilespmem:s21], [sflag:$0x1] =	stream.linear.gather [hbm4b:s6+s3], $0x2800, $0x38;
	[tilespmem:$0x19100] =	vst v63  }
0x63: {  	_ =	swait.ge [sflag:s29], $0x2800  }
0x64: {  	[sflag:s29] =	ssyncset.done $0x0  }
0x65: {  	[sflag:s29] =	ssyncadd.s32 $0xFFFFD800  }
0x66: {  	[spmem:s2] =	stream.indirect.scatter.add.f32 [tilespmem:s24], [sflag:$0x4], $0x80, s23, s26, $0xb8;
	[tilespmem:$0x19100] =	vst v63  }
0x67: {  	_ =	swait.ge [sflag:s30], $0x2800  }
0x68: {  	[sflag:s30] =	ssyncset.done $0x0  }
0x69: {  	s19 =	sadd.s32 $0x0, s18;
	[sflag:s30] =	ssyncadd.s32 $0xFFFFD800  }
0x6a: {  	[tilespmem:s23], [sflag:$0x5] =	stream.linear.gather [hbm4b:s19+s3], $0x50, $0x38;
	[tilespmem:$0x19100] =	vst v63  }
0x6b: {  	_ =	swait.ge [sflag:s22], $0x50  }
0x6c: {  	s0 =	simm.s32 $0x14;
	[sflag:s22] =	ssyncset.done $0x0  }
0x6d: {  	s1 =	sadd.s32 $0xA00, s4;
	s19 =	smov.u32 s4;
	[sflag:s22] =	ssyncadd.s32 $0xFFFFFFB0  }
.LBB2_4:
0x6e: {  	[tilespmem:s24], [sflag:$0x2] =	stream.linear.gather [hbm4b:s19+s3], $0x2800, $0x38;
	[tilespmem:$0x19100] =	vst v63  }
0x6f: {  	s5 =	smov.u32 s0;
	s19 =	smov.u32 s1  }
0x70: {  	p0 =	sne.s32 s0, $0x1CC;
	s0 =	sadd.s32 $0x14, s0;
	_ =	swait.ge [sflag:s25], $0x2800  }
0x71: {  	[sflag:s25] =	ssyncset.done $0x0  }
0x72: {  	[sflag:s25] =	ssyncadd.s32 $0xFFFFD800  }
0x73: {  	[spmem:s2] =	stream.indirect.scatter.add.f32 [tilespmem:s21], [sflag:$0x3], $0x80, s3, s26, $0xb8;
	[tilespmem:$0x19100] =	vst v63  }
0x74: {  	_ =	swait.ge [sflag:s28], $0x2800  }
0x75: {  	[sflag:s28] =	ssyncset.done $0x0  }
0x76: {  	s6 =	sadd.s32 s5, s20;
	[sflag:s28] =	ssyncadd.s32 $0xFFFFD800  }
0x77: {  	[tilespmem:s3], [sflag:$0x5] =	stream.linear.gather [hbm4b:s6+s3], $0x50, $0x38;
	[tilespmem:$0x19100] =	vst v63  }
0x78: {  	_ =	swait.ge [sflag:s22], $0x50  }
0x79: {  	[sflag:s22] =	ssyncset.done $0x0  }
0x7a: {  	s6 =	sadd.s32 $0xFFFFFB00, s1;
	[sflag:s22] =	ssyncadd.s32 $0xFFFFFFB0  }
0x7b: {  	[tilespmem:s21], [sflag:$0x1] =	stream.linear.gather [hbm4b:s6+s3], $0x2800, $0x38;
	[tilespmem:$0x19100] =	vst v63  }
0x7c: {  	_ =	swait.ge [sflag:s29], $0x2800  }
0x7d: {  	[sflag:s29] =	ssyncset.done $0x0  }
0x7e: {  	[sflag:s29] =	ssyncadd.s32 $0xFFFFD800  }
0x7f: {  	[spmem:s2] =	stream.indirect.scatter.add.f32 [tilespmem:s24], [sflag:$0x4], $0x80, s23, s26, $0xb8;
	[tilespmem:$0x19100] =	vst v63  }
0x80: {  	_ =	swait.ge [sflag:s30], $0x2800  }
0x81: {  	[sflag:s30] =	ssyncset.done $0x0  }
.Ltmp1:
0x82: {  	s5 =	sadd.s32 s5, s18;
	[sflag:s30] =	ssyncadd.s32 $0xFFFFD800;
	(pc) =	sbr.rel @p0 .LBB2_4-.Ltmp1, $4  }
0x83: {  	[tilespmem:s23], [sflag:$0x5] =	stream.linear.gather [hbm4b:s5+s3], $0x50, $0x38;
	[tilespmem:$0x19100] =	vst v63  }
0x84: {  	_ =	swait.ge [sflag:s22], $0x50  }
0x85: {  	[sflag:s22] =	ssyncset.done $0x0  }
0x86: {  	s1 =	sadd.s32 $0xA00, s1;
	[sflag:s22] =	ssyncadd.s32 $0xFFFFFFB0  }
0x87: {  	[tilespmem:s24], [sflag:$0x2] =	stream.linear.gather [hbm4b:s19+s3], $0x2800, $0x38;
	[tilespmem:$0x19100] =	vst v63  }
0x88: {  	_ =	swait.ge [sflag:s25], $0x2800  }
0x89: {  	[sflag:s25] =	ssyncset.done $0x0  }
0x8a: {  	[sflag:s25] =	ssyncadd.s32 $0xFFFFD800  }
0x8b: {  	[spmem:s2] =	stream.indirect.scatter.add.f32 [tilespmem:s21], [sflag:$0x3], $0x80, s3, s26, $0xb8;
	[tilespmem:$0x19100] =	vst v63  }
0x8c: {  	_ =	swait.ge [sflag:s29], $0x2800  }
0x8d: {  	[sflag:s29] =	ssyncset.done $0x0  }
0x8e: {  	[sflag:s29] =	ssyncadd.s32 $0xFFFFD800  }
0x8f: {  	[spmem:s2] =	stream.indirect.scatter.add.f32 [tilespmem:s24], [sflag:$0x4], $0x80, s23, s26, $0xb8;
	[tilespmem:$0x19100] =	vst v63  }
0x90: {  	_ =	swait.ge [sflag:s28], $0x2800  }
0x91: {  	[sflag:s28] =	ssyncset.done $0x0  }
0x92: {  	[sflag:s28] =	ssyncadd.s32 $0xFFFFD800  }
0x93: {  	s0 =	stileid.u32;
	_ =	swait.ge [sflag:s30], $0x2800  }
0x94: {  	s1 =	sshrl.u32 s9, $0x3;
	s31 =	sadd.s32 $0x1, s31;
	[sflag:s30] =	ssyncset.done $0x0  }
0x95: {  	s0 =	sshll.u32 s0, $0x6;
	p0 =	sne.s32 s31, s10;
	[sflag:s30] =	ssyncadd.s32 $0xFFFFD800  }
.Ltmp2:
0x96: {  	s0 =	sor.u32 $0x1C05, s0;
	[bflag:$0x0] =	sbarrier.arrive $0xFFFF;
	(pc) =	sbr.rel @p0 .LBB2_1-.Ltmp2, $4  }
0x97: {  	[hbm:s8], [sflag:s0] =	dma.local [spmem:s1], $0x2800  }
0x98: {  	_ =	swait.ge [sflag:s22], $0x2800  }
0x99: {  	[sflag:s22] =	ssyncset.done $0x0  }
0x9a: {  	[sflag:s22] =	ssyncadd.s32 $0xFFFFD800  }
0x9b: {  	_ =	sfence.sel $0x180000  }
0x9c: {  	[bflag:$0x0] =	sbarrier.arrive $0xFFFF  }
0x9d: {  	_ =	strace $0x9000004D  }
0x9e: {  	s0 =	stileid.u32;
	[bflag:$0x2] =	sbarrier.arrive $0xFFFF  }
0x9f: {  	p0 =	sne.s32 s0, $0x0;
	s0 =	rddreg [dreg:$0x2]  }
0xa0: {  	s0 =	sadd.s32 @!p0 $0x100000, s0  }
0xa1: {  	[sflag:s0] =	ssyncadd.tile.s32 @!p0 $0x1;
	_ =	shalt  }
.Lfunc_end2:
_tile_overlayer_lowered:
.L_overlay_start_2:
0xa2: {  	(tag) =	ssettag $0x2  }
0xa3: {  	s0 =	rddreg [dreg:$0x0];
	s2 =	stileid.u32  }
0xa4: {  	s1 =	rddreg [dreg:$0x1];
	p0 =	sne.s32 s2, $0x0  }
0xa5: {  	s3 =	rddreg [dreg:$0x2];
	[bflag:$0x3] =	sbarrier.arrive $0xFFFF;
	s2 =	simm.s32 @!p0 $0x1C05  }
0xa6: {  	[timem:s3], [sflag:s2] =	dma.local @!p0 [hbm:s0], s1  }
0xa7: {  	s0 =	simm.s32 @!p0 $0x5  }
0xa8: {  	_ =	swait.ge @!p0 [sflag:s0], s1  }
0xa9: {  	s1 =	ssub.s32 @!p0 $0x0, s1;
	[sflag:s0] =	ssyncset.done @!p0 $0x0  }
0xaa: {  	[sflag:s0] =	ssyncadd.s32 @!p0 s1  }
0xab: {  	[bflag:$0x3] =	sbarrier.arrive $0xFFFF  }
0xac: {  	_ =	shalt  }

</sc_bundles>
